<compile_context>
chip_gen: v7x
topology: tpu7x:2x2x1
jax: 0.10.2.dev20260603
libtpu: 0.0.44.dev20260713+nightly
codegen_flags: <defaults>
</compile_context>

<pallas_src>
import functools

import jax
import jax.numpy as jnp
from jax import lax
from jax.experimental import pallas as pl
from jax.experimental.pallas import tpu as pltpu
from jax.experimental.pallas import tpu_sc as plsc

_DIMS = (119, 4, 12, 12, 10, 6, 6, 2, 2)
_H = 128
_N = 100000
_NT = 3
_TBL = 2432
_NW = 32
_C = 80
_CHUNKS = 39
_ROWS_MAIN = _C * _CHUNKS
_EXTRA0 = _ROWS_MAIN * _NW
_N_EXTRA = (_N - _EXTRA0) // 16
_PAIRS = (_CHUNKS - 1) // 2


def _sc_encode(tbl, xw):
    mesh = plsc.VectorSubcoreMesh(core_axis_name="c", subcore_axis_name="s")

    @functools.partial(
        pl.kernel,
        mesh=mesh,
        out_type=jax.ShapeDtypeStruct((_N, _H), jnp.float32),
        scratch_types=[
            pltpu.VMEM_SHARED((_TBL, _H), jnp.float32),
            pltpu.VMEM((_ROWS_MAIN,), jnp.int32),
            pltpu.VMEM((_NT * _C, _H), jnp.float32),
            pltpu.VMEM((_NT * _C, _H), jnp.float32),
            pltpu.VMEM((_C, _H), jnp.float32),
            pltpu.VMEM((_C, _H), jnp.float32),
            pltpu.VMEM((_C,), jnp.int32),
            pltpu.VMEM((_C,), jnp.int32),
            pltpu.VMEM((_C,), jnp.int32),
            pltpu.VMEM((_C,), jnp.int32),
            pltpu.VMEM((_C,), jnp.int32),
            pltpu.VMEM((_C,), jnp.int32),
            pltpu.SemaphoreType.DMA,
            pltpu.SemaphoreType.DMA,
            pltpu.SemaphoreType.DMA,
            pltpu.SemaphoreType.DMA,
        ],
        compiler_params=pltpu.CompilerParams(needs_layout_passes=False),
    )
    def body(tbl_hbm, xw_hbm, out_hbm, tbl_sh, x_v, st0, st1, ob0, ob1,
             iA0, iB0, iC0, iA1, iB1, iC1, ssem0, ssem1, osem0, osem1):
        sid = lax.axis_index("s")
        wid = lax.axis_index("c") * 16 + sid

        rows_per_tile = _TBL // 16
        pltpu.sync_copy(
            tbl_hbm.at[pl.ds(sid * rows_per_tile, rows_per_tile), :],
            tbl_sh.at[pl.ds(sid * rows_per_tile, rows_per_tile), :],
        )
        plsc.subcore_barrier()

        row0 = wid * _ROWS_MAIN
        pltpu.sync_copy(xw_hbm.at[pl.ds(row0, _ROWS_MAIN)], x_v)

        def issue(xbase, st, iA, iB, iC, ssem):
            for j in range(_C // 16):
                w = x_v[pl.ds(xbase + j * 16, 16)]
                iA[pl.ds(j * 16, 16)] = w & 0x7FF
                iB[pl.ds(j * 16, 16)] = ((w >> 11) & 0xFF) + 1904
                iC[pl.ds(j * 16, 16)] = (w >> 19) + 2048
            for t, idx in enumerate((iA, iB, iC)):
                pltpu.async_copy(
                    tbl_sh.at[idx], st.at[pl.ds(t * _C, _C), :], ssem
                )

        def wait_streams(st, ssem):
            pltpu.make_async_copy(
                tbl_hbm.at[pl.ds(0, _NT * _C), :], st, ssem
            ).wait()

        def sum_chunk(st, ob):
            def srow(r, carry):
                for cb in range(8):
                    a = st[r, pl.ds(cb * 16, 16)]
                    for t in range(1, _NT):
                        a = a + st[t * _C + r, pl.ds(cb * 16, 16)]
                    ob[r, pl.ds(cb * 16, 16)] = a
                return carry

            lax.fori_loop(0, _C, srow, 0, unroll=4)

        def issue_out(ob, out_row, osem):
            pltpu.async_copy(ob, out_hbm.at[pl.ds(out_row, _C), :], osem)

        def wait_out(ob, osem):
            pltpu.make_async_copy(
                ob, out_hbm.at[pl.ds(0, _C), :], osem
            ).wait()

        issue(0, st0, iA0, iB0, iC0, ssem0)

        def pair(i, carry):
            c0 = 2 * i
            issue((c0 + 1) * _C, st1, iA1, iB1, iC1, ssem1)
            wait_streams(st0, ssem0)

            @pl.when(i > 0)
            def _w0():
                wait_out(ob0, osem0)

            sum_chunk(st0, ob0)
            issue_out(ob0, row0 + c0 * _C, osem0)
            issue((c0 + 2) * _C, st0, iA0, iB0, iC0, ssem0)
            wait_streams(st1, ssem1)

            @pl.when(i > 0)
            def _w1():
                wait_out(ob1, osem1)

            sum_chunk(st1, ob1)
            issue_out(ob1, row0 + (c0 + 1) * _C, osem1)
            return carry

        lax.fori_loop(0, _PAIRS, pair, 0)

        wait_streams(st0, ssem0)
        wait_out(ob0, osem0)
        sum_chunk(st0, ob0)
        issue_out(ob0, row0 + (_CHUNKS - 1) * _C, osem0)

        @pl.when(wid < _N_EXTRA)
        def _extra():
            erow = _EXTRA0 + wid * 16
            pltpu.sync_copy(xw_hbm.at[pl.ds(erow, 16)], x_v.at[pl.ds(0, 16)])
            w = x_v[pl.ds(0, 16)]
            eidx = (w & 0x7FF, ((w >> 11) & 0xFF) + 1904, (w >> 19) + 2048)
            for t in range(_NT):
                pltpu.async_copy(
                    tbl_sh.at[eidx[t]], st1.at[pl.ds(t * _C, 16), :], ssem1
                )
            pltpu.make_async_copy(
                tbl_hbm.at[pl.ds(0, _NT * 16), :],
                st1.at[pl.ds(0, _NT * 16), :],
                ssem1,
            ).wait()
            wait_out(ob1, osem1)

            def erowsum(r, carry):
                for cb in range(8):
                    a = st1[r, pl.ds(cb * 16, 16)]
                    for t in range(1, _NT):
                        a = a + st1[t * _C + r, pl.ds(cb * 16, 16)]
                    ob1[r, pl.ds(cb * 16, 16)] = a
                return carry

            lax.fori_loop(0, 16, erowsum, 0, unroll=4)
            pltpu.async_copy(ob1.at[pl.ds(0, 16), :],
                             out_hbm.at[pl.ds(erow, 16), :], osem1)

        wait_out(ob0, osem0)

        @pl.when(wid < _N_EXTRA)
        def _drain_extra():
            pltpu.make_async_copy(
                ob1.at[pl.ds(0, 16), :], out_hbm.at[pl.ds(0, 16), :], osem1
            ).wait()

        @pl.when(wid >= _N_EXTRA)
        def _drain_noextra():
            wait_out(ob1, osem1)

    return body(tbl, xw)


def _fuse_tables(W0, W1, W2, W3, W4, W5, W6, W7, W8):
    t1 = (
        W8[:, None, None, None, :]
        + W7[None, :, None, None, :]
        + W1[None, None, :, None, :]
        + W0[None, None, None, :, :]
    ).reshape(1904, _H)
    t2 = (W3[:, None, :] + W2[None, :, :]).reshape(144, _H)
    t3 = (
        W6[:, None, None, :] + W5[None, :, None, :] + W4[None, None, :, :]
    ).reshape(360, _H)
    pad = jnp.zeros((24, _H), jnp.float32)
    return jnp.concatenate([t1, t2, t3, pad], axis=0)


def _pack_indices(x):
    x = x.astype(jnp.int32)
    c = [jnp.clip(x[:, i], 0, _DIMS[i] - 1) for i in range(9)]
    iA = c[0] + c[1] * 119 + c[7] * 476 + c[8] * 952
    iB = c[2] + c[3] * 12
    iC = c[4] + c[5] * 10 + c[6] * 60
    return iA | (iB << 11) | (iC << 19)


def kernel(x, W0, W1, W2, W3, W4, W5, W6, W7, W8):
    tbl = _fuse_tables(W0, W1, W2, W3, W4, W5, W6, W7, W8)
    return _sc_encode(tbl, _pack_indices(x))

# --- scband reference (transcript-rebuilt; emitter-appended) ---
"""Pipeline reference for scband-atom-encoder-78417512891248 (READ-ONLY COPY).

The authoritative reference and input builder live on the scoring server;
editing this copy changes nothing except your own understanding.
"""

import jax, jax.numpy as jnp
import numpy as np

# OGB / torch_geometric.utils.smiles x_map cardinalities (9 atom features)
DIMS = [119, 4, 12, 12, 10, 6, 6, 2, 2]
HIDDEN = 128
N = 100000


def setup_inputs(seed: int = 0) -> dict:
    key = jax.random.key(seed)
    ks = jax.random.split(key, len(DIMS) + 1)
    x = jax.random.randint(ks[0], (N, len(DIMS)), 0, 119, dtype=jnp.int32)
    inp = {"x": x}
    for i, d in enumerate(DIMS):
        inp[f"W{i}"] = jax.random.normal(ks[i + 1], (d, HIDDEN), dtype=jnp.float32) * 0.02
    return inp


def reference(x, W0, W1, W2, W3, W4, W5, W6, W7, W8):
    Ws = [W0, W1, W2, W3, W4, W5, W6, W7, W8]
    x = x.astype(jnp.int32)
    h = jnp.zeros((x.shape[0], HIDDEN), dtype=jnp.float32)
    for i, W in enumerate(Ws):
        idx = jnp.clip(x[:, i], 0, W.shape[0] - 1)
        h = h + jnp.take(W, idx, axis=0)
    return h

if __name__ == "__main__":
    import jax
    _d = setup_inputs()
    print(jax.jit(kernel)(*tuple(_d.values())))

</pallas_src>

<mosaic_0001>
#map = affine_map<(d0, d1) -> (0, 0)>
#map1 = affine_map<(d0, d1) -> (0)>
module attributes {stable_mosaic.version = 14 : i64} {
  func.func @body(%arg0: i32, %arg1: i32, %arg2: memref<2432x128xf32, #tpu.memory_space<hbm>>, %arg3: memref<100000xi32, #tpu.memory_space<hbm>>, %arg4: memref<100000x128xf32, #tpu.memory_space<hbm>>, %arg5: memref<2432x128xf32, #tpu.memory_space<vmem_shared>>, %arg6: memref<3120xi32, #tpu.memory_space<vmem>>, %arg7: memref<240x128xf32, #tpu.memory_space<vmem>>, %arg8: memref<240x128xf32, #tpu.memory_space<vmem>>, %arg9: memref<80x128xf32, #tpu.memory_space<vmem>>, %arg10: memref<80x128xf32, #tpu.memory_space<vmem>>, %arg11: memref<80xi32, #tpu.memory_space<vmem>>, %arg12: memref<80xi32, #tpu.memory_space<vmem>>, %arg13: memref<80xi32, #tpu.memory_space<vmem>>, %arg14: memref<80xi32, #tpu.memory_space<vmem>>, %arg15: memref<80xi32, #tpu.memory_space<vmem>>, %arg16: memref<80xi32, #tpu.memory_space<vmem>>, %arg17: memref<!tpu.dma_semaphore, #tpu.memory_space<semaphore_mem>>, %arg18: memref<!tpu.dma_semaphore, #tpu.memory_space<semaphore_mem>>, %arg19: memref<!tpu.dma_semaphore, #tpu.memory_space<semaphore_mem>>, %arg20: memref<!tpu.dma_semaphore, #tpu.memory_space<semaphore_mem>>) attributes {dimension_semantics = [#tpu.dimension_semantics<core_parallel>, #tpu.dimension_semantics<subcore_parallel>], iteration_bounds = array<i64: 2, 16>, scalar_prefetch = 0 : i64, scratch_operands = 16 : i64, tpu.core_type = #tpu.core_type<sc_vector_subcore>, window_params = [{transform_indices = #map}, {transform_indices = #map1}, {transform_indices = #map}]} {
    %mul3A = arith.constant 16 : i32
    %mul3A_0 = arith.muli %arg0, %mul3A : i32
    %add3A = arith.addi %mul3A_0, %arg1 : i32
    %mul3A_1 = arith.constant 152 : i32
    %mul3A_2 = arith.muli %arg1, %mul3A_1 : i32
    %mul3A_3 = arith.constant 152 : i32
    %mul3A_4 = arith.muli %arg1, %mul3A_3 : i32
    "tpu.region"() ({
      %run_scoped3A = tpu.sem_alloc : memref<!tpu.dma_semaphore, #tpu.memory_space<semaphore_mem>>
      %dma_start3A_195 = arith.constant 0 : i32
      %dma_start3A_196 = tpu.memref_slice %arg5[%mul3A_4, %dma_start3A_195] : memref<2432x128xf32, #tpu.memory_space<vmem_shared>> -> memref<152x128xf32, #tpu.memory_space<vmem_shared>>
      %dma_start3A_197 = arith.constant 0 : i32
      %dma_start3A_198 = tpu.memref_slice %arg2[%mul3A_2, %dma_start3A_197] : memref<2432x128xf32, #tpu.memory_space<hbm>> -> memref<152x128xf32, #tpu.memory_space<hbm>>
      tpu.enqueue_dma source(%dma_start3A_198 : memref<152x128xf32, #tpu.memory_space<hbm>>) target(%dma_start3A_196 : memref<152x128xf32, #tpu.memory_space<vmem_shared>>) target_semaphore(%run_scoped3A : memref<!tpu.dma_semaphore, #tpu.memory_space<semaphore_mem>>)
      %dma_wait3A_199 = arith.constant 0 : i32
      %dma_wait3A_200 = tpu.memref_slice %arg5[%mul3A_4, %dma_wait3A_199] : memref<2432x128xf32, #tpu.memory_space<vmem_shared>> -> memref<152x128xf32, #tpu.memory_space<vmem_shared>>
      %dma_wait3A_201 = arith.constant 0 : i32
      %dma_wait3A_202 = tpu.memref_slice %arg2[%mul3A_2, %dma_wait3A_201] : memref<2432x128xf32, #tpu.memory_space<hbm>> -> memref<152x128xf32, #tpu.memory_space<hbm>>
      tpu.wait_dma2 semaphore(%run_scoped3A : memref<!tpu.dma_semaphore, #tpu.memory_space<semaphore_mem>>) src(%dma_wait3A_202 : memref<152x128xf32, #tpu.memory_space<hbm>>) dst(%dma_wait3A_200 : memref<152x128xf32, #tpu.memory_space<vmem_shared>>)
      tpu.yield
    }) : () -> ()
    %barrier3A = arith.constant 0 : index
    tpu.barrier barrier_id(%barrier3A)
    %mul3A_5 = arith.constant 3120 : i32
    %mul3A_6 = arith.muli %add3A, %mul3A_5 : i32
    "tpu.region"() ({
      %run_scoped3A = tpu.sem_alloc : memref<!tpu.dma_semaphore, #tpu.memory_space<semaphore_mem>>
      %dma_start3A_195 = tpu.memref_slice %arg3[%mul3A_6] : memref<100000xi32, #tpu.memory_space<hbm>> -> memref<3120xi32, #tpu.memory_space<hbm>>
      %dma_start3A_196 = tpu.memref_slice %arg3[%mul3A_6] : memref<100000xi32, #tpu.memory_space<hbm>> -> memref<3120xi32, #tpu.memory_space<hbm>>
      tpu.enqueue_dma source(%dma_start3A_196 : memref<3120xi32, #tpu.memory_space<hbm>>) target(%arg6 : memref<3120xi32, #tpu.memory_space<vmem>>) target_semaphore(%run_scoped3A : memref<!tpu.dma_semaphore, #tpu.memory_space<semaphore_mem>>)
      %dma_wait3A_197 = tpu.memref_slice %arg3[%mul3A_6] : memref<100000xi32, #tpu.memory_space<hbm>> -> memref<3120xi32, #tpu.memory_space<hbm>>
      %dma_wait3A_198 = tpu.memref_slice %arg3[%mul3A_6] : memref<100000xi32, #tpu.memory_space<hbm>> -> memref<3120xi32, #tpu.memory_space<hbm>>
      tpu.wait_dma2 semaphore(%run_scoped3A : memref<!tpu.dma_semaphore, #tpu.memory_space<semaphore_mem>>) src(%dma_wait3A_198 : memref<3120xi32, #tpu.memory_space<hbm>>) dst(%arg6 : memref<3120xi32, #tpu.memory_space<vmem>>)
      tpu.yield
    }) : () -> ()
    %get3A = arith.constant 0 : index
    %get3A_7 = tpu.vector_load %arg6[%get3A] {strides = array<i32>} : memref<3120xi32, #tpu.memory_space<vmem>>, vector<16xi32>,
    %and3A = arith.constant 2047 : i32
    %and3A_8 = vector.broadcast %and3A : i32 to vector<16xi32>
    %and3A_9 = arith.andi %get3A_7, %and3A_8 : vector<16xi32>
    %swap3A = arith.constant 0 : index
    %swap3A_10 = tpu.vector_load %arg11[%swap3A] {strides = array<i32>} : memref<80xi32, #tpu.memory_space<vmem>>, vector<16xi32>,
    tpu.vector_store %arg11[%swap3A], %and3A_9 {strides = array<i32>} : memref<80xi32, #tpu.memory_space<vmem>>, vector<16xi32>,
    %shift_right_arithmetic3A = arith.constant 11 : i32
    %shift_right_arithmetic3A_11 = vector.broadcast %shift_right_arithmetic3A : i32 to vector<16xi32>
    %shift_right_arithmetic3A_12 = arith.shrsi %get3A_7, %shift_right_arithmetic3A_11 : vector<16xi32>
    %and3A_13 = arith.constant 255 : i32
    %and3A_14 = vector.broadcast %and3A_13 : i32 to vector<16xi32>
    %and3A_15 = arith.andi %shift_right_arithmetic3A_12, %and3A_14 : vector<16xi32>
    %add3A_16 = arith.constant 1904 : i32
    %add3A_17 = vector.broadcast %add3A_16 : i32 to vector<16xi32>
    %add3A_18 = arith.addi %and3A_15, %add3A_17 : vector<16xi32>
    %swap3A_19 = arith.constant 0 : index
    %swap3A_20 = tpu.vector_load %arg12[%swap3A_19] {strides = array<i32>} : memref<80xi32, #tpu.memory_space<vmem>>, vector<16xi32>,
    tpu.vector_store %arg12[%swap3A_19], %add3A_18 {strides = array<i32>} : memref<80xi32, #tpu.memory_space<vmem>>, vector<16xi32>,
    %shift_right_arithmetic3A_21 = arith.constant 19 : i32
    %shift_right_arithmetic3A_22 = vector.broadcast %shift_right_arithmetic3A_21 : i32 to vector<16xi32>
    %shift_right_arithmetic3A_23 = arith.shrsi %get3A_7, %shift_right_arithmetic3A_22 : vector<16xi32>
    %add3A_24 = arith.constant 2048 : i32
    %add3A_25 = vector.broadcast %add3A_24 : i32 to vector<16xi32>
    %add3A_26 = arith.addi %shift_right_arithmetic3A_23, %add3A_25 : vector<16xi32>
    %swap3A_27 = arith.constant 0 : index
    %swap3A_28 = tpu.vector_load %arg13[%swap3A_27] {strides = array<i32>} : memref<80xi32, #tpu.memory_space<vmem>>, vector<16xi32>,
    tpu.vector_store %arg13[%swap3A_27], %add3A_26 {strides = array<i32>} : memref<80xi32, #tpu.memory_space<vmem>>, vector<16xi32>,
    %get3A_29 = arith.constant 16 : index
    %get3A_30 = tpu.vector_load %arg6[%get3A_29] {strides = array<i32>} : memref<3120xi32, #tpu.memory_space<vmem>>, vector<16xi32>,
    %and3A_31 = arith.constant 2047 : i32
    %and3A_32 = vector.broadcast %and3A_31 : i32 to vector<16xi32>
    %and3A_33 = arith.andi %get3A_30, %and3A_32 : vector<16xi32>
    %swap3A_34 = arith.constant 16 : index
    %swap3A_35 = tpu.vector_load %arg11[%swap3A_34] {strides = array<i32>} : memref<80xi32, #tpu.memory_space<vmem>>, vector<16xi32>,
    tpu.vector_store %arg11[%swap3A_34], %and3A_33 {strides = array<i32>} : memref<80xi32, #tpu.memory_space<vmem>>, vector<16xi32>,
    %shift_right_arithmetic3A_36 = arith.constant 11 : i32
    %shift_right_arithmetic3A_37 = vector.broadcast %shift_right_arithmetic3A_36 : i32 to vector<16xi32>
    %shift_right_arithmetic3A_38 = arith.shrsi %get3A_30, %shift_right_arithmetic3A_37 : vector<16xi32>
    %and3A_39 = arith.constant 255 : i32
    %and3A_40 = vector.broadcast %and3A_39 : i32 to vector<16xi32>
    %and3A_41 = arith.andi %shift_right_arithmetic3A_38, %and3A_40 : vector<16xi32>
    %add3A_42 = arith.constant 1904 : i32
    %add3A_43 = vector.broadcast %add3A_42 : i32 to vector<16xi32>
    %add3A_44 = arith.addi %and3A_41, %add3A_43 : vector<16xi32>
    %swap3A_45 = arith.constant 16 : index
    %swap3A_46 = tpu.vector_load %arg12[%swap3A_45] {strides = array<i32>} : memref<80xi32, #tpu.memory_space<vmem>>, vector<16xi32>,
    tpu.vector_store %arg12[%swap3A_45], %add3A_44 {strides = array<i32>} : memref<80xi32, #tpu.memory_space<vmem>>, vector<16xi32>,
    %shift_right_arithmetic3A_47 = arith.constant 19 : i32
    %shift_right_arithmetic3A_48 = vector.broadcast %shift_right_arithmetic3A_47 : i32 to vector<16xi32>
    %shift_right_arithmetic3A_49 = arith.shrsi %get3A_30, %shift_right_arithmetic3A_48 : vector<16xi32>
    %add3A_50 = arith.constant 2048 : i32
    %add3A_51 = vector.broadcast %add3A_50 : i32 to vector<16xi32>
    %add3A_52 = arith.addi %shift_right_arithmetic3A_49, %add3A_51 : vector<16xi32>
    %swap3A_53 = arith.constant 16 : index
    %swap3A_54 = tpu.vector_load %arg13[%swap3A_53] {strides = array<i32>} : memref<80xi32, #tpu.memory_space<vmem>>, vector<16xi32>,
    tpu.vector_store %arg13[%swap3A_53], %add3A_52 {strides = array<i32>} : memref<80xi32, #tpu.memory_space<vmem>>, vector<16xi32>,
    %get3A_55 = arith.constant 32 : index
    %get3A_56 = tpu.vector_load %arg6[%get3A_55] {strides = array<i32>} : memref<3120xi32, #tpu.memory_space<vmem>>, vector<16xi32>,
    %and3A_57 = arith.constant 2047 : i32
    %and3A_58 = vector.broadcast %and3A_57 : i32 to vector<16xi32>
    %and3A_59 = arith.andi %get3A_56, %and3A_58 : vector<16xi32>
    %swap3A_60 = arith.constant 32 : index
    %swap3A_61 = tpu.vector_load %arg11[%swap3A_60] {strides = array<i32>} : memref<80xi32, #tpu.memory_space<vmem>>, vector<16xi32>,
    tpu.vector_store %arg11[%swap3A_60], %and3A_59 {strides = array<i32>} : memref<80xi32, #tpu.memory_space<vmem>>, vector<16xi32>,
    %shift_right_arithmetic3A_62 = arith.constant 11 : i32
    %shift_right_arithmetic3A_63 = vector.broadcast %shift_right_arithmetic3A_62 : i32 to vector<16xi32>
    %shift_right_arithmetic3A_64 = arith.shrsi %get3A_56, %shift_right_arithmetic3A_63 : vector<16xi32>
    %and3A_65 = arith.constant 255 : i32
    %and3A_66 = vector.broadcast %and3A_65 : i32 to vector<16xi32>
    %and3A_67 = arith.andi %shift_right_arithmetic3A_64, %and3A_66 : vector<16xi32>
    %add3A_68 = arith.constant 1904 : i32
    %add3A_69 = vector.broadcast %add3A_68 : i32 to vector<16xi32>
    %add3A_70 = arith.addi %and3A_67, %add3A_69 : vector<16xi32>
    %swap3A_71 = arith.constant 32 : index
    %swap3A_72 = tpu.vector_load %arg12[%swap3A_71] {strides = array<i32>} : memref<80xi32, #tpu.memory_space<vmem>>, vector<16xi32>,
    tpu.vector_store %arg12[%swap3A_71], %add3A_70 {strides = array<i32>} : memref<80xi32, #tpu.memory_space<vmem>>, vector<16xi32>,
    %shift_right_arithmetic3A_73 = arith.constant 19 : i32
    %shift_right_arithmetic3A_74 = vector.broadcast %shift_right_arithmetic3A_73 : i32 to vector<16xi32>
    %shift_right_arithmetic3A_75 = arith.shrsi %get3A_56, %shift_right_arithmetic3A_74 : vector<16xi32>
    %add3A_76 = arith.constant 2048 : i32
    %add3A_77 = vector.broadcast %add3A_76 : i32 to vector<16xi32>
    %add3A_78 = arith.addi %shift_right_arithmetic3A_75, %add3A_77 : vector<16xi32>
    %swap3A_79 = arith.constant 32 : index
    %swap3A_80 = tpu.vector_load %arg13[%swap3A_79] {strides = array<i32>} : memref<80xi32, #tpu.memory_space<vmem>>, vector<16xi32>,
    tpu.vector_store %arg13[%swap3A_79], %add3A_78 {strides = array<i32>} : memref<80xi32, #tpu.memory_space<vmem>>, vector<16xi32>,
    %get3A_81 = arith.constant 48 : index
    %get3A_82 = tpu.vector_load %arg6[%get3A_81] {strides = array<i32>} : memref<3120xi32, #tpu.memory_space<vmem>>, vector<16xi32>,
    %and3A_83 = arith.constant 2047 : i32
    %and3A_84 = vector.broadcast %and3A_83 : i32 to vector<16xi32>
    %and3A_85 = arith.andi %get3A_82, %and3A_84 : vector<16xi32>
    %swap3A_86 = arith.constant 48 : index
    %swap3A_87 = tpu.vector_load %arg11[%swap3A_86] {strides = array<i32>} : memref<80xi32, #tpu.memory_space<vmem>>, vector<16xi32>,
    tpu.vector_store %arg11[%swap3A_86], %and3A_85 {strides = array<i32>} : memref<80xi32, #tpu.memory_space<vmem>>, vector<16xi32>,
    %shift_right_arithmetic3A_88 = arith.constant 11 : i32
    %shift_right_arithmetic3A_89 = vector.broadcast %shift_right_arithmetic3A_88 : i32 to vector<16xi32>
    %shift_right_arithmetic3A_90 = arith.shrsi %get3A_82, %shift_right_arithmetic3A_89 : vector<16xi32>
    %and3A_91 = arith.constant 255 : i32
    %and3A_92 = vector.broadcast %and3A_91 : i32 to vector<16xi32>
    %and3A_93 = arith.andi %shift_right_arithmetic3A_90, %and3A_92 : vector<16xi32>
    %add3A_94 = arith.constant 1904 : i32
    %add3A_95 = vector.broadcast %add3A_94 : i32 to vector<16xi32>
    %add3A_96 = arith.addi %and3A_93, %add3A_95 : vector<16xi32>
    %swap3A_97 = arith.constant 48 : index
    %swap3A_98 = tpu.vector_load %arg12[%swap3A_97] {strides = array<i32>} : memref<80xi32, #tpu.memory_space<vmem>>, vector<16xi32>,
    tpu.vector_store %arg12[%swap3A_97], %add3A_96 {strides = array<i32>} : memref<80xi32, #tpu.memory_space<vmem>>, vector<16xi32>,
    %shift_right_arithmetic3A_99 = arith.constant 19 : i32
    %shift_right_arithmetic3A_100 = vector.broadcast %shift_right_arithmetic3A_99 : i32 to vector<16xi32>
    %shift_right_arithmetic3A_101 = arith.shrsi %get3A_82, %shift_right_arithmetic3A_100 : vector<16xi32>
    %add3A_102 = arith.constant 2048 : i32
    %add3A_103 = vector.broadcast %add3A_102 : i32 to vector<16xi32>
    %add3A_104 = arith.addi %shift_right_arithmetic3A_101, %add3A_103 : vector<16xi32>
    %swap3A_105 = arith.constant 48 : index
    %swap3A_106 = tpu.vector_load %arg13[%swap3A_105] {strides = array<i32>} : memref<80xi32, #tpu.memory_space<vmem>>, vector<16xi32>,
    tpu.vector_store %arg13[%swap3A_105], %add3A_104 {strides = array<i32>} : memref<80xi32, #tpu.memory_space<vmem>>, vector<16xi32>,
    %get3A_107 = arith.constant 64 : index
    %get3A_108 = tpu.vector_load %arg6[%get3A_107] {strides = array<i32>} : memref<3120xi32, #tpu.memory_space<vmem>>, vector<16xi32>,
    %and3A_109 = arith.constant 2047 : i32
    %and3A_110 = vector.broadcast %and3A_109 : i32 to vector<16xi32>
    %and3A_111 = arith.andi %get3A_108, %and3A_110 : vector<16xi32>
    %swap3A_112 = arith.constant 64 : index
    %swap3A_113 = tpu.vector_load %arg11[%swap3A_112] {strides = array<i32>} : memref<80xi32, #tpu.memory_space<vmem>>, vector<16xi32>,
    tpu.vector_store %arg11[%swap3A_112], %and3A_111 {strides = array<i32>} : memref<80xi32, #tpu.memory_space<vmem>>, vector<16xi32>,
    %shift_right_arithmetic3A_114 = arith.constant 11 : i32
    %shift_right_arithmetic3A_115 = vector.broadcast %shift_right_arithmetic3A_114 : i32 to vector<16xi32>
    %shift_right_arithmetic3A_116 = arith.shrsi %get3A_108, %shift_right_arithmetic3A_115 : vector<16xi32>
    %and3A_117 = arith.constant 255 : i32
    %and3A_118 = vector.broadcast %and3A_117 : i32 to vector<16xi32>
    %and3A_119 = arith.andi %shift_right_arithmetic3A_116, %and3A_118 : vector<16xi32>
    %add3A_120 = arith.constant 1904 : i32
    %add3A_121 = vector.broadcast %add3A_120 : i32 to vector<16xi32>
    %add3A_122 = arith.addi %and3A_119, %add3A_121 : vector<16xi32>
    %swap3A_123 = arith.constant 64 : index
    %swap3A_124 = tpu.vector_load %arg12[%swap3A_123] {strides = array<i32>} : memref<80xi32, #tpu.memory_space<vmem>>, vector<16xi32>,
    tpu.vector_store %arg12[%swap3A_123], %add3A_122 {strides = array<i32>} : memref<80xi32, #tpu.memory_space<vmem>>, vector<16xi32>,
    %shift_right_arithmetic3A_125 = arith.constant 19 : i32
    %shift_right_arithmetic3A_126 = vector.broadcast %shift_right_arithmetic3A_125 : i32 to vector<16xi32>
    %shift_right_arithmetic3A_127 = arith.shrsi %get3A_108, %shift_right_arithmetic3A_126 : vector<16xi32>
    %add3A_128 = arith.constant 2048 : i32
    %add3A_129 = vector.broadcast %add3A_128 : i32 to vector<16xi32>
    %add3A_130 = arith.addi %shift_right_arithmetic3A_127, %add3A_129 : vector<16xi32>
    %swap3A_131 = arith.constant 64 : index
    %swap3A_132 = tpu.vector_load %arg13[%swap3A_131] {strides = array<i32>} : memref<80xi32, #tpu.memory_space<vmem>>, vector<16xi32>,
    tpu.vector_store %arg13[%swap3A_131], %add3A_130 {strides = array<i32>} : memref<80xi32, #tpu.memory_space<vmem>>, vector<16xi32>,
    %dma_start3A = arith.constant 0 : i32
    %dma_start3A_133 = arith.constant 0 : i32
    %dma_start3A_134 = tpu.memref_slice %arg7[%dma_start3A, %dma_start3A_133] : memref<240x128xf32, #tpu.memory_space<vmem>> -> memref<80x128xf32, #tpu.memory_space<vmem>>
    %dma_start3A_135 = arith.constant 0 : i32
    %dma_start3A_136 = arith.constant 0 : i32
    %dma_start3A_137 = tpu.memref_slice %arg5[%dma_start3A_135, %dma_start3A_136] : memref<2432x128xf32, #tpu.memory_space<vmem_shared>> -> memref<2432x128xf32, #tpu.memory_space<vmem_shared>>
    tpu.enqueue_indirect_dma source(%dma_start3A_137 : memref<2432x128xf32, #tpu.memory_space<vmem_shared>>) target(%dma_start3A_134 : memref<80x128xf32, #tpu.memory_space<vmem>>) offsets(%arg11 : memref<80xi32, #tpu.memory_space<vmem>>) semaphore(%arg17 : memref<!tpu.dma_semaphore, #tpu.memory_space<semaphore_mem>>)
    %dma_start3A_138 = arith.constant 80 : i32
    %dma_start3A_139 = arith.constant 0 : i32
    %dma_start3A_140 = tpu.memref_slice %arg7[%dma_start3A_138, %dma_start3A_139] : memref<240x128xf32, #tpu.memory_space<vmem>> -> memref<80x128xf32, #tpu.memory_space<vmem>>
    %dma_start3A_141 = arith.constant 0 : i32
    %dma_start3A_142 = arith.constant 0 : i32
    %dma_start3A_143 = tpu.memref_slice %arg5[%dma_start3A_141, %dma_start3A_142] : memref<2432x128xf32, #tpu.memory_space<vmem_shared>> -> memref<2432x128xf32, #tpu.memory_space<vmem_shared>>
    tpu.enqueue_indirect_dma source(%dma_start3A_143 : memref<2432x128xf32, #tpu.memory_space<vmem_shared>>) target(%dma_start3A_140 : memref<80x128xf32, #tpu.memory_space<vmem>>) offsets(%arg12 : memref<80xi32, #tpu.memory_space<vmem>>) semaphore(%arg17 : memref<!tpu.dma_semaphore, #tpu.memory_space<semaphore_mem>>)
    %dma_start3A_144 = arith.constant 160 : i32
    %dma_start3A_145 = arith.constant 0 : i32
    %dma_start3A_146 = tpu.memref_slice %arg7[%dma_start3A_144, %dma_start3A_145] : memref<240x128xf32, #tpu.memory_space<vmem>> -> memref<80x128xf32, #tpu.memory_space<vmem>>
    %dma_start3A_147 = arith.constant 0 : i32
    %dma_start3A_148 = arith.constant 0 : i32
    %dma_start3A_149 = tpu.memref_slice %arg5[%dma_start3A_147, %dma_start3A_148] : memref<2432x128xf32, #tpu.memory_space<vmem_shared>> -> memref<2432x128xf32, #tpu.memory_space<vmem_shared>>
    tpu.enqueue_indirect_dma source(%dma_start3A_149 : memref<2432x128xf32, #tpu.memory_space<vmem_shared>>) target(%dma_start3A_146 : memref<80x128xf32, #tpu.memory_space<vmem>>) offsets(%arg13 : memref<80xi32, #tpu.memory_space<vmem>>) semaphore(%arg17 : memref<!tpu.dma_semaphore, #tpu.memory_space<semaphore_mem>>)
    %scan3A = arith.constant 0 : i32
    %scan3A_150 = arith.constant 0 : i32
    %scan3A_151 = arith.constant 19 : i32
    %scan3A_152 = arith.addi %scan3A_150, %scan3A_151 : i32
    %scan3A_153 = arith.constant 1 : i32
    scf.for %scan3A_195 = %scan3A_150 to %scan3A_152 step %scan3A_153  : i32 {
      %mul3A_196 = arith.constant 2 : i32
      %mul3A_197 = arith.muli %mul3A_196, %scan3A_195 : i32
      %add3A_198 = arith.constant 1 : i32
      %add3A_199 = arith.addi %mul3A_197, %add3A_198 : i32
      %mul3A_200 = arith.constant 80 : i32
      %mul3A_201 = arith.muli %add3A_199, %mul3A_200 : i32
      %add3A_202 = arith.constant 0 : i32
      %add3A_203 = arith.addi %mul3A_201, %add3A_202 : i32
      %get3A_204 = arith.index_cast %add3A_203 : i32 to index
      %get3A_205 = tpu.vector_load %arg6[%get3A_204] {strides = array<i32>} : memref<3120xi32, #tpu.memory_space<vmem>>, vector<16xi32>,
      %and3A_206 = arith.constant 2047 : i32
      %and3A_207 = vector.broadcast %and3A_206 : i32 to vector<16xi32>
      %and3A_208 = arith.andi %get3A_205, %and3A_207 : vector<16xi32>
      %swap3A_209 = arith.constant 0 : index
      %swap3A_210 = tpu.vector_load %arg14[%swap3A_209] {strides = array<i32>} : memref<80xi32, #tpu.memory_space<vmem>>, vector<16xi32>,
      tpu.vector_store %arg14[%swap3A_209], %and3A_208 {strides = array<i32>} : memref<80xi32, #tpu.memory_space<vmem>>, vector<16xi32>,
      %shift_right_arithmetic3A_211 = arith.constant 11 : i32
      %shift_right_arithmetic3A_212 = vector.broadcast %shift_right_arithmetic3A_211 : i32 to vector<16xi32>
      %shift_right_arithmetic3A_213 = arith.shrsi %get3A_205, %shift_right_arithmetic3A_212 : vector<16xi32>
      %and3A_214 = arith.constant 255 : i32
      %and3A_215 = vector.broadcast %and3A_214 : i32 to vector<16xi32>
      %and3A_216 = arith.andi %shift_right_arithmetic3A_213, %and3A_215 : vector<16xi32>
      %add3A_217 = arith.constant 1904 : i32
      %add3A_218 = vector.broadcast %add3A_217 : i32 to vector<16xi32>
      %add3A_219 = arith.addi %and3A_216, %add3A_218 : vector<16xi32>
      %swap3A_220 = arith.constant 0 : index
      %swap3A_221 = tpu.vector_load %arg15[%swap3A_220] {strides = array<i32>} : memref<80xi32, #tpu.memory_space<vmem>>, vector<16xi32>,
      tpu.vector_store %arg15[%swap3A_220], %add3A_219 {strides = array<i32>} : memref<80xi32, #tpu.memory_space<vmem>>, vector<16xi32>,
      %shift_right_arithmetic3A_222 = arith.constant 19 : i32
      %shift_right_arithmetic3A_223 = vector.broadcast %shift_right_arithmetic3A_222 : i32 to vector<16xi32>
      %shift_right_arithmetic3A_224 = arith.shrsi %get3A_205, %shift_right_arithmetic3A_223 : vector<16xi32>
      %add3A_225 = arith.constant 2048 : i32
      %add3A_226 = vector.broadcast %add3A_225 : i32 to vector<16xi32>
      %add3A_227 = arith.addi %shift_right_arithmetic3A_224, %add3A_226 : vector<16xi32>
      %swap3A_228 = arith.constant 0 : index
      %swap3A_229 = tpu.vector_load %arg16[%swap3A_228] {strides = array<i32>} : memref<80xi32, #tpu.memory_space<vmem>>, vector<16xi32>,
      tpu.vector_store %arg16[%swap3A_228], %add3A_227 {strides = array<i32>} : memref<80xi32, #tpu.memory_space<vmem>>, vector<16xi32>,
      %add3A_230 = arith.constant 16 : i32
      %add3A_231 = arith.addi %mul3A_201, %add3A_230 : i32
      %get3A_232 = arith.index_cast %add3A_231 : i32 to index
      %get3A_233 = tpu.vector_load %arg6[%get3A_232] {strides = array<i32>} : memref<3120xi32, #tpu.memory_space<vmem>>, vector<16xi32>,
      %and3A_234 = arith.constant 2047 : i32
      %and3A_235 = vector.broadcast %and3A_234 : i32 to vector<16xi32>
      %and3A_236 = arith.andi %get3A_233, %and3A_235 : vector<16xi32>
      %swap3A_237 = arith.constant 16 : index
      %swap3A_238 = tpu.vector_load %arg14[%swap3A_237] {strides = array<i32>} : memref<80xi32, #tpu.memory_space<vmem>>, vector<16xi32>,
      tpu.vector_store %arg14[%swap3A_237], %and3A_236 {strides = array<i32>} : memref<80xi32, #tpu.memory_space<vmem>>, vector<16xi32>,
      %shift_right_arithmetic3A_239 = arith.constant 11 : i32
      %shift_right_arithmetic3A_240 = vector.broadcast %shift_right_arithmetic3A_239 : i32 to vector<16xi32>
      %shift_right_arithmetic3A_241 = arith.shrsi %get3A_233, %shift_right_arithmetic3A_240 : vector<16xi32>
      %and3A_242 = arith.constant 255 : i32
      %and3A_243 = vector.broadcast %and3A_242 : i32 to vector<16xi32>
      %and3A_244 = arith.andi %shift_right_arithmetic3A_241, %and3A_243 : vector<16xi32>
      %add3A_245 = arith.constant 1904 : i32
      %add3A_246 = vector.broadcast %add3A_245 : i32 to vector<16xi32>
      %add3A_247 = arith.addi %and3A_244, %add3A_246 : vector<16xi32>
      %swap3A_248 = arith.constant 16 : index
      %swap3A_249 = tpu.vector_load %arg15[%swap3A_248] {strides = array<i32>} : memref<80xi32, #tpu.memory_space<vmem>>, vector<16xi32>,
      tpu.vector_store %arg15[%swap3A_248], %add3A_247 {strides = array<i32>} : memref<80xi32, #tpu.memory_space<vmem>>, vector<16xi32>,
      %shift_right_arithmetic3A_250 = arith.constant 19 : i32
      %shift_right_arithmetic3A_251 = vector.broadcast %shift_right_arithmetic3A_250 : i32 to vector<16xi32>
      %shift_right_arithmetic3A_252 = arith.shrsi %get3A_233, %shift_right_arithmetic3A_251 : vector<16xi32>
      %add3A_253 = arith.constant 2048 : i32
      %add3A_254 = vector.broadcast %add3A_253 : i32 to vector<16xi32>
      %add3A_255 = arith.addi %shift_right_arithmetic3A_252, %add3A_254 : vector<16xi32>
      %swap3A_256 = arith.constant 16 : index
      %swap3A_257 = tpu.vector_load %arg16[%swap3A_256] {strides = array<i32>} : memref<80xi32, #tpu.memory_space<vmem>>, vector<16xi32>,
      tpu.vector_store %arg16[%swap3A_256], %add3A_255 {strides = array<i32>} : memref<80xi32, #tpu.memory_space<vmem>>, vector<16xi32>,
      %add3A_258 = arith.constant 32 : i32
      %add3A_259 = arith.addi %mul3A_201, %add3A_258 : i32
      %get3A_260 = arith.index_cast %add3A_259 : i32 to index
      %get3A_261 = tpu.vector_load %arg6[%get3A_260] {strides = array<i32>} : memref<3120xi32, #tpu.memory_space<vmem>>, vector<16xi32>,
      %and3A_262 = arith.constant 2047 : i32
      %and3A_263 = vector.broadcast %and3A_262 : i32 to vector<16xi32>
      %and3A_264 = arith.andi %get3A_261, %and3A_263 : vector<16xi32>
      %swap3A_265 = arith.constant 32 : index
      %swap3A_266 = tpu.vector_load %arg14[%swap3A_265] {strides = array<i32>} : memref<80xi32, #tpu.memory_space<vmem>>, vector<16xi32>,
      tpu.vector_store %arg14[%swap3A_265], %and3A_264 {strides = array<i32>} : memref<80xi32, #tpu.memory_space<vmem>>, vector<16xi32>,
      %shift_right_arithmetic3A_267 = arith.constant 11 : i32
      %shift_right_arithmetic3A_268 = vector.broadcast %shift_right_arithmetic3A_267 : i32 to vector<16xi32>
      %shift_right_arithmetic3A_269 = arith.shrsi %get3A_261, %shift_right_arithmetic3A_268 : vector<16xi32>
      %and3A_270 = arith.constant 255 : i32
      %and3A_271 = vector.broadcast %and3A_270 : i32 to vector<16xi32>
      %and3A_272 = arith.andi %shift_right_arithmetic3A_269, %and3A_271 : vector<16xi32>
      %add3A_273 = arith.constant 1904 : i32
      %add3A_274 = vector.broadcast %add3A_273 : i32 to vector<16xi32>
      %add3A_275 = arith.addi %and3A_272, %add3A_274 : vector<16xi32>
      %swap3A_276 = arith.constant 32 : index
      %swap3A_277 = tpu.vector_load %arg15[%swap3A_276] {strides = array<i32>} : memref<80xi32, #tpu.memory_space<vmem>>, vector<16xi32>,
      tpu.vector_store %arg15[%swap3A_276], %add3A_275 {strides = array<i32>} : memref<80xi32, #tpu.memory_space<vmem>>, vector<16xi32>,
      %shift_right_arithmetic3A_278 = arith.constant 19 : i32
      %shift_right_arithmetic3A_279 = vector.broadcast %shift_right_arithmetic3A_278 : i32 to vector<16xi32>
      %shift_right_arithmetic3A_280 = arith.shrsi %get3A_261, %shift_right_arithmetic3A_279 : vector<16xi32>
      %add3A_281 = arith.constant 2048 : i32
      %add3A_282 = vector.broadcast %add3A_281 : i32 to vector<16xi32>
      %add3A_283 = arith.addi %shift_right_arithmetic3A_280, %add3A_282 : vector<16xi32>
      %swap3A_284 = arith.constant 32 : index
      %swap3A_285 = tpu.vector_load %arg16[%swap3A_284] {strides = array<i32>} : memref<80xi32, #tpu.memory_space<vmem>>, vector<16xi32>,
      tpu.vector_store %arg16[%swap3A_284], %add3A_283 {strides = array<i32>} : memref<80xi32, #tpu.memory_space<vmem>>, vector<16xi32>,
      %add3A_286 = arith.constant 48 : i32
      %add3A_287 = arith.addi %mul3A_201, %add3A_286 : i32
      %get3A_288 = arith.index_cast %add3A_287 : i32 to index
      %get3A_289 = tpu.vector_load %arg6[%get3A_288] {strides = array<i32>} : memref<3120xi32, #tpu.memory_space<vmem>>, vector<16xi32>,
      %and3A_290 = arith.constant 2047 : i32
      %and3A_291 = vector.broadcast %and3A_290 : i32 to vector<16xi32>
      %and3A_292 = arith.andi %get3A_289, %and3A_291 : vector<16xi32>
      %swap3A_293 = arith.constant 48 : index
      %swap3A_294 = tpu.vector_load %arg14[%swap3A_293] {strides = array<i32>} : memref<80xi32, #tpu.memory_space<vmem>>, vector<16xi32>,
      tpu.vector_store %arg14[%swap3A_293], %and3A_292 {strides = array<i32>} : memref<80xi32, #tpu.memory_space<vmem>>, vector<16xi32>,
      %shift_right_arithmetic3A_295 = arith.constant 11 : i32
      %shift_right_arithmetic3A_296 = vector.broadcast %shift_right_arithmetic3A_295 : i32 to vector<16xi32>
      %shift_right_arithmetic3A_297 = arith.shrsi %get3A_289, %shift_right_arithmetic3A_296 : vector<16xi32>
      %and3A_298 = arith.constant 255 : i32
      %and3A_299 = vector.broadcast %and3A_298 : i32 to vector<16xi32>
      %and3A_300 = arith.andi %shift_right_arithmetic3A_297, %and3A_299 : vector<16xi32>
      %add3A_301 = arith.constant 1904 : i32
      %add3A_302 = vector.broadcast %add3A_301 : i32 to vector<16xi32>
      %add3A_303 = arith.addi %and3A_300, %add3A_302 : vector<16xi32>
      %swap3A_304 = arith.constant 48 : index
      %swap3A_305 = tpu.vector_load %arg15[%swap3A_304] {strides = array<i32>} : memref<80xi32, #tpu.memory_space<vmem>>, vector<16xi32>,
      tpu.vector_store %arg15[%swap3A_304], %add3A_303 {strides = array<i32>} : memref<80xi32, #tpu.memory_space<vmem>>, vector<16xi32>,
      %shift_right_arithmetic3A_306 = arith.constant 19 : i32
      %shift_right_arithmetic3A_307 = vector.broadcast %shift_right_arithmetic3A_306 : i32 to vector<16xi32>
      %shift_right_arithmetic3A_308 = arith.shrsi %get3A_289, %shift_right_arithmetic3A_307 : vector<16xi32>
      %add3A_309 = arith.constant 2048 : i32
      %add3A_310 = vector.broadcast %add3A_309 : i32 to vector<16xi32>
      %add3A_311 = arith.addi %shift_right_arithmetic3A_308, %add3A_310 : vector<16xi32>
      %swap3A_312 = arith.constant 48 : index
      %swap3A_313 = tpu.vector_load %arg16[%swap3A_312] {strides = array<i32>} : memref<80xi32, #tpu.memory_space<vmem>>, vector<16xi32>,
      tpu.vector_store %arg16[%swap3A_312], %add3A_311 {strides = array<i32>} : memref<80xi32, #tpu.memory_space<vmem>>, vector<16xi32>,
      %add3A_314 = arith.constant 64 : i32
      %add3A_315 = arith.addi %mul3A_201, %add3A_314 : i32
      %get3A_316 = arith.index_cast %add3A_315 : i32 to index
      %get3A_317 = tpu.vector_load %arg6[%get3A_316] {strides = array<i32>} : memref<3120xi32, #tpu.memory_space<vmem>>, vector<16xi32>,
      %and3A_318 = arith.constant 2047 : i32
      %and3A_319 = vector.broadcast %and3A_318 : i32 to vector<16xi32>
      %and3A_320 = arith.andi %get3A_317, %and3A_319 : vector<16xi32>
      %swap3A_321 = arith.constant 64 : index
      %swap3A_322 = tpu.vector_load %arg14[%swap3A_321] {strides = array<i32>} : memref<80xi32, #tpu.memory_space<vmem>>, vector<16xi32>,
      tpu.vector_store %arg14[%swap3A_321], %and3A_320 {strides = array<i32>} : memref<80xi32, #tpu.memory_space<vmem>>, vector<16xi32>,
      %shift_right_arithmetic3A_323 = arith.constant 11 : i32
      %shift_right_arithmetic3A_324 = vector.broadcast %shift_right_arithmetic3A_323 : i32 to vector<16xi32>
      %shift_right_arithmetic3A_325 = arith.shrsi %get3A_317, %shift_right_arithmetic3A_324 : vector<16xi32>
      %and3A_326 = arith.constant 255 : i32
      %and3A_327 = vector.broadcast %and3A_326 : i32 to vector<16xi32>
      %and3A_328 = arith.andi %shift_right_arithmetic3A_325, %and3A_327 : vector<16xi32>
      %add3A_329 = arith.constant 1904 : i32
      %add3A_330 = vector.broadcast %add3A_329 : i32 to vector<16xi32>
      %add3A_331 = arith.addi %and3A_328, %add3A_330 : vector<16xi32>
      %swap3A_332 = arith.constant 64 : index
      %swap3A_333 = tpu.vector_load %arg15[%swap3A_332] {strides = array<i32>} : memref<80xi32, #tpu.memory_space<vmem>>, vector<16xi32>,
      tpu.vector_store %arg15[%swap3A_332], %add3A_331 {strides = array<i32>} : memref<80xi32, #tpu.memory_space<vmem>>, vector<16xi32>,
      %shift_right_arithmetic3A_334 = arith.constant 19 : i32
      %shift_right_arithmetic3A_335 = vector.broadcast %shift_right_arithmetic3A_334 : i32 to vector<16xi32>
      %shift_right_arithmetic3A_336 = arith.shrsi %get3A_317, %shift_right_arithmetic3A_335 : vector<16xi32>
      %add3A_337 = arith.constant 2048 : i32
      %add3A_338 = vector.broadcast %add3A_337 : i32 to vector<16xi32>
      %add3A_339 = arith.addi %shift_right_arithmetic3A_336, %add3A_338 : vector<16xi32>
      %swap3A_340 = arith.constant 64 : index
      %swap3A_341 = tpu.vector_load %arg16[%swap3A_340] {strides = array<i32>} : memref<80xi32, #tpu.memory_space<vmem>>, vector<16xi32>,
      tpu.vector_store %arg16[%swap3A_340], %add3A_339 {strides = array<i32>} : memref<80xi32, #tpu.memory_space<vmem>>, vector<16xi32>,
      %dma_start3A_342 = arith.constant 0 : i32
      %dma_start3A_343 = arith.constant 0 : i32
      %dma_start3A_344 = tpu.memref_slice %arg8[%dma_start3A_342, %dma_start3A_343] : memref<240x128xf32, #tpu.memory_space<vmem>> -> memref<80x128xf32, #tpu.memory_space<vmem>>
      %dma_start3A_345 = arith.constant 0 : i32
      %dma_start3A_346 = arith.constant 0 : i32
      %dma_start3A_347 = tpu.memref_slice %arg5[%dma_start3A_345, %dma_start3A_346] : memref<2432x128xf32, #tpu.memory_space<vmem_shared>> -> memref<2432x128xf32, #tpu.memory_space<vmem_shared>>
      tpu.enqueue_indirect_dma source(%dma_start3A_347 : memref<2432x128xf32, #tpu.memory_space<vmem_shared>>) target(%dma_start3A_344 : memref<80x128xf32, #tpu.memory_space<vmem>>) offsets(%arg14 : memref<80xi32, #tpu.memory_space<vmem>>) semaphore(%arg18 : memref<!tpu.dma_semaphore, #tpu.memory_space<semaphore_mem>>)
      %dma_start3A_348 = arith.constant 80 : i32
      %dma_start3A_349 = arith.constant 0 : i32
      %dma_start3A_350 = tpu.memref_slice %arg8[%dma_start3A_348, %dma_start3A_349] : memref<240x128xf32, #tpu.memory_space<vmem>> -> memref<80x128xf32, #tpu.memory_space<vmem>>
      %dma_start3A_351 = arith.constant 0 : i32
      %dma_start3A_352 = arith.constant 0 : i32
      %dma_start3A_353 = tpu.memref_slice %arg5[%dma_start3A_351, %dma_start3A_352] : memref<2432x128xf32, #tpu.memory_space<vmem_shared>> -> memref<2432x128xf32, #tpu.memory_space<vmem_shared>>
      tpu.enqueue_indirect_dma source(%dma_start3A_353 : memref<2432x128xf32, #tpu.memory_space<vmem_shared>>) target(%dma_start3A_350 : memref<80x128xf32, #tpu.memory_space<vmem>>) offsets(%arg15 : memref<80xi32, #tpu.memory_space<vmem>>) semaphore(%arg18 : memref<!tpu.dma_semaphore, #tpu.memory_space<semaphore_mem>>)
      %dma_start3A_354 = arith.constant 160 : i32
      %dma_start3A_355 = arith.constant 0 : i32
      %dma_start3A_356 = tpu.memref_slice %arg8[%dma_start3A_354, %dma_start3A_355] : memref<240x128xf32, #tpu.memory_space<vmem>> -> memref<80x128xf32, #tpu.memory_space<vmem>>
      %dma_start3A_357 = arith.constant 0 : i32
      %dma_start3A_358 = arith.constant 0 : i32
      %dma_start3A_359 = tpu.memref_slice %arg5[%dma_start3A_357, %dma_start3A_358] : memref<2432x128xf32, #tpu.memory_space<vmem_shared>> -> memref<2432x128xf32, #tpu.memory_space<vmem_shared>>
      tpu.enqueue_indirect_dma source(%dma_start3A_359 : memref<2432x128xf32, #tpu.memory_space<vmem_shared>>) target(%dma_start3A_356 : memref<80x128xf32, #tpu.memory_space<vmem>>) offsets(%arg16 : memref<80xi32, #tpu.memory_space<vmem>>) semaphore(%arg18 : memref<!tpu.dma_semaphore, #tpu.memory_space<semaphore_mem>>)
      %dma_wait3A_360 = arith.constant 0 : i32
      %dma_wait3A_361 = arith.constant 0 : i32
      %dma_wait3A_362 = tpu.memref_slice %arg2[%dma_wait3A_360, %dma_wait3A_361] : memref<2432x128xf32, #tpu.memory_space<hbm>> -> memref<240x128xf32, #tpu.memory_space<hbm>>
      %dma_wait3A_363 = arith.constant 0 : i32
      %dma_wait3A_364 = arith.constant 0 : i32
      %dma_wait3A_365 = tpu.memref_slice %arg2[%dma_wait3A_363, %dma_wait3A_364] : memref<2432x128xf32, #tpu.memory_space<hbm>> -> memref<240x128xf32, #tpu.memory_space<hbm>>
      tpu.wait_dma2 semaphore(%arg17 : memref<!tpu.dma_semaphore, #tpu.memory_space<semaphore_mem>>) src(%dma_wait3A_365 : memref<240x128xf32, #tpu.memory_space<hbm>>) dst(%arg7 : memref<240x128xf32, #tpu.memory_space<vmem>>)
      %gt3A = arith.constant 0 : i32
      %gt3A_366 = arith.cmpi sgt, %scan3A_195, %gt3A : i32
      %convert_element_type3A_367 = arith.extui %gt3A_366 : i1 to i32
      %cond3A_368 = arith.constant 0 : i32
      %cond3A_369 = arith.cmpi ne, %convert_element_type3A_367, %cond3A_368 : i32
      scf.if %cond3A_369 {
        %dma_wait3A_571 = arith.constant 0 : i32
        %dma_wait3A_572 = arith.constant 0 : i32
        %dma_wait3A_573 = tpu.memref_slice %arg4[%dma_wait3A_571, %dma_wait3A_572] : memref<100000x128xf32, #tpu.memory_space<hbm>> -> memref<80x128xf32, #tpu.memory_space<hbm>>
        %dma_wait3A_574 = arith.constant 0 : i32
        %dma_wait3A_575 = arith.constant 0 : i32
        %dma_wait3A_576 = tpu.memref_slice %arg4[%dma_wait3A_574, %dma_wait3A_575] : memref<100000x128xf32, #tpu.memory_space<hbm>> -> memref<80x128xf32, #tpu.memory_space<hbm>>
        tpu.wait_dma2 semaphore(%arg19 : memref<!tpu.dma_semaphore, #tpu.memory_space<semaphore_mem>>) src(%arg9 : memref<80x128xf32, #tpu.memory_space<vmem>>) dst(%dma_wait3A_576 : memref<80x128xf32, #tpu.memory_space<hbm>>)
      } else {
      }
      %scan3A_370 = arith.constant 0 : i32
      %scan3A_371 = arith.constant 0 : i32
      %scan3A_372 = arith.constant 80 : i32
      %scan3A_373 = arith.addi %scan3A_371, %scan3A_372 : i32
      %scan3A_374 = arith.constant 4 : i32
      scf.for %scan3A_571 = %scan3A_371 to %scan3A_373 step %scan3A_374  : i32 {
        %get3A_572 = arith.index_cast %scan3A_571 : i32 to index
        %get3A_573 = arith.constant 0 : index
        %get3A_574 = tpu.vector_load %arg7[%get3A_572, %get3A_573] {strides = array<i32>} : memref<240x128xf32, #tpu.memory_space<vmem>>, vector<16xf32>,
        %add3A_575 = arith.constant 80 : i32
        %add3A_576 = arith.addi %add3A_575, %scan3A_571 : i32
        %get3A_577 = arith.index_cast %add3A_576 : i32 to index
        %get3A_578 = arith.constant 0 : index
        %get3A_579 = tpu.vector_load %arg7[%get3A_577, %get3A_578] {strides = array<i32>} : memref<240x128xf32, #tpu.memory_space<vmem>>, vector<16xf32>,
        %add3A_580 = arith.addf %get3A_574, %get3A_579 : vector<16xf32>
        %add3A_581 = arith.constant 160 : i32
        %add3A_582 = arith.addi %add3A_581, %scan3A_571 : i32
        %get3A_583 = arith.index_cast %add3A_582 : i32 to index
        %get3A_584 = arith.constant 0 : index
        %get3A_585 = tpu.vector_load %arg7[%get3A_583, %get3A_584] {strides = array<i32>} : memref<240x128xf32, #tpu.memory_space<vmem>>, vector<16xf32>,
        %add3A_586 = arith.addf %add3A_580, %get3A_585 : vector<16xf32>
        %swap3A_587 = arith.index_cast %scan3A_571 : i32 to index
        %swap3A_588 = arith.constant 0 : index
        %swap3A_589 = tpu.vector_load %arg9[%swap3A_587, %swap3A_588] {strides = array<i32>} : memref<80x128xf32, #tpu.memory_space<vmem>>, vector<16xf32>,
        tpu.vector_store %arg9[%swap3A_587, %swap3A_588], %add3A_586 {strides = array<i32>} : memref<80x128xf32, #tpu.memory_space<vmem>>, vector<16xf32>,
        %get3A_590 = arith.index_cast %scan3A_571 : i32 to index
        %get3A_591 = arith.constant 16 : index
        %get3A_592 = tpu.vector_load %arg7[%get3A_590, %get3A_591] {strides = array<i32>} : memref<240x128xf32, #tpu.memory_space<vmem>>, vector<16xf32>,
        %add3A_593 = arith.constant 80 : i32
        %add3A_594 = arith.addi %add3A_593, %scan3A_571 : i32
        %get3A_595 = arith.index_cast %add3A_594 : i32 to index
        %get3A_596 = arith.constant 16 : index
        %get3A_597 = tpu.vector_load %arg7[%get3A_595, %get3A_596] {strides = array<i32>} : memref<240x128xf32, #tpu.memory_space<vmem>>, vector<16xf32>,
        %add3A_598 = arith.addf %get3A_592, %get3A_597 : vector<16xf32>
        %add3A_599 = arith.constant 160 : i32
        %add3A_600 = arith.addi %add3A_599, %scan3A_571 : i32
        %get3A_601 = arith.index_cast %add3A_600 : i32 to index
        %get3A_602 = arith.constant 16 : index
        %get3A_603 = tpu.vector_load %arg7[%get3A_601, %get3A_602] {strides = array<i32>} : memref<240x128xf32, #tpu.memory_space<vmem>>, vector<16xf32>,
        %add3A_604 = arith.addf %add3A_598, %get3A_603 : vector<16xf32>
        %swap3A_605 = arith.index_cast %scan3A_571 : i32 to index
        %swap3A_606 = arith.constant 16 : index
        %swap3A_607 = tpu.vector_load %arg9[%swap3A_605, %swap3A_606] {strides = array<i32>} : memref<80x128xf32, #tpu.memory_space<vmem>>, vector<16xf32>,
        tpu.vector_store %arg9[%swap3A_605, %swap3A_606], %add3A_604 {strides = array<i32>} : memref<80x128xf32, #tpu.memory_space<vmem>>, vector<16xf32>,
        %get3A_608 = arith.index_cast %scan3A_571 : i32 to index
        %get3A_609 = arith.constant 32 : index
        %get3A_610 = tpu.vector_load %arg7[%get3A_608, %get3A_609] {strides = array<i32>} : memref<240x128xf32, #tpu.memory_space<vmem>>, vector<16xf32>,
        %add3A_611 = arith.constant 80 : i32
        %add3A_612 = arith.addi %add3A_611, %scan3A_571 : i32
        %get3A_613 = arith.index_cast %add3A_612 : i32 to index
        %get3A_614 = arith.constant 32 : index
        %get3A_615 = tpu.vector_load %arg7[%get3A_613, %get3A_614] {strides = array<i32>} : memref<240x128xf32, #tpu.memory_space<vmem>>, vector<16xf32>,
        %add3A_616 = arith.addf %get3A_610, %get3A_615 : vector<16xf32>
        %add3A_617 = arith.constant 160 : i32
        %add3A_618 = arith.addi %add3A_617, %scan3A_571 : i32
        %get3A_619 = arith.index_cast %add3A_618 : i32 to index
        %get3A_620 = arith.constant 32 : index
        %get3A_621 = tpu.vector_load %arg7[%get3A_619, %get3A_620] {strides = array<i32>} : memref<240x128xf32, #tpu.memory_space<vmem>>, vector<16xf32>,
        %add3A_622 = arith.addf %add3A_616, %get3A_621 : vector<16xf32>
        %swap3A_623 = arith.index_cast %scan3A_571 : i32 to index
        %swap3A_624 = arith.constant 32 : index
        %swap3A_625 = tpu.vector_load %arg9[%swap3A_623, %swap3A_624] {strides = array<i32>} : memref<80x128xf32, #tpu.memory_space<vmem>>, vector<16xf32>,
        tpu.vector_store %arg9[%swap3A_623, %swap3A_624], %add3A_622 {strides = array<i32>} : memref<80x128xf32, #tpu.memory_space<vmem>>, vector<16xf32>,
        %get3A_626 = arith.index_cast %scan3A_571 : i32 to index
        %get3A_627 = arith.constant 48 : index
        %get3A_628 = tpu.vector_load %arg7[%get3A_626, %get3A_627] {strides = array<i32>} : memref<240x128xf32, #tpu.memory_space<vmem>>, vector<16xf32>,
        %add3A_629 = arith.constant 80 : i32
        %add3A_630 = arith.addi %add3A_629, %scan3A_571 : i32
        %get3A_631 = arith.index_cast %add3A_630 : i32 to index
        %get3A_632 = arith.constant 48 : index
        %get3A_633 = tpu.vector_load %arg7[%get3A_631, %get3A_632] {strides = array<i32>} : memref<240x128xf32, #tpu.memory_space<vmem>>, vector<16xf32>,
        %add3A_634 = arith.addf %get3A_628, %get3A_633 : vector<16xf32>
        %add3A_635 = arith.constant 160 : i32
        %add3A_636 = arith.addi %add3A_635, %scan3A_571 : i32
        %get3A_637 = arith.index_cast %add3A_636 : i32 to index
        %get3A_638 = arith.constant 48 : index
        %get3A_639 = tpu.vector_load %arg7[%get3A_637, %get3A_638] {strides = array<i32>} : memref<240x128xf32, #tpu.memory_space<vmem>>, vector<16xf32>,
        %add3A_640 = arith.addf %add3A_634, %get3A_639 : vector<16xf32>
        %swap3A_641 = arith.index_cast %scan3A_571 : i32 to index
        %swap3A_642 = arith.constant 48 : index
        %swap3A_643 = tpu.vector_load %arg9[%swap3A_641, %swap3A_642] {strides = array<i32>} : memref<80x128xf32, #tpu.memory_space<vmem>>, vector<16xf32>,
        tpu.vector_store %arg9[%swap3A_641, %swap3A_642], %add3A_640 {strides = array<i32>} : memref<80x128xf32, #tpu.memory_space<vmem>>, vector<16xf32>,
        %get3A_644 = arith.index_cast %scan3A_571 : i32 to index
        %get3A_645 = arith.constant 64 : index
        %get3A_646 = tpu.vector_load %arg7[%get3A_644, %get3A_645] {strides = array<i32>} : memref<240x128xf32, #tpu.memory_space<vmem>>, vector<16xf32>,
        %add3A_647 = arith.constant 80 : i32
        %add3A_648 = arith.addi %add3A_647, %scan3A_571 : i32
        %get3A_649 = arith.index_cast %add3A_648 : i32 to index
        %get3A_650 = arith.constant 64 : index
        %get3A_651 = tpu.vector_load %arg7[%get3A_649, %get3A_650] {strides = array<i32>} : memref<240x128xf32, #tpu.memory_space<vmem>>, vector<16xf32>,
        %add3A_652 = arith.addf %get3A_646, %get3A_651 : vector<16xf32>
        %add3A_653 = arith.constant 160 : i32
        %add3A_654 = arith.addi %add3A_653, %scan3A_571 : i32
        %get3A_655 = arith.index_cast %add3A_654 : i32 to index
        %get3A_656 = arith.constant 64 : index
        %get3A_657 = tpu.vector_load %arg7[%get3A_655, %get3A_656] {strides = array<i32>} : memref<240x128xf32, #tpu.memory_space<vmem>>, vector<16xf32>,
        %add3A_658 = arith.addf %add3A_652, %get3A_657 : vector<16xf32>
        %swap3A_659 = arith.index_cast %scan3A_571 : i32 to index
        %swap3A_660 = arith.constant 64 : index
        %swap3A_661 = tpu.vector_load %arg9[%swap3A_659, %swap3A_660] {strides = array<i32>} : memref<80x128xf32, #tpu.memory_space<vmem>>, vector<16xf32>,
        tpu.vector_store %arg9[%swap3A_659, %swap3A_660], %add3A_658 {strides = array<i32>} : memref<80x128xf32, #tpu.memory_space<vmem>>, vector<16xf32>,
        %get3A_662 = arith.index_cast %scan3A_571 : i32 to index
        %get3A_663 = arith.constant 80 : index
        %get3A_664 = tpu.vector_load %arg7[%get3A_662, %get3A_663] {strides = array<i32>} : memref<240x128xf32, #tpu.memory_space<vmem>>, vector<16xf32>,
        %add3A_665 = arith.constant 80 : i32
        %add3A_666 = arith.addi %add3A_665, %scan3A_571 : i32
        %get3A_667 = arith.index_cast %add3A_666 : i32 to index
        %get3A_668 = arith.constant 80 : index
        %get3A_669 = tpu.vector_load %arg7[%get3A_667, %get3A_668] {strides = array<i32>} : memref<240x128xf32, #tpu.memory_space<vmem>>, vector<16xf32>,
        %add3A_670 = arith.addf %get3A_664, %get3A_669 : vector<16xf32>
        %add3A_671 = arith.constant 160 : i32
        %add3A_672 = arith.addi %add3A_671, %scan3A_571 : i32
        %get3A_673 = arith.index_cast %add3A_672 : i32 to index
        %get3A_674 = arith.constant 80 : index
        %get3A_675 = tpu.vector_load %arg7[%get3A_673, %get3A_674] {strides = array<i32>} : memref<240x128xf32, #tpu.memory_space<vmem>>, vector<16xf32>,
        %add3A_676 = arith.addf %add3A_670, %get3A_675 : vector<16xf32>
        %swap3A_677 = arith.index_cast %scan3A_571 : i32 to index
        %swap3A_678 = arith.constant 80 : index
        %swap3A_679 = tpu.vector_load %arg9[%swap3A_677, %swap3A_678] {strides = array<i32>} : memref<80x128xf32, #tpu.memory_space<vmem>>, vector<16xf32>,
        tpu.vector_store %arg9[%swap3A_677, %swap3A_678], %add3A_676 {strides = array<i32>} : memref<80x128xf32, #tpu.memory_space<vmem>>, vector<16xf32>,
        %get3A_680 = arith.index_cast %scan3A_571 : i32 to index
        %get3A_681 = arith.constant 96 : index
        %get3A_682 = tpu.vector_load %arg7[%get3A_680, %get3A_681] {strides = array<i32>} : memref<240x128xf32, #tpu.memory_space<vmem>>, vector<16xf32>,
        %add3A_683 = arith.constant 80 : i32
        %add3A_684 = arith.addi %add3A_683, %scan3A_571 : i32
        %get3A_685 = arith.index_cast %add3A_684 : i32 to index
        %get3A_686 = arith.constant 96 : index
        %get3A_687 = tpu.vector_load %arg7[%get3A_685, %get3A_686] {strides = array<i32>} : memref<240x128xf32, #tpu.memory_space<vmem>>, vector<16xf32>,
        %add3A_688 = arith.addf %get3A_682, %get3A_687 : vector<16xf32>
        %add3A_689 = arith.constant 160 : i32
        %add3A_690 = arith.addi %add3A_689, %scan3A_571 : i32
        %get3A_691 = arith.index_cast %add3A_690 : i32 to index
        %get3A_692 = arith.constant 96 : index
        %get3A_693 = tpu.vector_load %arg7[%get3A_691, %get3A_692] {strides = array<i32>} : memref<240x128xf32, #tpu.memory_space<vmem>>, vector<16xf32>,
        %add3A_694 = arith.addf %add3A_688, %get3A_693 : vector<16xf32>
        %swap3A_695 = arith.index_cast %scan3A_571 : i32 to index
        %swap3A_696 = arith.constant 96 : index
        %swap3A_697 = tpu.vector_load %arg9[%swap3A_695, %swap3A_696] {strides = array<i32>} : memref<80x128xf32, #tpu.memory_space<vmem>>, vector<16xf32>,
        tpu.vector_store %arg9[%swap3A_695, %swap3A_696], %add3A_694 {strides = array<i32>} : memref<80x128xf32, #tpu.memory_space<vmem>>, vector<16xf32>,
        %get3A_698 = arith.index_cast %scan3A_571 : i32 to index
        %get3A_699 = arith.constant 112 : index
        %get3A_700 = tpu.vector_load %arg7[%get3A_698, %get3A_699] {strides = array<i32>} : memref<240x128xf32, #tpu.memory_space<vmem>>, vector<16xf32>,
        %add3A_701 = arith.constant 80 : i32
        %add3A_702 = arith.addi %add3A_701, %scan3A_571 : i32
        %get3A_703 = arith.index_cast %add3A_702 : i32 to index
        %get3A_704 = arith.constant 112 : index
        %get3A_705 = tpu.vector_load %arg7[%get3A_703, %get3A_704] {strides = array<i32>} : memref<240x128xf32, #tpu.memory_space<vmem>>, vector<16xf32>,
        %add3A_706 = arith.addf %get3A_700, %get3A_705 : vector<16xf32>
        %add3A_707 = arith.constant 160 : i32
        %add3A_708 = arith.addi %add3A_707, %scan3A_571 : i32
        %get3A_709 = arith.index_cast %add3A_708 : i32 to index
        %get3A_710 = arith.constant 112 : index
        %get3A_711 = tpu.vector_load %arg7[%get3A_709, %get3A_710] {strides = array<i32>} : memref<240x128xf32, #tpu.memory_space<vmem>>, vector<16xf32>,
        %add3A_712 = arith.addf %add3A_706, %get3A_711 : vector<16xf32>
        %swap3A_713 = arith.index_cast %scan3A_571 : i32 to index
        %swap3A_714 = arith.constant 112 : index
        %swap3A_715 = tpu.vector_load %arg9[%swap3A_713, %swap3A_714] {strides = array<i32>} : memref<80x128xf32, #tpu.memory_space<vmem>>, vector<16xf32>,
        tpu.vector_store %arg9[%swap3A_713, %swap3A_714], %add3A_712 {strides = array<i32>} : memref<80x128xf32, #tpu.memory_space<vmem>>, vector<16xf32>,
        %scan3A_716 = arith.constant 1 : i32
        %scan3A_717 = arith.addi %scan3A_571, %scan3A_716 : i32
        %get3A_718 = arith.index_cast %scan3A_717 : i32 to index
        %get3A_719 = arith.constant 0 : index
        %get3A_720 = tpu.vector_load %arg7[%get3A_718, %get3A_719] {strides = array<i32>} : memref<240x128xf32, #tpu.memory_space<vmem>>, vector<16xf32>,
        %add3A_721 = arith.constant 80 : i32
        %add3A_722 = arith.addi %add3A_721, %scan3A_717 : i32
        %get3A_723 = arith.index_cast %add3A_722 : i32 to index
        %get3A_724 = arith.constant 0 : index
        %get3A_725 = tpu.vector_load %arg7[%get3A_723, %get3A_724] {strides = array<i32>} : memref<240x128xf32, #tpu.memory_space<vmem>>, vector<16xf32>,
        %add3A_726 = arith.addf %get3A_720, %get3A_725 : vector<16xf32>
        %add3A_727 = arith.constant 160 : i32
        %add3A_728 = arith.addi %add3A_727, %scan3A_717 : i32
        %get3A_729 = arith.index_cast %add3A_728 : i32 to index
        %get3A_730 = arith.constant 0 : index
        %get3A_731 = tpu.vector_load %arg7[%get3A_729, %get3A_730] {strides = array<i32>} : memref<240x128xf32, #tpu.memory_space<vmem>>, vector<16xf32>,
        %add3A_732 = arith.addf %add3A_726, %get3A_731 : vector<16xf32>
        %swap3A_733 = arith.index_cast %scan3A_717 : i32 to index
        %swap3A_734 = arith.constant 0 : index
        %swap3A_735 = tpu.vector_load %arg9[%swap3A_733, %swap3A_734] {strides = array<i32>} : memref<80x128xf32, #tpu.memory_space<vmem>>, vector<16xf32>,
        tpu.vector_store %arg9[%swap3A_733, %swap3A_734], %add3A_732 {strides = array<i32>} : memref<80x128xf32, #tpu.memory_space<vmem>>, vector<16xf32>,
        %get3A_736 = arith.index_cast %scan3A_717 : i32 to index
        %get3A_737 = arith.constant 16 : index
        %get3A_738 = tpu.vector_load %arg7[%get3A_736, %get3A_737] {strides = array<i32>} : memref<240x128xf32, #tpu.memory_space<vmem>>, vector<16xf32>,
        %add3A_739 = arith.constant 80 : i32
        %add3A_740 = arith.addi %add3A_739, %scan3A_717 : i32
        %get3A_741 = arith.index_cast %add3A_740 : i32 to index
        %get3A_742 = arith.constant 16 : index
        %get3A_743 = tpu.vector_load %arg7[%get3A_741, %get3A_742] {strides = array<i32>} : memref<240x128xf32, #tpu.memory_space<vmem>>, vector<16xf32>,
        %add3A_744 = arith.addf %get3A_738, %get3A_743 : vector<16xf32>
        %add3A_745 = arith.constant 160 : i32
        %add3A_746 = arith.addi %add3A_745, %scan3A_717 : i32
        %get3A_747 = arith.index_cast %add3A_746 : i32 to index
        %get3A_748 = arith.constant 16 : index
        %get3A_749 = tpu.vector_load %arg7[%get3A_747, %get3A_748] {strides = array<i32>} : memref<240x128xf32, #tpu.memory_space<vmem>>, vector<16xf32>,
        %add3A_750 = arith.addf %add3A_744, %get3A_749 : vector<16xf32>
        %swap3A_751 = arith.index_cast %scan3A_717 : i32 to index
        %swap3A_752 = arith.constant 16 : index
        %swap3A_753 = tpu.vector_load %arg9[%swap3A_751, %swap3A_752] {strides = array<i32>} : memref<80x128xf32, #tpu.memory_space<vmem>>, vector<16xf32>,
        tpu.vector_store %arg9[%swap3A_751, %swap3A_752], %add3A_750 {strides = array<i32>} : memref<80x128xf32, #tpu.memory_space<vmem>>, vector<16xf32>,
        %get3A_754 = arith.index_cast %scan3A_717 : i32 to index
        %get3A_755 = arith.constant 32 : index
        %get3A_756 = tpu.vector_load %arg7[%get3A_754, %get3A_755] {strides = array<i32>} : memref<240x128xf32, #tpu.memory_space<vmem>>, vector<16xf32>,
        %add3A_757 = arith.constant 80 : i32
        %add3A_758 = arith.addi %add3A_757, %scan3A_717 : i32
        %get3A_759 = arith.index_cast %add3A_758 : i32 to index
        %get3A_760 = arith.constant 32 : index
        %get3A_761 = tpu.vector_load %arg7[%get3A_759, %get3A_760] {strides = array<i32>} : memref<240x128xf32, #tpu.memory_space<vmem>>, vector<16xf32>,
        %add3A_762 = arith.addf %get3A_756, %get3A_761 : vector<16xf32>
        %add3A_763 = arith.constant 160 : i32
        %add3A_764 = arith.addi %add3A_763, %scan3A_717 : i32
        %get3A_765 = arith.index_cast %add3A_764 : i32 to index
        %get3A_766 = arith.constant 32 : index
        %get3A_767 = tpu.vector_load %arg7[%get3A_765, %get3A_766] {strides = array<i32>} : memref<240x128xf32, #tpu.memory_space<vmem>>, vector<16xf32>,
        %add3A_768 = arith.addf %add3A_762, %get3A_767 : vector<16xf32>
        %swap3A_769 = arith.index_cast %scan3A_717 : i32 to index
        %swap3A_770 = arith.constant 32 : index
        %swap3A_771 = tpu.vector_load %arg9[%swap3A_769, %swap3A_770] {strides = array<i32>} : memref<80x128xf32, #tpu.memory_space<vmem>>, vector<16xf32>,
        tpu.vector_store %arg9[%swap3A_769, %swap3A_770], %add3A_768 {strides = array<i32>} : memref<80x128xf32, #tpu.memory_space<vmem>>, vector<16xf32>,
        %get3A_772 = arith.index_cast %scan3A_717 : i32 to index
        %get3A_773 = arith.constant 48 : index
        %get3A_774 = tpu.vector_load %arg7[%get3A_772, %get3A_773] {strides = array<i32>} : memref<240x128xf32, #tpu.memory_space<vmem>>, vector<16xf32>,
        %add3A_775 = arith.constant 80 : i32
        %add3A_776 = arith.addi %add3A_775, %scan3A_717 : i32
        %get3A_777 = arith.index_cast %add3A_776 : i32 to index
        %get3A_778 = arith.constant 48 : index
        %get3A_779 = tpu.vector_load %arg7[%get3A_777, %get3A_778] {strides = array<i32>} : memref<240x128xf32, #tpu.memory_space<vmem>>, vector<16xf32>,
        %add3A_780 = arith.addf %get3A_774, %get3A_779 : vector<16xf32>
        %add3A_781 = arith.constant 160 : i32
        %add3A_782 = arith.addi %add3A_781, %scan3A_717 : i32
        %get3A_783 = arith.index_cast %add3A_782 : i32 to index
        %get3A_784 = arith.constant 48 : index
        %get3A_785 = tpu.vector_load %arg7[%get3A_783, %get3A_784] {strides = array<i32>} : memref<240x128xf32, #tpu.memory_space<vmem>>, vector<16xf32>,
        %add3A_786 = arith.addf %add3A_780, %get3A_785 : vector<16xf32>
        %swap3A_787 = arith.index_cast %scan3A_717 : i32 to index
        %swap3A_788 = arith.constant 48 : index
        %swap3A_789 = tpu.vector_load %arg9[%swap3A_787, %swap3A_788] {strides = array<i32>} : memref<80x128xf32, #tpu.memory_space<vmem>>, vector<16xf32>,
        tpu.vector_store %arg9[%swap3A_787, %swap3A_788], %add3A_786 {strides = array<i32>} : memref<80x128xf32, #tpu.memory_space<vmem>>, vector<16xf32>,
        %get3A_790 = arith.index_cast %scan3A_717 : i32 to index
        %get3A_791 = arith.constant 64 : index
        %get3A_792 = tpu.vector_load %arg7[%get3A_790, %get3A_791] {strides = array<i32>} : memref<240x128xf32, #tpu.memory_space<vmem>>, vector<16xf32>,
        %add3A_793 = arith.constant 80 : i32
        %add3A_794 = arith.addi %add3A_793, %scan3A_717 : i32
        %get3A_795 = arith.index_cast %add3A_794 : i32 to index
        %get3A_796 = arith.constant 64 : index
        %get3A_797 = tpu.vector_load %arg7[%get3A_795, %get3A_796] {strides = array<i32>} : memref<240x128xf32, #tpu.memory_space<vmem>>, vector<16xf32>,
        %add3A_798 = arith.addf %get3A_792, %get3A_797 : vector<16xf32>
        %add3A_799 = arith.constant 160 : i32
        %add3A_800 = arith.addi %add3A_799, %scan3A_717 : i32
        %get3A_801 = arith.index_cast %add3A_800 : i32 to index
        %get3A_802 = arith.constant 64 : index
        %get3A_803 = tpu.vector_load %arg7[%get3A_801, %get3A_802] {strides = array<i32>} : memref<240x128xf32, #tpu.memory_space<vmem>>, vector<16xf32>,
        %add3A_804 = arith.addf %add3A_798, %get3A_803 : vector<16xf32>
        %swap3A_805 = arith.index_cast %scan3A_717 : i32 to index
        %swap3A_806 = arith.constant 64 : index
        %swap3A_807 = tpu.vector_load %arg9[%swap3A_805, %swap3A_806] {strides = array<i32>} : memref<80x128xf32, #tpu.memory_space<vmem>>, vector<16xf32>,
        tpu.vector_store %arg9[%swap3A_805, %swap3A_806], %add3A_804 {strides = array<i32>} : memref<80x128xf32, #tpu.memory_space<vmem>>, vector<16xf32>,
        %get3A_808 = arith.index_cast %scan3A_717 : i32 to index
        %get3A_809 = arith.constant 80 : index
        %get3A_810 = tpu.vector_load %arg7[%get3A_808, %get3A_809] {strides = array<i32>} : memref<240x128xf32, #tpu.memory_space<vmem>>, vector<16xf32>,
        %add3A_811 = arith.constant 80 : i32
        %add3A_812 = arith.addi %add3A_811, %scan3A_717 : i32
        %get3A_813 = arith.index_cast %add3A_812 : i32 to index
        %get3A_814 = arith.constant 80 : index
        %get3A_815 = tpu.vector_load %arg7[%get3A_813, %get3A_814] {strides = array<i32>} : memref<240x128xf32, #tpu.memory_space<vmem>>, vector<16xf32>,
        %add3A_816 = arith.addf %get3A_810, %get3A_815 : vector<16xf32>
        %add3A_817 = arith.constant 160 : i32
        %add3A_818 = arith.addi %add3A_817, %scan3A_717 : i32
        %get3A_819 = arith.index_cast %add3A_818 : i32 to index
        %get3A_820 = arith.constant 80 : index
        %get3A_821 = tpu.vector_load %arg7[%get3A_819, %get3A_820] {strides = array<i32>} : memref<240x128xf32, #tpu.memory_space<vmem>>, vector<16xf32>,
        %add3A_822 = arith.addf %add3A_816, %get3A_821 : vector<16xf32>
        %swap3A_823 = arith.index_cast %scan3A_717 : i32 to index
        %swap3A_824 = arith.constant 80 : index
        %swap3A_825 = tpu.vector_load %arg9[%swap3A_823, %swap3A_824] {strides = array<i32>} : memref<80x128xf32, #tpu.memory_space<vmem>>, vector<16xf32>,
        tpu.vector_store %arg9[%swap3A_823, %swap3A_824], %add3A_822 {strides = array<i32>} : memref<80x128xf32, #tpu.memory_space<vmem>>, vector<16xf32>,
        %get3A_826 = arith.index_cast %scan3A_717 : i32 to index
        %get3A_827 = arith.constant 96 : index
        %get3A_828 = tpu.vector_load %arg7[%get3A_826, %get3A_827] {strides = array<i32>} : memref<240x128xf32, #tpu.memory_space<vmem>>, vector<16xf32>,
        %add3A_829 = arith.constant 80 : i32
        %add3A_830 = arith.addi %add3A_829, %scan3A_717 : i32
        %get3A_831 = arith.index_cast %add3A_830 : i32 to index
        %get3A_832 = arith.constant 96 : index
        %get3A_833 = tpu.vector_load %arg7[%get3A_831, %get3A_832] {strides = array<i32>} : memref<240x128xf32, #tpu.memory_space<vmem>>, vector<16xf32>,
        %add3A_834 = arith.addf %get3A_828, %get3A_833 : vector<16xf32>
        %add3A_835 = arith.constant 160 : i32
        %add3A_836 = arith.addi %add3A_835, %scan3A_717 : i32
        %get3A_837 = arith.index_cast %add3A_836 : i32 to index
        %get3A_838 = arith.constant 96 : index
        %get3A_839 = tpu.vector_load %arg7[%get3A_837, %get3A_838] {strides = array<i32>} : memref<240x128xf32, #tpu.memory_space<vmem>>, vector<16xf32>,
        %add3A_840 = arith.addf %add3A_834, %get3A_839 : vector<16xf32>
        %swap3A_841 = arith.index_cast %scan3A_717 : i32 to index
        %swap3A_842 = arith.constant 96 : index
        %swap3A_843 = tpu.vector_load %arg9[%swap3A_841, %swap3A_842] {strides = array<i32>} : memref<80x128xf32, #tpu.memory_space<vmem>>, vector<16xf32>,
        tpu.vector_store %arg9[%swap3A_841, %swap3A_842], %add3A_840 {strides = array<i32>} : memref<80x128xf32, #tpu.memory_space<vmem>>, vector<16xf32>,
        %get3A_844 = arith.index_cast %scan3A_717 : i32 to index
        %get3A_845 = arith.constant 112 : index
        %get3A_846 = tpu.vector_load %arg7[%get3A_844, %get3A_845] {strides = array<i32>} : memref<240x128xf32, #tpu.memory_space<vmem>>, vector<16xf32>,
        %add3A_847 = arith.constant 80 : i32
        %add3A_848 = arith.addi %add3A_847, %scan3A_717 : i32
        %get3A_849 = arith.index_cast %add3A_848 : i32 to index
        %get3A_850 = arith.constant 112 : index
        %get3A_851 = tpu.vector_load %arg7[%get3A_849, %get3A_850] {strides = array<i32>} : memref<240x128xf32, #tpu.memory_space<vmem>>, vector<16xf32>,
        %add3A_852 = arith.addf %get3A_846, %get3A_851 : vector<16xf32>
        %add3A_853 = arith.constant 160 : i32
        %add3A_854 = arith.addi %add3A_853, %scan3A_717 : i32
        %get3A_855 = arith.index_cast %add3A_854 : i32 to index
        %get3A_856 = arith.constant 112 : index
        %get3A_857 = tpu.vector_load %arg7[%get3A_855, %get3A_856] {strides = array<i32>} : memref<240x128xf32, #tpu.memory_space<vmem>>, vector<16xf32>,
        %add3A_858 = arith.addf %add3A_852, %get3A_857 : vector<16xf32>
        %swap3A_859 = arith.index_cast %scan3A_717 : i32 to index
        %swap3A_860 = arith.constant 112 : index
        %swap3A_861 = tpu.vector_load %arg9[%swap3A_859, %swap3A_860] {strides = array<i32>} : memref<80x128xf32, #tpu.memory_space<vmem>>, vector<16xf32>,
        tpu.vector_store %arg9[%swap3A_859, %swap3A_860], %add3A_858 {strides = array<i32>} : memref<80x128xf32, #tpu.memory_space<vmem>>, vector<16xf32>,
        %scan3A_862 = arith.constant 2 : i32
        %scan3A_863 = arith.addi %scan3A_571, %scan3A_862 : i32
        %get3A_864 = arith.index_cast %scan3A_863 : i32 to index
        %get3A_865 = arith.constant 0 : index
        %get3A_866 = tpu.vector_load %arg7[%get3A_864, %get3A_865] {strides = array<i32>} : memref<240x128xf32, #tpu.memory_space<vmem>>, vector<16xf32>,
        %add3A_867 = arith.constant 80 : i32
        %add3A_868 = arith.addi %add3A_867, %scan3A_863 : i32
        %get3A_869 = arith.index_cast %add3A_868 : i32 to index
        %get3A_870 = arith.constant 0 : index
        %get3A_871 = tpu.vector_load %arg7[%get3A_869, %get3A_870] {strides = array<i32>} : memref<240x128xf32, #tpu.memory_space<vmem>>, vector<16xf32>,
        %add3A_872 = arith.addf %get3A_866, %get3A_871 : vector<16xf32>
        %add3A_873 = arith.constant 160 : i32
        %add3A_874 = arith.addi %add3A_873, %scan3A_863 : i32
        %get3A_875 = arith.index_cast %add3A_874 : i32 to index
        %get3A_876 = arith.constant 0 : index
        %get3A_877 = tpu.vector_load %arg7[%get3A_875, %get3A_876] {strides = array<i32>} : memref<240x128xf32, #tpu.memory_space<vmem>>, vector<16xf32>,
        %add3A_878 = arith.addf %add3A_872, %get3A_877 : vector<16xf32>
        %swap3A_879 = arith.index_cast %scan3A_863 : i32 to index
        %swap3A_880 = arith.constant 0 : index
        %swap3A_881 = tpu.vector_load %arg9[%swap3A_879, %swap3A_880] {strides = array<i32>} : memref<80x128xf32, #tpu.memory_space<vmem>>, vector<16xf32>,
        tpu.vector_store %arg9[%swap3A_879, %swap3A_880], %add3A_878 {strides = array<i32>} : memref<80x128xf32, #tpu.memory_space<vmem>>, vector<16xf32>,
        %get3A_882 = arith.index_cast %scan3A_863 : i32 to index
        %get3A_883 = arith.constant 16 : index
        %get3A_884 = tpu.vector_load %arg7[%get3A_882, %get3A_883] {strides = array<i32>} : memref<240x128xf32, #tpu.memory_space<vmem>>, vector<16xf32>,
        %add3A_885 = arith.constant 80 : i32
        %add3A_886 = arith.addi %add3A_885, %scan3A_863 : i32
        %get3A_887 = arith.index_cast %add3A_886 : i32 to index
        %get3A_888 = arith.constant 16 : index
        %get3A_889 = tpu.vector_load %arg7[%get3A_887, %get3A_888] {strides = array<i32>} : memref<240x128xf32, #tpu.memory_space<vmem>>, vector<16xf32>,
        %add3A_890 = arith.addf %get3A_884, %get3A_889 : vector<16xf32>
        %add3A_891 = arith.constant 160 : i32
        %add3A_892 = arith.addi %add3A_891, %scan3A_863 : i32
        %get3A_893 = arith.index_cast %add3A_892 : i32 to index
        %get3A_894 = arith.constant 16 : index
        %get3A_895 = tpu.vector_load %arg7[%get3A_893, %get3A_894] {strides = array<i32>} : memref<240x128xf32, #tpu.memory_space<vmem>>, vector<16xf32>,
        %add3A_896 = arith.addf %add3A_890, %get3A_895 : vector<16xf32>
        %swap3A_897 = arith.index_cast %scan3A_863 : i32 to index
        %swap3A_898 = arith.constant 16 : index
        %swap3A_899 = tpu.vector_load %arg9[%swap3A_897, %swap3A_898] {strides = array<i32>} : memref<80x128xf32, #tpu.memory_space<vmem>>, vector<16xf32>,
        tpu.vector_store %arg9[%swap3A_897, %swap3A_898], %add3A_896 {strides = array<i32>} : memref<80x128xf32, #tpu.memory_space<vmem>>, vector<16xf32>,
        %get3A_900 = arith.index_cast %scan3A_863 : i32 to index
        %get3A_901 = arith.constant 32 : index
        %get3A_902 = tpu.vector_load %arg7[%get3A_900, %get3A_901] {strides = array<i32>} : memref<240x128xf32, #tpu.memory_space<vmem>>, vector<16xf32>,
        %add3A_903 = arith.constant 80 : i32
        %add3A_904 = arith.addi %add3A_903, %scan3A_863 : i32
        %get3A_905 = arith.index_cast %add3A_904 : i32 to index
        %get3A_906 = arith.constant 32 : index
        %get3A_907 = tpu.vector_load %arg7[%get3A_905, %get3A_906] {strides = array<i32>} : memref<240x128xf32, #tpu.memory_space<vmem>>, vector<16xf32>,
        %add3A_908 = arith.addf %get3A_902, %get3A_907 : vector<16xf32>
        %add3A_909 = arith.constant 160 : i32
        %add3A_910 = arith.addi %add3A_909, %scan3A_863 : i32
        %get3A_911 = arith.index_cast %add3A_910 : i32 to index
        %get3A_912 = arith.constant 32 : index
        %get3A_913 = tpu.vector_load %arg7[%get3A_911, %get3A_912] {strides = array<i32>} : memref<240x128xf32, #tpu.memory_space<vmem>>, vector<16xf32>,
        %add3A_914 = arith.addf %add3A_908, %get3A_913 : vector<16xf32>
        %swap3A_915 = arith.index_cast %scan3A_863 : i32 to index
        %swap3A_916 = arith.constant 32 : index
        %swap3A_917 = tpu.vector_load %arg9[%swap3A_915, %swap3A_916] {strides = array<i32>} : memref<80x128xf32, #tpu.memory_space<vmem>>, vector<16xf32>,
        tpu.vector_store %arg9[%swap3A_915, %swap3A_916], %add3A_914 {strides = array<i32>} : memref<80x128xf32, #tpu.memory_space<vmem>>, vector<16xf32>,
        %get3A_918 = arith.index_cast %scan3A_863 : i32 to index
        %get3A_919 = arith.constant 48 : index
        %get3A_920 = tpu.vector_load %arg7[%get3A_918, %get3A_919] {strides = array<i32>} : memref<240x128xf32, #tpu.memory_space<vmem>>, vector<16xf32>,
        %add3A_921 = arith.constant 80 : i32
        %add3A_922 = arith.addi %add3A_921, %scan3A_863 : i32
        %get3A_923 = arith.index_cast %add3A_922 : i32 to index
        %get3A_924 = arith.constant 48 : index
        %get3A_925 = tpu.vector_load %arg7[%get3A_923, %get3A_924] {strides = array<i32>} : memref<240x128xf32, #tpu.memory_space<vmem>>, vector<16xf32>,
        %add3A_926 = arith.addf %get3A_920, %get3A_925 : vector<16xf32>
        %add3A_927 = arith.constant 160 : i32
        %add3A_928 = arith.addi %add3A_927, %scan3A_863 : i32
        %get3A_929 = arith.index_cast %add3A_928 : i32 to index
        %get3A_930 = arith.constant 48 : index
        %get3A_931 = tpu.vector_load %arg7[%get3A_929, %get3A_930] {strides = array<i32>} : memref<240x128xf32, #tpu.memory_space<vmem>>, vector<16xf32>,
        %add3A_932 = arith.addf %add3A_926, %get3A_931 : vector<16xf32>
        %swap3A_933 = arith.index_cast %scan3A_863 : i32 to index
        %swap3A_934 = arith.constant 48 : index
        %swap3A_935 = tpu.vector_load %arg9[%swap3A_933, %swap3A_934] {strides = array<i32>} : memref<80x128xf32, #tpu.memory_space<vmem>>, vector<16xf32>,
        tpu.vector_store %arg9[%swap3A_933, %swap3A_934], %add3A_932 {strides = array<i32>} : memref<80x128xf32, #tpu.memory_space<vmem>>, vector<16xf32>,
        %get3A_936 = arith.index_cast %scan3A_863 : i32 to index
        %get3A_937 = arith.constant 64 : index
        %get3A_938 = tpu.vector_load %arg7[%get3A_936, %get3A_937] {strides = array<i32>} : memref<240x128xf32, #tpu.memory_space<vmem>>, vector<16xf32>,
        %add3A_939 = arith.constant 80 : i32
        %add3A_940 = arith.addi %add3A_939, %scan3A_863 : i32
        %get3A_941 = arith.index_cast %add3A_940 : i32 to index
        %get3A_942 = arith.constant 64 : index
        %get3A_943 = tpu.vector_load %arg7[%get3A_941, %get3A_942] {strides = array<i32>} : memref<240x128xf32, #tpu.memory_space<vmem>>, vector<16xf32>,
        %add3A_944 = arith.addf %get3A_938, %get3A_943 : vector<16xf32>
        %add3A_945 = arith.constant 160 : i32
        %add3A_946 = arith.addi %add3A_945, %scan3A_863 : i32
        %get3A_947 = arith.index_cast %add3A_946 : i32 to index
        %get3A_948 = arith.constant 64 : index
        %get3A_949 = tpu.vector_load %arg7[%get3A_947, %get3A_948] {strides = array<i32>} : memref<240x128xf32, #tpu.memory_space<vmem>>, vector<16xf32>,
        %add3A_950 = arith.addf %add3A_944, %get3A_949 : vector<16xf32>
        %swap3A_951 = arith.index_cast %scan3A_863 : i32 to index
        %swap3A_952 = arith.constant 64 : index
        %swap3A_953 = tpu.vector_load %arg9[%swap3A_951, %swap3A_952] {strides = array<i32>} : memref<80x128xf32, #tpu.memory_space<vmem>>, vector<16xf32>,
        tpu.vector_store %arg9[%swap3A_951, %swap3A_952], %add3A_950 {strides = array<i32>} : memref<80x128xf32, #tpu.memory_space<vmem>>, vector<16xf32>,
        %get3A_954 = arith.index_cast %scan3A_863 : i32 to index
        %get3A_955 = arith.constant 80 : index
        %get3A_956 = tpu.vector_load %arg7[%get3A_954, %get3A_955] {strides = array<i32>} : memref<240x128xf32, #tpu.memory_space<vmem>>, vector<16xf32>,
        %add3A_957 = arith.constant 80 : i32
        %add3A_958 = arith.addi %add3A_957, %scan3A_863 : i32
        %get3A_959 = arith.index_cast %add3A_958 : i32 to index
        %get3A_960 = arith.constant 80 : index
        %get3A_961 = tpu.vector_load %arg7[%get3A_959, %get3A_960] {strides = array<i32>} : memref<240x128xf32, #tpu.memory_space<vmem>>, vector<16xf32>,
        %add3A_962 = arith.addf %get3A_956, %get3A_961 : vector<16xf32>
        %add3A_963 = arith.constant 160 : i32
        %add3A_964 = arith.addi %add3A_963, %scan3A_863 : i32
        %get3A_965 = arith.index_cast %add3A_964 : i32 to index
        %get3A_966 = arith.constant 80 : index
        %get3A_967 = tpu.vector_load %arg7[%get3A_965, %get3A_966] {strides = array<i32>} : memref<240x128xf32, #tpu.memory_space<vmem>>, vector<16xf32>,
        %add3A_968 = arith.addf %add3A_962, %get3A_967 : vector<16xf32>
        %swap3A_969 = arith.index_cast %scan3A_863 : i32 to index
        %swap3A_970 = arith.constant 80 : index
        %swap3A_971 = tpu.vector_load %arg9[%swap3A_969, %swap3A_970] {strides = array<i32>} : memref<80x128xf32, #tpu.memory_space<vmem>>, vector<16xf32>,
        tpu.vector_store %arg9[%swap3A_969, %swap3A_970], %add3A_968 {strides = array<i32>} : memref<80x128xf32, #tpu.memory_space<vmem>>, vector<16xf32>,
        %get3A_972 = arith.index_cast %scan3A_863 : i32 to index
        %get3A_973 = arith.constant 96 : index
        %get3A_974 = tpu.vector_load %arg7[%get3A_972, %get3A_973] {strides = array<i32>} : memref<240x128xf32, #tpu.memory_space<vmem>>, vector<16xf32>,
        %add3A_975 = arith.constant 80 : i32
        %add3A_976 = arith.addi %add3A_975, %scan3A_863 : i32
        %get3A_977 = arith.index_cast %add3A_976 : i32 to index
        %get3A_978 = arith.constant 96 : index
        %get3A_979 = tpu.vector_load %arg7[%get3A_977, %get3A_978] {strides = array<i32>} : memref<240x128xf32, #tpu.memory_space<vmem>>, vector<16xf32>,
        %add3A_980 = arith.addf %get3A_974, %get3A_979 : vector<16xf32>
        %add3A_981 = arith.constant 160 : i32
        %add3A_982 = arith.addi %add3A_981, %scan3A_863 : i32
        %get3A_983 = arith.index_cast %add3A_982 : i32 to index
        %get3A_984 = arith.constant 96 : index
        %get3A_985 = tpu.vector_load %arg7[%get3A_983, %get3A_984] {strides = array<i32>} : memref<240x128xf32, #tpu.memory_space<vmem>>, vector<16xf32>,
        %add3A_986 = arith.addf %add3A_980, %get3A_985 : vector<16xf32>
        %swap3A_987 = arith.index_cast %scan3A_863 : i32 to index
        %swap3A_988 = arith.constant 96 : index
        %swap3A_989 = tpu.vector_load %arg9[%swap3A_987, %swap3A_988] {strides = array<i32>} : memref<80x128xf32, #tpu.memory_space<vmem>>, vector<16xf32>,
        tpu.vector_store %arg9[%swap3A_987, %swap3A_988], %add3A_986 {strides = array<i32>} : memref<80x128xf32, #tpu.memory_space<vmem>>, vector<16xf32>,
        %get3A_990 = arith.index_cast %scan3A_863 : i32 to index
        %get3A_991 = arith.constant 112 : index
        %get3A_992 = tpu.vector_load %arg7[%get3A_990, %get3A_991] {strides = array<i32>} : memref<240x128xf32, #tpu.memory_space<vmem>>, vector<16xf32>,
        %add3A_993 = arith.constant 80 : i32
        %add3A_994 = arith.addi %add3A_993, %scan3A_863 : i32
        %get3A_995 = arith.index_cast %add3A_994 : i32 to index
        %get3A_996 = arith.constant 112 : index
        %get3A_997 = tpu.vector_load %arg7[%get3A_995, %get3A_996] {strides = array<i32>} : memref<240x128xf32, #tpu.memory_space<vmem>>, vector<16xf32>,
        %add3A_998 = arith.addf %get3A_992, %get3A_997 : vector<16xf32>
        %add3A_999 = arith.constant 160 : i32
        %add3A_1000 = arith.addi %add3A_999, %scan3A_863 : i32
        %get3A_1001 = arith.index_cast %add3A_1000 : i32 to index
        %get3A_1002 = arith.constant 112 : index
        %get3A_1003 = tpu.vector_load %arg7[%get3A_1001, %get3A_1002] {strides = array<i32>} : memref<240x128xf32, #tpu.memory_space<vmem>>, vector<16xf32>,
        %add3A_1004 = arith.addf %add3A_998, %get3A_1003 : vector<16xf32>
        %swap3A_1005 = arith.index_cast %scan3A_863 : i32 to index
        %swap3A_1006 = arith.constant 112 : index
        %swap3A_1007 = tpu.vector_load %arg9[%swap3A_1005, %swap3A_1006] {strides = array<i32>} : memref<80x128xf32, #tpu.memory_space<vmem>>, vector<16xf32>,
        tpu.vector_store %arg9[%swap3A_1005, %swap3A_1006], %add3A_1004 {strides = array<i32>} : memref<80x128xf32, #tpu.memory_space<vmem>>, vector<16xf32>,
        %scan3A_1008 = arith.constant 3 : i32
        %scan3A_1009 = arith.addi %scan3A_571, %scan3A_1008 : i32
        %get3A_1010 = arith.index_cast %scan3A_1009 : i32 to index
        %get3A_1011 = arith.constant 0 : index
        %get3A_1012 = tpu.vector_load %arg7[%get3A_1010, %get3A_1011] {strides = array<i32>} : memref<240x128xf32, #tpu.memory_space<vmem>>, vector<16xf32>,
        %add3A_1013 = arith.constant 80 : i32
        %add3A_1014 = arith.addi %add3A_1013, %scan3A_1009 : i32
        %get3A_1015 = arith.index_cast %add3A_1014 : i32 to index
        %get3A_1016 = arith.constant 0 : index
        %get3A_1017 = tpu.vector_load %arg7[%get3A_1015, %get3A_1016] {strides = array<i32>} : memref<240x128xf32, #tpu.memory_space<vmem>>, vector<16xf32>,
        %add3A_1018 = arith.addf %get3A_1012, %get3A_1017 : vector<16xf32>
        %add3A_1019 = arith.constant 160 : i32
        %add3A_1020 = arith.addi %add3A_1019, %scan3A_1009 : i32
        %get3A_1021 = arith.index_cast %add3A_1020 : i32 to index
        %get3A_1022 = arith.constant 0 : index
        %get3A_1023 = tpu.vector_load %arg7[%get3A_1021, %get3A_1022] {strides = array<i32>} : memref<240x128xf32, #tpu.memory_space<vmem>>, vector<16xf32>,
        %add3A_1024 = arith.addf %add3A_1018, %get3A_1023 : vector<16xf32>
        %swap3A_1025 = arith.index_cast %scan3A_1009 : i32 to index
        %swap3A_1026 = arith.constant 0 : index
        %swap3A_1027 = tpu.vector_load %arg9[%swap3A_1025, %swap3A_1026] {strides = array<i32>} : memref<80x128xf32, #tpu.memory_space<vmem>>, vector<16xf32>,
        tpu.vector_store %arg9[%swap3A_1025, %swap3A_1026], %add3A_1024 {strides = array<i32>} : memref<80x128xf32, #tpu.memory_space<vmem>>, vector<16xf32>,
        %get3A_1028 = arith.index_cast %scan3A_1009 : i32 to index
        %get3A_1029 = arith.constant 16 : index
        %get3A_1030 = tpu.vector_load %arg7[%get3A_1028, %get3A_1029] {strides = array<i32>} : memref<240x128xf32, #tpu.memory_space<vmem>>, vector<16xf32>,
        %add3A_1031 = arith.constant 80 : i32
        %add3A_1032 = arith.addi %add3A_1031, %scan3A_1009 : i32
        %get3A_1033 = arith.index_cast %add3A_1032 : i32 to index
        %get3A_1034 = arith.constant 16 : index
        %get3A_1035 = tpu.vector_load %arg7[%get3A_1033, %get3A_1034] {strides = array<i32>} : memref<240x128xf32, #tpu.memory_space<vmem>>, vector<16xf32>,
        %add3A_1036 = arith.addf %get3A_1030, %get3A_1035 : vector<16xf32>
        %add3A_1037 = arith.constant 160 : i32
        %add3A_1038 = arith.addi %add3A_1037, %scan3A_1009 : i32
        %get3A_1039 = arith.index_cast %add3A_1038 : i32 to index
        %get3A_1040 = arith.constant 16 : index
        %get3A_1041 = tpu.vector_load %arg7[%get3A_1039, %get3A_1040] {strides = array<i32>} : memref<240x128xf32, #tpu.memory_space<vmem>>, vector<16xf32>,
        %add3A_1042 = arith.addf %add3A_1036, %get3A_1041 : vector<16xf32>
        %swap3A_1043 = arith.index_cast %scan3A_1009 : i32 to index
        %swap3A_1044 = arith.constant 16 : index
        %swap3A_1045 = tpu.vector_load %arg9[%swap3A_1043, %swap3A_1044] {strides = array<i32>} : memref<80x128xf32, #tpu.memory_space<vmem>>, vector<16xf32>,
        tpu.vector_store %arg9[%swap3A_1043, %swap3A_1044], %add3A_1042 {strides = array<i32>} : memref<80x128xf32, #tpu.memory_space<vmem>>, vector<16xf32>,
        %get3A_1046 = arith.index_cast %scan3A_1009 : i32 to index
        %get3A_1047 = arith.constant 32 : index
        %get3A_1048 = tpu.vector_load %arg7[%get3A_1046, %get3A_1047] {strides = array<i32>} : memref<240x128xf32, #tpu.memory_space<vmem>>, vector<16xf32>,
        %add3A_1049 = arith.constant 80 : i32
        %add3A_1050 = arith.addi %add3A_1049, %scan3A_1009 : i32
        %get3A_1051 = arith.index_cast %add3A_1050 : i32 to index
        %get3A_1052 = arith.constant 32 : index
        %get3A_1053 = tpu.vector_load %arg7[%get3A_1051, %get3A_1052] {strides = array<i32>} : memref<240x128xf32, #tpu.memory_space<vmem>>, vector<16xf32>,
        %add3A_1054 = arith.addf %get3A_1048, %get3A_1053 : vector<16xf32>
        %add3A_1055 = arith.constant 160 : i32
        %add3A_1056 = arith.addi %add3A_1055, %scan3A_1009 : i32
        %get3A_1057 = arith.index_cast %add3A_1056 : i32 to index
        %get3A_1058 = arith.constant 32 : index
        %get3A_1059 = tpu.vector_load %arg7[%get3A_1057, %get3A_1058] {strides = array<i32>} : memref<240x128xf32, #tpu.memory_space<vmem>>, vector<16xf32>,
        %add3A_1060 = arith.addf %add3A_1054, %get3A_1059 : vector<16xf32>
        %swap3A_1061 = arith.index_cast %scan3A_1009 : i32 to index
        %swap3A_1062 = arith.constant 32 : index
        %swap3A_1063 = tpu.vector_load %arg9[%swap3A_1061, %swap3A_1062] {strides = array<i32>} : memref<80x128xf32, #tpu.memory_space<vmem>>, vector<16xf32>,
        tpu.vector_store %arg9[%swap3A_1061, %swap3A_1062], %add3A_1060 {strides = array<i32>} : memref<80x128xf32, #tpu.memory_space<vmem>>, vector<16xf32>,
        %get3A_1064 = arith.index_cast %scan3A_1009 : i32 to index
        %get3A_1065 = arith.constant 48 : index
        %get3A_1066 = tpu.vector_load %arg7[%get3A_1064, %get3A_1065] {strides = array<i32>} : memref<240x128xf32, #tpu.memory_space<vmem>>, vector<16xf32>,
        %add3A_1067 = arith.constant 80 : i32
        %add3A_1068 = arith.addi %add3A_1067, %scan3A_1009 : i32
        %get3A_1069 = arith.index_cast %add3A_1068 : i32 to index
        %get3A_1070 = arith.constant 48 : index
        %get3A_1071 = tpu.vector_load %arg7[%get3A_1069, %get3A_1070] {strides = array<i32>} : memref<240x128xf32, #tpu.memory_space<vmem>>, vector<16xf32>,
        %add3A_1072 = arith.addf %get3A_1066, %get3A_1071 : vector<16xf32>
        %add3A_1073 = arith.constant 160 : i32
        %add3A_1074 = arith.addi %add3A_1073, %scan3A_1009 : i32
        %get3A_1075 = arith.index_cast %add3A_1074 : i32 to index
        %get3A_1076 = arith.constant 48 : index
        %get3A_1077 = tpu.vector_load %arg7[%get3A_1075, %get3A_1076] {strides = array<i32>} : memref<240x128xf32, #tpu.memory_space<vmem>>, vector<16xf32>,
        %add3A_1078 = arith.addf %add3A_1072, %get3A_1077 : vector<16xf32>
        %swap3A_1079 = arith.index_cast %scan3A_1009 : i32 to index
        %swap3A_1080 = arith.constant 48 : index
        %swap3A_1081 = tpu.vector_load %arg9[%swap3A_1079, %swap3A_1080] {strides = array<i32>} : memref<80x128xf32, #tpu.memory_space<vmem>>, vector<16xf32>,
        tpu.vector_store %arg9[%swap3A_1079, %swap3A_1080], %add3A_1078 {strides = array<i32>} : memref<80x128xf32, #tpu.memory_space<vmem>>, vector<16xf32>,
        %get3A_1082 = arith.index_cast %scan3A_1009 : i32 to index
        %get3A_1083 = arith.constant 64 : index
        %get3A_1084 = tpu.vector_load %arg7[%get3A_1082, %get3A_1083] {strides = array<i32>} : memref<240x128xf32, #tpu.memory_space<vmem>>, vector<16xf32>,
        %add3A_1085 = arith.constant 80 : i32
        %add3A_1086 = arith.addi %add3A_1085, %scan3A_1009 : i32
        %get3A_1087 = arith.index_cast %add3A_1086 : i32 to index
        %get3A_1088 = arith.constant 64 : index
        %get3A_1089 = tpu.vector_load %arg7[%get3A_1087, %get3A_1088] {strides = array<i32>} : memref<240x128xf32, #tpu.memory_space<vmem>>, vector<16xf32>,
        %add3A_1090 = arith.addf %get3A_1084, %get3A_1089 : vector<16xf32>
        %add3A_1091 = arith.constant 160 : i32
        %add3A_1092 = arith.addi %add3A_1091, %scan3A_1009 : i32
        %get3A_1093 = arith.index_cast %add3A_1092 : i32 to index
        %get3A_1094 = arith.constant 64 : index
        %get3A_1095 = tpu.vector_load %arg7[%get3A_1093, %get3A_1094] {strides = array<i32>} : memref<240x128xf32, #tpu.memory_space<vmem>>, vector<16xf32>,
        %add3A_1096 = arith.addf %add3A_1090, %get3A_1095 : vector<16xf32>
        %swap3A_1097 = arith.index_cast %scan3A_1009 : i32 to index
        %swap3A_1098 = arith.constant 64 : index
        %swap3A_1099 = tpu.vector_load %arg9[%swap3A_1097, %swap3A_1098] {strides = array<i32>} : memref<80x128xf32, #tpu.memory_space<vmem>>, vector<16xf32>,
        tpu.vector_store %arg9[%swap3A_1097, %swap3A_1098], %add3A_1096 {strides = array<i32>} : memref<80x128xf32, #tpu.memory_space<vmem>>, vector<16xf32>,
        %get3A_1100 = arith.index_cast %scan3A_1009 : i32 to index
        %get3A_1101 = arith.constant 80 : index
        %get3A_1102 = tpu.vector_load %arg7[%get3A_1100, %get3A_1101] {strides = array<i32>} : memref<240x128xf32, #tpu.memory_space<vmem>>, vector<16xf32>,
        %add3A_1103 = arith.constant 80 : i32
        %add3A_1104 = arith.addi %add3A_1103, %scan3A_1009 : i32
        %get3A_1105 = arith.index_cast %add3A_1104 : i32 to index
        %get3A_1106 = arith.constant 80 : index
        %get3A_1107 = tpu.vector_load %arg7[%get3A_1105, %get3A_1106] {strides = array<i32>} : memref<240x128xf32, #tpu.memory_space<vmem>>, vector<16xf32>,
        %add3A_1108 = arith.addf %get3A_1102, %get3A_1107 : vector<16xf32>
        %add3A_1109 = arith.constant 160 : i32
        %add3A_1110 = arith.addi %add3A_1109, %scan3A_1009 : i32
        %get3A_1111 = arith.index_cast %add3A_1110 : i32 to index
        %get3A_1112 = arith.constant 80 : index
        %get3A_1113 = tpu.vector_load %arg7[%get3A_1111, %get3A_1112] {strides = array<i32>} : memref<240x128xf32, #tpu.memory_space<vmem>>, vector<16xf32>,
        %add3A_1114 = arith.addf %add3A_1108, %get3A_1113 : vector<16xf32>
        %swap3A_1115 = arith.index_cast %scan3A_1009 : i32 to index
        %swap3A_1116 = arith.constant 80 : index
        %swap3A_1117 = tpu.vector_load %arg9[%swap3A_1115, %swap3A_1116] {strides = array<i32>} : memref<80x128xf32, #tpu.memory_space<vmem>>, vector<16xf32>,
        tpu.vector_store %arg9[%swap3A_1115, %swap3A_1116], %add3A_1114 {strides = array<i32>} : memref<80x128xf32, #tpu.memory_space<vmem>>, vector<16xf32>,
        %get3A_1118 = arith.index_cast %scan3A_1009 : i32 to index
        %get3A_1119 = arith.constant 96 : index
        %get3A_1120 = tpu.vector_load %arg7[%get3A_1118, %get3A_1119] {strides = array<i32>} : memref<240x128xf32, #tpu.memory_space<vmem>>, vector<16xf32>,
        %add3A_1121 = arith.constant 80 : i32
        %add3A_1122 = arith.addi %add3A_1121, %scan3A_1009 : i32
        %get3A_1123 = arith.index_cast %add3A_1122 : i32 to index
        %get3A_1124 = arith.constant 96 : index
        %get3A_1125 = tpu.vector_load %arg7[%get3A_1123, %get3A_1124] {strides = array<i32>} : memref<240x128xf32, #tpu.memory_space<vmem>>, vector<16xf32>,
        %add3A_1126 = arith.addf %get3A_1120, %get3A_1125 : vector<16xf32>
        %add3A_1127 = arith.constant 160 : i32
        %add3A_1128 = arith.addi %add3A_1127, %scan3A_1009 : i32
        %get3A_1129 = arith.index_cast %add3A_1128 : i32 to index
        %get3A_1130 = arith.constant 96 : index
        %get3A_1131 = tpu.vector_load %arg7[%get3A_1129, %get3A_1130] {strides = array<i32>} : memref<240x128xf32, #tpu.memory_space<vmem>>, vector<16xf32>,
        %add3A_1132 = arith.addf %add3A_1126, %get3A_1131 : vector<16xf32>
        %swap3A_1133 = arith.index_cast %scan3A_1009 : i32 to index
        %swap3A_1134 = arith.constant 96 : index
        %swap3A_1135 = tpu.vector_load %arg9[%swap3A_1133, %swap3A_1134] {strides = array<i32>} : memref<80x128xf32, #tpu.memory_space<vmem>>, vector<16xf32>,
        tpu.vector_store %arg9[%swap3A_1133, %swap3A_1134], %add3A_1132 {strides = array<i32>} : memref<80x128xf32, #tpu.memory_space<vmem>>, vector<16xf32>,
        %get3A_1136 = arith.index_cast %scan3A_1009 : i32 to index
        %get3A_1137 = arith.constant 112 : index
        %get3A_1138 = tpu.vector_load %arg7[%get3A_1136, %get3A_1137] {strides = array<i32>} : memref<240x128xf32, #tpu.memory_space<vmem>>, vector<16xf32>,
        %add3A_1139 = arith.constant 80 : i32
        %add3A_1140 = arith.addi %add3A_1139, %scan3A_1009 : i32
        %get3A_1141 = arith.index_cast %add3A_1140 : i32 to index
        %get3A_1142 = arith.constant 112 : index
        %get3A_1143 = tpu.vector_load %arg7[%get3A_1141, %get3A_1142] {strides = array<i32>} : memref<240x128xf32, #tpu.memory_space<vmem>>, vector<16xf32>,
        %add3A_1144 = arith.addf %get3A_1138, %get3A_1143 : vector<16xf32>
        %add3A_1145 = arith.constant 160 : i32
        %add3A_1146 = arith.addi %add3A_1145, %scan3A_1009 : i32
        %get3A_1147 = arith.index_cast %add3A_1146 : i32 to index
        %get3A_1148 = arith.constant 112 : index
        %get3A_1149 = tpu.vector_load %arg7[%get3A_1147, %get3A_1148] {strides = array<i32>} : memref<240x128xf32, #tpu.memory_space<vmem>>, vector<16xf32>,
        %add3A_1150 = arith.addf %add3A_1144, %get3A_1149 : vector<16xf32>
        %swap3A_1151 = arith.index_cast %scan3A_1009 : i32 to index
        %swap3A_1152 = arith.constant 112 : index
        %swap3A_1153 = tpu.vector_load %arg9[%swap3A_1151, %swap3A_1152] {strides = array<i32>} : memref<80x128xf32, #tpu.memory_space<vmem>>, vector<16xf32>,
        tpu.vector_store %arg9[%swap3A_1151, %swap3A_1152], %add3A_1150 {strides = array<i32>} : memref<80x128xf32, #tpu.memory_space<vmem>>, vector<16xf32>,
      }
      %scan3A_375 = arith.constant 80 : i32
      %mul3A_376 = arith.constant 80 : i32
      %mul3A_377 = arith.muli %mul3A_197, %mul3A_376 : i32
      %add3A_378 = arith.addi %mul3A_6, %mul3A_377 : i32
      %dma_start3A_379 = arith.constant 0 : i32
      %dma_start3A_380 = tpu.memref_slice %arg4[%add3A_378, %dma_start3A_379] : memref<100000x128xf32, #tpu.memory_space<hbm>> -> memref<80x128xf32, #tpu.memory_space<hbm>>
      %dma_start3A_381 = arith.constant 0 : i32
      %dma_start3A_382 = tpu.memref_slice %arg4[%add3A_378, %dma_start3A_381] : memref<100000x128xf32, #tpu.memory_space<hbm>> -> memref<80x128xf32, #tpu.memory_space<hbm>>
      tpu.enqueue_dma source(%arg9 : memref<80x128xf32, #tpu.memory_space<vmem>>) target(%dma_start3A_382 : memref<80x128xf32, #tpu.memory_space<hbm>>) target_semaphore(%arg19 : memref<!tpu.dma_semaphore, #tpu.memory_space<semaphore_mem>>)
      %add3A_383 = arith.constant 2 : i32
      %add3A_384 = arith.addi %mul3A_197, %add3A_383 : i32
      %mul3A_385 = arith.constant 80 : i32
      %mul3A_386 = arith.muli %add3A_384, %mul3A_385 : i32
      %add3A_387 = arith.constant 0 : i32
      %add3A_388 = arith.addi %mul3A_386, %add3A_387 : i32
      %get3A_389 = arith.index_cast %add3A_388 : i32 to index
      %get3A_390 = tpu.vector_load %arg6[%get3A_389] {strides = array<i32>} : memref<3120xi32, #tpu.memory_space<vmem>>, vector<16xi32>,
      %and3A_391 = arith.constant 2047 : i32
      %and3A_392 = vector.broadcast %and3A_391 : i32 to vector<16xi32>
      %and3A_393 = arith.andi %get3A_390, %and3A_392 : vector<16xi32>
      %swap3A_394 = arith.constant 0 : index
      %swap3A_395 = tpu.vector_load %arg11[%swap3A_394] {strides = array<i32>} : memref<80xi32, #tpu.memory_space<vmem>>, vector<16xi32>,
      tpu.vector_store %arg11[%swap3A_394], %and3A_393 {strides = array<i32>} : memref<80xi32, #tpu.memory_space<vmem>>, vector<16xi32>,
      %shift_right_arithmetic3A_396 = arith.constant 11 : i32
      %shift_right_arithmetic3A_397 = vector.broadcast %shift_right_arithmetic3A_396 : i32 to vector<16xi32>
      %shift_right_arithmetic3A_398 = arith.shrsi %get3A_390, %shift_right_arithmetic3A_397 : vector<16xi32>
      %and3A_399 = arith.constant 255 : i32
      %and3A_400 = vector.broadcast %and3A_399 : i32 to vector<16xi32>
      %and3A_401 = arith.andi %shift_right_arithmetic3A_398, %and3A_400 : vector<16xi32>
      %add3A_402 = arith.constant 1904 : i32
      %add3A_403 = vector.broadcast %add3A_402 : i32 to vector<16xi32>
      %add3A_404 = arith.addi %and3A_401, %add3A_403 : vector<16xi32>
      %swap3A_405 = arith.constant 0 : index
      %swap3A_406 = tpu.vector_load %arg12[%swap3A_405] {strides = array<i32>} : memref<80xi32, #tpu.memory_space<vmem>>, vector<16xi32>,
      tpu.vector_store %arg12[%swap3A_405], %add3A_404 {strides = array<i32>} : memref<80xi32, #tpu.memory_space<vmem>>, vector<16xi32>,
      %shift_right_arithmetic3A_407 = arith.constant 19 : i32
      %shift_right_arithmetic3A_408 = vector.broadcast %shift_right_arithmetic3A_407 : i32 to vector<16xi32>
      %shift_right_arithmetic3A_409 = arith.shrsi %get3A_390, %shift_right_arithmetic3A_408 : vector<16xi32>
      %add3A_410 = arith.constant 2048 : i32
      %add3A_411 = vector.broadcast %add3A_410 : i32 to vector<16xi32>
      %add3A_412 = arith.addi %shift_right_arithmetic3A_409, %add3A_411 : vector<16xi32>
      %swap3A_413 = arith.constant 0 : index
      %swap3A_414 = tpu.vector_load %arg13[%swap3A_413] {strides = array<i32>} : memref<80xi32, #tpu.memory_space<vmem>>, vector<16xi32>,
      tpu.vector_store %arg13[%swap3A_413], %add3A_412 {strides = array<i32>} : memref<80xi32, #tpu.memory_space<vmem>>, vector<16xi32>,
      %add3A_415 = arith.constant 16 : i32
      %add3A_416 = arith.addi %mul3A_386, %add3A_415 : i32
      %get3A_417 = arith.index_cast %add3A_416 : i32 to index
      %get3A_418 = tpu.vector_load %arg6[%get3A_417] {strides = array<i32>} : memref<3120xi32, #tpu.memory_space<vmem>>, vector<16xi32>,
      %and3A_419 = arith.constant 2047 : i32
      %and3A_420 = vector.broadcast %and3A_419 : i32 to vector<16xi32>
      %and3A_421 = arith.andi %get3A_418, %and3A_420 : vector<16xi32>
      %swap3A_422 = arith.constant 16 : index
      %swap3A_423 = tpu.vector_load %arg11[%swap3A_422] {strides = array<i32>} : memref<80xi32, #tpu.memory_space<vmem>>, vector<16xi32>,
      tpu.vector_store %arg11[%swap3A_422], %and3A_421 {strides = array<i32>} : memref<80xi32, #tpu.memory_space<vmem>>, vector<16xi32>,
      %shift_right_arithmetic3A_424 = arith.constant 11 : i32
      %shift_right_arithmetic3A_425 = vector.broadcast %shift_right_arithmetic3A_424 : i32 to vector<16xi32>
      %shift_right_arithmetic3A_426 = arith.shrsi %get3A_418, %shift_right_arithmetic3A_425 : vector<16xi32>
      %and3A_427 = arith.constant 255 : i32
      %and3A_428 = vector.broadcast %and3A_427 : i32 to vector<16xi32>
      %and3A_429 = arith.andi %shift_right_arithmetic3A_426, %and3A_428 : vector<16xi32>
      %add3A_430 = arith.constant 1904 : i32
      %add3A_431 = vector.broadcast %add3A_430 : i32 to vector<16xi32>
      %add3A_432 = arith.addi %and3A_429, %add3A_431 : vector<16xi32>
      %swap3A_433 = arith.constant 16 : index
      %swap3A_434 = tpu.vector_load %arg12[%swap3A_433] {strides = array<i32>} : memref<80xi32, #tpu.memory_space<vmem>>, vector<16xi32>,
      tpu.vector_store %arg12[%swap3A_433], %add3A_432 {strides = array<i32>} : memref<80xi32, #tpu.memory_space<vmem>>, vector<16xi32>,
      %shift_right_arithmetic3A_435 = arith.constant 19 : i32
      %shift_right_arithmetic3A_436 = vector.broadcast %shift_right_arithmetic3A_435 : i32 to vector<16xi32>
      %shift_right_arithmetic3A_437 = arith.shrsi %get3A_418, %shift_right_arithmetic3A_436 : vector<16xi32>
      %add3A_438 = arith.constant 2048 : i32
      %add3A_439 = vector.broadcast %add3A_438 : i32 to vector<16xi32>
      %add3A_440 = arith.addi %shift_right_arithmetic3A_437, %add3A_439 : vector<16xi32>
      %swap3A_441 = arith.constant 16 : index
      %swap3A_442 = tpu.vector_load %arg13[%swap3A_441] {strides = array<i32>} : memref<80xi32, #tpu.memory_space<vmem>>, vector<16xi32>,
      tpu.vector_store %arg13[%swap3A_441], %add3A_440 {strides = array<i32>} : memref<80xi32, #tpu.memory_space<vmem>>, vector<16xi32>,
      %add3A_443 = arith.constant 32 : i32
      %add3A_444 = arith.addi %mul3A_386, %add3A_443 : i32
      %get3A_445 = arith.index_cast %add3A_444 : i32 to index
      %get3A_446 = tpu.vector_load %arg6[%get3A_445] {strides = array<i32>} : memref<3120xi32, #tpu.memory_space<vmem>>, vector<16xi32>,
      %and3A_447 = arith.constant 2047 : i32
      %and3A_448 = vector.broadcast %and3A_447 : i32 to vector<16xi32>
      %and3A_449 = arith.andi %get3A_446, %and3A_448 : vector<16xi32>
      %swap3A_450 = arith.constant 32 : index
      %swap3A_451 = tpu.vector_load %arg11[%swap3A_450] {strides = array<i32>} : memref<80xi32, #tpu.memory_space<vmem>>, vector<16xi32>,
      tpu.vector_store %arg11[%swap3A_450], %and3A_449 {strides = array<i32>} : memref<80xi32, #tpu.memory_space<vmem>>, vector<16xi32>,
      %shift_right_arithmetic3A_452 = arith.constant 11 : i32
      %shift_right_arithmetic3A_453 = vector.broadcast %shift_right_arithmetic3A_452 : i32 to vector<16xi32>
      %shift_right_arithmetic3A_454 = arith.shrsi %get3A_446, %shift_right_arithmetic3A_453 : vector<16xi32>
      %and3A_455 = arith.constant 255 : i32
      %and3A_456 = vector.broadcast %and3A_455 : i32 to vector<16xi32>
      %and3A_457 = arith.andi %shift_right_arithmetic3A_454, %and3A_456 : vector<16xi32>
      %add3A_458 = arith.constant 1904 : i32
      %add3A_459 = vector.broadcast %add3A_458 : i32 to vector<16xi32>
      %add3A_460 = arith.addi %and3A_457, %add3A_459 : vector<16xi32>
      %swap3A_461 = arith.constant 32 : index
      %swap3A_462 = tpu.vector_load %arg12[%swap3A_461] {strides = array<i32>} : memref<80xi32, #tpu.memory_space<vmem>>, vector<16xi32>,
      tpu.vector_store %arg12[%swap3A_461], %add3A_460 {strides = array<i32>} : memref<80xi32, #tpu.memory_space<vmem>>, vector<16xi32>,
      %shift_right_arithmetic3A_463 = arith.constant 19 : i32
      %shift_right_arithmetic3A_464 = vector.broadcast %shift_right_arithmetic3A_463 : i32 to vector<16xi32>
      %shift_right_arithmetic3A_465 = arith.shrsi %get3A_446, %shift_right_arithmetic3A_464 : vector<16xi32>
      %add3A_466 = arith.constant 2048 : i32
      %add3A_467 = vector.broadcast %add3A_466 : i32 to vector<16xi32>
      %add3A_468 = arith.addi %shift_right_arithmetic3A_465, %add3A_467 : vector<16xi32>
      %swap3A_469 = arith.constant 32 : index
      %swap3A_470 = tpu.vector_load %arg13[%swap3A_469] {strides = array<i32>} : memref<80xi32, #tpu.memory_space<vmem>>, vector<16xi32>,
      tpu.vector_store %arg13[%swap3A_469], %add3A_468 {strides = array<i32>} : memref<80xi32, #tpu.memory_space<vmem>>, vector<16xi32>,
      %add3A_471 = arith.constant 48 : i32
      %add3A_472 = arith.addi %mul3A_386, %add3A_471 : i32
      %get3A_473 = arith.index_cast %add3A_472 : i32 to index
      %get3A_474 = tpu.vector_load %arg6[%get3A_473] {strides = array<i32>} : memref<3120xi32, #tpu.memory_space<vmem>>, vector<16xi32>,
      %and3A_475 = arith.constant 2047 : i32
      %and3A_476 = vector.broadcast %and3A_475 : i32 to vector<16xi32>
      %and3A_477 = arith.andi %get3A_474, %and3A_476 : vector<16xi32>
      %swap3A_478 = arith.constant 48 : index
      %swap3A_479 = tpu.vector_load %arg11[%swap3A_478] {strides = array<i32>} : memref<80xi32, #tpu.memory_space<vmem>>, vector<16xi32>,
      tpu.vector_store %arg11[%swap3A_478], %and3A_477 {strides = array<i32>} : memref<80xi32, #tpu.memory_space<vmem>>, vector<16xi32>,
      %shift_right_arithmetic3A_480 = arith.constant 11 : i32
      %shift_right_arithmetic3A_481 = vector.broadcast %shift_right_arithmetic3A_480 : i32 to vector<16xi32>
      %shift_right_arithmetic3A_482 = arith.shrsi %get3A_474, %shift_right_arithmetic3A_481 : vector<16xi32>
      %and3A_483 = arith.constant 255 : i32
      %and3A_484 = vector.broadcast %and3A_483 : i32 to vector<16xi32>
      %and3A_485 = arith.andi %shift_right_arithmetic3A_482, %and3A_484 : vector<16xi32>
      %add3A_486 = arith.constant 1904 : i32
      %add3A_487 = vector.broadcast %add3A_486 : i32 to vector<16xi32>
      %add3A_488 = arith.addi %and3A_485, %add3A_487 : vector<16xi32>
      %swap3A_489 = arith.constant 48 : index
      %swap3A_490 = tpu.vector_load %arg12[%swap3A_489] {strides = array<i32>} : memref<80xi32, #tpu.memory_space<vmem>>, vector<16xi32>,
      tpu.vector_store %arg12[%swap3A_489], %add3A_488 {strides = array<i32>} : memref<80xi32, #tpu.memory_space<vmem>>, vector<16xi32>,
      %shift_right_arithmetic3A_491 = arith.constant 19 : i32
      %shift_right_arithmetic3A_492 = vector.broadcast %shift_right_arithmetic3A_491 : i32 to vector<16xi32>
      %shift_right_arithmetic3A_493 = arith.shrsi %get3A_474, %shift_right_arithmetic3A_492 : vector<16xi32>
      %add3A_494 = arith.constant 2048 : i32
      %add3A_495 = vector.broadcast %add3A_494 : i32 to vector<16xi32>
      %add3A_496 = arith.addi %shift_right_arithmetic3A_493, %add3A_495 : vector<16xi32>
      %swap3A_497 = arith.constant 48 : index
      %swap3A_498 = tpu.vector_load %arg13[%swap3A_497] {strides = array<i32>} : memref<80xi32, #tpu.memory_space<vmem>>, vector<16xi32>,
      tpu.vector_store %arg13[%swap3A_497], %add3A_496 {strides = array<i32>} : memref<80xi32, #tpu.memory_space<vmem>>, vector<16xi32>,
      %add3A_499 = arith.constant 64 : i32
      %add3A_500 = arith.addi %mul3A_386, %add3A_499 : i32
      %get3A_501 = arith.index_cast %add3A_500 : i32 to index
      %get3A_502 = tpu.vector_load %arg6[%get3A_501] {strides = array<i32>} : memref<3120xi32, #tpu.memory_space<vmem>>, vector<16xi32>,
      %and3A_503 = arith.constant 2047 : i32
      %and3A_504 = vector.broadcast %and3A_503 : i32 to vector<16xi32>
      %and3A_505 = arith.andi %get3A_502, %and3A_504 : vector<16xi32>
      %swap3A_506 = arith.constant 64 : index
      %swap3A_507 = tpu.vector_load %arg11[%swap3A_506] {strides = array<i32>} : memref<80xi32, #tpu.memory_space<vmem>>, vector<16xi32>,
      tpu.vector_store %arg11[%swap3A_506], %and3A_505 {strides = array<i32>} : memref<80xi32, #tpu.memory_space<vmem>>, vector<16xi32>,
      %shift_right_arithmetic3A_508 = arith.constant 11 : i32
      %shift_right_arithmetic3A_509 = vector.broadcast %shift_right_arithmetic3A_508 : i32 to vector<16xi32>
      %shift_right_arithmetic3A_510 = arith.shrsi %get3A_502, %shift_right_arithmetic3A_509 : vector<16xi32>
      %and3A_511 = arith.constant 255 : i32
      %and3A_512 = vector.broadcast %and3A_511 : i32 to vector<16xi32>
      %and3A_513 = arith.andi %shift_right_arithmetic3A_510, %and3A_512 : vector<16xi32>
      %add3A_514 = arith.constant 1904 : i32
      %add3A_515 = vector.broadcast %add3A_514 : i32 to vector<16xi32>
      %add3A_516 = arith.addi %and3A_513, %add3A_515 : vector<16xi32>
      %swap3A_517 = arith.constant 64 : index
      %swap3A_518 = tpu.vector_load %arg12[%swap3A_517] {strides = array<i32>} : memref<80xi32, #tpu.memory_space<vmem>>, vector<16xi32>,
      tpu.vector_store %arg12[%swap3A_517], %add3A_516 {strides = array<i32>} : memref<80xi32, #tpu.memory_space<vmem>>, vector<16xi32>,
      %shift_right_arithmetic3A_519 = arith.constant 19 : i32
      %shift_right_arithmetic3A_520 = vector.broadcast %shift_right_arithmetic3A_519 : i32 to vector<16xi32>
      %shift_right_arithmetic3A_521 = arith.shrsi %get3A_502, %shift_right_arithmetic3A_520 : vector<16xi32>
      %add3A_522 = arith.constant 2048 : i32
      %add3A_523 = vector.broadcast %add3A_522 : i32 to vector<16xi32>
      %add3A_524 = arith.addi %shift_right_arithmetic3A_521, %add3A_523 : vector<16xi32>
      %swap3A_525 = arith.constant 64 : index
      %swap3A_526 = tpu.vector_load %arg13[%swap3A_525] {strides = array<i32>} : memref<80xi32, #tpu.memory_space<vmem>>, vector<16xi32>,
      tpu.vector_store %arg13[%swap3A_525], %add3A_524 {strides = array<i32>} : memref<80xi32, #tpu.memory_space<vmem>>, vector<16xi32>,
      %dma_start3A_527 = arith.constant 0 : i32
      %dma_start3A_528 = arith.constant 0 : i32
      %dma_start3A_529 = tpu.memref_slice %arg7[%dma_start3A_527, %dma_start3A_528] : memref<240x128xf32, #tpu.memory_space<vmem>> -> memref<80x128xf32, #tpu.memory_space<vmem>>
      %dma_start3A_530 = arith.constant 0 : i32
      %dma_start3A_531 = arith.constant 0 : i32
      %dma_start3A_532 = tpu.memref_slice %arg5[%dma_start3A_530, %dma_start3A_531] : memref<2432x128xf32, #tpu.memory_space<vmem_shared>> -> memref<2432x128xf32, #tpu.memory_space<vmem_shared>>
      tpu.enqueue_indirect_dma source(%dma_start3A_532 : memref<2432x128xf32, #tpu.memory_space<vmem_shared>>) target(%dma_start3A_529 : memref<80x128xf32, #tpu.memory_space<vmem>>) offsets(%arg11 : memref<80xi32, #tpu.memory_space<vmem>>) semaphore(%arg17 : memref<!tpu.dma_semaphore, #tpu.memory_space<semaphore_mem>>)
      %dma_start3A_533 = arith.constant 80 : i32
      %dma_start3A_534 = arith.constant 0 : i32
      %dma_start3A_535 = tpu.memref_slice %arg7[%dma_start3A_533, %dma_start3A_534] : memref<240x128xf32, #tpu.memory_space<vmem>> -> memref<80x128xf32, #tpu.memory_space<vmem>>
      %dma_start3A_536 = arith.constant 0 : i32
      %dma_start3A_537 = arith.constant 0 : i32
      %dma_start3A_538 = tpu.memref_slice %arg5[%dma_start3A_536, %dma_start3A_537] : memref<2432x128xf32, #tpu.memory_space<vmem_shared>> -> memref<2432x128xf32, #tpu.memory_space<vmem_shared>>
      tpu.enqueue_indirect_dma source(%dma_start3A_538 : memref<2432x128xf32, #tpu.memory_space<vmem_shared>>) target(%dma_start3A_535 : memref<80x128xf32, #tpu.memory_space<vmem>>) offsets(%arg12 : memref<80xi32, #tpu.memory_space<vmem>>) semaphore(%arg17 : memref<!tpu.dma_semaphore, #tpu.memory_space<semaphore_mem>>)
      %dma_start3A_539 = arith.constant 160 : i32
      %dma_start3A_540 = arith.constant 0 : i32
      %dma_start3A_541 = tpu.memref_slice %arg7[%dma_start3A_539, %dma_start3A_540] : memref<240x128xf32, #tpu.memory_space<vmem>> -> memref<80x128xf32, #tpu.memory_space<vmem>>
      %dma_start3A_542 = arith.constant 0 : i32
      %dma_start3A_543 = arith.constant 0 : i32
      %dma_start3A_544 = tpu.memref_slice %arg5[%dma_start3A_542, %dma_start3A_543] : memref<2432x128xf32, #tpu.memory_space<vmem_shared>> -> memref<2432x128xf32, #tpu.memory_space<vmem_shared>>
      tpu.enqueue_indirect_dma source(%dma_start3A_544 : memref<2432x128xf32, #tpu.memory_space<vmem_shared>>) target(%dma_start3A_541 : memref<80x128xf32, #tpu.memory_space<vmem>>) offsets(%arg13 : memref<80xi32, #tpu.memory_space<vmem>>) semaphore(%arg17 : memref<!tpu.dma_semaphore, #tpu.memory_space<semaphore_mem>>)
      %dma_wait3A_545 = arith.constant 0 : i32
      %dma_wait3A_546 = arith.constant 0 : i32
      %dma_wait3A_547 = tpu.memref_slice %arg2[%dma_wait3A_545, %dma_wait3A_546] : memref<2432x128xf32, #tpu.memory_space<hbm>> -> memref<240x128xf32, #tpu.memory_space<hbm>>
      %dma_wait3A_548 = arith.constant 0 : i32
      %dma_wait3A_549 = arith.constant 0 : i32
      %dma_wait3A_550 = tpu.memref_slice %arg2[%dma_wait3A_548, %dma_wait3A_549] : memref<2432x128xf32, #tpu.memory_space<hbm>> -> memref<240x128xf32, #tpu.memory_space<hbm>>
      tpu.wait_dma2 semaphore(%arg18 : memref<!tpu.dma_semaphore, #tpu.memory_space<semaphore_mem>>) src(%dma_wait3A_550 : memref<240x128xf32, #tpu.memory_space<hbm>>) dst(%arg8 : memref<240x128xf32, #tpu.memory_space<vmem>>)
      %gt3A_551 = arith.constant 0 : i32
      %gt3A_552 = arith.cmpi sgt, %scan3A_195, %gt3A_551 : i32
      %convert_element_type3A_553 = arith.extui %gt3A_552 : i1 to i32
      %cond3A_554 = arith.constant 0 : i32
      %cond3A_555 = arith.cmpi ne, %convert_element_type3A_553, %cond3A_554 : i32
      scf.if %cond3A_555 {
        %dma_wait3A_571 = arith.constant 0 : i32
        %dma_wait3A_572 = arith.constant 0 : i32
        %dma_wait3A_573 = tpu.memref_slice %arg4[%dma_wait3A_571, %dma_wait3A_572] : memref<100000x128xf32, #tpu.memory_space<hbm>> -> memref<80x128xf32, #tpu.memory_space<hbm>>
        %dma_wait3A_574 = arith.constant 0 : i32
        %dma_wait3A_575 = arith.constant 0 : i32
        %dma_wait3A_576 = tpu.memref_slice %arg4[%dma_wait3A_574, %dma_wait3A_575] : memref<100000x128xf32, #tpu.memory_space<hbm>> -> memref<80x128xf32, #tpu.memory_space<hbm>>
        tpu.wait_dma2 semaphore(%arg20 : memref<!tpu.dma_semaphore, #tpu.memory_space<semaphore_mem>>) src(%arg10 : memref<80x128xf32, #tpu.memory_space<vmem>>) dst(%dma_wait3A_576 : memref<80x128xf32, #tpu.memory_space<hbm>>)
      } else {
      }
      %scan3A_556 = arith.constant 0 : i32
      %scan3A_557 = arith.constant 0 : i32
      %scan3A_558 = arith.constant 80 : i32
      %scan3A_559 = arith.addi %scan3A_557, %scan3A_558 : i32
      %scan3A_560 = arith.constant 4 : i32
      scf.for %scan3A_571 = %scan3A_557 to %scan3A_559 step %scan3A_560  : i32 {
        %get3A_572 = arith.index_cast %scan3A_571 : i32 to index
        %get3A_573 = arith.constant 0 : index
        %get3A_574 = tpu.vector_load %arg8[%get3A_572, %get3A_573] {strides = array<i32>} : memref<240x128xf32, #tpu.memory_space<vmem>>, vector<16xf32>,
        %add3A_575 = arith.constant 80 : i32
        %add3A_576 = arith.addi %add3A_575, %scan3A_571 : i32
        %get3A_577 = arith.index_cast %add3A_576 : i32 to index
        %get3A_578 = arith.constant 0 : index
        %get3A_579 = tpu.vector_load %arg8[%get3A_577, %get3A_578] {strides = array<i32>} : memref<240x128xf32, #tpu.memory_space<vmem>>, vector<16xf32>,
        %add3A_580 = arith.addf %get3A_574, %get3A_579 : vector<16xf32>
        %add3A_581 = arith.constant 160 : i32
        %add3A_582 = arith.addi %add3A_581, %scan3A_571 : i32
        %get3A_583 = arith.index_cast %add3A_582 : i32 to index
        %get3A_584 = arith.constant 0 : index
        %get3A_585 = tpu.vector_load %arg8[%get3A_583, %get3A_584] {strides = array<i32>} : memref<240x128xf32, #tpu.memory_space<vmem>>, vector<16xf32>,
        %add3A_586 = arith.addf %add3A_580, %get3A_585 : vector<16xf32>
        %swap3A_587 = arith.index_cast %scan3A_571 : i32 to index
        %swap3A_588 = arith.constant 0 : index
        %swap3A_589 = tpu.vector_load %arg10[%swap3A_587, %swap3A_588] {strides = array<i32>} : memref<80x128xf32, #tpu.memory_space<vmem>>, vector<16xf32>,
        tpu.vector_store %arg10[%swap3A_587, %swap3A_588], %add3A_586 {strides = array<i32>} : memref<80x128xf32, #tpu.memory_space<vmem>>, vector<16xf32>,
        %get3A_590 = arith.index_cast %scan3A_571 : i32 to index
        %get3A_591 = arith.constant 16 : index
        %get3A_592 = tpu.vector_load %arg8[%get3A_590, %get3A_591] {strides = array<i32>} : memref<240x128xf32, #tpu.memory_space<vmem>>, vector<16xf32>,
        %add3A_593 = arith.constant 80 : i32
        %add3A_594 = arith.addi %add3A_593, %scan3A_571 : i32
        %get3A_595 = arith.index_cast %add3A_594 : i32 to index
        %get3A_596 = arith.constant 16 : index
        %get3A_597 = tpu.vector_load %arg8[%get3A_595, %get3A_596] {strides = array<i32>} : memref<240x128xf32, #tpu.memory_space<vmem>>, vector<16xf32>,
        %add3A_598 = arith.addf %get3A_592, %get3A_597 : vector<16xf32>
        %add3A_599 = arith.constant 160 : i32
        %add3A_600 = arith.addi %add3A_599, %scan3A_571 : i32
        %get3A_601 = arith.index_cast %add3A_600 : i32 to index
        %get3A_602 = arith.constant 16 : index
        %get3A_603 = tpu.vector_load %arg8[%get3A_601, %get3A_602] {strides = array<i32>} : memref<240x128xf32, #tpu.memory_space<vmem>>, vector<16xf32>,
        %add3A_604 = arith.addf %add3A_598, %get3A_603 : vector<16xf32>
        %swap3A_605 = arith.index_cast %scan3A_571 : i32 to index
        %swap3A_606 = arith.constant 16 : index
        %swap3A_607 = tpu.vector_load %arg10[%swap3A_605, %swap3A_606] {strides = array<i32>} : memref<80x128xf32, #tpu.memory_space<vmem>>, vector<16xf32>,
        tpu.vector_store %arg10[%swap3A_605, %swap3A_606], %add3A_604 {strides = array<i32>} : memref<80x128xf32, #tpu.memory_space<vmem>>, vector<16xf32>,
        %get3A_608 = arith.index_cast %scan3A_571 : i32 to index
        %get3A_609 = arith.constant 32 : index
        %get3A_610 = tpu.vector_load %arg8[%get3A_608, %get3A_609] {strides = array<i32>} : memref<240x128xf32, #tpu.memory_space<vmem>>, vector<16xf32>,
        %add3A_611 = arith.constant 80 : i32
        %add3A_612 = arith.addi %add3A_611, %scan3A_571 : i32
        %get3A_613 = arith.index_cast %add3A_612 : i32 to index
        %get3A_614 = arith.constant 32 : index
        %get3A_615 = tpu.vector_load %arg8[%get3A_613, %get3A_614] {strides = array<i32>} : memref<240x128xf32, #tpu.memory_space<vmem>>, vector<16xf32>,
        %add3A_616 = arith.addf %get3A_610, %get3A_615 : vector<16xf32>
        %add3A_617 = arith.constant 160 : i32
        %add3A_618 = arith.addi %add3A_617, %scan3A_571 : i32
        %get3A_619 = arith.index_cast %add3A_618 : i32 to index
        %get3A_620 = arith.constant 32 : index
        %get3A_621 = tpu.vector_load %arg8[%get3A_619, %get3A_620] {strides = array<i32>} : memref<240x128xf32, #tpu.memory_space<vmem>>, vector<16xf32>,
        %add3A_622 = arith.addf %add3A_616, %get3A_621 : vector<16xf32>
        %swap3A_623 = arith.index_cast %scan3A_571 : i32 to index
        %swap3A_624 = arith.constant 32 : index
        %swap3A_625 = tpu.vector_load %arg10[%swap3A_623, %swap3A_624] {strides = array<i32>} : memref<80x128xf32, #tpu.memory_space<vmem>>, vector<16xf32>,
        tpu.vector_store %arg10[%swap3A_623, %swap3A_624], %add3A_622 {strides = array<i32>} : memref<80x128xf32, #tpu.memory_space<vmem>>, vector<16xf32>,
        %get3A_626 = arith.index_cast %scan3A_571 : i32 to index
        %get3A_627 = arith.constant 48 : index
        %get3A_628 = tpu.vector_load %arg8[%get3A_626, %get3A_627] {strides = array<i32>} : memref<240x128xf32, #tpu.memory_space<vmem>>, vector<16xf32>,
        %add3A_629 = arith.constant 80 : i32
        %add3A_630 = arith.addi %add3A_629, %scan3A_571 : i32
        %get3A_631 = arith.index_cast %add3A_630 : i32 to index
        %get3A_632 = arith.constant 48 : index
        %get3A_633 = tpu.vector_load %arg8[%get3A_631, %get3A_632] {strides = array<i32>} : memref<240x128xf32, #tpu.memory_space<vmem>>, vector<16xf32>,
        %add3A_634 = arith.addf %get3A_628, %get3A_633 : vector<16xf32>
        %add3A_635 = arith.constant 160 : i32
        %add3A_636 = arith.addi %add3A_635, %scan3A_571 : i32
        %get3A_637 = arith.index_cast %add3A_636 : i32 to index
        %get3A_638 = arith.constant 48 : index
        %get3A_639 = tpu.vector_load %arg8[%get3A_637, %get3A_638] {strides = array<i32>} : memref<240x128xf32, #tpu.memory_space<vmem>>, vector<16xf32>,
        %add3A_640 = arith.addf %add3A_634, %get3A_639 : vector<16xf32>
        %swap3A_641 = arith.index_cast %scan3A_571 : i32 to index
        %swap3A_642 = arith.constant 48 : index
        %swap3A_643 = tpu.vector_load %arg10[%swap3A_641, %swap3A_642] {strides = array<i32>} : memref<80x128xf32, #tpu.memory_space<vmem>>, vector<16xf32>,
        tpu.vector_store %arg10[%swap3A_641, %swap3A_642], %add3A_640 {strides = array<i32>} : memref<80x128xf32, #tpu.memory_space<vmem>>, vector<16xf32>,
        %get3A_644 = arith.index_cast %scan3A_571 : i32 to index
        %get3A_645 = arith.constant 64 : index
        %get3A_646 = tpu.vector_load %arg8[%get3A_644, %get3A_645] {strides = array<i32>} : memref<240x128xf32, #tpu.memory_space<vmem>>, vector<16xf32>,
        %add3A_647 = arith.constant 80 : i32
        %add3A_648 = arith.addi %add3A_647, %scan3A_571 : i32
        %get3A_649 = arith.index_cast %add3A_648 : i32 to index
        %get3A_650 = arith.constant 64 : index
        %get3A_651 = tpu.vector_load %arg8[%get3A_649, %get3A_650] {strides = array<i32>} : memref<240x128xf32, #tpu.memory_space<vmem>>, vector<16xf32>,
        %add3A_652 = arith.addf %get3A_646, %get3A_651 : vector<16xf32>
        %add3A_653 = arith.constant 160 : i32
        %add3A_654 = arith.addi %add3A_653, %scan3A_571 : i32
        %get3A_655 = arith.index_cast %add3A_654 : i32 to index
        %get3A_656 = arith.constant 64 : index
        %get3A_657 = tpu.vector_load %arg8[%get3A_655, %get3A_656] {strides = array<i32>} : memref<240x128xf32, #tpu.memory_space<vmem>>, vector<16xf32>,
        %add3A_658 = arith.addf %add3A_652, %get3A_657 : vector<16xf32>
        %swap3A_659 = arith.index_cast %scan3A_571 : i32 to index
        %swap3A_660 = arith.constant 64 : index
        %swap3A_661 = tpu.vector_load %arg10[%swap3A_659, %swap3A_660] {strides = array<i32>} : memref<80x128xf32, #tpu.memory_space<vmem>>, vector<16xf32>,
        tpu.vector_store %arg10[%swap3A_659, %swap3A_660], %add3A_658 {strides = array<i32>} : memref<80x128xf32, #tpu.memory_space<vmem>>, vector<16xf32>,
        %get3A_662 = arith.index_cast %scan3A_571 : i32 to index
        %get3A_663 = arith.constant 80 : index
        %get3A_664 = tpu.vector_load %arg8[%get3A_662, %get3A_663] {strides = array<i32>} : memref<240x128xf32, #tpu.memory_space<vmem>>, vector<16xf32>,
        %add3A_665 = arith.constant 80 : i32
        %add3A_666 = arith.addi %add3A_665, %scan3A_571 : i32
        %get3A_667 = arith.index_cast %add3A_666 : i32 to index
        %get3A_668 = arith.constant 80 : index
        %get3A_669 = tpu.vector_load %arg8[%get3A_667, %get3A_668] {strides = array<i32>} : memref<240x128xf32, #tpu.memory_space<vmem>>, vector<16xf32>,
        %add3A_670 = arith.addf %get3A_664, %get3A_669 : vector<16xf32>
        %add3A_671 = arith.constant 160 : i32
        %add3A_672 = arith.addi %add3A_671, %scan3A_571 : i32
        %get3A_673 = arith.index_cast %add3A_672 : i32 to index
        %get3A_674 = arith.constant 80 : index
        %get3A_675 = tpu.vector_load %arg8[%get3A_673, %get3A_674] {strides = array<i32>} : memref<240x128xf32, #tpu.memory_space<vmem>>, vector<16xf32>,
        %add3A_676 = arith.addf %add3A_670, %get3A_675 : vector<16xf32>
        %swap3A_677 = arith.index_cast %scan3A_571 : i32 to index
        %swap3A_678 = arith.constant 80 : index
        %swap3A_679 = tpu.vector_load %arg10[%swap3A_677, %swap3A_678] {strides = array<i32>} : memref<80x128xf32, #tpu.memory_space<vmem>>, vector<16xf32>,
        tpu.vector_store %arg10[%swap3A_677, %swap3A_678], %add3A_676 {strides = array<i32>} : memref<80x128xf32, #tpu.memory_space<vmem>>, vector<16xf32>,
        %get3A_680 = arith.index_cast %scan3A_571 : i32 to index
        %get3A_681 = arith.constant 96 : index
        %get3A_682 = tpu.vector_load %arg8[%get3A_680, %get3A_681] {strides = array<i32>} : memref<240x128xf32, #tpu.memory_space<vmem>>, vector<16xf32>,
        %add3A_683 = arith.constant 80 : i32
        %add3A_684 = arith.addi %add3A_683, %scan3A_571 : i32
        %get3A_685 = arith.index_cast %add3A_684 : i32 to index
        %get3A_686 = arith.constant 96 : index
        %get3A_687 = tpu.vector_load %arg8[%get3A_685, %get3A_686] {strides = array<i32>} : memref<240x128xf32, #tpu.memory_space<vmem>>, vector<16xf32>,
        %add3A_688 = arith.addf %get3A_682, %get3A_687 : vector<16xf32>
        %add3A_689 = arith.constant 160 : i32
        %add3A_690 = arith.addi %add3A_689, %scan3A_571 : i32
        %get3A_691 = arith.index_cast %add3A_690 : i32 to index
        %get3A_692 = arith.constant 96 : index
        %get3A_693 = tpu.vector_load %arg8[%get3A_691, %get3A_692] {strides = array<i32>} : memref<240x128xf32, #tpu.memory_space<vmem>>, vector<16xf32>,
        %add3A_694 = arith.addf %add3A_688, %get3A_693 : vector<16xf32>
        %swap3A_695 = arith.index_cast %scan3A_571 : i32 to index
        %swap3A_696 = arith.constant 96 : index
        %swap3A_697 = tpu.vector_load %arg10[%swap3A_695, %swap3A_696] {strides = array<i32>} : memref<80x128xf32, #tpu.memory_space<vmem>>, vector<16xf32>,
        tpu.vector_store %arg10[%swap3A_695, %swap3A_696], %add3A_694 {strides = array<i32>} : memref<80x128xf32, #tpu.memory_space<vmem>>, vector<16xf32>,
        %get3A_698 = arith.index_cast %scan3A_571 : i32 to index
        %get3A_699 = arith.constant 112 : index
        %get3A_700 = tpu.vector_load %arg8[%get3A_698, %get3A_699] {strides = array<i32>} : memref<240x128xf32, #tpu.memory_space<vmem>>, vector<16xf32>,
        %add3A_701 = arith.constant 80 : i32
        %add3A_702 = arith.addi %add3A_701, %scan3A_571 : i32
        %get3A_703 = arith.index_cast %add3A_702 : i32 to index
        %get3A_704 = arith.constant 112 : index
        %get3A_705 = tpu.vector_load %arg8[%get3A_703, %get3A_704] {strides = array<i32>} : memref<240x128xf32, #tpu.memory_space<vmem>>, vector<16xf32>,
        %add3A_706 = arith.addf %get3A_700, %get3A_705 : vector<16xf32>
        %add3A_707 = arith.constant 160 : i32
        %add3A_708 = arith.addi %add3A_707, %scan3A_571 : i32
        %get3A_709 = arith.index_cast %add3A_708 : i32 to index
        %get3A_710 = arith.constant 112 : index
        %get3A_711 = tpu.vector_load %arg8[%get3A_709, %get3A_710] {strides = array<i32>} : memref<240x128xf32, #tpu.memory_space<vmem>>, vector<16xf32>,
        %add3A_712 = arith.addf %add3A_706, %get3A_711 : vector<16xf32>
        %swap3A_713 = arith.index_cast %scan3A_571 : i32 to index
        %swap3A_714 = arith.constant 112 : index
        %swap3A_715 = tpu.vector_load %arg10[%swap3A_713, %swap3A_714] {strides = array<i32>} : memref<80x128xf32, #tpu.memory_space<vmem>>, vector<16xf32>,
        tpu.vector_store %arg10[%swap3A_713, %swap3A_714], %add3A_712 {strides = array<i32>} : memref<80x128xf32, #tpu.memory_space<vmem>>, vector<16xf32>,
        %scan3A_716 = arith.constant 1 : i32
        %scan3A_717 = arith.addi %scan3A_571, %scan3A_716 : i32
        %get3A_718 = arith.index_cast %scan3A_717 : i32 to index
        %get3A_719 = arith.constant 0 : index
        %get3A_720 = tpu.vector_load %arg8[%get3A_718, %get3A_719] {strides = array<i32>} : memref<240x128xf32, #tpu.memory_space<vmem>>, vector<16xf32>,
        %add3A_721 = arith.constant 80 : i32
        %add3A_722 = arith.addi %add3A_721, %scan3A_717 : i32
        %get3A_723 = arith.index_cast %add3A_722 : i32 to index
        %get3A_724 = arith.constant 0 : index
        %get3A_725 = tpu.vector_load %arg8[%get3A_723, %get3A_724] {strides = array<i32>} : memref<240x128xf32, #tpu.memory_space<vmem>>, vector<16xf32>,
        %add3A_726 = arith.addf %get3A_720, %get3A_725 : vector<16xf32>
        %add3A_727 = arith.constant 160 : i32
        %add3A_728 = arith.addi %add3A_727, %scan3A_717 : i32
        %get3A_729 = arith.index_cast %add3A_728 : i32 to index
        %get3A_730 = arith.constant 0 : index
        %get3A_731 = tpu.vector_load %arg8[%get3A_729, %get3A_730] {strides = array<i32>} : memref<240x128xf32, #tpu.memory_space<vmem>>, vector<16xf32>,
        %add3A_732 = arith.addf %add3A_726, %get3A_731 : vector<16xf32>
        %swap3A_733 = arith.index_cast %scan3A_717 : i32 to index
        %swap3A_734 = arith.constant 0 : index
        %swap3A_735 = tpu.vector_load %arg10[%swap3A_733, %swap3A_734] {strides = array<i32>} : memref<80x128xf32, #tpu.memory_space<vmem>>, vector<16xf32>,
        tpu.vector_store %arg10[%swap3A_733, %swap3A_734], %add3A_732 {strides = array<i32>} : memref<80x128xf32, #tpu.memory_space<vmem>>, vector<16xf32>,
        %get3A_736 = arith.index_cast %scan3A_717 : i32 to index
        %get3A_737 = arith.constant 16 : index
        %get3A_738 = tpu.vector_load %arg8[%get3A_736, %get3A_737] {strides = array<i32>} : memref<240x128xf32, #tpu.memory_space<vmem>>, vector<16xf32>,
        %add3A_739 = arith.constant 80 : i32
        %add3A_740 = arith.addi %add3A_739, %scan3A_717 : i32
        %get3A_741 = arith.index_cast %add3A_740 : i32 to index
        %get3A_742 = arith.constant 16 : index
        %get3A_743 = tpu.vector_load %arg8[%get3A_741, %get3A_742] {strides = array<i32>} : memref<240x128xf32, #tpu.memory_space<vmem>>, vector<16xf32>,
        %add3A_744 = arith.addf %get3A_738, %get3A_743 : vector<16xf32>
        %add3A_745 = arith.constant 160 : i32
        %add3A_746 = arith.addi %add3A_745, %scan3A_717 : i32
        %get3A_747 = arith.index_cast %add3A_746 : i32 to index
        %get3A_748 = arith.constant 16 : index
        %get3A_749 = tpu.vector_load %arg8[%get3A_747, %get3A_748] {strides = array<i32>} : memref<240x128xf32, #tpu.memory_space<vmem>>, vector<16xf32>,
        %add3A_750 = arith.addf %add3A_744, %get3A_749 : vector<16xf32>
        %swap3A_751 = arith.index_cast %scan3A_717 : i32 to index
        %swap3A_752 = arith.constant 16 : index
        %swap3A_753 = tpu.vector_load %arg10[%swap3A_751, %swap3A_752] {strides = array<i32>} : memref<80x128xf32, #tpu.memory_space<vmem>>, vector<16xf32>,
        tpu.vector_store %arg10[%swap3A_751, %swap3A_752], %add3A_750 {strides = array<i32>} : memref<80x128xf32, #tpu.memory_space<vmem>>, vector<16xf32>,
        %get3A_754 = arith.index_cast %scan3A_717 : i32 to index
        %get3A_755 = arith.constant 32 : index
        %get3A_756 = tpu.vector_load %arg8[%get3A_754, %get3A_755] {strides = array<i32>} : memref<240x128xf32, #tpu.memory_space<vmem>>, vector<16xf32>,
        %add3A_757 = arith.constant 80 : i32
        %add3A_758 = arith.addi %add3A_757, %scan3A_717 : i32
        %get3A_759 = arith.index_cast %add3A_758 : i32 to index
        %get3A_760 = arith.constant 32 : index
        %get3A_761 = tpu.vector_load %arg8[%get3A_759, %get3A_760] {strides = array<i32>} : memref<240x128xf32, #tpu.memory_space<vmem>>, vector<16xf32>,
        %add3A_762 = arith.addf %get3A_756, %get3A_761 : vector<16xf32>
        %add3A_763 = arith.constant 160 : i32
        %add3A_764 = arith.addi %add3A_763, %scan3A_717 : i32
        %get3A_765 = arith.index_cast %add3A_764 : i32 to index
        %get3A_766 = arith.constant 32 : index
        %get3A_767 = tpu.vector_load %arg8[%get3A_765, %get3A_766] {strides = array<i32>} : memref<240x128xf32, #tpu.memory_space<vmem>>, vector<16xf32>,
        %add3A_768 = arith.addf %add3A_762, %get3A_767 : vector<16xf32>
        %swap3A_769 = arith.index_cast %scan3A_717 : i32 to index
        %swap3A_770 = arith.constant 32 : index
        %swap3A_771 = tpu.vector_load %arg10[%swap3A_769, %swap3A_770] {strides = array<i32>} : memref<80x128xf32, #tpu.memory_space<vmem>>, vector<16xf32>,
        tpu.vector_store %arg10[%swap3A_769, %swap3A_770], %add3A_768 {strides = array<i32>} : memref<80x128xf32, #tpu.memory_space<vmem>>, vector<16xf32>,
        %get3A_772 = arith.index_cast %scan3A_717 : i32 to index
        %get3A_773 = arith.constant 48 : index
        %get3A_774 = tpu.vector_load %arg8[%get3A_772, %get3A_773] {strides = array<i32>} : memref<240x128xf32, #tpu.memory_space<vmem>>, vector<16xf32>,
        %add3A_775 = arith.constant 80 : i32
        %add3A_776 = arith.addi %add3A_775, %scan3A_717 : i32
        %get3A_777 = arith.index_cast %add3A_776 : i32 to index
        %get3A_778 = arith.constant 48 : index
        %get3A_779 = tpu.vector_load %arg8[%get3A_777, %get3A_778] {strides = array<i32>} : memref<240x128xf32, #tpu.memory_space<vmem>>, vector<16xf32>,
        %add3A_780 = arith.addf %get3A_774, %get3A_779 : vector<16xf32>
        %add3A_781 = arith.constant 160 : i32
        %add3A_782 = arith.addi %add3A_781, %scan3A_717 : i32
        %get3A_783 = arith.index_cast %add3A_782 : i32 to index
        %get3A_784 = arith.constant 48 : index
        %get3A_785 = tpu.vector_load %arg8[%get3A_783, %get3A_784] {strides = array<i32>} : memref<240x128xf32, #tpu.memory_space<vmem>>, vector<16xf32>,
        %add3A_786 = arith.addf %add3A_780, %get3A_785 : vector<16xf32>
        %swap3A_787 = arith.index_cast %scan3A_717 : i32 to index
        %swap3A_788 = arith.constant 48 : index
        %swap3A_789 = tpu.vector_load %arg10[%swap3A_787, %swap3A_788] {strides = array<i32>} : memref<80x128xf32, #tpu.memory_space<vmem>>, vector<16xf32>,
        tpu.vector_store %arg10[%swap3A_787, %swap3A_788], %add3A_786 {strides = array<i32>} : memref<80x128xf32, #tpu.memory_space<vmem>>, vector<16xf32>,
        %get3A_790 = arith.index_cast %scan3A_717 : i32 to index
        %get3A_791 = arith.constant 64 : index
        %get3A_792 = tpu.vector_load %arg8[%get3A_790, %get3A_791] {strides = array<i32>} : memref<240x128xf32, #tpu.memory_space<vmem>>, vector<16xf32>,
        %add3A_793 = arith.constant 80 : i32
        %add3A_794 = arith.addi %add3A_793, %scan3A_717 : i32
        %get3A_795 = arith.index_cast %add3A_794 : i32 to index
        %get3A_796 = arith.constant 64 : index
        %get3A_797 = tpu.vector_load %arg8[%get3A_795, %get3A_796] {strides = array<i32>} : memref<240x128xf32, #tpu.memory_space<vmem>>, vector<16xf32>,
        %add3A_798 = arith.addf %get3A_792, %get3A_797 : vector<16xf32>
        %add3A_799 = arith.constant 160 : i32
        %add3A_800 = arith.addi %add3A_799, %scan3A_717 : i32
        %get3A_801 = arith.index_cast %add3A_800 : i32 to index
        %get3A_802 = arith.constant 64 : index
        %get3A_803 = tpu.vector_load %arg8[%get3A_801, %get3A_802] {strides = array<i32>} : memref<240x128xf32, #tpu.memory_space<vmem>>, vector<16xf32>,
        %add3A_804 = arith.addf %add3A_798, %get3A_803 : vector<16xf32>
        %swap3A_805 = arith.index_cast %scan3A_717 : i32 to index
        %swap3A_806 = arith.constant 64 : index
        %swap3A_807 = tpu.vector_load %arg10[%swap3A_805, %swap3A_806] {strides = array<i32>} : memref<80x128xf32, #tpu.memory_space<vmem>>, vector<16xf32>,
        tpu.vector_store %arg10[%swap3A_805, %swap3A_806], %add3A_804 {strides = array<i32>} : memref<80x128xf32, #tpu.memory_space<vmem>>, vector<16xf32>,
        %get3A_808 = arith.index_cast %scan3A_717 : i32 to index
        %get3A_809 = arith.constant 80 : index
        %get3A_810 = tpu.vector_load %arg8[%get3A_808, %get3A_809] {strides = array<i32>} : memref<240x128xf32, #tpu.memory_space<vmem>>, vector<16xf32>,
        %add3A_811 = arith.constant 80 : i32
        %add3A_812 = arith.addi %add3A_811, %scan3A_717 : i32
        %get3A_813 = arith.index_cast %add3A_812 : i32 to index
        %get3A_814 = arith.constant 80 : index
        %get3A_815 = tpu.vector_load %arg8[%get3A_813, %get3A_814] {strides = array<i32>} : memref<240x128xf32, #tpu.memory_space<vmem>>, vector<16xf32>,
        %add3A_816 = arith.addf %get3A_810, %get3A_815 : vector<16xf32>
        %add3A_817 = arith.constant 160 : i32
        %add3A_818 = arith.addi %add3A_817, %scan3A_717 : i32
        %get3A_819 = arith.index_cast %add3A_818 : i32 to index
        %get3A_820 = arith.constant 80 : index
        %get3A_821 = tpu.vector_load %arg8[%get3A_819, %get3A_820] {strides = array<i32>} : memref<240x128xf32, #tpu.memory_space<vmem>>, vector<16xf32>,
        %add3A_822 = arith.addf %add3A_816, %get3A_821 : vector<16xf32>
        %swap3A_823 = arith.index_cast %scan3A_717 : i32 to index
        %swap3A_824 = arith.constant 80 : index
        %swap3A_825 = tpu.vector_load %arg10[%swap3A_823, %swap3A_824] {strides = array<i32>} : memref<80x128xf32, #tpu.memory_space<vmem>>, vector<16xf32>,
        tpu.vector_store %arg10[%swap3A_823, %swap3A_824], %add3A_822 {strides = array<i32>} : memref<80x128xf32, #tpu.memory_space<vmem>>, vector<16xf32>,
        %get3A_826 = arith.index_cast %scan3A_717 : i32 to index
        %get3A_827 = arith.constant 96 : index
        %get3A_828 = tpu.vector_load %arg8[%get3A_826, %get3A_827] {strides = array<i32>} : memref<240x128xf32, #tpu.memory_space<vmem>>, vector<16xf32>,
        %add3A_829 = arith.constant 80 : i32
        %add3A_830 = arith.addi %add3A_829, %scan3A_717 : i32
        %get3A_831 = arith.index_cast %add3A_830 : i32 to index
        %get3A_832 = arith.constant 96 : index
        %get3A_833 = tpu.vector_load %arg8[%get3A_831, %get3A_832] {strides = array<i32>} : memref<240x128xf32, #tpu.memory_space<vmem>>, vector<16xf32>,
        %add3A_834 = arith.addf %get3A_828, %get3A_833 : vector<16xf32>
        %add3A_835 = arith.constant 160 : i32
        %add3A_836 = arith.addi %add3A_835, %scan3A_717 : i32
        %get3A_837 = arith.index_cast %add3A_836 : i32 to index
        %get3A_838 = arith.constant 96 : index
        %get3A_839 = tpu.vector_load %arg8[%get3A_837, %get3A_838] {strides = array<i32>} : memref<240x128xf32, #tpu.memory_space<vmem>>, vector<16xf32>,
        %add3A_840 = arith.addf %add3A_834, %get3A_839 : vector<16xf32>
        %swap3A_841 = arith.index_cast %scan3A_717 : i32 to index
        %swap3A_842 = arith.constant 96 : index
        %swap3A_843 = tpu.vector_load %arg10[%swap3A_841, %swap3A_842] {strides = array<i32>} : memref<80x128xf32, #tpu.memory_space<vmem>>, vector<16xf32>,
        tpu.vector_store %arg10[%swap3A_841, %swap3A_842], %add3A_840 {strides = array<i32>} : memref<80x128xf32, #tpu.memory_space<vmem>>, vector<16xf32>,
        %get3A_844 = arith.index_cast %scan3A_717 : i32 to index
        %get3A_845 = arith.constant 112 : index
        %get3A_846 = tpu.vector_load %arg8[%get3A_844, %get3A_845] {strides = array<i32>} : memref<240x128xf32, #tpu.memory_space<vmem>>, vector<16xf32>,
        %add3A_847 = arith.constant 80 : i32
        %add3A_848 = arith.addi %add3A_847, %scan3A_717 : i32
        %get3A_849 = arith.index_cast %add3A_848 : i32 to index
        %get3A_850 = arith.constant 112 : index
        %get3A_851 = tpu.vector_load %arg8[%get3A_849, %get3A_850] {strides = array<i32>} : memref<240x128xf32, #tpu.memory_space<vmem>>, vector<16xf32>,
        %add3A_852 = arith.addf %get3A_846, %get3A_851 : vector<16xf32>
        %add3A_853 = arith.constant 160 : i32
        %add3A_854 = arith.addi %add3A_853, %scan3A_717 : i32
        %get3A_855 = arith.index_cast %add3A_854 : i32 to index
        %get3A_856 = arith.constant 112 : index
        %get3A_857 = tpu.vector_load %arg8[%get3A_855, %get3A_856] {strides = array<i32>} : memref<240x128xf32, #tpu.memory_space<vmem>>, vector<16xf32>,
        %add3A_858 = arith.addf %add3A_852, %get3A_857 : vector<16xf32>
        %swap3A_859 = arith.index_cast %scan3A_717 : i32 to index
        %swap3A_860 = arith.constant 112 : index
        %swap3A_861 = tpu.vector_load %arg10[%swap3A_859, %swap3A_860] {strides = array<i32>} : memref<80x128xf32, #tpu.memory_space<vmem>>, vector<16xf32>,
        tpu.vector_store %arg10[%swap3A_859, %swap3A_860], %add3A_858 {strides = array<i32>} : memref<80x128xf32, #tpu.memory_space<vmem>>, vector<16xf32>,
        %scan3A_862 = arith.constant 2 : i32
        %scan3A_863 = arith.addi %scan3A_571, %scan3A_862 : i32
        %get3A_864 = arith.index_cast %scan3A_863 : i32 to index
        %get3A_865 = arith.constant 0 : index
        %get3A_866 = tpu.vector_load %arg8[%get3A_864, %get3A_865] {strides = array<i32>} : memref<240x128xf32, #tpu.memory_space<vmem>>, vector<16xf32>,
        %add3A_867 = arith.constant 80 : i32
        %add3A_868 = arith.addi %add3A_867, %scan3A_863 : i32
        %get3A_869 = arith.index_cast %add3A_868 : i32 to index
        %get3A_870 = arith.constant 0 : index
        %get3A_871 = tpu.vector_load %arg8[%get3A_869, %get3A_870] {strides = array<i32>} : memref<240x128xf32, #tpu.memory_space<vmem>>, vector<16xf32>,
        %add3A_872 = arith.addf %get3A_866, %get3A_871 : vector<16xf32>
        %add3A_873 = arith.constant 160 : i32
        %add3A_874 = arith.addi %add3A_873, %scan3A_863 : i32
        %get3A_875 = arith.index_cast %add3A_874 : i32 to index
        %get3A_876 = arith.constant 0 : index
        %get3A_877 = tpu.vector_load %arg8[%get3A_875, %get3A_876] {strides = array<i32>} : memref<240x128xf32, #tpu.memory_space<vmem>>, vector<16xf32>,
        %add3A_878 = arith.addf %add3A_872, %get3A_877 : vector<16xf32>
        %swap3A_879 = arith.index_cast %scan3A_863 : i32 to index
        %swap3A_880 = arith.constant 0 : index
        %swap3A_881 = tpu.vector_load %arg10[%swap3A_879, %swap3A_880] {strides = array<i32>} : memref<80x128xf32, #tpu.memory_space<vmem>>, vector<16xf32>,
        tpu.vector_store %arg10[%swap3A_879, %swap3A_880], %add3A_878 {strides = array<i32>} : memref<80x128xf32, #tpu.memory_space<vmem>>, vector<16xf32>,
        %get3A_882 = arith.index_cast %scan3A_863 : i32 to index
        %get3A_883 = arith.constant 16 : index
        %get3A_884 = tpu.vector_load %arg8[%get3A_882, %get3A_883] {strides = array<i32>} : memref<240x128xf32, #tpu.memory_space<vmem>>, vector<16xf32>,
        %add3A_885 = arith.constant 80 : i32
        %add3A_886 = arith.addi %add3A_885, %scan3A_863 : i32
        %get3A_887 = arith.index_cast %add3A_886 : i32 to index
        %get3A_888 = arith.constant 16 : index
        %get3A_889 = tpu.vector_load %arg8[%get3A_887, %get3A_888] {strides = array<i32>} : memref<240x128xf32, #tpu.memory_space<vmem>>, vector<16xf32>,
        %add3A_890 = arith.addf %get3A_884, %get3A_889 : vector<16xf32>
        %add3A_891 = arith.constant 160 : i32
        %add3A_892 = arith.addi %add3A_891, %scan3A_863 : i32
        %get3A_893 = arith.index_cast %add3A_892 : i32 to index
        %get3A_894 = arith.constant 16 : index
        %get3A_895 = tpu.vector_load %arg8[%get3A_893, %get3A_894] {strides = array<i32>} : memref<240x128xf32, #tpu.memory_space<vmem>>, vector<16xf32>,
        %add3A_896 = arith.addf %add3A_890, %get3A_895 : vector<16xf32>
        %swap3A_897 = arith.index_cast %scan3A_863 : i32 to index
        %swap3A_898 = arith.constant 16 : index
        %swap3A_899 = tpu.vector_load %arg10[%swap3A_897, %swap3A_898] {strides = array<i32>} : memref<80x128xf32, #tpu.memory_space<vmem>>, vector<16xf32>,
        tpu.vector_store %arg10[%swap3A_897, %swap3A_898], %add3A_896 {strides = array<i32>} : memref<80x128xf32, #tpu.memory_space<vmem>>, vector<16xf32>,
        %get3A_900 = arith.index_cast %scan3A_863 : i32 to index
        %get3A_901 = arith.constant 32 : index
        %get3A_902 = tpu.vector_load %arg8[%get3A_900, %get3A_901] {strides = array<i32>} : memref<240x128xf32, #tpu.memory_space<vmem>>, vector<16xf32>,
        %add3A_903 = arith.constant 80 : i32
        %add3A_904 = arith.addi %add3A_903, %scan3A_863 : i32
        %get3A_905 = arith.index_cast %add3A_904 : i32 to index
        %get3A_906 = arith.constant 32 : index
        %get3A_907 = tpu.vector_load %arg8[%get3A_905, %get3A_906] {strides = array<i32>} : memref<240x128xf32, #tpu.memory_space<vmem>>, vector<16xf32>,
        %add3A_908 = arith.addf %get3A_902, %get3A_907 : vector<16xf32>
        %add3A_909 = arith.constant 160 : i32
        %add3A_910 = arith.addi %add3A_909, %scan3A_863 : i32
        %get3A_911 = arith.index_cast %add3A_910 : i32 to index
        %get3A_912 = arith.constant 32 : index
        %get3A_913 = tpu.vector_load %arg8[%get3A_911, %get3A_912] {strides = array<i32>} : memref<240x128xf32, #tpu.memory_space<vmem>>, vector<16xf32>,
        %add3A_914 = arith.addf %add3A_908, %get3A_913 : vector<16xf32>
        %swap3A_915 = arith.index_cast %scan3A_863 : i32 to index
        %swap3A_916 = arith.constant 32 : index
        %swap3A_917 = tpu.vector_load %arg10[%swap3A_915, %swap3A_916] {strides = array<i32>} : memref<80x128xf32, #tpu.memory_space<vmem>>, vector<16xf32>,
        tpu.vector_store %arg10[%swap3A_915, %swap3A_916], %add3A_914 {strides = array<i32>} : memref<80x128xf32, #tpu.memory_space<vmem>>, vector<16xf32>,
        %get3A_918 = arith.index_cast %scan3A_863 : i32 to index
        %get3A_919 = arith.constant 48 : index
        %get3A_920 = tpu.vector_load %arg8[%get3A_918, %get3A_919] {strides = array<i32>} : memref<240x128xf32, #tpu.memory_space<vmem>>, vector<16xf32>,
        %add3A_921 = arith.constant 80 : i32
        %add3A_922 = arith.addi %add3A_921, %scan3A_863 : i32
        %get3A_923 = arith.index_cast %add3A_922 : i32 to index
        %get3A_924 = arith.constant 48 : index
        %get3A_925 = tpu.vector_load %arg8[%get3A_923, %get3A_924] {strides = array<i32>} : memref<240x128xf32, #tpu.memory_space<vmem>>, vector<16xf32>,
        %add3A_926 = arith.addf %get3A_920, %get3A_925 : vector<16xf32>
        %add3A_927 = arith.constant 160 : i32
        %add3A_928 = arith.addi %add3A_927, %scan3A_863 : i32
        %get3A_929 = arith.index_cast %add3A_928 : i32 to index
        %get3A_930 = arith.constant 48 : index
        %get3A_931 = tpu.vector_load %arg8[%get3A_929, %get3A_930] {strides = array<i32>} : memref<240x128xf32, #tpu.memory_space<vmem>>, vector<16xf32>,
        %add3A_932 = arith.addf %add3A_926, %get3A_931 : vector<16xf32>
        %swap3A_933 = arith.index_cast %scan3A_863 : i32 to index
        %swap3A_934 = arith.constant 48 : index
        %swap3A_935 = tpu.vector_load %arg10[%swap3A_933, %swap3A_934] {strides = array<i32>} : memref<80x128xf32, #tpu.memory_space<vmem>>, vector<16xf32>,
        tpu.vector_store %arg10[%swap3A_933, %swap3A_934], %add3A_932 {strides = array<i32>} : memref<80x128xf32, #tpu.memory_space<vmem>>, vector<16xf32>,
        %get3A_936 = arith.index_cast %scan3A_863 : i32 to index
        %get3A_937 = arith.constant 64 : index
        %get3A_938 = tpu.vector_load %arg8[%get3A_936, %get3A_937] {strides = array<i32>} : memref<240x128xf32, #tpu.memory_space<vmem>>, vector<16xf32>,
        %add3A_939 = arith.constant 80 : i32
        %add3A_940 = arith.addi %add3A_939, %scan3A_863 : i32
        %get3A_941 = arith.index_cast %add3A_940 : i32 to index
        %get3A_942 = arith.constant 64 : index
        %get3A_943 = tpu.vector_load %arg8[%get3A_941, %get3A_942] {strides = array<i32>} : memref<240x128xf32, #tpu.memory_space<vmem>>, vector<16xf32>,
        %add3A_944 = arith.addf %get3A_938, %get3A_943 : vector<16xf32>
        %add3A_945 = arith.constant 160 : i32
        %add3A_946 = arith.addi %add3A_945, %scan3A_863 : i32
        %get3A_947 = arith.index_cast %add3A_946 : i32 to index
        %get3A_948 = arith.constant 64 : index
        %get3A_949 = tpu.vector_load %arg8[%get3A_947, %get3A_948] {strides = array<i32>} : memref<240x128xf32, #tpu.memory_space<vmem>>, vector<16xf32>,
        %add3A_950 = arith.addf %add3A_944, %get3A_949 : vector<16xf32>
        %swap3A_951 = arith.index_cast %scan3A_863 : i32 to index
        %swap3A_952 = arith.constant 64 : index
        %swap3A_953 = tpu.vector_load %arg10[%swap3A_951, %swap3A_952] {strides = array<i32>} : memref<80x128xf32, #tpu.memory_space<vmem>>, vector<16xf32>,
        tpu.vector_store %arg10[%swap3A_951, %swap3A_952], %add3A_950 {strides = array<i32>} : memref<80x128xf32, #tpu.memory_space<vmem>>, vector<16xf32>,
        %get3A_954 = arith.index_cast %scan3A_863 : i32 to index
        %get3A_955 = arith.constant 80 : index
        %get3A_956 = tpu.vector_load %arg8[%get3A_954, %get3A_955] {strides = array<i32>} : memref<240x128xf32, #tpu.memory_space<vmem>>, vector<16xf32>,
        %add3A_957 = arith.constant 80 : i32
        %add3A_958 = arith.addi %add3A_957, %scan3A_863 : i32
        %get3A_959 = arith.index_cast %add3A_958 : i32 to index
        %get3A_960 = arith.constant 80 : index
        %get3A_961 = tpu.vector_load %arg8[%get3A_959, %get3A_960] {strides = array<i32>} : memref<240x128xf32, #tpu.memory_space<vmem>>, vector<16xf32>,
        %add3A_962 = arith.addf %get3A_956, %get3A_961 : vector<16xf32>
        %add3A_963 = arith.constant 160 : i32
        %add3A_964 = arith.addi %add3A_963, %scan3A_863 : i32
        %get3A_965 = arith.index_cast %add3A_964 : i32 to index
        %get3A_966 = arith.constant 80 : index
        %get3A_967 = tpu.vector_load %arg8[%get3A_965, %get3A_966] {strides = array<i32>} : memref<240x128xf32, #tpu.memory_space<vmem>>, vector<16xf32>,
        %add3A_968 = arith.addf %add3A_962, %get3A_967 : vector<16xf32>
        %swap3A_969 = arith.index_cast %scan3A_863 : i32 to index
        %swap3A_970 = arith.constant 80 : index
        %swap3A_971 = tpu.vector_load %arg10[%swap3A_969, %swap3A_970] {strides = array<i32>} : memref<80x128xf32, #tpu.memory_space<vmem>>, vector<16xf32>,
        tpu.vector_store %arg10[%swap3A_969, %swap3A_970], %add3A_968 {strides = array<i32>} : memref<80x128xf32, #tpu.memory_space<vmem>>, vector<16xf32>,
        %get3A_972 = arith.index_cast %scan3A_863 : i32 to index
        %get3A_973 = arith.constant 96 : index
        %get3A_974 = tpu.vector_load %arg8[%get3A_972, %get3A_973] {strides = array<i32>} : memref<240x128xf32, #tpu.memory_space<vmem>>, vector<16xf32>,
        %add3A_975 = arith.constant 80 : i32
        %add3A_976 = arith.addi %add3A_975, %scan3A_863 : i32
        %get3A_977 = arith.index_cast %add3A_976 : i32 to index
        %get3A_978 = arith.constant 96 : index
        %get3A_979 = tpu.vector_load %arg8[%get3A_977, %get3A_978] {strides = array<i32>} : memref<240x128xf32, #tpu.memory_space<vmem>>, vector<16xf32>,
        %add3A_980 = arith.addf %get3A_974, %get3A_979 : vector<16xf32>
        %add3A_981 = arith.constant 160 : i32
        %add3A_982 = arith.addi %add3A_981, %scan3A_863 : i32
        %get3A_983 = arith.index_cast %add3A_982 : i32 to index
        %get3A_984 = arith.constant 96 : index
        %get3A_985 = tpu.vector_load %arg8[%get3A_983, %get3A_984] {strides = array<i32>} : memref<240x128xf32, #tpu.memory_space<vmem>>, vector<16xf32>,
        %add3A_986 = arith.addf %add3A_980, %get3A_985 : vector<16xf32>
        %swap3A_987 = arith.index_cast %scan3A_863 : i32 to index
        %swap3A_988 = arith.constant 96 : index
        %swap3A_989 = tpu.vector_load %arg10[%swap3A_987, %swap3A_988] {strides = array<i32>} : memref<80x128xf32, #tpu.memory_space<vmem>>, vector<16xf32>,
        tpu.vector_store %arg10[%swap3A_987, %swap3A_988], %add3A_986 {strides = array<i32>} : memref<80x128xf32, #tpu.memory_space<vmem>>, vector<16xf32>,
        %get3A_990 = arith.index_cast %scan3A_863 : i32 to index
        %get3A_991 = arith.constant 112 : index
        %get3A_992 = tpu.vector_load %arg8[%get3A_990, %get3A_991] {strides = array<i32>} : memref<240x128xf32, #tpu.memory_space<vmem>>, vector<16xf32>,
        %add3A_993 = arith.constant 80 : i32
        %add3A_994 = arith.addi %add3A_993, %scan3A_863 : i32
        %get3A_995 = arith.index_cast %add3A_994 : i32 to index
        %get3A_996 = arith.constant 112 : index
        %get3A_997 = tpu.vector_load %arg8[%get3A_995, %get3A_996] {strides = array<i32>} : memref<240x128xf32, #tpu.memory_space<vmem>>, vector<16xf32>,
        %add3A_998 = arith.addf %get3A_992, %get3A_997 : vector<16xf32>
        %add3A_999 = arith.constant 160 : i32
        %add3A_1000 = arith.addi %add3A_999, %scan3A_863 : i32
        %get3A_1001 = arith.index_cast %add3A_1000 : i32 to index
        %get3A_1002 = arith.constant 112 : index
        %get3A_1003 = tpu.vector_load %arg8[%get3A_1001, %get3A_1002] {strides = array<i32>} : memref<240x128xf32, #tpu.memory_space<vmem>>, vector<16xf32>,
        %add3A_1004 = arith.addf %add3A_998, %get3A_1003 : vector<16xf32>
        %swap3A_1005 = arith.index_cast %scan3A_863 : i32 to index
        %swap3A_1006 = arith.constant 112 : index
        %swap3A_1007 = tpu.vector_load %arg10[%swap3A_1005, %swap3A_1006] {strides = array<i32>} : memref<80x128xf32, #tpu.memory_space<vmem>>, vector<16xf32>,
        tpu.vector_store %arg10[%swap3A_1005, %swap3A_1006], %add3A_1004 {strides = array<i32>} : memref<80x128xf32, #tpu.memory_space<vmem>>, vector<16xf32>,
        %scan3A_1008 = arith.constant 3 : i32
        %scan3A_1009 = arith.addi %scan3A_571, %scan3A_1008 : i32
        %get3A_1010 = arith.index_cast %scan3A_1009 : i32 to index
        %get3A_1011 = arith.constant 0 : index
        %get3A_1012 = tpu.vector_load %arg8[%get3A_1010, %get3A_1011] {strides = array<i32>} : memref<240x128xf32, #tpu.memory_space<vmem>>, vector<16xf32>,
        %add3A_1013 = arith.constant 80 : i32
        %add3A_1014 = arith.addi %add3A_1013, %scan3A_1009 : i32
        %get3A_1015 = arith.index_cast %add3A_1014 : i32 to index
        %get3A_1016 = arith.constant 0 : index
        %get3A_1017 = tpu.vector_load %arg8[%get3A_1015, %get3A_1016] {strides = array<i32>} : memref<240x128xf32, #tpu.memory_space<vmem>>, vector<16xf32>,
        %add3A_1018 = arith.addf %get3A_1012, %get3A_1017 : vector<16xf32>
        %add3A_1019 = arith.constant 160 : i32
        %add3A_1020 = arith.addi %add3A_1019, %scan3A_1009 : i32
        %get3A_1021 = arith.index_cast %add3A_1020 : i32 to index
        %get3A_1022 = arith.constant 0 : index
        %get3A_1023 = tpu.vector_load %arg8[%get3A_1021, %get3A_1022] {strides = array<i32>} : memref<240x128xf32, #tpu.memory_space<vmem>>, vector<16xf32>,
        %add3A_1024 = arith.addf %add3A_1018, %get3A_1023 : vector<16xf32>
        %swap3A_1025 = arith.index_cast %scan3A_1009 : i32 to index
        %swap3A_1026 = arith.constant 0 : index
        %swap3A_1027 = tpu.vector_load %arg10[%swap3A_1025, %swap3A_1026] {strides = array<i32>} : memref<80x128xf32, #tpu.memory_space<vmem>>, vector<16xf32>,
        tpu.vector_store %arg10[%swap3A_1025, %swap3A_1026], %add3A_1024 {strides = array<i32>} : memref<80x128xf32, #tpu.memory_space<vmem>>, vector<16xf32>,
        %get3A_1028 = arith.index_cast %scan3A_1009 : i32 to index
        %get3A_1029 = arith.constant 16 : index
        %get3A_1030 = tpu.vector_load %arg8[%get3A_1028, %get3A_1029] {strides = array<i32>} : memref<240x128xf32, #tpu.memory_space<vmem>>, vector<16xf32>,
        %add3A_1031 = arith.constant 80 : i32
        %add3A_1032 = arith.addi %add3A_1031, %scan3A_1009 : i32
        %get3A_1033 = arith.index_cast %add3A_1032 : i32 to index
        %get3A_1034 = arith.constant 16 : index
        %get3A_1035 = tpu.vector_load %arg8[%get3A_1033, %get3A_1034] {strides = array<i32>} : memref<240x128xf32, #tpu.memory_space<vmem>>, vector<16xf32>,
        %add3A_1036 = arith.addf %get3A_1030, %get3A_1035 : vector<16xf32>
        %add3A_1037 = arith.constant 160 : i32
        %add3A_1038 = arith.addi %add3A_1037, %scan3A_1009 : i32
        %get3A_1039 = arith.index_cast %add3A_1038 : i32 to index
        %get3A_1040 = arith.constant 16 : index
        %get3A_1041 = tpu.vector_load %arg8[%get3A_1039, %get3A_1040] {strides = array<i32>} : memref<240x128xf32, #tpu.memory_space<vmem>>, vector<16xf32>,
        %add3A_1042 = arith.addf %add3A_1036, %get3A_1041 : vector<16xf32>
        %swap3A_1043 = arith.index_cast %scan3A_1009 : i32 to index
        %swap3A_1044 = arith.constant 16 : index
        %swap3A_1045 = tpu.vector_load %arg10[%swap3A_1043, %swap3A_1044] {strides = array<i32>} : memref<80x128xf32, #tpu.memory_space<vmem>>, vector<16xf32>,
        tpu.vector_store %arg10[%swap3A_1043, %swap3A_1044], %add3A_1042 {strides = array<i32>} : memref<80x128xf32, #tpu.memory_space<vmem>>, vector<16xf32>,
        %get3A_1046 = arith.index_cast %scan3A_1009 : i32 to index
        %get3A_1047 = arith.constant 32 : index
        %get3A_1048 = tpu.vector_load %arg8[%get3A_1046, %get3A_1047] {strides = array<i32>} : memref<240x128xf32, #tpu.memory_space<vmem>>, vector<16xf32>,
        %add3A_1049 = arith.constant 80 : i32
        %add3A_1050 = arith.addi %add3A_1049, %scan3A_1009 : i32
        %get3A_1051 = arith.index_cast %add3A_1050 : i32 to index
        %get3A_1052 = arith.constant 32 : index
        %get3A_1053 = tpu.vector_load %arg8[%get3A_1051, %get3A_1052] {strides = array<i32>} : memref<240x128xf32, #tpu.memory_space<vmem>>, vector<16xf32>,
        %add3A_1054 = arith.addf %get3A_1048, %get3A_1053 : vector<16xf32>
        %add3A_1055 = arith.constant 160 : i32
        %add3A_1056 = arith.addi %add3A_1055, %scan3A_1009 : i32
        %get3A_1057 = arith.index_cast %add3A_1056 : i32 to index
        %get3A_1058 = arith.constant 32 : index
        %get3A_1059 = tpu.vector_load %arg8[%get3A_1057, %get3A_1058] {strides = array<i32>} : memref<240x128xf32, #tpu.memory_space<vmem>>, vector<16xf32>,
        %add3A_1060 = arith.addf %add3A_1054, %get3A_1059 : vector<16xf32>
        %swap3A_1061 = arith.index_cast %scan3A_1009 : i32 to index
        %swap3A_1062 = arith.constant 32 : index
        %swap3A_1063 = tpu.vector_load %arg10[%swap3A_1061, %swap3A_1062] {strides = array<i32>} : memref<80x128xf32, #tpu.memory_space<vmem>>, vector<16xf32>,
        tpu.vector_store %arg10[%swap3A_1061, %swap3A_1062], %add3A_1060 {strides = array<i32>} : memref<80x128xf32, #tpu.memory_space<vmem>>, vector<16xf32>,
        %get3A_1064 = arith.index_cast %scan3A_1009 : i32 to index
        %get3A_1065 = arith.constant 48 : index
        %get3A_1066 = tpu.vector_load %arg8[%get3A_1064, %get3A_1065] {strides = array<i32>} : memref<240x128xf32, #tpu.memory_space<vmem>>, vector<16xf32>,
        %add3A_1067 = arith.constant 80 : i32
        %add3A_1068 = arith.addi %add3A_1067, %scan3A_1009 : i32
        %get3A_1069 = arith.index_cast %add3A_1068 : i32 to index
        %get3A_1070 = arith.constant 48 : index
        %get3A_1071 = tpu.vector_load %arg8[%get3A_1069, %get3A_1070] {strides = array<i32>} : memref<240x128xf32, #tpu.memory_space<vmem>>, vector<16xf32>,
        %add3A_1072 = arith.addf %get3A_1066, %get3A_1071 : vector<16xf32>
        %add3A_1073 = arith.constant 160 : i32
        %add3A_1074 = arith.addi %add3A_1073, %scan3A_1009 : i32
        %get3A_1075 = arith.index_cast %add3A_1074 : i32 to index
        %get3A_1076 = arith.constant 48 : index
        %get3A_1077 = tpu.vector_load %arg8[%get3A_1075, %get3A_1076] {strides = array<i32>} : memref<240x128xf32, #tpu.memory_space<vmem>>, vector<16xf32>,
        %add3A_1078 = arith.addf %add3A_1072, %get3A_1077 : vector<16xf32>
        %swap3A_1079 = arith.index_cast %scan3A_1009 : i32 to index
        %swap3A_1080 = arith.constant 48 : index
        %swap3A_1081 = tpu.vector_load %arg10[%swap3A_1079, %swap3A_1080] {strides = array<i32>} : memref<80x128xf32, #tpu.memory_space<vmem>>, vector<16xf32>,
        tpu.vector_store %arg10[%swap3A_1079, %swap3A_1080], %add3A_1078 {strides = array<i32>} : memref<80x128xf32, #tpu.memory_space<vmem>>, vector<16xf32>,
        %get3A_1082 = arith.index_cast %scan3A_1009 : i32 to index
        %get3A_1083 = arith.constant 64 : index
        %get3A_1084 = tpu.vector_load %arg8[%get3A_1082, %get3A_1083] {strides = array<i32>} : memref<240x128xf32, #tpu.memory_space<vmem>>, vector<16xf32>,
        %add3A_1085 = arith.constant 80 : i32
        %add3A_1086 = arith.addi %add3A_1085, %scan3A_1009 : i32
        %get3A_1087 = arith.index_cast %add3A_1086 : i32 to index
        %get3A_1088 = arith.constant 64 : index
        %get3A_1089 = tpu.vector_load %arg8[%get3A_1087, %get3A_1088] {strides = array<i32>} : memref<240x128xf32, #tpu.memory_space<vmem>>, vector<16xf32>,
        %add3A_1090 = arith.addf %get3A_1084, %get3A_1089 : vector<16xf32>
        %add3A_1091 = arith.constant 160 : i32
        %add3A_1092 = arith.addi %add3A_1091, %scan3A_1009 : i32
        %get3A_1093 = arith.index_cast %add3A_1092 : i32 to index
        %get3A_1094 = arith.constant 64 : index
        %get3A_1095 = tpu.vector_load %arg8[%get3A_1093, %get3A_1094] {strides = array<i32>} : memref<240x128xf32, #tpu.memory_space<vmem>>, vector<16xf32>,
        %add3A_1096 = arith.addf %add3A_1090, %get3A_1095 : vector<16xf32>
        %swap3A_1097 = arith.index_cast %scan3A_1009 : i32 to index
        %swap3A_1098 = arith.constant 64 : index
        %swap3A_1099 = tpu.vector_load %arg10[%swap3A_1097, %swap3A_1098] {strides = array<i32>} : memref<80x128xf32, #tpu.memory_space<vmem>>, vector<16xf32>,
        tpu.vector_store %arg10[%swap3A_1097, %swap3A_1098], %add3A_1096 {strides = array<i32>} : memref<80x128xf32, #tpu.memory_space<vmem>>, vector<16xf32>,
        %get3A_1100 = arith.index_cast %scan3A_1009 : i32 to index
        %get3A_1101 = arith.constant 80 : index
        %get3A_1102 = tpu.vector_load %arg8[%get3A_1100, %get3A_1101] {strides = array<i32>} : memref<240x128xf32, #tpu.memory_space<vmem>>, vector<16xf32>,
        %add3A_1103 = arith.constant 80 : i32
        %add3A_1104 = arith.addi %add3A_1103, %scan3A_1009 : i32
        %get3A_1105 = arith.index_cast %add3A_1104 : i32 to index
        %get3A_1106 = arith.constant 80 : index
        %get3A_1107 = tpu.vector_load %arg8[%get3A_1105, %get3A_1106] {strides = array<i32>} : memref<240x128xf32, #tpu.memory_space<vmem>>, vector<16xf32>,
        %add3A_1108 = arith.addf %get3A_1102, %get3A_1107 : vector<16xf32>
        %add3A_1109 = arith.constant 160 : i32
        %add3A_1110 = arith.addi %add3A_1109, %scan3A_1009 : i32
        %get3A_1111 = arith.index_cast %add3A_1110 : i32 to index
        %get3A_1112 = arith.constant 80 : index
        %get3A_1113 = tpu.vector_load %arg8[%get3A_1111, %get3A_1112] {strides = array<i32>} : memref<240x128xf32, #tpu.memory_space<vmem>>, vector<16xf32>,
        %add3A_1114 = arith.addf %add3A_1108, %get3A_1113 : vector<16xf32>
        %swap3A_1115 = arith.index_cast %scan3A_1009 : i32 to index
        %swap3A_1116 = arith.constant 80 : index
        %swap3A_1117 = tpu.vector_load %arg10[%swap3A_1115, %swap3A_1116] {strides = array<i32>} : memref<80x128xf32, #tpu.memory_space<vmem>>, vector<16xf32>,
        tpu.vector_store %arg10[%swap3A_1115, %swap3A_1116], %add3A_1114 {strides = array<i32>} : memref<80x128xf32, #tpu.memory_space<vmem>>, vector<16xf32>,
        %get3A_1118 = arith.index_cast %scan3A_1009 : i32 to index
        %get3A_1119 = arith.constant 96 : index
        %get3A_1120 = tpu.vector_load %arg8[%get3A_1118, %get3A_1119] {strides = array<i32>} : memref<240x128xf32, #tpu.memory_space<vmem>>, vector<16xf32>,
        %add3A_1121 = arith.constant 80 : i32
        %add3A_1122 = arith.addi %add3A_1121, %scan3A_1009 : i32
        %get3A_1123 = arith.index_cast %add3A_1122 : i32 to index
        %get3A_1124 = arith.constant 96 : index
        %get3A_1125 = tpu.vector_load %arg8[%get3A_1123, %get3A_1124] {strides = array<i32>} : memref<240x128xf32, #tpu.memory_space<vmem>>, vector<16xf32>,
        %add3A_1126 = arith.addf %get3A_1120, %get3A_1125 : vector<16xf32>
        %add3A_1127 = arith.constant 160 : i32
        %add3A_1128 = arith.addi %add3A_1127, %scan3A_1009 : i32
        %get3A_1129 = arith.index_cast %add3A_1128 : i32 to index
        %get3A_1130 = arith.constant 96 : index
        %get3A_1131 = tpu.vector_load %arg8[%get3A_1129, %get3A_1130] {strides = array<i32>} : memref<240x128xf32, #tpu.memory_space<vmem>>, vector<16xf32>,
        %add3A_1132 = arith.addf %add3A_1126, %get3A_1131 : vector<16xf32>
        %swap3A_1133 = arith.index_cast %scan3A_1009 : i32 to index
        %swap3A_1134 = arith.constant 96 : index
        %swap3A_1135 = tpu.vector_load %arg10[%swap3A_1133, %swap3A_1134] {strides = array<i32>} : memref<80x128xf32, #tpu.memory_space<vmem>>, vector<16xf32>,
        tpu.vector_store %arg10[%swap3A_1133, %swap3A_1134], %add3A_1132 {strides = array<i32>} : memref<80x128xf32, #tpu.memory_space<vmem>>, vector<16xf32>,
        %get3A_1136 = arith.index_cast %scan3A_1009 : i32 to index
        %get3A_1137 = arith.constant 112 : index
        %get3A_1138 = tpu.vector_load %arg8[%get3A_1136, %get3A_1137] {strides = array<i32>} : memref<240x128xf32, #tpu.memory_space<vmem>>, vector<16xf32>,
        %add3A_1139 = arith.constant 80 : i32
        %add3A_1140 = arith.addi %add3A_1139, %scan3A_1009 : i32
        %get3A_1141 = arith.index_cast %add3A_1140 : i32 to index
        %get3A_1142 = arith.constant 112 : index
        %get3A_1143 = tpu.vector_load %arg8[%get3A_1141, %get3A_1142] {strides = array<i32>} : memref<240x128xf32, #tpu.memory_space<vmem>>, vector<16xf32>,
        %add3A_1144 = arith.addf %get3A_1138, %get3A_1143 : vector<16xf32>
        %add3A_1145 = arith.constant 160 : i32
        %add3A_1146 = arith.addi %add3A_1145, %scan3A_1009 : i32
        %get3A_1147 = arith.index_cast %add3A_1146 : i32 to index
        %get3A_1148 = arith.constant 112 : index
        %get3A_1149 = tpu.vector_load %arg8[%get3A_1147, %get3A_1148] {strides = array<i32>} : memref<240x128xf32, #tpu.memory_space<vmem>>, vector<16xf32>,
        %add3A_1150 = arith.addf %add3A_1144, %get3A_1149 : vector<16xf32>
        %swap3A_1151 = arith.index_cast %scan3A_1009 : i32 to index
        %swap3A_1152 = arith.constant 112 : index
        %swap3A_1153 = tpu.vector_load %arg10[%swap3A_1151, %swap3A_1152] {strides = array<i32>} : memref<80x128xf32, #tpu.memory_space<vmem>>, vector<16xf32>,
        tpu.vector_store %arg10[%swap3A_1151, %swap3A_1152], %add3A_1150 {strides = array<i32>} : memref<80x128xf32, #tpu.memory_space<vmem>>, vector<16xf32>,
      }
      %scan3A_561 = arith.constant 80 : i32
      %add3A_562 = arith.constant 1 : i32
      %add3A_563 = arith.addi %mul3A_197, %add3A_562 : i32
      %mul3A_564 = arith.constant 80 : i32
      %mul3A_565 = arith.muli %add3A_563, %mul3A_564 : i32
      %add3A_566 = arith.addi %mul3A_6, %mul3A_565 : i32
      %dma_start3A_567 = arith.constant 0 : i32
      %dma_start3A_568 = tpu.memref_slice %arg4[%add3A_566, %dma_start3A_567] : memref<100000x128xf32, #tpu.memory_space<hbm>> -> memref<80x128xf32, #tpu.memory_space<hbm>>
      %dma_start3A_569 = arith.constant 0 : i32
      %dma_start3A_570 = tpu.memref_slice %arg4[%add3A_566, %dma_start3A_569] : memref<100000x128xf32, #tpu.memory_space<hbm>> -> memref<80x128xf32, #tpu.memory_space<hbm>>
      tpu.enqueue_dma source(%arg10 : memref<80x128xf32, #tpu.memory_space<vmem>>) target(%dma_start3A_570 : memref<80x128xf32, #tpu.memory_space<hbm>>) target_semaphore(%arg20 : memref<!tpu.dma_semaphore, #tpu.memory_space<semaphore_mem>>)
    }
    %scan3A_154 = arith.constant 19 : i32
    %dma_wait3A = arith.constant 0 : i32
    %dma_wait3A_155 = arith.constant 0 : i32
    %dma_wait3A_156 = tpu.memref_slice %arg2[%dma_wait3A, %dma_wait3A_155] : memref<2432x128xf32, #tpu.memory_space<hbm>> -> memref<240x128xf32, #tpu.memory_space<hbm>>
    %dma_wait3A_157 = arith.constant 0 : i32
    %dma_wait3A_158 = arith.constant 0 : i32
    %dma_wait3A_159 = tpu.memref_slice %arg2[%dma_wait3A_157, %dma_wait3A_158] : memref<2432x128xf32, #tpu.memory_space<hbm>> -> memref<240x128xf32, #tpu.memory_space<hbm>>
    tpu.wait_dma2 semaphore(%arg17 : memref<!tpu.dma_semaphore, #tpu.memory_space<semaphore_mem>>) src(%dma_wait3A_159 : memref<240x128xf32, #tpu.memory_space<hbm>>) dst(%arg7 : memref<240x128xf32, #tpu.memory_space<vmem>>)
    %dma_wait3A_160 = arith.constant 0 : i32
    %dma_wait3A_161 = arith.constant 0 : i32
    %dma_wait3A_162 = tpu.memref_slice %arg4[%dma_wait3A_160, %dma_wait3A_161] : memref<100000x128xf32, #tpu.memory_space<hbm>> -> memref<80x128xf32, #tpu.memory_space<hbm>>
    %dma_wait3A_163 = arith.constant 0 : i32
    %dma_wait3A_164 = arith.constant 0 : i32
    %dma_wait3A_165 = tpu.memref_slice %arg4[%dma_wait3A_163, %dma_wait3A_164] : memref<100000x128xf32, #tpu.memory_space<hbm>> -> memref<80x128xf32, #tpu.memory_space<hbm>>
    tpu.wait_dma2 semaphore(%arg19 : memref<!tpu.dma_semaphore, #tpu.memory_space<semaphore_mem>>) src(%arg9 : memref<80x128xf32, #tpu.memory_space<vmem>>) dst(%dma_wait3A_165 : memref<80x128xf32, #tpu.memory_space<hbm>>)
    %scan3A_166 = arith.constant 0 : i32
    %scan3A_167 = arith.constant 0 : i32
    %scan3A_168 = arith.constant 80 : i32
    %scan3A_169 = arith.addi %scan3A_167, %scan3A_168 : i32
    %scan3A_170 = arith.constant 4 : i32
    scf.for %scan3A_195 = %scan3A_167 to %scan3A_169 step %scan3A_170  : i32 {
      %get3A_196 = arith.index_cast %scan3A_195 : i32 to index
      %get3A_197 = arith.constant 0 : index
      %get3A_198 = tpu.vector_load %arg7[%get3A_196, %get3A_197] {strides = array<i32>} : memref<240x128xf32, #tpu.memory_space<vmem>>, vector<16xf32>,
      %add3A_199 = arith.constant 80 : i32
      %add3A_200 = arith.addi %add3A_199, %scan3A_195 : i32
      %get3A_201 = arith.index_cast %add3A_200 : i32 to index
      %get3A_202 = arith.constant 0 : index
      %get3A_203 = tpu.vector_load %arg7[%get3A_201, %get3A_202] {strides = array<i32>} : memref<240x128xf32, #tpu.memory_space<vmem>>, vector<16xf32>,
      %add3A_204 = arith.addf %get3A_198, %get3A_203 : vector<16xf32>
      %add3A_205 = arith.constant 160 : i32
      %add3A_206 = arith.addi %add3A_205, %scan3A_195 : i32
      %get3A_207 = arith.index_cast %add3A_206 : i32 to index
      %get3A_208 = arith.constant 0 : index
      %get3A_209 = tpu.vector_load %arg7[%get3A_207, %get3A_208] {strides = array<i32>} : memref<240x128xf32, #tpu.memory_space<vmem>>, vector<16xf32>,
      %add3A_210 = arith.addf %add3A_204, %get3A_209 : vector<16xf32>
      %swap3A_211 = arith.index_cast %scan3A_195 : i32 to index
      %swap3A_212 = arith.constant 0 : index
      %swap3A_213 = tpu.vector_load %arg9[%swap3A_211, %swap3A_212] {strides = array<i32>} : memref<80x128xf32, #tpu.memory_space<vmem>>, vector<16xf32>,
      tpu.vector_store %arg9[%swap3A_211, %swap3A_212], %add3A_210 {strides = array<i32>} : memref<80x128xf32, #tpu.memory_space<vmem>>, vector<16xf32>,
      %get3A_214 = arith.index_cast %scan3A_195 : i32 to index
      %get3A_215 = arith.constant 16 : index
      %get3A_216 = tpu.vector_load %arg7[%get3A_214, %get3A_215] {strides = array<i32>} : memref<240x128xf32, #tpu.memory_space<vmem>>, vector<16xf32>,
      %add3A_217 = arith.constant 80 : i32
      %add3A_218 = arith.addi %add3A_217, %scan3A_195 : i32
      %get3A_219 = arith.index_cast %add3A_218 : i32 to index
      %get3A_220 = arith.constant 16 : index
      %get3A_221 = tpu.vector_load %arg7[%get3A_219, %get3A_220] {strides = array<i32>} : memref<240x128xf32, #tpu.memory_space<vmem>>, vector<16xf32>,
      %add3A_222 = arith.addf %get3A_216, %get3A_221 : vector<16xf32>
      %add3A_223 = arith.constant 160 : i32
      %add3A_224 = arith.addi %add3A_223, %scan3A_195 : i32
      %get3A_225 = arith.index_cast %add3A_224 : i32 to index
      %get3A_226 = arith.constant 16 : index
      %get3A_227 = tpu.vector_load %arg7[%get3A_225, %get3A_226] {strides = array<i32>} : memref<240x128xf32, #tpu.memory_space<vmem>>, vector<16xf32>,
      %add3A_228 = arith.addf %add3A_222, %get3A_227 : vector<16xf32>
      %swap3A_229 = arith.index_cast %scan3A_195 : i32 to index
      %swap3A_230 = arith.constant 16 : index
      %swap3A_231 = tpu.vector_load %arg9[%swap3A_229, %swap3A_230] {strides = array<i32>} : memref<80x128xf32, #tpu.memory_space<vmem>>, vector<16xf32>,
      tpu.vector_store %arg9[%swap3A_229, %swap3A_230], %add3A_228 {strides = array<i32>} : memref<80x128xf32, #tpu.memory_space<vmem>>, vector<16xf32>,
      %get3A_232 = arith.index_cast %scan3A_195 : i32 to index
      %get3A_233 = arith.constant 32 : index
      %get3A_234 = tpu.vector_load %arg7[%get3A_232, %get3A_233] {strides = array<i32>} : memref<240x128xf32, #tpu.memory_space<vmem>>, vector<16xf32>,
      %add3A_235 = arith.constant 80 : i32
      %add3A_236 = arith.addi %add3A_235, %scan3A_195 : i32
      %get3A_237 = arith.index_cast %add3A_236 : i32 to index
      %get3A_238 = arith.constant 32 : index
      %get3A_239 = tpu.vector_load %arg7[%get3A_237, %get3A_238] {strides = array<i32>} : memref<240x128xf32, #tpu.memory_space<vmem>>, vector<16xf32>,
      %add3A_240 = arith.addf %get3A_234, %get3A_239 : vector<16xf32>
      %add3A_241 = arith.constant 160 : i32
      %add3A_242 = arith.addi %add3A_241, %scan3A_195 : i32
      %get3A_243 = arith.index_cast %add3A_242 : i32 to index
      %get3A_244 = arith.constant 32 : index
      %get3A_245 = tpu.vector_load %arg7[%get3A_243, %get3A_244] {strides = array<i32>} : memref<240x128xf32, #tpu.memory_space<vmem>>, vector<16xf32>,
      %add3A_246 = arith.addf %add3A_240, %get3A_245 : vector<16xf32>
      %swap3A_247 = arith.index_cast %scan3A_195 : i32 to index
      %swap3A_248 = arith.constant 32 : index
      %swap3A_249 = tpu.vector_load %arg9[%swap3A_247, %swap3A_248] {strides = array<i32>} : memref<80x128xf32, #tpu.memory_space<vmem>>, vector<16xf32>,
      tpu.vector_store %arg9[%swap3A_247, %swap3A_248], %add3A_246 {strides = array<i32>} : memref<80x128xf32, #tpu.memory_space<vmem>>, vector<16xf32>,
      %get3A_250 = arith.index_cast %scan3A_195 : i32 to index
      %get3A_251 = arith.constant 48 : index
      %get3A_252 = tpu.vector_load %arg7[%get3A_250, %get3A_251] {strides = array<i32>} : memref<240x128xf32, #tpu.memory_space<vmem>>, vector<16xf32>,
      %add3A_253 = arith.constant 80 : i32
      %add3A_254 = arith.addi %add3A_253, %scan3A_195 : i32
      %get3A_255 = arith.index_cast %add3A_254 : i32 to index
      %get3A_256 = arith.constant 48 : index
      %get3A_257 = tpu.vector_load %arg7[%get3A_255, %get3A_256] {strides = array<i32>} : memref<240x128xf32, #tpu.memory_space<vmem>>, vector<16xf32>,
      %add3A_258 = arith.addf %get3A_252, %get3A_257 : vector<16xf32>
      %add3A_259 = arith.constant 160 : i32
      %add3A_260 = arith.addi %add3A_259, %scan3A_195 : i32
      %get3A_261 = arith.index_cast %add3A_260 : i32 to index
      %get3A_262 = arith.constant 48 : index
      %get3A_263 = tpu.vector_load %arg7[%get3A_261, %get3A_262] {strides = array<i32>} : memref<240x128xf32, #tpu.memory_space<vmem>>, vector<16xf32>,
      %add3A_264 = arith.addf %add3A_258, %get3A_263 : vector<16xf32>
      %swap3A_265 = arith.index_cast %scan3A_195 : i32 to index
      %swap3A_266 = arith.constant 48 : index
      %swap3A_267 = tpu.vector_load %arg9[%swap3A_265, %swap3A_266] {strides = array<i32>} : memref<80x128xf32, #tpu.memory_space<vmem>>, vector<16xf32>,
      tpu.vector_store %arg9[%swap3A_265, %swap3A_266], %add3A_264 {strides = array<i32>} : memref<80x128xf32, #tpu.memory_space<vmem>>, vector<16xf32>,
      %get3A_268 = arith.index_cast %scan3A_195 : i32 to index
      %get3A_269 = arith.constant 64 : index
      %get3A_270 = tpu.vector_load %arg7[%get3A_268, %get3A_269] {strides = array<i32>} : memref<240x128xf32, #tpu.memory_space<vmem>>, vector<16xf32>,
      %add3A_271 = arith.constant 80 : i32
      %add3A_272 = arith.addi %add3A_271, %scan3A_195 : i32
      %get3A_273 = arith.index_cast %add3A_272 : i32 to index
      %get3A_274 = arith.constant 64 : index
      %get3A_275 = tpu.vector_load %arg7[%get3A_273, %get3A_274] {strides = array<i32>} : memref<240x128xf32, #tpu.memory_space<vmem>>, vector<16xf32>,
      %add3A_276 = arith.addf %get3A_270, %get3A_275 : vector<16xf32>
      %add3A_277 = arith.constant 160 : i32
      %add3A_278 = arith.addi %add3A_277, %scan3A_195 : i32
      %get3A_279 = arith.index_cast %add3A_278 : i32 to index
      %get3A_280 = arith.constant 64 : index
      %get3A_281 = tpu.vector_load %arg7[%get3A_279, %get3A_280] {strides = array<i32>} : memref<240x128xf32, #tpu.memory_space<vmem>>, vector<16xf32>,
      %add3A_282 = arith.addf %add3A_276, %get3A_281 : vector<16xf32>
      %swap3A_283 = arith.index_cast %scan3A_195 : i32 to index
      %swap3A_284 = arith.constant 64 : index
      %swap3A_285 = tpu.vector_load %arg9[%swap3A_283, %swap3A_284] {strides = array<i32>} : memref<80x128xf32, #tpu.memory_space<vmem>>, vector<16xf32>,
      tpu.vector_store %arg9[%swap3A_283, %swap3A_284], %add3A_282 {strides = array<i32>} : memref<80x128xf32, #tpu.memory_space<vmem>>, vector<16xf32>,
      %get3A_286 = arith.index_cast %scan3A_195 : i32 to index
      %get3A_287 = arith.constant 80 : index
      %get3A_288 = tpu.vector_load %arg7[%get3A_286, %get3A_287] {strides = array<i32>} : memref<240x128xf32, #tpu.memory_space<vmem>>, vector<16xf32>,
      %add3A_289 = arith.constant 80 : i32
      %add3A_290 = arith.addi %add3A_289, %scan3A_195 : i32
      %get3A_291 = arith.index_cast %add3A_290 : i32 to index
      %get3A_292 = arith.constant 80 : index
      %get3A_293 = tpu.vector_load %arg7[%get3A_291, %get3A_292] {strides = array<i32>} : memref<240x128xf32, #tpu.memory_space<vmem>>, vector<16xf32>,
      %add3A_294 = arith.addf %get3A_288, %get3A_293 : vector<16xf32>
      %add3A_295 = arith.constant 160 : i32
      %add3A_296 = arith.addi %add3A_295, %scan3A_195 : i32
      %get3A_297 = arith.index_cast %add3A_296 : i32 to index
      %get3A_298 = arith.constant 80 : index
      %get3A_299 = tpu.vector_load %arg7[%get3A_297, %get3A_298] {strides = array<i32>} : memref<240x128xf32, #tpu.memory_space<vmem>>, vector<16xf32>,
      %add3A_300 = arith.addf %add3A_294, %get3A_299 : vector<16xf32>
      %swap3A_301 = arith.index_cast %scan3A_195 : i32 to index
      %swap3A_302 = arith.constant 80 : index
      %swap3A_303 = tpu.vector_load %arg9[%swap3A_301, %swap3A_302] {strides = array<i32>} : memref<80x128xf32, #tpu.memory_space<vmem>>, vector<16xf32>,
      tpu.vector_store %arg9[%swap3A_301, %swap3A_302], %add3A_300 {strides = array<i32>} : memref<80x128xf32, #tpu.memory_space<vmem>>, vector<16xf32>,
      %get3A_304 = arith.index_cast %scan3A_195 : i32 to index
      %get3A_305 = arith.constant 96 : index
      %get3A_306 = tpu.vector_load %arg7[%get3A_304, %get3A_305] {strides = array<i32>} : memref<240x128xf32, #tpu.memory_space<vmem>>, vector<16xf32>,
      %add3A_307 = arith.constant 80 : i32
      %add3A_308 = arith.addi %add3A_307, %scan3A_195 : i32
      %get3A_309 = arith.index_cast %add3A_308 : i32 to index
      %get3A_310 = arith.constant 96 : index
      %get3A_311 = tpu.vector_load %arg7[%get3A_309, %get3A_310] {strides = array<i32>} : memref<240x128xf32, #tpu.memory_space<vmem>>, vector<16xf32>,
      %add3A_312 = arith.addf %get3A_306, %get3A_311 : vector<16xf32>
      %add3A_313 = arith.constant 160 : i32
      %add3A_314 = arith.addi %add3A_313, %scan3A_195 : i32
      %get3A_315 = arith.index_cast %add3A_314 : i32 to index
      %get3A_316 = arith.constant 96 : index
      %get3A_317 = tpu.vector_load %arg7[%get3A_315, %get3A_316] {strides = array<i32>} : memref<240x128xf32, #tpu.memory_space<vmem>>, vector<16xf32>,
      %add3A_318 = arith.addf %add3A_312, %get3A_317 : vector<16xf32>
      %swap3A_319 = arith.index_cast %scan3A_195 : i32 to index
      %swap3A_320 = arith.constant 96 : index
      %swap3A_321 = tpu.vector_load %arg9[%swap3A_319, %swap3A_320] {strides = array<i32>} : memref<80x128xf32, #tpu.memory_space<vmem>>, vector<16xf32>,
      tpu.vector_store %arg9[%swap3A_319, %swap3A_320], %add3A_318 {strides = array<i32>} : memref<80x128xf32, #tpu.memory_space<vmem>>, vector<16xf32>,
      %get3A_322 = arith.index_cast %scan3A_195 : i32 to index
      %get3A_323 = arith.constant 112 : index
      %get3A_324 = tpu.vector_load %arg7[%get3A_322, %get3A_323] {strides = array<i32>} : memref<240x128xf32, #tpu.memory_space<vmem>>, vector<16xf32>,
      %add3A_325 = arith.constant 80 : i32
      %add3A_326 = arith.addi %add3A_325, %scan3A_195 : i32
      %get3A_327 = arith.index_cast %add3A_326 : i32 to index
      %get3A_328 = arith.constant 112 : index
      %get3A_329 = tpu.vector_load %arg7[%get3A_327, %get3A_328] {strides = array<i32>} : memref<240x128xf32, #tpu.memory_space<vmem>>, vector<16xf32>,
      %add3A_330 = arith.addf %get3A_324, %get3A_329 : vector<16xf32>
      %add3A_331 = arith.constant 160 : i32
      %add3A_332 = arith.addi %add3A_331, %scan3A_195 : i32
      %get3A_333 = arith.index_cast %add3A_332 : i32 to index
      %get3A_334 = arith.constant 112 : index
      %get3A_335 = tpu.vector_load %arg7[%get3A_333, %get3A_334] {strides = array<i32>} : memref<240x128xf32, #tpu.memory_space<vmem>>, vector<16xf32>,
      %add3A_336 = arith.addf %add3A_330, %get3A_335 : vector<16xf32>
      %swap3A_337 = arith.index_cast %scan3A_195 : i32 to index
      %swap3A_338 = arith.constant 112 : index
      %swap3A_339 = tpu.vector_load %arg9[%swap3A_337, %swap3A_338] {strides = array<i32>} : memref<80x128xf32, #tpu.memory_space<vmem>>, vector<16xf32>,
      tpu.vector_store %arg9[%swap3A_337, %swap3A_338], %add3A_336 {strides = array<i32>} : memref<80x128xf32, #tpu.memory_space<vmem>>, vector<16xf32>,
      %scan3A_340 = arith.constant 1 : i32
      %scan3A_341 = arith.addi %scan3A_195, %scan3A_340 : i32
      %get3A_342 = arith.index_cast %scan3A_341 : i32 to index
      %get3A_343 = arith.constant 0 : index
      %get3A_344 = tpu.vector_load %arg7[%get3A_342, %get3A_343] {strides = array<i32>} : memref<240x128xf32, #tpu.memory_space<vmem>>, vector<16xf32>,
      %add3A_345 = arith.constant 80 : i32
      %add3A_346 = arith.addi %add3A_345, %scan3A_341 : i32
      %get3A_347 = arith.index_cast %add3A_346 : i32 to index
      %get3A_348 = arith.constant 0 : index
      %get3A_349 = tpu.vector_load %arg7[%get3A_347, %get3A_348] {strides = array<i32>} : memref<240x128xf32, #tpu.memory_space<vmem>>, vector<16xf32>,
      %add3A_350 = arith.addf %get3A_344, %get3A_349 : vector<16xf32>
      %add3A_351 = arith.constant 160 : i32
      %add3A_352 = arith.addi %add3A_351, %scan3A_341 : i32
      %get3A_353 = arith.index_cast %add3A_352 : i32 to index
      %get3A_354 = arith.constant 0 : index
      %get3A_355 = tpu.vector_load %arg7[%get3A_353, %get3A_354] {strides = array<i32>} : memref<240x128xf32, #tpu.memory_space<vmem>>, vector<16xf32>,
      %add3A_356 = arith.addf %add3A_350, %get3A_355 : vector<16xf32>
      %swap3A_357 = arith.index_cast %scan3A_341 : i32 to index
      %swap3A_358 = arith.constant 0 : index
      %swap3A_359 = tpu.vector_load %arg9[%swap3A_357, %swap3A_358] {strides = array<i32>} : memref<80x128xf32, #tpu.memory_space<vmem>>, vector<16xf32>,
      tpu.vector_store %arg9[%swap3A_357, %swap3A_358], %add3A_356 {strides = array<i32>} : memref<80x128xf32, #tpu.memory_space<vmem>>, vector<16xf32>,
      %get3A_360 = arith.index_cast %scan3A_341 : i32 to index
      %get3A_361 = arith.constant 16 : index
      %get3A_362 = tpu.vector_load %arg7[%get3A_360, %get3A_361] {strides = array<i32>} : memref<240x128xf32, #tpu.memory_space<vmem>>, vector<16xf32>,
      %add3A_363 = arith.constant 80 : i32
      %add3A_364 = arith.addi %add3A_363, %scan3A_341 : i32
      %get3A_365 = arith.index_cast %add3A_364 : i32 to index
      %get3A_366 = arith.constant 16 : index
      %get3A_367 = tpu.vector_load %arg7[%get3A_365, %get3A_366] {strides = array<i32>} : memref<240x128xf32, #tpu.memory_space<vmem>>, vector<16xf32>,
      %add3A_368 = arith.addf %get3A_362, %get3A_367 : vector<16xf32>
      %add3A_369 = arith.constant 160 : i32
      %add3A_370 = arith.addi %add3A_369, %scan3A_341 : i32
      %get3A_371 = arith.index_cast %add3A_370 : i32 to index
      %get3A_372 = arith.constant 16 : index
      %get3A_373 = tpu.vector_load %arg7[%get3A_371, %get3A_372] {strides = array<i32>} : memref<240x128xf32, #tpu.memory_space<vmem>>, vector<16xf32>,
      %add3A_374 = arith.addf %add3A_368, %get3A_373 : vector<16xf32>
      %swap3A_375 = arith.index_cast %scan3A_341 : i32 to index
      %swap3A_376 = arith.constant 16 : index
      %swap3A_377 = tpu.vector_load %arg9[%swap3A_375, %swap3A_376] {strides = array<i32>} : memref<80x128xf32, #tpu.memory_space<vmem>>, vector<16xf32>,
      tpu.vector_store %arg9[%swap3A_375, %swap3A_376], %add3A_374 {strides = array<i32>} : memref<80x128xf32, #tpu.memory_space<vmem>>, vector<16xf32>,
      %get3A_378 = arith.index_cast %scan3A_341 : i32 to index
      %get3A_379 = arith.constant 32 : index
      %get3A_380 = tpu.vector_load %arg7[%get3A_378, %get3A_379] {strides = array<i32>} : memref<240x128xf32, #tpu.memory_space<vmem>>, vector<16xf32>,
      %add3A_381 = arith.constant 80 : i32
      %add3A_382 = arith.addi %add3A_381, %scan3A_341 : i32
      %get3A_383 = arith.index_cast %add3A_382 : i32 to index
      %get3A_384 = arith.constant 32 : index
      %get3A_385 = tpu.vector_load %arg7[%get3A_383, %get3A_384] {strides = array<i32>} : memref<240x128xf32, #tpu.memory_space<vmem>>, vector<16xf32>,
      %add3A_386 = arith.addf %get3A_380, %get3A_385 : vector<16xf32>
      %add3A_387 = arith.constant 160 : i32
      %add3A_388 = arith.addi %add3A_387, %scan3A_341 : i32
      %get3A_389 = arith.index_cast %add3A_388 : i32 to index
      %get3A_390 = arith.constant 32 : index
      %get3A_391 = tpu.vector_load %arg7[%get3A_389, %get3A_390] {strides = array<i32>} : memref<240x128xf32, #tpu.memory_space<vmem>>, vector<16xf32>,
      %add3A_392 = arith.addf %add3A_386, %get3A_391 : vector<16xf32>
      %swap3A_393 = arith.index_cast %scan3A_341 : i32 to index
      %swap3A_394 = arith.constant 32 : index
      %swap3A_395 = tpu.vector_load %arg9[%swap3A_393, %swap3A_394] {strides = array<i32>} : memref<80x128xf32, #tpu.memory_space<vmem>>, vector<16xf32>,
      tpu.vector_store %arg9[%swap3A_393, %swap3A_394], %add3A_392 {strides = array<i32>} : memref<80x128xf32, #tpu.memory_space<vmem>>, vector<16xf32>,
      %get3A_396 = arith.index_cast %scan3A_341 : i32 to index
      %get3A_397 = arith.constant 48 : index
      %get3A_398 = tpu.vector_load %arg7[%get3A_396, %get3A_397] {strides = array<i32>} : memref<240x128xf32, #tpu.memory_space<vmem>>, vector<16xf32>,
      %add3A_399 = arith.constant 80 : i32
      %add3A_400 = arith.addi %add3A_399, %scan3A_341 : i32
      %get3A_401 = arith.index_cast %add3A_400 : i32 to index
      %get3A_402 = arith.constant 48 : index
      %get3A_403 = tpu.vector_load %arg7[%get3A_401, %get3A_402] {strides = array<i32>} : memref<240x128xf32, #tpu.memory_space<vmem>>, vector<16xf32>,
      %add3A_404 = arith.addf %get3A_398, %get3A_403 : vector<16xf32>
      %add3A_405 = arith.constant 160 : i32
      %add3A_406 = arith.addi %add3A_405, %scan3A_341 : i32
      %get3A_407 = arith.index_cast %add3A_406 : i32 to index
      %get3A_408 = arith.constant 48 : index
      %get3A_409 = tpu.vector_load %arg7[%get3A_407, %get3A_408] {strides = array<i32>} : memref<240x128xf32, #tpu.memory_space<vmem>>, vector<16xf32>,
      %add3A_410 = arith.addf %add3A_404, %get3A_409 : vector<16xf32>
      %swap3A_411 = arith.index_cast %scan3A_341 : i32 to index
      %swap3A_412 = arith.constant 48 : index
      %swap3A_413 = tpu.vector_load %arg9[%swap3A_411, %swap3A_412] {strides = array<i32>} : memref<80x128xf32, #tpu.memory_space<vmem>>, vector<16xf32>,
      tpu.vector_store %arg9[%swap3A_411, %swap3A_412], %add3A_410 {strides = array<i32>} : memref<80x128xf32, #tpu.memory_space<vmem>>, vector<16xf32>,
      %get3A_414 = arith.index_cast %scan3A_341 : i32 to index
      %get3A_415 = arith.constant 64 : index
      %get3A_416 = tpu.vector_load %arg7[%get3A_414, %get3A_415] {strides = array<i32>} : memref<240x128xf32, #tpu.memory_space<vmem>>, vector<16xf32>,
      %add3A_417 = arith.constant 80 : i32
      %add3A_418 = arith.addi %add3A_417, %scan3A_341 : i32
      %get3A_419 = arith.index_cast %add3A_418 : i32 to index
      %get3A_420 = arith.constant 64 : index
      %get3A_421 = tpu.vector_load %arg7[%get3A_419, %get3A_420] {strides = array<i32>} : memref<240x128xf32, #tpu.memory_space<vmem>>, vector<16xf32>,
      %add3A_422 = arith.addf %get3A_416, %get3A_421 : vector<16xf32>
      %add3A_423 = arith.constant 160 : i32
      %add3A_424 = arith.addi %add3A_423, %scan3A_341 : i32
      %get3A_425 = arith.index_cast %add3A_424 : i32 to index
      %get3A_426 = arith.constant 64 : index
      %get3A_427 = tpu.vector_load %arg7[%get3A_425, %get3A_426] {strides = array<i32>} : memref<240x128xf32, #tpu.memory_space<vmem>>, vector<16xf32>,
      %add3A_428 = arith.addf %add3A_422, %get3A_427 : vector<16xf32>
      %swap3A_429 = arith.index_cast %scan3A_341 : i32 to index
      %swap3A_430 = arith.constant 64 : index
      %swap3A_431 = tpu.vector_load %arg9[%swap3A_429, %swap3A_430] {strides = array<i32>} : memref<80x128xf32, #tpu.memory_space<vmem>>, vector<16xf32>,
      tpu.vector_store %arg9[%swap3A_429, %swap3A_430], %add3A_428 {strides = array<i32>} : memref<80x128xf32, #tpu.memory_space<vmem>>, vector<16xf32>,
      %get3A_432 = arith.index_cast %scan3A_341 : i32 to index
      %get3A_433 = arith.constant 80 : index
      %get3A_434 = tpu.vector_load %arg7[%get3A_432, %get3A_433] {strides = array<i32>} : memref<240x128xf32, #tpu.memory_space<vmem>>, vector<16xf32>,
      %add3A_435 = arith.constant 80 : i32
      %add3A_436 = arith.addi %add3A_435, %scan3A_341 : i32
      %get3A_437 = arith.index_cast %add3A_436 : i32 to index
      %get3A_438 = arith.constant 80 : index
      %get3A_439 = tpu.vector_load %arg7[%get3A_437, %get3A_438] {strides = array<i32>} : memref<240x128xf32, #tpu.memory_space<vmem>>, vector<16xf32>,
      %add3A_440 = arith.addf %get3A_434, %get3A_439 : vector<16xf32>
      %add3A_441 = arith.constant 160 : i32
      %add3A_442 = arith.addi %add3A_441, %scan3A_341 : i32
      %get3A_443 = arith.index_cast %add3A_442 : i32 to index
      %get3A_444 = arith.constant 80 : index
      %get3A_445 = tpu.vector_load %arg7[%get3A_443, %get3A_444] {strides = array<i32>} : memref<240x128xf32, #tpu.memory_space<vmem>>, vector<16xf32>,
      %add3A_446 = arith.addf %add3A_440, %get3A_445 : vector<16xf32>
      %swap3A_447 = arith.index_cast %scan3A_341 : i32 to index
      %swap3A_448 = arith.constant 80 : index
      %swap3A_449 = tpu.vector_load %arg9[%swap3A_447, %swap3A_448] {strides = array<i32>} : memref<80x128xf32, #tpu.memory_space<vmem>>, vector<16xf32>,
      tpu.vector_store %arg9[%swap3A_447, %swap3A_448], %add3A_446 {strides = array<i32>} : memref<80x128xf32, #tpu.memory_space<vmem>>, vector<16xf32>,
      %get3A_450 = arith.index_cast %scan3A_341 : i32 to index
      %get3A_451 = arith.constant 96 : index
      %get3A_452 = tpu.vector_load %arg7[%get3A_450, %get3A_451] {strides = array<i32>} : memref<240x128xf32, #tpu.memory_space<vmem>>, vector<16xf32>,
      %add3A_453 = arith.constant 80 : i32
      %add3A_454 = arith.addi %add3A_453, %scan3A_341 : i32
      %get3A_455 = arith.index_cast %add3A_454 : i32 to index
      %get3A_456 = arith.constant 96 : index
      %get3A_457 = tpu.vector_load %arg7[%get3A_455, %get3A_456] {strides = array<i32>} : memref<240x128xf32, #tpu.memory_space<vmem>>, vector<16xf32>,
      %add3A_458 = arith.addf %get3A_452, %get3A_457 : vector<16xf32>
      %add3A_459 = arith.constant 160 : i32
      %add3A_460 = arith.addi %add3A_459, %scan3A_341 : i32
      %get3A_461 = arith.index_cast %add3A_460 : i32 to index
      %get3A_462 = arith.constant 96 : index
      %get3A_463 = tpu.vector_load %arg7[%get3A_461, %get3A_462] {strides = array<i32>} : memref<240x128xf32, #tpu.memory_space<vmem>>, vector<16xf32>,
      %add3A_464 = arith.addf %add3A_458, %get3A_463 : vector<16xf32>
      %swap3A_465 = arith.index_cast %scan3A_341 : i32 to index
      %swap3A_466 = arith.constant 96 : index
      %swap3A_467 = tpu.vector_load %arg9[%swap3A_465, %swap3A_466] {strides = array<i32>} : memref<80x128xf32, #tpu.memory_space<vmem>>, vector<16xf32>,
      tpu.vector_store %arg9[%swap3A_465, %swap3A_466], %add3A_464 {strides = array<i32>} : memref<80x128xf32, #tpu.memory_space<vmem>>, vector<16xf32>,
      %get3A_468 = arith.index_cast %scan3A_341 : i32 to index
      %get3A_469 = arith.constant 112 : index
      %get3A_470 = tpu.vector_load %arg7[%get3A_468, %get3A_469] {strides = array<i32>} : memref<240x128xf32, #tpu.memory_space<vmem>>, vector<16xf32>,
      %add3A_471 = arith.constant 80 : i32
      %add3A_472 = arith.addi %add3A_471, %scan3A_341 : i32
      %get3A_473 = arith.index_cast %add3A_472 : i32 to index
      %get3A_474 = arith.constant 112 : index
      %get3A_475 = tpu.vector_load %arg7[%get3A_473, %get3A_474] {strides = array<i32>} : memref<240x128xf32, #tpu.memory_space<vmem>>, vector<16xf32>,
      %add3A_476 = arith.addf %get3A_470, %get3A_475 : vector<16xf32>
      %add3A_477 = arith.constant 160 : i32
      %add3A_478 = arith.addi %add3A_477, %scan3A_341 : i32
      %get3A_479 = arith.index_cast %add3A_478 : i32 to index
      %get3A_480 = arith.constant 112 : index
      %get3A_481 = tpu.vector_load %arg7[%get3A_479, %get3A_480] {strides = array<i32>} : memref<240x128xf32, #tpu.memory_space<vmem>>, vector<16xf32>,
      %add3A_482 = arith.addf %add3A_476, %get3A_481 : vector<16xf32>
      %swap3A_483 = arith.index_cast %scan3A_341 : i32 to index
      %swap3A_484 = arith.constant 112 : index
      %swap3A_485 = tpu.vector_load %arg9[%swap3A_483, %swap3A_484] {strides = array<i32>} : memref<80x128xf32, #tpu.memory_space<vmem>>, vector<16xf32>,
      tpu.vector_store %arg9[%swap3A_483, %swap3A_484], %add3A_482 {strides = array<i32>} : memref<80x128xf32, #tpu.memory_space<vmem>>, vector<16xf32>,
      %scan3A_486 = arith.constant 2 : i32
      %scan3A_487 = arith.addi %scan3A_195, %scan3A_486 : i32
      %get3A_488 = arith.index_cast %scan3A_487 : i32 to index
      %get3A_489 = arith.constant 0 : index
      %get3A_490 = tpu.vector_load %arg7[%get3A_488, %get3A_489] {strides = array<i32>} : memref<240x128xf32, #tpu.memory_space<vmem>>, vector<16xf32>,
      %add3A_491 = arith.constant 80 : i32
      %add3A_492 = arith.addi %add3A_491, %scan3A_487 : i32
      %get3A_493 = arith.index_cast %add3A_492 : i32 to index
      %get3A_494 = arith.constant 0 : index
      %get3A_495 = tpu.vector_load %arg7[%get3A_493, %get3A_494] {strides = array<i32>} : memref<240x128xf32, #tpu.memory_space<vmem>>, vector<16xf32>,
      %add3A_496 = arith.addf %get3A_490, %get3A_495 : vector<16xf32>
      %add3A_497 = arith.constant 160 : i32
      %add3A_498 = arith.addi %add3A_497, %scan3A_487 : i32
      %get3A_499 = arith.index_cast %add3A_498 : i32 to index
      %get3A_500 = arith.constant 0 : index
      %get3A_501 = tpu.vector_load %arg7[%get3A_499, %get3A_500] {strides = array<i32>} : memref<240x128xf32, #tpu.memory_space<vmem>>, vector<16xf32>,
      %add3A_502 = arith.addf %add3A_496, %get3A_501 : vector<16xf32>
      %swap3A_503 = arith.index_cast %scan3A_487 : i32 to index
      %swap3A_504 = arith.constant 0 : index
      %swap3A_505 = tpu.vector_load %arg9[%swap3A_503, %swap3A_504] {strides = array<i32>} : memref<80x128xf32, #tpu.memory_space<vmem>>, vector<16xf32>,
      tpu.vector_store %arg9[%swap3A_503, %swap3A_504], %add3A_502 {strides = array<i32>} : memref<80x128xf32, #tpu.memory_space<vmem>>, vector<16xf32>,
      %get3A_506 = arith.index_cast %scan3A_487 : i32 to index
      %get3A_507 = arith.constant 16 : index
      %get3A_508 = tpu.vector_load %arg7[%get3A_506, %get3A_507] {strides = array<i32>} : memref<240x128xf32, #tpu.memory_space<vmem>>, vector<16xf32>,
      %add3A_509 = arith.constant 80 : i32
      %add3A_510 = arith.addi %add3A_509, %scan3A_487 : i32
      %get3A_511 = arith.index_cast %add3A_510 : i32 to index
      %get3A_512 = arith.constant 16 : index
      %get3A_513 = tpu.vector_load %arg7[%get3A_511, %get3A_512] {strides = array<i32>} : memref<240x128xf32, #tpu.memory_space<vmem>>, vector<16xf32>,
      %add3A_514 = arith.addf %get3A_508, %get3A_513 : vector<16xf32>
      %add3A_515 = arith.constant 160 : i32
      %add3A_516 = arith.addi %add3A_515, %scan3A_487 : i32
      %get3A_517 = arith.index_cast %add3A_516 : i32 to index
      %get3A_518 = arith.constant 16 : index
      %get3A_519 = tpu.vector_load %arg7[%get3A_517, %get3A_518] {strides = array<i32>} : memref<240x128xf32, #tpu.memory_space<vmem>>, vector<16xf32>,
      %add3A_520 = arith.addf %add3A_514, %get3A_519 : vector<16xf32>
      %swap3A_521 = arith.index_cast %scan3A_487 : i32 to index
      %swap3A_522 = arith.constant 16 : index
      %swap3A_523 = tpu.vector_load %arg9[%swap3A_521, %swap3A_522] {strides = array<i32>} : memref<80x128xf32, #tpu.memory_space<vmem>>, vector<16xf32>,
      tpu.vector_store %arg9[%swap3A_521, %swap3A_522], %add3A_520 {strides = array<i32>} : memref<80x128xf32, #tpu.memory_space<vmem>>, vector<16xf32>,
      %get3A_524 = arith.index_cast %scan3A_487 : i32 to index
      %get3A_525 = arith.constant 32 : index
      %get3A_526 = tpu.vector_load %arg7[%get3A_524, %get3A_525] {strides = array<i32>} : memref<240x128xf32, #tpu.memory_space<vmem>>, vector<16xf32>,
      %add3A_527 = arith.constant 80 : i32
      %add3A_528 = arith.addi %add3A_527, %scan3A_487 : i32
      %get3A_529 = arith.index_cast %add3A_528 : i32 to index
      %get3A_530 = arith.constant 32 : index
      %get3A_531 = tpu.vector_load %arg7[%get3A_529, %get3A_530] {strides = array<i32>} : memref<240x128xf32, #tpu.memory_space<vmem>>, vector<16xf32>,
      %add3A_532 = arith.addf %get3A_526, %get3A_531 : vector<16xf32>
      %add3A_533 = arith.constant 160 : i32
      %add3A_534 = arith.addi %add3A_533, %scan3A_487 : i32
      %get3A_535 = arith.index_cast %add3A_534 : i32 to index
      %get3A_536 = arith.constant 32 : index
      %get3A_537 = tpu.vector_load %arg7[%get3A_535, %get3A_536] {strides = array<i32>} : memref<240x128xf32, #tpu.memory_space<vmem>>, vector<16xf32>,
      %add3A_538 = arith.addf %add3A_532, %get3A_537 : vector<16xf32>
      %swap3A_539 = arith.index_cast %scan3A_487 : i32 to index
      %swap3A_540 = arith.constant 32 : index
      %swap3A_541 = tpu.vector_load %arg9[%swap3A_539, %swap3A_540] {strides = array<i32>} : memref<80x128xf32, #tpu.memory_space<vmem>>, vector<16xf32>,
      tpu.vector_store %arg9[%swap3A_539, %swap3A_540], %add3A_538 {strides = array<i32>} : memref<80x128xf32, #tpu.memory_space<vmem>>, vector<16xf32>,
      %get3A_542 = arith.index_cast %scan3A_487 : i32 to index
      %get3A_543 = arith.constant 48 : index
      %get3A_544 = tpu.vector_load %arg7[%get3A_542, %get3A_543] {strides = array<i32>} : memref<240x128xf32, #tpu.memory_space<vmem>>, vector<16xf32>,
      %add3A_545 = arith.constant 80 : i32
      %add3A_546 = arith.addi %add3A_545, %scan3A_487 : i32
      %get3A_547 = arith.index_cast %add3A_546 : i32 to index
      %get3A_548 = arith.constant 48 : index
      %get3A_549 = tpu.vector_load %arg7[%get3A_547, %get3A_548] {strides = array<i32>} : memref<240x128xf32, #tpu.memory_space<vmem>>, vector<16xf32>,
      %add3A_550 = arith.addf %get3A_544, %get3A_549 : vector<16xf32>
      %add3A_551 = arith.constant 160 : i32
      %add3A_552 = arith.addi %add3A_551, %scan3A_487 : i32
      %get3A_553 = arith.index_cast %add3A_552 : i32 to index
      %get3A_554 = arith.constant 48 : index
      %get3A_555 = tpu.vector_load %arg7[%get3A_553, %get3A_554] {strides = array<i32>} : memref<240x128xf32, #tpu.memory_space<vmem>>, vector<16xf32>,
      %add3A_556 = arith.addf %add3A_550, %get3A_555 : vector<16xf32>
      %swap3A_557 = arith.index_cast %scan3A_487 : i32 to index
      %swap3A_558 = arith.constant 48 : index
      %swap3A_559 = tpu.vector_load %arg9[%swap3A_557, %swap3A_558] {strides = array<i32>} : memref<80x128xf32, #tpu.memory_space<vmem>>, vector<16xf32>,
      tpu.vector_store %arg9[%swap3A_557, %swap3A_558], %add3A_556 {strides = array<i32>} : memref<80x128xf32, #tpu.memory_space<vmem>>, vector<16xf32>,
      %get3A_560 = arith.index_cast %scan3A_487 : i32 to index
      %get3A_561 = arith.constant 64 : index
      %get3A_562 = tpu.vector_load %arg7[%get3A_560, %get3A_561] {strides = array<i32>} : memref<240x128xf32, #tpu.memory_space<vmem>>, vector<16xf32>,
      %add3A_563 = arith.constant 80 : i32
      %add3A_564 = arith.addi %add3A_563, %scan3A_487 : i32
      %get3A_565 = arith.index_cast %add3A_564 : i32 to index
      %get3A_566 = arith.constant 64 : index
      %get3A_567 = tpu.vector_load %arg7[%get3A_565, %get3A_566] {strides = array<i32>} : memref<240x128xf32, #tpu.memory_space<vmem>>, vector<16xf32>,
      %add3A_568 = arith.addf %get3A_562, %get3A_567 : vector<16xf32>
      %add3A_569 = arith.constant 160 : i32
      %add3A_570 = arith.addi %add3A_569, %scan3A_487 : i32
      %get3A_571 = arith.index_cast %add3A_570 : i32 to index
      %get3A_572 = arith.constant 64 : index
      %get3A_573 = tpu.vector_load %arg7[%get3A_571, %get3A_572] {strides = array<i32>} : memref<240x128xf32, #tpu.memory_space<vmem>>, vector<16xf32>,
      %add3A_574 = arith.addf %add3A_568, %get3A_573 : vector<16xf32>
      %swap3A_575 = arith.index_cast %scan3A_487 : i32 to index
      %swap3A_576 = arith.constant 64 : index
      %swap3A_577 = tpu.vector_load %arg9[%swap3A_575, %swap3A_576] {strides = array<i32>} : memref<80x128xf32, #tpu.memory_space<vmem>>, vector<16xf32>,
      tpu.vector_store %arg9[%swap3A_575, %swap3A_576], %add3A_574 {strides = array<i32>} : memref<80x128xf32, #tpu.memory_space<vmem>>, vector<16xf32>,
      %get3A_578 = arith.index_cast %scan3A_487 : i32 to index
      %get3A_579 = arith.constant 80 : index
      %get3A_580 = tpu.vector_load %arg7[%get3A_578, %get3A_579] {strides = array<i32>} : memref<240x128xf32, #tpu.memory_space<vmem>>, vector<16xf32>,
      %add3A_581 = arith.constant 80 : i32
      %add3A_582 = arith.addi %add3A_581, %scan3A_487 : i32
      %get3A_583 = arith.index_cast %add3A_582 : i32 to index
      %get3A_584 = arith.constant 80 : index
      %get3A_585 = tpu.vector_load %arg7[%get3A_583, %get3A_584] {strides = array<i32>} : memref<240x128xf32, #tpu.memory_space<vmem>>, vector<16xf32>,
      %add3A_586 = arith.addf %get3A_580, %get3A_585 : vector<16xf32>
      %add3A_587 = arith.constant 160 : i32
      %add3A_588 = arith.addi %add3A_587, %scan3A_487 : i32
      %get3A_589 = arith.index_cast %add3A_588 : i32 to index
      %get3A_590 = arith.constant 80 : index
      %get3A_591 = tpu.vector_load %arg7[%get3A_589, %get3A_590] {strides = array<i32>} : memref<240x128xf32, #tpu.memory_space<vmem>>, vector<16xf32>,
      %add3A_592 = arith.addf %add3A_586, %get3A_591 : vector<16xf32>
      %swap3A_593 = arith.index_cast %scan3A_487 : i32 to index
      %swap3A_594 = arith.constant 80 : index
      %swap3A_595 = tpu.vector_load %arg9[%swap3A_593, %swap3A_594] {strides = array<i32>} : memref<80x128xf32, #tpu.memory_space<vmem>>, vector<16xf32>,
      tpu.vector_store %arg9[%swap3A_593, %swap3A_594], %add3A_592 {strides = array<i32>} : memref<80x128xf32, #tpu.memory_space<vmem>>, vector<16xf32>,
      %get3A_596 = arith.index_cast %scan3A_487 : i32 to index
      %get3A_597 = arith.constant 96 : index
      %get3A_598 = tpu.vector_load %arg7[%get3A_596, %get3A_597] {strides = array<i32>} : memref<240x128xf32, #tpu.memory_space<vmem>>, vector<16xf32>,
      %add3A_599 = arith.constant 80 : i32
      %add3A_600 = arith.addi %add3A_599, %scan3A_487 : i32
      %get3A_601 = arith.index_cast %add3A_600 : i32 to index
      %get3A_602 = arith.constant 96 : index
      %get3A_603 = tpu.vector_load %arg7[%get3A_601, %get3A_602] {strides = array<i32>} : memref<240x128xf32, #tpu.memory_space<vmem>>, vector<16xf32>,
      %add3A_604 = arith.addf %get3A_598, %get3A_603 : vector<16xf32>
      %add3A_605 = arith.constant 160 : i32
      %add3A_606 = arith.addi %add3A_605, %scan3A_487 : i32
      %get3A_607 = arith.index_cast %add3A_606 : i32 to index
      %get3A_608 = arith.constant 96 : index
      %get3A_609 = tpu.vector_load %arg7[%get3A_607, %get3A_608] {strides = array<i32>} : memref<240x128xf32, #tpu.memory_space<vmem>>, vector<16xf32>,
      %add3A_610 = arith.addf %add3A_604, %get3A_609 : vector<16xf32>
      %swap3A_611 = arith.index_cast %scan3A_487 : i32 to index
      %swap3A_612 = arith.constant 96 : index
      %swap3A_613 = tpu.vector_load %arg9[%swap3A_611, %swap3A_612] {strides = array<i32>} : memref<80x128xf32, #tpu.memory_space<vmem>>, vector<16xf32>,
      tpu.vector_store %arg9[%swap3A_611, %swap3A_612], %add3A_610 {strides = array<i32>} : memref<80x128xf32, #tpu.memory_space<vmem>>, vector<16xf32>,
      %get3A_614 = arith.index_cast %scan3A_487 : i32 to index
      %get3A_615 = arith.constant 112 : index
      %get3A_616 = tpu.vector_load %arg7[%get3A_614, %get3A_615] {strides = array<i32>} : memref<240x128xf32, #tpu.memory_space<vmem>>, vector<16xf32>,
      %add3A_617 = arith.constant 80 : i32
      %add3A_618 = arith.addi %add3A_617, %scan3A_487 : i32
      %get3A_619 = arith.index_cast %add3A_618 : i32 to index
      %get3A_620 = arith.constant 112 : index
      %get3A_621 = tpu.vector_load %arg7[%get3A_619, %get3A_620] {strides = array<i32>} : memref<240x128xf32, #tpu.memory_space<vmem>>, vector<16xf32>,
      %add3A_622 = arith.addf %get3A_616, %get3A_621 : vector<16xf32>
      %add3A_623 = arith.constant 160 : i32
      %add3A_624 = arith.addi %add3A_623, %scan3A_487 : i32
      %get3A_625 = arith.index_cast %add3A_624 : i32 to index
      %get3A_626 = arith.constant 112 : index
      %get3A_627 = tpu.vector_load %arg7[%get3A_625, %get3A_626] {strides = array<i32>} : memref<240x128xf32, #tpu.memory_space<vmem>>, vector<16xf32>,
      %add3A_628 = arith.addf %add3A_622, %get3A_627 : vector<16xf32>
      %swap3A_629 = arith.index_cast %scan3A_487 : i32 to index
      %swap3A_630 = arith.constant 112 : index
      %swap3A_631 = tpu.vector_load %arg9[%swap3A_629, %swap3A_630] {strides = array<i32>} : memref<80x128xf32, #tpu.memory_space<vmem>>, vector<16xf32>,
      tpu.vector_store %arg9[%swap3A_629, %swap3A_630], %add3A_628 {strides = array<i32>} : memref<80x128xf32, #tpu.memory_space<vmem>>, vector<16xf32>,
      %scan3A_632 = arith.constant 3 : i32
      %scan3A_633 = arith.addi %scan3A_195, %scan3A_632 : i32
      %get3A_634 = arith.index_cast %scan3A_633 : i32 to index
      %get3A_635 = arith.constant 0 : index
      %get3A_636 = tpu.vector_load %arg7[%get3A_634, %get3A_635] {strides = array<i32>} : memref<240x128xf32, #tpu.memory_space<vmem>>, vector<16xf32>,
      %add3A_637 = arith.constant 80 : i32
      %add3A_638 = arith.addi %add3A_637, %scan3A_633 : i32
      %get3A_639 = arith.index_cast %add3A_638 : i32 to index
      %get3A_640 = arith.constant 0 : index
      %get3A_641 = tpu.vector_load %arg7[%get3A_639, %get3A_640] {strides = array<i32>} : memref<240x128xf32, #tpu.memory_space<vmem>>, vector<16xf32>,
      %add3A_642 = arith.addf %get3A_636, %get3A_641 : vector<16xf32>
      %add3A_643 = arith.constant 160 : i32
      %add3A_644 = arith.addi %add3A_643, %scan3A_633 : i32
      %get3A_645 = arith.index_cast %add3A_644 : i32 to index
      %get3A_646 = arith.constant 0 : index
      %get3A_647 = tpu.vector_load %arg7[%get3A_645, %get3A_646] {strides = array<i32>} : memref<240x128xf32, #tpu.memory_space<vmem>>, vector<16xf32>,
      %add3A_648 = arith.addf %add3A_642, %get3A_647 : vector<16xf32>
      %swap3A_649 = arith.index_cast %scan3A_633 : i32 to index
      %swap3A_650 = arith.constant 0 : index
      %swap3A_651 = tpu.vector_load %arg9[%swap3A_649, %swap3A_650] {strides = array<i32>} : memref<80x128xf32, #tpu.memory_space<vmem>>, vector<16xf32>,
      tpu.vector_store %arg9[%swap3A_649, %swap3A_650], %add3A_648 {strides = array<i32>} : memref<80x128xf32, #tpu.memory_space<vmem>>, vector<16xf32>,
      %get3A_652 = arith.index_cast %scan3A_633 : i32 to index
      %get3A_653 = arith.constant 16 : index
      %get3A_654 = tpu.vector_load %arg7[%get3A_652, %get3A_653] {strides = array<i32>} : memref<240x128xf32, #tpu.memory_space<vmem>>, vector<16xf32>,
      %add3A_655 = arith.constant 80 : i32
      %add3A_656 = arith.addi %add3A_655, %scan3A_633 : i32
      %get3A_657 = arith.index_cast %add3A_656 : i32 to index
      %get3A_658 = arith.constant 16 : index
      %get3A_659 = tpu.vector_load %arg7[%get3A_657, %get3A_658] {strides = array<i32>} : memref<240x128xf32, #tpu.memory_space<vmem>>, vector<16xf32>,
      %add3A_660 = arith.addf %get3A_654, %get3A_659 : vector<16xf32>
      %add3A_661 = arith.constant 160 : i32
      %add3A_662 = arith.addi %add3A_661, %scan3A_633 : i32
      %get3A_663 = arith.index_cast %add3A_662 : i32 to index
      %get3A_664 = arith.constant 16 : index
      %get3A_665 = tpu.vector_load %arg7[%get3A_663, %get3A_664] {strides = array<i32>} : memref<240x128xf32, #tpu.memory_space<vmem>>, vector<16xf32>,
      %add3A_666 = arith.addf %add3A_660, %get3A_665 : vector<16xf32>
      %swap3A_667 = arith.index_cast %scan3A_633 : i32 to index
      %swap3A_668 = arith.constant 16 : index
      %swap3A_669 = tpu.vector_load %arg9[%swap3A_667, %swap3A_668] {strides = array<i32>} : memref<80x128xf32, #tpu.memory_space<vmem>>, vector<16xf32>,
      tpu.vector_store %arg9[%swap3A_667, %swap3A_668], %add3A_666 {strides = array<i32>} : memref<80x128xf32, #tpu.memory_space<vmem>>, vector<16xf32>,
      %get3A_670 = arith.index_cast %scan3A_633 : i32 to index
      %get3A_671 = arith.constant 32 : index
      %get3A_672 = tpu.vector_load %arg7[%get3A_670, %get3A_671] {strides = array<i32>} : memref<240x128xf32, #tpu.memory_space<vmem>>, vector<16xf32>,
      %add3A_673 = arith.constant 80 : i32
      %add3A_674 = arith.addi %add3A_673, %scan3A_633 : i32
      %get3A_675 = arith.index_cast %add3A_674 : i32 to index
      %get3A_676 = arith.constant 32 : index
      %get3A_677 = tpu.vector_load %arg7[%get3A_675, %get3A_676] {strides = array<i32>} : memref<240x128xf32, #tpu.memory_space<vmem>>, vector<16xf32>,
      %add3A_678 = arith.addf %get3A_672, %get3A_677 : vector<16xf32>
      %add3A_679 = arith.constant 160 : i32
      %add3A_680 = arith.addi %add3A_679, %scan3A_633 : i32
      %get3A_681 = arith.index_cast %add3A_680 : i32 to index
      %get3A_682 = arith.constant 32 : index
      %get3A_683 = tpu.vector_load %arg7[%get3A_681, %get3A_682] {strides = array<i32>} : memref<240x128xf32, #tpu.memory_space<vmem>>, vector<16xf32>,
      %add3A_684 = arith.addf %add3A_678, %get3A_683 : vector<16xf32>
      %swap3A_685 = arith.index_cast %scan3A_633 : i32 to index
      %swap3A_686 = arith.constant 32 : index
      %swap3A_687 = tpu.vector_load %arg9[%swap3A_685, %swap3A_686] {strides = array<i32>} : memref<80x128xf32, #tpu.memory_space<vmem>>, vector<16xf32>,
      tpu.vector_store %arg9[%swap3A_685, %swap3A_686], %add3A_684 {strides = array<i32>} : memref<80x128xf32, #tpu.memory_space<vmem>>, vector<16xf32>,
      %get3A_688 = arith.index_cast %scan3A_633 : i32 to index
      %get3A_689 = arith.constant 48 : index
      %get3A_690 = tpu.vector_load %arg7[%get3A_688, %get3A_689] {strides = array<i32>} : memref<240x128xf32, #tpu.memory_space<vmem>>, vector<16xf32>,
      %add3A_691 = arith.constant 80 : i32
      %add3A_692 = arith.addi %add3A_691, %scan3A_633 : i32
      %get3A_693 = arith.index_cast %add3A_692 : i32 to index
      %get3A_694 = arith.constant 48 : index
      %get3A_695 = tpu.vector_load %arg7[%get3A_693, %get3A_694] {strides = array<i32>} : memref<240x128xf32, #tpu.memory_space<vmem>>, vector<16xf32>,
      %add3A_696 = arith.addf %get3A_690, %get3A_695 : vector<16xf32>
      %add3A_697 = arith.constant 160 : i32
      %add3A_698 = arith.addi %add3A_697, %scan3A_633 : i32
      %get3A_699 = arith.index_cast %add3A_698 : i32 to index
      %get3A_700 = arith.constant 48 : index
      %get3A_701 = tpu.vector_load %arg7[%get3A_699, %get3A_700] {strides = array<i32>} : memref<240x128xf32, #tpu.memory_space<vmem>>, vector<16xf32>,
      %add3A_702 = arith.addf %add3A_696, %get3A_701 : vector<16xf32>
      %swap3A_703 = arith.index_cast %scan3A_633 : i32 to index
      %swap3A_704 = arith.constant 48 : index
      %swap3A_705 = tpu.vector_load %arg9[%swap3A_703, %swap3A_704] {strides = array<i32>} : memref<80x128xf32, #tpu.memory_space<vmem>>, vector<16xf32>,
      tpu.vector_store %arg9[%swap3A_703, %swap3A_704], %add3A_702 {strides = array<i32>} : memref<80x128xf32, #tpu.memory_space<vmem>>, vector<16xf32>,
      %get3A_706 = arith.index_cast %scan3A_633 : i32 to index
      %get3A_707 = arith.constant 64 : index
      %get3A_708 = tpu.vector_load %arg7[%get3A_706, %get3A_707] {strides = array<i32>} : memref<240x128xf32, #tpu.memory_space<vmem>>, vector<16xf32>,
      %add3A_709 = arith.constant 80 : i32
      %add3A_710 = arith.addi %add3A_709, %scan3A_633 : i32
      %get3A_711 = arith.index_cast %add3A_710 : i32 to index
      %get3A_712 = arith.constant 64 : index
      %get3A_713 = tpu.vector_load %arg7[%get3A_711, %get3A_712] {strides = array<i32>} : memref<240x128xf32, #tpu.memory_space<vmem>>, vector<16xf32>,
      %add3A_714 = arith.addf %get3A_708, %get3A_713 : vector<16xf32>
      %add3A_715 = arith.constant 160 : i32
      %add3A_716 = arith.addi %add3A_715, %scan3A_633 : i32
      %get3A_717 = arith.index_cast %add3A_716 : i32 to index
      %get3A_718 = arith.constant 64 : index
      %get3A_719 = tpu.vector_load %arg7[%get3A_717, %get3A_718] {strides = array<i32>} : memref<240x128xf32, #tpu.memory_space<vmem>>, vector<16xf32>,
      %add3A_720 = arith.addf %add3A_714, %get3A_719 : vector<16xf32>
      %swap3A_721 = arith.index_cast %scan3A_633 : i32 to index
      %swap3A_722 = arith.constant 64 : index
      %swap3A_723 = tpu.vector_load %arg9[%swap3A_721, %swap3A_722] {strides = array<i32>} : memref<80x128xf32, #tpu.memory_space<vmem>>, vector<16xf32>,
      tpu.vector_store %arg9[%swap3A_721, %swap3A_722], %add3A_720 {strides = array<i32>} : memref<80x128xf32, #tpu.memory_space<vmem>>, vector<16xf32>,
      %get3A_724 = arith.index_cast %scan3A_633 : i32 to index
      %get3A_725 = arith.constant 80 : index
      %get3A_726 = tpu.vector_load %arg7[%get3A_724, %get3A_725] {strides = array<i32>} : memref<240x128xf32, #tpu.memory_space<vmem>>, vector<16xf32>,
      %add3A_727 = arith.constant 80 : i32
      %add3A_728 = arith.addi %add3A_727, %scan3A_633 : i32
      %get3A_729 = arith.index_cast %add3A_728 : i32 to index
      %get3A_730 = arith.constant 80 : index
      %get3A_731 = tpu.vector_load %arg7[%get3A_729, %get3A_730] {strides = array<i32>} : memref<240x128xf32, #tpu.memory_space<vmem>>, vector<16xf32>,
      %add3A_732 = arith.addf %get3A_726, %get3A_731 : vector<16xf32>
      %add3A_733 = arith.constant 160 : i32
      %add3A_734 = arith.addi %add3A_733, %scan3A_633 : i32
      %get3A_735 = arith.index_cast %add3A_734 : i32 to index
      %get3A_736 = arith.constant 80 : index
      %get3A_737 = tpu.vector_load %arg7[%get3A_735, %get3A_736] {strides = array<i32>} : memref<240x128xf32, #tpu.memory_space<vmem>>, vector<16xf32>,
      %add3A_738 = arith.addf %add3A_732, %get3A_737 : vector<16xf32>
      %swap3A_739 = arith.index_cast %scan3A_633 : i32 to index
      %swap3A_740 = arith.constant 80 : index
      %swap3A_741 = tpu.vector_load %arg9[%swap3A_739, %swap3A_740] {strides = array<i32>} : memref<80x128xf32, #tpu.memory_space<vmem>>, vector<16xf32>,
      tpu.vector_store %arg9[%swap3A_739, %swap3A_740], %add3A_738 {strides = array<i32>} : memref<80x128xf32, #tpu.memory_space<vmem>>, vector<16xf32>,
      %get3A_742 = arith.index_cast %scan3A_633 : i32 to index
      %get3A_743 = arith.constant 96 : index
      %get3A_744 = tpu.vector_load %arg7[%get3A_742, %get3A_743] {strides = array<i32>} : memref<240x128xf32, #tpu.memory_space<vmem>>, vector<16xf32>,
      %add3A_745 = arith.constant 80 : i32
      %add3A_746 = arith.addi %add3A_745, %scan3A_633 : i32
      %get3A_747 = arith.index_cast %add3A_746 : i32 to index
      %get3A_748 = arith.constant 96 : index
      %get3A_749 = tpu.vector_load %arg7[%get3A_747, %get3A_748] {strides = array<i32>} : memref<240x128xf32, #tpu.memory_space<vmem>>, vector<16xf32>,
      %add3A_750 = arith.addf %get3A_744, %get3A_749 : vector<16xf32>
      %add3A_751 = arith.constant 160 : i32
      %add3A_752 = arith.addi %add3A_751, %scan3A_633 : i32
      %get3A_753 = arith.index_cast %add3A_752 : i32 to index
      %get3A_754 = arith.constant 96 : index
      %get3A_755 = tpu.vector_load %arg7[%get3A_753, %get3A_754] {strides = array<i32>} : memref<240x128xf32, #tpu.memory_space<vmem>>, vector<16xf32>,
      %add3A_756 = arith.addf %add3A_750, %get3A_755 : vector<16xf32>
      %swap3A_757 = arith.index_cast %scan3A_633 : i32 to index
      %swap3A_758 = arith.constant 96 : index
      %swap3A_759 = tpu.vector_load %arg9[%swap3A_757, %swap3A_758] {strides = array<i32>} : memref<80x128xf32, #tpu.memory_space<vmem>>, vector<16xf32>,
      tpu.vector_store %arg9[%swap3A_757, %swap3A_758], %add3A_756 {strides = array<i32>} : memref<80x128xf32, #tpu.memory_space<vmem>>, vector<16xf32>,
      %get3A_760 = arith.index_cast %scan3A_633 : i32 to index
      %get3A_761 = arith.constant 112 : index
      %get3A_762 = tpu.vector_load %arg7[%get3A_760, %get3A_761] {strides = array<i32>} : memref<240x128xf32, #tpu.memory_space<vmem>>, vector<16xf32>,
      %add3A_763 = arith.constant 80 : i32
      %add3A_764 = arith.addi %add3A_763, %scan3A_633 : i32
      %get3A_765 = arith.index_cast %add3A_764 : i32 to index
      %get3A_766 = arith.constant 112 : index
      %get3A_767 = tpu.vector_load %arg7[%get3A_765, %get3A_766] {strides = array<i32>} : memref<240x128xf32, #tpu.memory_space<vmem>>, vector<16xf32>,
      %add3A_768 = arith.addf %get3A_762, %get3A_767 : vector<16xf32>
      %add3A_769 = arith.constant 160 : i32
      %add3A_770 = arith.addi %add3A_769, %scan3A_633 : i32
      %get3A_771 = arith.index_cast %add3A_770 : i32 to index
      %get3A_772 = arith.constant 112 : index
      %get3A_773 = tpu.vector_load %arg7[%get3A_771, %get3A_772] {strides = array<i32>} : memref<240x128xf32, #tpu.memory_space<vmem>>, vector<16xf32>,
      %add3A_774 = arith.addf %add3A_768, %get3A_773 : vector<16xf32>
      %swap3A_775 = arith.index_cast %scan3A_633 : i32 to index
      %swap3A_776 = arith.constant 112 : index
      %swap3A_777 = tpu.vector_load %arg9[%swap3A_775, %swap3A_776] {strides = array<i32>} : memref<80x128xf32, #tpu.memory_space<vmem>>, vector<16xf32>,
      tpu.vector_store %arg9[%swap3A_775, %swap3A_776], %add3A_774 {strides = array<i32>} : memref<80x128xf32, #tpu.memory_space<vmem>>, vector<16xf32>,
    }
    %scan3A_171 = arith.constant 80 : i32
    %add3A_172 = arith.constant 3040 : i32
    %add3A_173 = arith.addi %mul3A_6, %add3A_172 : i32
    %dma_start3A_174 = arith.constant 0 : i32
    %dma_start3A_175 = tpu.memref_slice %arg4[%add3A_173, %dma_start3A_174] : memref<100000x128xf32, #tpu.memory_space<hbm>> -> memref<80x128xf32, #tpu.memory_space<hbm>>
    %dma_start3A_176 = arith.constant 0 : i32
    %dma_start3A_177 = tpu.memref_slice %arg4[%add3A_173, %dma_start3A_176] : memref<100000x128xf32, #tpu.memory_space<hbm>> -> memref<80x128xf32, #tpu.memory_space<hbm>>
    tpu.enqueue_dma source(%arg9 : memref<80x128xf32, #tpu.memory_space<vmem>>) target(%dma_start3A_177 : memref<80x128xf32, #tpu.memory_space<hbm>>) target_semaphore(%arg19 : memref<!tpu.dma_semaphore, #tpu.memory_space<semaphore_mem>>)
    %lt3A = arith.constant 10 : i32
    %lt3A_178 = arith.cmpi slt, %add3A, %lt3A : i32
    %convert_element_type3A = arith.extui %lt3A_178 : i1 to i32
    %cond3A = arith.constant 0 : i32
    %cond3A_179 = arith.cmpi ne, %convert_element_type3A, %cond3A : i32
    scf.if %cond3A_179 {
      %mul3A_195 = arith.constant 16 : i32
      %mul3A_196 = arith.muli %add3A, %mul3A_195 : i32
      %add3A_197 = arith.constant 99840 : i32
      %add3A_198 = arith.addi %add3A_197, %mul3A_196 : i32
      "tpu.region"() ({
        %run_scoped3A = tpu.sem_alloc : memref<!tpu.dma_semaphore, #tpu.memory_space<semaphore_mem>>
        %dma_start3A_271 = arith.constant 0 : i32
        %dma_start3A_272 = tpu.memref_slice %arg6[%dma_start3A_271] : memref<3120xi32, #tpu.memory_space<vmem>> -> memref<16xi32, #tpu.memory_space<vmem>>
        %dma_start3A_273 = tpu.memref_slice %arg3[%add3A_198] : memref<100000xi32, #tpu.memory_space<hbm>> -> memref<16xi32, #tpu.memory_space<hbm>>
        %dma_start3A_274 = arith.constant 0 : i32
        %dma_start3A_275 = tpu.memref_slice %arg6[%dma_start3A_274] : memref<3120xi32, #tpu.memory_space<vmem>> -> memref<16xi32, #tpu.memory_space<vmem>>
        %dma_start3A_276 = tpu.memref_slice %arg3[%add3A_198] : memref<100000xi32, #tpu.memory_space<hbm>> -> memref<16xi32, #tpu.memory_space<hbm>>
        tpu.enqueue_dma source(%dma_start3A_276 : memref<16xi32, #tpu.memory_space<hbm>>) target(%dma_start3A_275 : memref<16xi32, #tpu.memory_space<vmem>>) target_semaphore(%run_scoped3A : memref<!tpu.dma_semaphore, #tpu.memory_space<semaphore_mem>>)
        %dma_wait3A_277 = arith.constant 0 : i32
        %dma_wait3A_278 = tpu.memref_slice %arg6[%dma_wait3A_277] : memref<3120xi32, #tpu.memory_space<vmem>> -> memref<16xi32, #tpu.memory_space<vmem>>
        %dma_wait3A_279 = tpu.memref_slice %arg3[%add3A_198] : memref<100000xi32, #tpu.memory_space<hbm>> -> memref<16xi32, #tpu.memory_space<hbm>>
        %dma_wait3A_280 = arith.constant 0 : i32
        %dma_wait3A_281 = tpu.memref_slice %arg6[%dma_wait3A_280] : memref<3120xi32, #tpu.memory_space<vmem>> -> memref<16xi32, #tpu.memory_space<vmem>>
        %dma_wait3A_282 = tpu.memref_slice %arg3[%add3A_198] : memref<100000xi32, #tpu.memory_space<hbm>> -> memref<16xi32, #tpu.memory_space<hbm>>
        tpu.wait_dma2 semaphore(%run_scoped3A : memref<!tpu.dma_semaphore, #tpu.memory_space<semaphore_mem>>) src(%dma_wait3A_282 : memref<16xi32, #tpu.memory_space<hbm>>) dst(%dma_wait3A_281 : memref<16xi32, #tpu.memory_space<vmem>>)
        tpu.yield
      }) : () -> ()
      %get3A_199 = arith.constant 0 : index
      %get3A_200 = tpu.vector_load %arg6[%get3A_199] {strides = array<i32>} : memref<3120xi32, #tpu.memory_space<vmem>>, vector<16xi32>,
      %and3A_201 = arith.constant 2047 : i32
      %and3A_202 = vector.broadcast %and3A_201 : i32 to vector<16xi32>
      %and3A_203 = arith.andi %get3A_200, %and3A_202 : vector<16xi32>
      %shift_right_arithmetic3A_204 = arith.constant 11 : i32
      %shift_right_arithmetic3A_205 = vector.broadcast %shift_right_arithmetic3A_204 : i32 to vector<16xi32>
      %shift_right_arithmetic3A_206 = arith.shrsi %get3A_200, %shift_right_arithmetic3A_205 : vector<16xi32>
      %and3A_207 = arith.constant 255 : i32
      %and3A_208 = vector.broadcast %and3A_207 : i32 to vector<16xi32>
      %and3A_209 = arith.andi %shift_right_arithmetic3A_206, %and3A_208 : vector<16xi32>
      %add3A_210 = arith.constant 1904 : i32
      %add3A_211 = vector.broadcast %add3A_210 : i32 to vector<16xi32>
      %add3A_212 = arith.addi %and3A_209, %add3A_211 : vector<16xi32>
      %shift_right_arithmetic3A_213 = arith.constant 19 : i32
      %shift_right_arithmetic3A_214 = vector.broadcast %shift_right_arithmetic3A_213 : i32 to vector<16xi32>
      %shift_right_arithmetic3A_215 = arith.shrsi %get3A_200, %shift_right_arithmetic3A_214 : vector<16xi32>
      %add3A_216 = arith.constant 2048 : i32
      %add3A_217 = vector.broadcast %add3A_216 : i32 to vector<16xi32>
      %add3A_218 = arith.addi %shift_right_arithmetic3A_215, %add3A_217 : vector<16xi32>
      %dma_start3A_219 = arith.constant 0 : i32
      %dma_start3A_220 = arith.constant 0 : i32
      %dma_start3A_221 = tpu.memref_slice %arg8[%dma_start3A_219, %dma_start3A_220] : memref<240x128xf32, #tpu.memory_space<vmem>> -> memref<16x128xf32, #tpu.memory_space<vmem>>
      %dma_start3A_222 = arith.constant 0 : i32
      %dma_start3A_223 = arith.constant 0 : i32
      %dma_start3A_224 = tpu.memref_slice %arg5[%dma_start3A_222, %dma_start3A_223] : memref<2432x128xf32, #tpu.memory_space<vmem_shared>> -> memref<2432x128xf32, #tpu.memory_space<vmem_shared>>
      tpu.enqueue_indirect_dma source(%dma_start3A_224 : memref<2432x128xf32, #tpu.memory_space<vmem_shared>>) target(%dma_start3A_221 : memref<16x128xf32, #tpu.memory_space<vmem>>) offsets(%and3A_203 : vector<16xi32>) semaphore(%arg18 : memref<!tpu.dma_semaphore, #tpu.memory_space<semaphore_mem>>)
      %dma_start3A_225 = arith.constant 80 : i32
      %dma_start3A_226 = arith.constant 0 : i32
      %dma_start3A_227 = tpu.memref_slice %arg8[%dma_start3A_225, %dma_start3A_226] : memref<240x128xf32, #tpu.memory_space<vmem>> -> memref<16x128xf32, #tpu.memory_space<vmem>>
      %dma_start3A_228 = arith.constant 0 : i32
      %dma_start3A_229 = arith.constant 0 : i32
      %dma_start3A_230 = tpu.memref_slice %arg5[%dma_start3A_228, %dma_start3A_229] : memref<2432x128xf32, #tpu.memory_space<vmem_shared>> -> memref<2432x128xf32, #tpu.memory_space<vmem_shared>>
      tpu.enqueue_indirect_dma source(%dma_start3A_230 : memref<2432x128xf32, #tpu.memory_space<vmem_shared>>) target(%dma_start3A_227 : memref<16x128xf32, #tpu.memory_space<vmem>>) offsets(%add3A_212 : vector<16xi32>) semaphore(%arg18 : memref<!tpu.dma_semaphore, #tpu.memory_space<semaphore_mem>>)
      %dma_start3A_231 = arith.constant 160 : i32
      %dma_start3A_232 = arith.constant 0 : i32
      %dma_start3A_233 = tpu.memref_slice %arg8[%dma_start3A_231, %dma_start3A_232] : memref<240x128xf32, #tpu.memory_space<vmem>> -> memref<16x128xf32, #tpu.memory_space<vmem>>
      %dma_start3A_234 = arith.constant 0 : i32
      %dma_start3A_235 = arith.constant 0 : i32
      %dma_start3A_236 = tpu.memref_slice %arg5[%dma_start3A_234, %dma_start3A_235] : memref<2432x128xf32, #tpu.memory_space<vmem_shared>> -> memref<2432x128xf32, #tpu.memory_space<vmem_shared>>
      tpu.enqueue_indirect_dma source(%dma_start3A_236 : memref<2432x128xf32, #tpu.memory_space<vmem_shared>>) target(%dma_start3A_233 : memref<16x128xf32, #tpu.memory_space<vmem>>) offsets(%add3A_218 : vector<16xi32>) semaphore(%arg18 : memref<!tpu.dma_semaphore, #tpu.memory_space<semaphore_mem>>)
      %dma_wait3A_237 = arith.constant 0 : i32
      %dma_wait3A_238 = arith.constant 0 : i32
      %dma_wait3A_239 = tpu.memref_slice %arg8[%dma_wait3A_237, %dma_wait3A_238] : memref<240x128xf32, #tpu.memory_space<vmem>> -> memref<48x128xf32, #tpu.memory_space<vmem>>
      %dma_wait3A_240 = arith.constant 0 : i32
      %dma_wait3A_241 = arith.constant 0 : i32
      %dma_wait3A_242 = tpu.memref_slice %arg2[%dma_wait3A_240, %dma_wait3A_241] : memref<2432x128xf32, #tpu.memory_space<hbm>> -> memref<48x128xf32, #tpu.memory_space<hbm>>
      %dma_wait3A_243 = arith.constant 0 : i32
      %dma_wait3A_244 = arith.constant 0 : i32
      %dma_wait3A_245 = tpu.memref_slice %arg8[%dma_wait3A_243, %dma_wait3A_244] : memref<240x128xf32, #tpu.memory_space<vmem>> -> memref<48x128xf32, #tpu.memory_space<vmem>>
      %dma_wait3A_246 = arith.constant 0 : i32
      %dma_wait3A_247 = arith.constant 0 : i32
      %dma_wait3A_248 = tpu.memref_slice %arg2[%dma_wait3A_246, %dma_wait3A_247] : memref<2432x128xf32, #tpu.memory_space<hbm>> -> memref<48x128xf32, #tpu.memory_space<hbm>>
      tpu.wait_dma2 semaphore(%arg18 : memref<!tpu.dma_semaphore, #tpu.memory_space<semaphore_mem>>) src(%dma_wait3A_248 : memref<48x128xf32, #tpu.memory_space<hbm>>) dst(%dma_wait3A_245 : memref<48x128xf32, #tpu.memory_space<vmem>>)
      %dma_wait3A_249 = arith.constant 0 : i32
      %dma_wait3A_250 = arith.constant 0 : i32
      %dma_wait3A_251 = tpu.memref_slice %arg4[%dma_wait3A_249, %dma_wait3A_250] : memref<100000x128xf32, #tpu.memory_space<hbm>> -> memref<80x128xf32, #tpu.memory_space<hbm>>
      %dma_wait3A_252 = arith.constant 0 : i32
      %dma_wait3A_253 = arith.constant 0 : i32
      %dma_wait3A_254 = tpu.memref_slice %arg4[%dma_wait3A_252, %dma_wait3A_253] : memref<100000x128xf32, #tpu.memory_space<hbm>> -> memref<80x128xf32, #tpu.memory_space<hbm>>
      tpu.wait_dma2 semaphore(%arg20 : memref<!tpu.dma_semaphore, #tpu.memory_space<semaphore_mem>>) src(%arg10 : memref<80x128xf32, #tpu.memory_space<vmem>>) dst(%dma_wait3A_254 : memref<80x128xf32, #tpu.memory_space<hbm>>)
      %scan3A_255 = arith.constant 0 : i32
      %scan3A_256 = arith.constant 0 : i32
      %scan3A_257 = arith.constant 16 : i32
      %scan3A_258 = arith.addi %scan3A_256, %scan3A_257 : i32
      %scan3A_259 = arith.constant 4 : i32
      scf.for %scan3A_271 = %scan3A_256 to %scan3A_258 step %scan3A_259  : i32 {
        %get3A_272 = arith.index_cast %scan3A_271 : i32 to index
        %get3A_273 = arith.constant 0 : index
        %get3A_274 = tpu.vector_load %arg8[%get3A_272, %get3A_273] {strides = array<i32>} : memref<240x128xf32, #tpu.memory_space<vmem>>, vector<16xf32>,
        %add3A_275 = arith.constant 80 : i32
        %add3A_276 = arith.addi %add3A_275, %scan3A_271 : i32
        %get3A_277 = arith.index_cast %add3A_276 : i32 to index
        %get3A_278 = arith.constant 0 : index
        %get3A_279 = tpu.vector_load %arg8[%get3A_277, %get3A_278] {strides = array<i32>} : memref<240x128xf32, #tpu.memory_space<vmem>>, vector<16xf32>,
        %add3A_280 = arith.addf %get3A_274, %get3A_279 : vector<16xf32>
        %add3A_281 = arith.constant 160 : i32
        %add3A_282 = arith.addi %add3A_281, %scan3A_271 : i32
        %get3A_283 = arith.index_cast %add3A_282 : i32 to index
        %get3A_284 = arith.constant 0 : index
        %get3A_285 = tpu.vector_load %arg8[%get3A_283, %get3A_284] {strides = array<i32>} : memref<240x128xf32, #tpu.memory_space<vmem>>, vector<16xf32>,
        %add3A_286 = arith.addf %add3A_280, %get3A_285 : vector<16xf32>
        %swap3A_287 = arith.index_cast %scan3A_271 : i32 to index
        %swap3A_288 = arith.constant 0 : index
        %swap3A_289 = tpu.vector_load %arg10[%swap3A_287, %swap3A_288] {strides = array<i32>} : memref<80x128xf32, #tpu.memory_space<vmem>>, vector<16xf32>,
        tpu.vector_store %arg10[%swap3A_287, %swap3A_288], %add3A_286 {strides = array<i32>} : memref<80x128xf32, #tpu.memory_space<vmem>>, vector<16xf32>,
        %get3A_290 = arith.index_cast %scan3A_271 : i32 to index
        %get3A_291 = arith.constant 16 : index
        %get3A_292 = tpu.vector_load %arg8[%get3A_290, %get3A_291] {strides = array<i32>} : memref<240x128xf32, #tpu.memory_space<vmem>>, vector<16xf32>,
        %add3A_293 = arith.constant 80 : i32
        %add3A_294 = arith.addi %add3A_293, %scan3A_271 : i32
        %get3A_295 = arith.index_cast %add3A_294 : i32 to index
        %get3A_296 = arith.constant 16 : index
        %get3A_297 = tpu.vector_load %arg8[%get3A_295, %get3A_296] {strides = array<i32>} : memref<240x128xf32, #tpu.memory_space<vmem>>, vector<16xf32>,
        %add3A_298 = arith.addf %get3A_292, %get3A_297 : vector<16xf32>
        %add3A_299 = arith.constant 160 : i32
        %add3A_300 = arith.addi %add3A_299, %scan3A_271 : i32
        %get3A_301 = arith.index_cast %add3A_300 : i32 to index
        %get3A_302 = arith.constant 16 : index
        %get3A_303 = tpu.vector_load %arg8[%get3A_301, %get3A_302] {strides = array<i32>} : memref<240x128xf32, #tpu.memory_space<vmem>>, vector<16xf32>,
        %add3A_304 = arith.addf %add3A_298, %get3A_303 : vector<16xf32>
        %swap3A_305 = arith.index_cast %scan3A_271 : i32 to index
        %swap3A_306 = arith.constant 16 : index
        %swap3A_307 = tpu.vector_load %arg10[%swap3A_305, %swap3A_306] {strides = array<i32>} : memref<80x128xf32, #tpu.memory_space<vmem>>, vector<16xf32>,
        tpu.vector_store %arg10[%swap3A_305, %swap3A_306], %add3A_304 {strides = array<i32>} : memref<80x128xf32, #tpu.memory_space<vmem>>, vector<16xf32>,
        %get3A_308 = arith.index_cast %scan3A_271 : i32 to index
        %get3A_309 = arith.constant 32 : index
        %get3A_310 = tpu.vector_load %arg8[%get3A_308, %get3A_309] {strides = array<i32>} : memref<240x128xf32, #tpu.memory_space<vmem>>, vector<16xf32>,
        %add3A_311 = arith.constant 80 : i32
        %add3A_312 = arith.addi %add3A_311, %scan3A_271 : i32
        %get3A_313 = arith.index_cast %add3A_312 : i32 to index
        %get3A_314 = arith.constant 32 : index
        %get3A_315 = tpu.vector_load %arg8[%get3A_313, %get3A_314] {strides = array<i32>} : memref<240x128xf32, #tpu.memory_space<vmem>>, vector<16xf32>,
        %add3A_316 = arith.addf %get3A_310, %get3A_315 : vector<16xf32>
        %add3A_317 = arith.constant 160 : i32
        %add3A_318 = arith.addi %add3A_317, %scan3A_271 : i32
        %get3A_319 = arith.index_cast %add3A_318 : i32 to index
        %get3A_320 = arith.constant 32 : index
        %get3A_321 = tpu.vector_load %arg8[%get3A_319, %get3A_320] {strides = array<i32>} : memref<240x128xf32, #tpu.memory_space<vmem>>, vector<16xf32>,
        %add3A_322 = arith.addf %add3A_316, %get3A_321 : vector<16xf32>
        %swap3A_323 = arith.index_cast %scan3A_271 : i32 to index
        %swap3A_324 = arith.constant 32 : index
        %swap3A_325 = tpu.vector_load %arg10[%swap3A_323, %swap3A_324] {strides = array<i32>} : memref<80x128xf32, #tpu.memory_space<vmem>>, vector<16xf32>,
        tpu.vector_store %arg10[%swap3A_323, %swap3A_324], %add3A_322 {strides = array<i32>} : memref<80x128xf32, #tpu.memory_space<vmem>>, vector<16xf32>,
        %get3A_326 = arith.index_cast %scan3A_271 : i32 to index
        %get3A_327 = arith.constant 48 : index
        %get3A_328 = tpu.vector_load %arg8[%get3A_326, %get3A_327] {strides = array<i32>} : memref<240x128xf32, #tpu.memory_space<vmem>>, vector<16xf32>,
        %add3A_329 = arith.constant 80 : i32
        %add3A_330 = arith.addi %add3A_329, %scan3A_271 : i32
        %get3A_331 = arith.index_cast %add3A_330 : i32 to index
        %get3A_332 = arith.constant 48 : index
        %get3A_333 = tpu.vector_load %arg8[%get3A_331, %get3A_332] {strides = array<i32>} : memref<240x128xf32, #tpu.memory_space<vmem>>, vector<16xf32>,
        %add3A_334 = arith.addf %get3A_328, %get3A_333 : vector<16xf32>
        %add3A_335 = arith.constant 160 : i32
        %add3A_336 = arith.addi %add3A_335, %scan3A_271 : i32
        %get3A_337 = arith.index_cast %add3A_336 : i32 to index
        %get3A_338 = arith.constant 48 : index
        %get3A_339 = tpu.vector_load %arg8[%get3A_337, %get3A_338] {strides = array<i32>} : memref<240x128xf32, #tpu.memory_space<vmem>>, vector<16xf32>,
        %add3A_340 = arith.addf %add3A_334, %get3A_339 : vector<16xf32>
        %swap3A_341 = arith.index_cast %scan3A_271 : i32 to index
        %swap3A_342 = arith.constant 48 : index
        %swap3A_343 = tpu.vector_load %arg10[%swap3A_341, %swap3A_342] {strides = array<i32>} : memref<80x128xf32, #tpu.memory_space<vmem>>, vector<16xf32>,
        tpu.vector_store %arg10[%swap3A_341, %swap3A_342], %add3A_340 {strides = array<i32>} : memref<80x128xf32, #tpu.memory_space<vmem>>, vector<16xf32>,
        %get3A_344 = arith.index_cast %scan3A_271 : i32 to index
        %get3A_345 = arith.constant 64 : index
        %get3A_346 = tpu.vector_load %arg8[%get3A_344, %get3A_345] {strides = array<i32>} : memref<240x128xf32, #tpu.memory_space<vmem>>, vector<16xf32>,
        %add3A_347 = arith.constant 80 : i32
        %add3A_348 = arith.addi %add3A_347, %scan3A_271 : i32
        %get3A_349 = arith.index_cast %add3A_348 : i32 to index
        %get3A_350 = arith.constant 64 : index
        %get3A_351 = tpu.vector_load %arg8[%get3A_349, %get3A_350] {strides = array<i32>} : memref<240x128xf32, #tpu.memory_space<vmem>>, vector<16xf32>,
        %add3A_352 = arith.addf %get3A_346, %get3A_351 : vector<16xf32>
        %add3A_353 = arith.constant 160 : i32
        %add3A_354 = arith.addi %add3A_353, %scan3A_271 : i32
        %get3A_355 = arith.index_cast %add3A_354 : i32 to index
        %get3A_356 = arith.constant 64 : index
        %get3A_357 = tpu.vector_load %arg8[%get3A_355, %get3A_356] {strides = array<i32>} : memref<240x128xf32, #tpu.memory_space<vmem>>, vector<16xf32>,
        %add3A_358 = arith.addf %add3A_352, %get3A_357 : vector<16xf32>
        %swap3A_359 = arith.index_cast %scan3A_271 : i32 to index
        %swap3A_360 = arith.constant 64 : index
        %swap3A_361 = tpu.vector_load %arg10[%swap3A_359, %swap3A_360] {strides = array<i32>} : memref<80x128xf32, #tpu.memory_space<vmem>>, vector<16xf32>,
        tpu.vector_store %arg10[%swap3A_359, %swap3A_360], %add3A_358 {strides = array<i32>} : memref<80x128xf32, #tpu.memory_space<vmem>>, vector<16xf32>,
        %get3A_362 = arith.index_cast %scan3A_271 : i32 to index
        %get3A_363 = arith.constant 80 : index
        %get3A_364 = tpu.vector_load %arg8[%get3A_362, %get3A_363] {strides = array<i32>} : memref<240x128xf32, #tpu.memory_space<vmem>>, vector<16xf32>,
        %add3A_365 = arith.constant 80 : i32
        %add3A_366 = arith.addi %add3A_365, %scan3A_271 : i32
        %get3A_367 = arith.index_cast %add3A_366 : i32 to index
        %get3A_368 = arith.constant 80 : index
        %get3A_369 = tpu.vector_load %arg8[%get3A_367, %get3A_368] {strides = array<i32>} : memref<240x128xf32, #tpu.memory_space<vmem>>, vector<16xf32>,
        %add3A_370 = arith.addf %get3A_364, %get3A_369 : vector<16xf32>
        %add3A_371 = arith.constant 160 : i32
        %add3A_372 = arith.addi %add3A_371, %scan3A_271 : i32
        %get3A_373 = arith.index_cast %add3A_372 : i32 to index
        %get3A_374 = arith.constant 80 : index
        %get3A_375 = tpu.vector_load %arg8[%get3A_373, %get3A_374] {strides = array<i32>} : memref<240x128xf32, #tpu.memory_space<vmem>>, vector<16xf32>,
        %add3A_376 = arith.addf %add3A_370, %get3A_375 : vector<16xf32>
        %swap3A_377 = arith.index_cast %scan3A_271 : i32 to index
        %swap3A_378 = arith.constant 80 : index
        %swap3A_379 = tpu.vector_load %arg10[%swap3A_377, %swap3A_378] {strides = array<i32>} : memref<80x128xf32, #tpu.memory_space<vmem>>, vector<16xf32>,
        tpu.vector_store %arg10[%swap3A_377, %swap3A_378], %add3A_376 {strides = array<i32>} : memref<80x128xf32, #tpu.memory_space<vmem>>, vector<16xf32>,
        %get3A_380 = arith.index_cast %scan3A_271 : i32 to index
        %get3A_381 = arith.constant 96 : index
        %get3A_382 = tpu.vector_load %arg8[%get3A_380, %get3A_381] {strides = array<i32>} : memref<240x128xf32, #tpu.memory_space<vmem>>, vector<16xf32>,
        %add3A_383 = arith.constant 80 : i32
        %add3A_384 = arith.addi %add3A_383, %scan3A_271 : i32
        %get3A_385 = arith.index_cast %add3A_384 : i32 to index
        %get3A_386 = arith.constant 96 : index
        %get3A_387 = tpu.vector_load %arg8[%get3A_385, %get3A_386] {strides = array<i32>} : memref<240x128xf32, #tpu.memory_space<vmem>>, vector<16xf32>,
        %add3A_388 = arith.addf %get3A_382, %get3A_387 : vector<16xf32>
        %add3A_389 = arith.constant 160 : i32
        %add3A_390 = arith.addi %add3A_389, %scan3A_271 : i32
        %get3A_391 = arith.index_cast %add3A_390 : i32 to index
        %get3A_392 = arith.constant 96 : index
        %get3A_393 = tpu.vector_load %arg8[%get3A_391, %get3A_392] {strides = array<i32>} : memref<240x128xf32, #tpu.memory_space<vmem>>, vector<16xf32>,
        %add3A_394 = arith.addf %add3A_388, %get3A_393 : vector<16xf32>
        %swap3A_395 = arith.index_cast %scan3A_271 : i32 to index
        %swap3A_396 = arith.constant 96 : index
        %swap3A_397 = tpu.vector_load %arg10[%swap3A_395, %swap3A_396] {strides = array<i32>} : memref<80x128xf32, #tpu.memory_space<vmem>>, vector<16xf32>,
        tpu.vector_store %arg10[%swap3A_395, %swap3A_396], %add3A_394 {strides = array<i32>} : memref<80x128xf32, #tpu.memory_space<vmem>>, vector<16xf32>,
        %get3A_398 = arith.index_cast %scan3A_271 : i32 to index
        %get3A_399 = arith.constant 112 : index
        %get3A_400 = tpu.vector_load %arg8[%get3A_398, %get3A_399] {strides = array<i32>} : memref<240x128xf32, #tpu.memory_space<vmem>>, vector<16xf32>,
        %add3A_401 = arith.constant 80 : i32
        %add3A_402 = arith.addi %add3A_401, %scan3A_271 : i32
        %get3A_403 = arith.index_cast %add3A_402 : i32 to index
        %get3A_404 = arith.constant 112 : index
        %get3A_405 = tpu.vector_load %arg8[%get3A_403, %get3A_404] {strides = array<i32>} : memref<240x128xf32, #tpu.memory_space<vmem>>, vector<16xf32>,
        %add3A_406 = arith.addf %get3A_400, %get3A_405 : vector<16xf32>
        %add3A_407 = arith.constant 160 : i32
        %add3A_408 = arith.addi %add3A_407, %scan3A_271 : i32
        %get3A_409 = arith.index_cast %add3A_408 : i32 to index
        %get3A_410 = arith.constant 112 : index
        %get3A_411 = tpu.vector_load %arg8[%get3A_409, %get3A_410] {strides = array<i32>} : memref<240x128xf32, #tpu.memory_space<vmem>>, vector<16xf32>,
        %add3A_412 = arith.addf %add3A_406, %get3A_411 : vector<16xf32>
        %swap3A_413 = arith.index_cast %scan3A_271 : i32 to index
        %swap3A_414 = arith.constant 112 : index
        %swap3A_415 = tpu.vector_load %arg10[%swap3A_413, %swap3A_414] {strides = array<i32>} : memref<80x128xf32, #tpu.memory_space<vmem>>, vector<16xf32>,
        tpu.vector_store %arg10[%swap3A_413, %swap3A_414], %add3A_412 {strides = array<i32>} : memref<80x128xf32, #tpu.memory_space<vmem>>, vector<16xf32>,
        %scan3A_416 = arith.constant 1 : i32
        %scan3A_417 = arith.addi %scan3A_271, %scan3A_416 : i32
        %get3A_418 = arith.index_cast %scan3A_417 : i32 to index
        %get3A_419 = arith.constant 0 : index
        %get3A_420 = tpu.vector_load %arg8[%get3A_418, %get3A_419] {strides = array<i32>} : memref<240x128xf32, #tpu.memory_space<vmem>>, vector<16xf32>,
        %add3A_421 = arith.constant 80 : i32
        %add3A_422 = arith.addi %add3A_421, %scan3A_417 : i32
        %get3A_423 = arith.index_cast %add3A_422 : i32 to index
        %get3A_424 = arith.constant 0 : index
        %get3A_425 = tpu.vector_load %arg8[%get3A_423, %get3A_424] {strides = array<i32>} : memref<240x128xf32, #tpu.memory_space<vmem>>, vector<16xf32>,
        %add3A_426 = arith.addf %get3A_420, %get3A_425 : vector<16xf32>
        %add3A_427 = arith.constant 160 : i32
        %add3A_428 = arith.addi %add3A_427, %scan3A_417 : i32
        %get3A_429 = arith.index_cast %add3A_428 : i32 to index
        %get3A_430 = arith.constant 0 : index
        %get3A_431 = tpu.vector_load %arg8[%get3A_429, %get3A_430] {strides = array<i32>} : memref<240x128xf32, #tpu.memory_space<vmem>>, vector<16xf32>,
        %add3A_432 = arith.addf %add3A_426, %get3A_431 : vector<16xf32>
        %swap3A_433 = arith.index_cast %scan3A_417 : i32 to index
        %swap3A_434 = arith.constant 0 : index
        %swap3A_435 = tpu.vector_load %arg10[%swap3A_433, %swap3A_434] {strides = array<i32>} : memref<80x128xf32, #tpu.memory_space<vmem>>, vector<16xf32>,
        tpu.vector_store %arg10[%swap3A_433, %swap3A_434], %add3A_432 {strides = array<i32>} : memref<80x128xf32, #tpu.memory_space<vmem>>, vector<16xf32>,
        %get3A_436 = arith.index_cast %scan3A_417 : i32 to index
        %get3A_437 = arith.constant 16 : index
        %get3A_438 = tpu.vector_load %arg8[%get3A_436, %get3A_437] {strides = array<i32>} : memref<240x128xf32, #tpu.memory_space<vmem>>, vector<16xf32>,
        %add3A_439 = arith.constant 80 : i32
        %add3A_440 = arith.addi %add3A_439, %scan3A_417 : i32
        %get3A_441 = arith.index_cast %add3A_440 : i32 to index
        %get3A_442 = arith.constant 16 : index
        %get3A_443 = tpu.vector_load %arg8[%get3A_441, %get3A_442] {strides = array<i32>} : memref<240x128xf32, #tpu.memory_space<vmem>>, vector<16xf32>,
        %add3A_444 = arith.addf %get3A_438, %get3A_443 : vector<16xf32>
        %add3A_445 = arith.constant 160 : i32
        %add3A_446 = arith.addi %add3A_445, %scan3A_417 : i32
        %get3A_447 = arith.index_cast %add3A_446 : i32 to index
        %get3A_448 = arith.constant 16 : index
        %get3A_449 = tpu.vector_load %arg8[%get3A_447, %get3A_448] {strides = array<i32>} : memref<240x128xf32, #tpu.memory_space<vmem>>, vector<16xf32>,
        %add3A_450 = arith.addf %add3A_444, %get3A_449 : vector<16xf32>
        %swap3A_451 = arith.index_cast %scan3A_417 : i32 to index
        %swap3A_452 = arith.constant 16 : index
        %swap3A_453 = tpu.vector_load %arg10[%swap3A_451, %swap3A_452] {strides = array<i32>} : memref<80x128xf32, #tpu.memory_space<vmem>>, vector<16xf32>,
        tpu.vector_store %arg10[%swap3A_451, %swap3A_452], %add3A_450 {strides = array<i32>} : memref<80x128xf32, #tpu.memory_space<vmem>>, vector<16xf32>,
        %get3A_454 = arith.index_cast %scan3A_417 : i32 to index
        %get3A_455 = arith.constant 32 : index
        %get3A_456 = tpu.vector_load %arg8[%get3A_454, %get3A_455] {strides = array<i32>} : memref<240x128xf32, #tpu.memory_space<vmem>>, vector<16xf32>,
        %add3A_457 = arith.constant 80 : i32
        %add3A_458 = arith.addi %add3A_457, %scan3A_417 : i32
        %get3A_459 = arith.index_cast %add3A_458 : i32 to index
        %get3A_460 = arith.constant 32 : index
        %get3A_461 = tpu.vector_load %arg8[%get3A_459, %get3A_460] {strides = array<i32>} : memref<240x128xf32, #tpu.memory_space<vmem>>, vector<16xf32>,
        %add3A_462 = arith.addf %get3A_456, %get3A_461 : vector<16xf32>
        %add3A_463 = arith.constant 160 : i32
        %add3A_464 = arith.addi %add3A_463, %scan3A_417 : i32
        %get3A_465 = arith.index_cast %add3A_464 : i32 to index
        %get3A_466 = arith.constant 32 : index
        %get3A_467 = tpu.vector_load %arg8[%get3A_465, %get3A_466] {strides = array<i32>} : memref<240x128xf32, #tpu.memory_space<vmem>>, vector<16xf32>,
        %add3A_468 = arith.addf %add3A_462, %get3A_467 : vector<16xf32>
        %swap3A_469 = arith.index_cast %scan3A_417 : i32 to index
        %swap3A_470 = arith.constant 32 : index
        %swap3A_471 = tpu.vector_load %arg10[%swap3A_469, %swap3A_470] {strides = array<i32>} : memref<80x128xf32, #tpu.memory_space<vmem>>, vector<16xf32>,
        tpu.vector_store %arg10[%swap3A_469, %swap3A_470], %add3A_468 {strides = array<i32>} : memref<80x128xf32, #tpu.memory_space<vmem>>, vector<16xf32>,
        %get3A_472 = arith.index_cast %scan3A_417 : i32 to index
        %get3A_473 = arith.constant 48 : index
        %get3A_474 = tpu.vector_load %arg8[%get3A_472, %get3A_473] {strides = array<i32>} : memref<240x128xf32, #tpu.memory_space<vmem>>, vector<16xf32>,
        %add3A_475 = arith.constant 80 : i32
        %add3A_476 = arith.addi %add3A_475, %scan3A_417 : i32
        %get3A_477 = arith.index_cast %add3A_476 : i32 to index
        %get3A_478 = arith.constant 48 : index
        %get3A_479 = tpu.vector_load %arg8[%get3A_477, %get3A_478] {strides = array<i32>} : memref<240x128xf32, #tpu.memory_space<vmem>>, vector<16xf32>,
        %add3A_480 = arith.addf %get3A_474, %get3A_479 : vector<16xf32>
        %add3A_481 = arith.constant 160 : i32
        %add3A_482 = arith.addi %add3A_481, %scan3A_417 : i32
        %get3A_483 = arith.index_cast %add3A_482 : i32 to index
        %get3A_484 = arith.constant 48 : index
        %get3A_485 = tpu.vector_load %arg8[%get3A_483, %get3A_484] {strides = array<i32>} : memref<240x128xf32, #tpu.memory_space<vmem>>, vector<16xf32>,
        %add3A_486 = arith.addf %add3A_480, %get3A_485 : vector<16xf32>
        %swap3A_487 = arith.index_cast %scan3A_417 : i32 to index
        %swap3A_488 = arith.constant 48 : index
        %swap3A_489 = tpu.vector_load %arg10[%swap3A_487, %swap3A_488] {strides = array<i32>} : memref<80x128xf32, #tpu.memory_space<vmem>>, vector<16xf32>,
        tpu.vector_store %arg10[%swap3A_487, %swap3A_488], %add3A_486 {strides = array<i32>} : memref<80x128xf32, #tpu.memory_space<vmem>>, vector<16xf32>,
        %get3A_490 = arith.index_cast %scan3A_417 : i32 to index
        %get3A_491 = arith.constant 64 : index
        %get3A_492 = tpu.vector_load %arg8[%get3A_490, %get3A_491] {strides = array<i32>} : memref<240x128xf32, #tpu.memory_space<vmem>>, vector<16xf32>,
        %add3A_493 = arith.constant 80 : i32
        %add3A_494 = arith.addi %add3A_493, %scan3A_417 : i32
        %get3A_495 = arith.index_cast %add3A_494 : i32 to index
        %get3A_496 = arith.constant 64 : index
        %get3A_497 = tpu.vector_load %arg8[%get3A_495, %get3A_496] {strides = array<i32>} : memref<240x128xf32, #tpu.memory_space<vmem>>, vector<16xf32>,
        %add3A_498 = arith.addf %get3A_492, %get3A_497 : vector<16xf32>
        %add3A_499 = arith.constant 160 : i32
        %add3A_500 = arith.addi %add3A_499, %scan3A_417 : i32
        %get3A_501 = arith.index_cast %add3A_500 : i32 to index
        %get3A_502 = arith.constant 64 : index
        %get3A_503 = tpu.vector_load %arg8[%get3A_501, %get3A_502] {strides = array<i32>} : memref<240x128xf32, #tpu.memory_space<vmem>>, vector<16xf32>,
        %add3A_504 = arith.addf %add3A_498, %get3A_503 : vector<16xf32>
        %swap3A_505 = arith.index_cast %scan3A_417 : i32 to index
        %swap3A_506 = arith.constant 64 : index
        %swap3A_507 = tpu.vector_load %arg10[%swap3A_505, %swap3A_506] {strides = array<i32>} : memref<80x128xf32, #tpu.memory_space<vmem>>, vector<16xf32>,
        tpu.vector_store %arg10[%swap3A_505, %swap3A_506], %add3A_504 {strides = array<i32>} : memref<80x128xf32, #tpu.memory_space<vmem>>, vector<16xf32>,
        %get3A_508 = arith.index_cast %scan3A_417 : i32 to index
        %get3A_509 = arith.constant 80 : index
        %get3A_510 = tpu.vector_load %arg8[%get3A_508, %get3A_509] {strides = array<i32>} : memref<240x128xf32, #tpu.memory_space<vmem>>, vector<16xf32>,
        %add3A_511 = arith.constant 80 : i32
        %add3A_512 = arith.addi %add3A_511, %scan3A_417 : i32
        %get3A_513 = arith.index_cast %add3A_512 : i32 to index
        %get3A_514 = arith.constant 80 : index
        %get3A_515 = tpu.vector_load %arg8[%get3A_513, %get3A_514] {strides = array<i32>} : memref<240x128xf32, #tpu.memory_space<vmem>>, vector<16xf32>,
        %add3A_516 = arith.addf %get3A_510, %get3A_515 : vector<16xf32>
        %add3A_517 = arith.constant 160 : i32
        %add3A_518 = arith.addi %add3A_517, %scan3A_417 : i32
        %get3A_519 = arith.index_cast %add3A_518 : i32 to index
        %get3A_520 = arith.constant 80 : index
        %get3A_521 = tpu.vector_load %arg8[%get3A_519, %get3A_520] {strides = array<i32>} : memref<240x128xf32, #tpu.memory_space<vmem>>, vector<16xf32>,
        %add3A_522 = arith.addf %add3A_516, %get3A_521 : vector<16xf32>
        %swap3A_523 = arith.index_cast %scan3A_417 : i32 to index
        %swap3A_524 = arith.constant 80 : index
        %swap3A_525 = tpu.vector_load %arg10[%swap3A_523, %swap3A_524] {strides = array<i32>} : memref<80x128xf32, #tpu.memory_space<vmem>>, vector<16xf32>,
        tpu.vector_store %arg10[%swap3A_523, %swap3A_524], %add3A_522 {strides = array<i32>} : memref<80x128xf32, #tpu.memory_space<vmem>>, vector<16xf32>,
        %get3A_526 = arith.index_cast %scan3A_417 : i32 to index
        %get3A_527 = arith.constant 96 : index
        %get3A_528 = tpu.vector_load %arg8[%get3A_526, %get3A_527] {strides = array<i32>} : memref<240x128xf32, #tpu.memory_space<vmem>>, vector<16xf32>,
        %add3A_529 = arith.constant 80 : i32
        %add3A_530 = arith.addi %add3A_529, %scan3A_417 : i32
        %get3A_531 = arith.index_cast %add3A_530 : i32 to index
        %get3A_532 = arith.constant 96 : index
        %get3A_533 = tpu.vector_load %arg8[%get3A_531, %get3A_532] {strides = array<i32>} : memref<240x128xf32, #tpu.memory_space<vmem>>, vector<16xf32>,
        %add3A_534 = arith.addf %get3A_528, %get3A_533 : vector<16xf32>
        %add3A_535 = arith.constant 160 : i32
        %add3A_536 = arith.addi %add3A_535, %scan3A_417 : i32
        %get3A_537 = arith.index_cast %add3A_536 : i32 to index
        %get3A_538 = arith.constant 96 : index
        %get3A_539 = tpu.vector_load %arg8[%get3A_537, %get3A_538] {strides = array<i32>} : memref<240x128xf32, #tpu.memory_space<vmem>>, vector<16xf32>,
        %add3A_540 = arith.addf %add3A_534, %get3A_539 : vector<16xf32>
        %swap3A_541 = arith.index_cast %scan3A_417 : i32 to index
        %swap3A_542 = arith.constant 96 : index
        %swap3A_543 = tpu.vector_load %arg10[%swap3A_541, %swap3A_542] {strides = array<i32>} : memref<80x128xf32, #tpu.memory_space<vmem>>, vector<16xf32>,
        tpu.vector_store %arg10[%swap3A_541, %swap3A_542], %add3A_540 {strides = array<i32>} : memref<80x128xf32, #tpu.memory_space<vmem>>, vector<16xf32>,
        %get3A_544 = arith.index_cast %scan3A_417 : i32 to index
        %get3A_545 = arith.constant 112 : index
        %get3A_546 = tpu.vector_load %arg8[%get3A_544, %get3A_545] {strides = array<i32>} : memref<240x128xf32, #tpu.memory_space<vmem>>, vector<16xf32>,
        %add3A_547 = arith.constant 80 : i32
        %add3A_548 = arith.addi %add3A_547, %scan3A_417 : i32
        %get3A_549 = arith.index_cast %add3A_548 : i32 to index
        %get3A_550 = arith.constant 112 : index
        %get3A_551 = tpu.vector_load %arg8[%get3A_549, %get3A_550] {strides = array<i32>} : memref<240x128xf32, #tpu.memory_space<vmem>>, vector<16xf32>,
        %add3A_552 = arith.addf %get3A_546, %get3A_551 : vector<16xf32>
        %add3A_553 = arith.constant 160 : i32
        %add3A_554 = arith.addi %add3A_553, %scan3A_417 : i32
        %get3A_555 = arith.index_cast %add3A_554 : i32 to index
        %get3A_556 = arith.constant 112 : index
        %get3A_557 = tpu.vector_load %arg8[%get3A_555, %get3A_556] {strides = array<i32>} : memref<240x128xf32, #tpu.memory_space<vmem>>, vector<16xf32>,
        %add3A_558 = arith.addf %add3A_552, %get3A_557 : vector<16xf32>
        %swap3A_559 = arith.index_cast %scan3A_417 : i32 to index
        %swap3A_560 = arith.constant 112 : index
        %swap3A_561 = tpu.vector_load %arg10[%swap3A_559, %swap3A_560] {strides = array<i32>} : memref<80x128xf32, #tpu.memory_space<vmem>>, vector<16xf32>,
        tpu.vector_store %arg10[%swap3A_559, %swap3A_560], %add3A_558 {strides = array<i32>} : memref<80x128xf32, #tpu.memory_space<vmem>>, vector<16xf32>,
        %scan3A_562 = arith.constant 2 : i32
        %scan3A_563 = arith.addi %scan3A_271, %scan3A_562 : i32
        %get3A_564 = arith.index_cast %scan3A_563 : i32 to index
        %get3A_565 = arith.constant 0 : index
        %get3A_566 = tpu.vector_load %arg8[%get3A_564, %get3A_565] {strides = array<i32>} : memref<240x128xf32, #tpu.memory_space<vmem>>, vector<16xf32>,
        %add3A_567 = arith.constant 80 : i32
        %add3A_568 = arith.addi %add3A_567, %scan3A_563 : i32
        %get3A_569 = arith.index_cast %add3A_568 : i32 to index
        %get3A_570 = arith.constant 0 : index
        %get3A_571 = tpu.vector_load %arg8[%get3A_569, %get3A_570] {strides = array<i32>} : memref<240x128xf32, #tpu.memory_space<vmem>>, vector<16xf32>,
        %add3A_572 = arith.addf %get3A_566, %get3A_571 : vector<16xf32>
        %add3A_573 = arith.constant 160 : i32
        %add3A_574 = arith.addi %add3A_573, %scan3A_563 : i32
        %get3A_575 = arith.index_cast %add3A_574 : i32 to index
        %get3A_576 = arith.constant 0 : index
        %get3A_577 = tpu.vector_load %arg8[%get3A_575, %get3A_576] {strides = array<i32>} : memref<240x128xf32, #tpu.memory_space<vmem>>, vector<16xf32>,
        %add3A_578 = arith.addf %add3A_572, %get3A_577 : vector<16xf32>
        %swap3A_579 = arith.index_cast %scan3A_563 : i32 to index
        %swap3A_580 = arith.constant 0 : index
        %swap3A_581 = tpu.vector_load %arg10[%swap3A_579, %swap3A_580] {strides = array<i32>} : memref<80x128xf32, #tpu.memory_space<vmem>>, vector<16xf32>,
        tpu.vector_store %arg10[%swap3A_579, %swap3A_580], %add3A_578 {strides = array<i32>} : memref<80x128xf32, #tpu.memory_space<vmem>>, vector<16xf32>,
        %get3A_582 = arith.index_cast %scan3A_563 : i32 to index
        %get3A_583 = arith.constant 16 : index
        %get3A_584 = tpu.vector_load %arg8[%get3A_582, %get3A_583] {strides = array<i32>} : memref<240x128xf32, #tpu.memory_space<vmem>>, vector<16xf32>,
        %add3A_585 = arith.constant 80 : i32
        %add3A_586 = arith.addi %add3A_585, %scan3A_563 : i32
        %get3A_587 = arith.index_cast %add3A_586 : i32 to index
        %get3A_588 = arith.constant 16 : index
        %get3A_589 = tpu.vector_load %arg8[%get3A_587, %get3A_588] {strides = array<i32>} : memref<240x128xf32, #tpu.memory_space<vmem>>, vector<16xf32>,
        %add3A_590 = arith.addf %get3A_584, %get3A_589 : vector<16xf32>
        %add3A_591 = arith.constant 160 : i32
        %add3A_592 = arith.addi %add3A_591, %scan3A_563 : i32
        %get3A_593 = arith.index_cast %add3A_592 : i32 to index
        %get3A_594 = arith.constant 16 : index
        %get3A_595 = tpu.vector_load %arg8[%get3A_593, %get3A_594] {strides = array<i32>} : memref<240x128xf32, #tpu.memory_space<vmem>>, vector<16xf32>,
        %add3A_596 = arith.addf %add3A_590, %get3A_595 : vector<16xf32>
        %swap3A_597 = arith.index_cast %scan3A_563 : i32 to index
        %swap3A_598 = arith.constant 16 : index
        %swap3A_599 = tpu.vector_load %arg10[%swap3A_597, %swap3A_598] {strides = array<i32>} : memref<80x128xf32, #tpu.memory_space<vmem>>, vector<16xf32>,
        tpu.vector_store %arg10[%swap3A_597, %swap3A_598], %add3A_596 {strides = array<i32>} : memref<80x128xf32, #tpu.memory_space<vmem>>, vector<16xf32>,
        %get3A_600 = arith.index_cast %scan3A_563 : i32 to index
        %get3A_601 = arith.constant 32 : index
        %get3A_602 = tpu.vector_load %arg8[%get3A_600, %get3A_601] {strides = array<i32>} : memref<240x128xf32, #tpu.memory_space<vmem>>, vector<16xf32>,
        %add3A_603 = arith.constant 80 : i32
        %add3A_604 = arith.addi %add3A_603, %scan3A_563 : i32
        %get3A_605 = arith.index_cast %add3A_604 : i32 to index
        %get3A_606 = arith.constant 32 : index
        %get3A_607 = tpu.vector_load %arg8[%get3A_605, %get3A_606] {strides = array<i32>} : memref<240x128xf32, #tpu.memory_space<vmem>>, vector<16xf32>,
        %add3A_608 = arith.addf %get3A_602, %get3A_607 : vector<16xf32>
        %add3A_609 = arith.constant 160 : i32
        %add3A_610 = arith.addi %add3A_609, %scan3A_563 : i32
        %get3A_611 = arith.index_cast %add3A_610 : i32 to index
        %get3A_612 = arith.constant 32 : index
        %get3A_613 = tpu.vector_load %arg8[%get3A_611, %get3A_612] {strides = array<i32>} : memref<240x128xf32, #tpu.memory_space<vmem>>, vector<16xf32>,
        %add3A_614 = arith.addf %add3A_608, %get3A_613 : vector<16xf32>
        %swap3A_615 = arith.index_cast %scan3A_563 : i32 to index
        %swap3A_616 = arith.constant 32 : index
        %swap3A_617 = tpu.vector_load %arg10[%swap3A_615, %swap3A_616] {strides = array<i32>} : memref<80x128xf32, #tpu.memory_space<vmem>>, vector<16xf32>,
        tpu.vector_store %arg10[%swap3A_615, %swap3A_616], %add3A_614 {strides = array<i32>} : memref<80x128xf32, #tpu.memory_space<vmem>>, vector<16xf32>,
        %get3A_618 = arith.index_cast %scan3A_563 : i32 to index
        %get3A_619 = arith.constant 48 : index
        %get3A_620 = tpu.vector_load %arg8[%get3A_618, %get3A_619] {strides = array<i32>} : memref<240x128xf32, #tpu.memory_space<vmem>>, vector<16xf32>,
        %add3A_621 = arith.constant 80 : i32
        %add3A_622 = arith.addi %add3A_621, %scan3A_563 : i32
        %get3A_623 = arith.index_cast %add3A_622 : i32 to index
        %get3A_624 = arith.constant 48 : index
        %get3A_625 = tpu.vector_load %arg8[%get3A_623, %get3A_624] {strides = array<i32>} : memref<240x128xf32, #tpu.memory_space<vmem>>, vector<16xf32>,
        %add3A_626 = arith.addf %get3A_620, %get3A_625 : vector<16xf32>
        %add3A_627 = arith.constant 160 : i32
        %add3A_628 = arith.addi %add3A_627, %scan3A_563 : i32
        %get3A_629 = arith.index_cast %add3A_628 : i32 to index
        %get3A_630 = arith.constant 48 : index
        %get3A_631 = tpu.vector_load %arg8[%get3A_629, %get3A_630] {strides = array<i32>} : memref<240x128xf32, #tpu.memory_space<vmem>>, vector<16xf32>,
        %add3A_632 = arith.addf %add3A_626, %get3A_631 : vector<16xf32>
        %swap3A_633 = arith.index_cast %scan3A_563 : i32 to index
        %swap3A_634 = arith.constant 48 : index
        %swap3A_635 = tpu.vector_load %arg10[%swap3A_633, %swap3A_634] {strides = array<i32>} : memref<80x128xf32, #tpu.memory_space<vmem>>, vector<16xf32>,
        tpu.vector_store %arg10[%swap3A_633, %swap3A_634], %add3A_632 {strides = array<i32>} : memref<80x128xf32, #tpu.memory_space<vmem>>, vector<16xf32>,
        %get3A_636 = arith.index_cast %scan3A_563 : i32 to index
        %get3A_637 = arith.constant 64 : index
        %get3A_638 = tpu.vector_load %arg8[%get3A_636, %get3A_637] {strides = array<i32>} : memref<240x128xf32, #tpu.memory_space<vmem>>, vector<16xf32>,
        %add3A_639 = arith.constant 80 : i32
        %add3A_640 = arith.addi %add3A_639, %scan3A_563 : i32
        %get3A_641 = arith.index_cast %add3A_640 : i32 to index
        %get3A_642 = arith.constant 64 : index
        %get3A_643 = tpu.vector_load %arg8[%get3A_641, %get3A_642] {strides = array<i32>} : memref<240x128xf32, #tpu.memory_space<vmem>>, vector<16xf32>,
        %add3A_644 = arith.addf %get3A_638, %get3A_643 : vector<16xf32>
        %add3A_645 = arith.constant 160 : i32
        %add3A_646 = arith.addi %add3A_645, %scan3A_563 : i32
        %get3A_647 = arith.index_cast %add3A_646 : i32 to index
        %get3A_648 = arith.constant 64 : index
        %get3A_649 = tpu.vector_load %arg8[%get3A_647, %get3A_648] {strides = array<i32>} : memref<240x128xf32, #tpu.memory_space<vmem>>, vector<16xf32>,
        %add3A_650 = arith.addf %add3A_644, %get3A_649 : vector<16xf32>
        %swap3A_651 = arith.index_cast %scan3A_563 : i32 to index
        %swap3A_652 = arith.constant 64 : index
        %swap3A_653 = tpu.vector_load %arg10[%swap3A_651, %swap3A_652] {strides = array<i32>} : memref<80x128xf32, #tpu.memory_space<vmem>>, vector<16xf32>,
        tpu.vector_store %arg10[%swap3A_651, %swap3A_652], %add3A_650 {strides = array<i32>} : memref<80x128xf32, #tpu.memory_space<vmem>>, vector<16xf32>,
        %get3A_654 = arith.index_cast %scan3A_563 : i32 to index
        %get3A_655 = arith.constant 80 : index
        %get3A_656 = tpu.vector_load %arg8[%get3A_654, %get3A_655] {strides = array<i32>} : memref<240x128xf32, #tpu.memory_space<vmem>>, vector<16xf32>,
        %add3A_657 = arith.constant 80 : i32
        %add3A_658 = arith.addi %add3A_657, %scan3A_563 : i32
        %get3A_659 = arith.index_cast %add3A_658 : i32 to index
        %get3A_660 = arith.constant 80 : index
        %get3A_661 = tpu.vector_load %arg8[%get3A_659, %get3A_660] {strides = array<i32>} : memref<240x128xf32, #tpu.memory_space<vmem>>, vector<16xf32>,
        %add3A_662 = arith.addf %get3A_656, %get3A_661 : vector<16xf32>
        %add3A_663 = arith.constant 160 : i32
        %add3A_664 = arith.addi %add3A_663, %scan3A_563 : i32
        %get3A_665 = arith.index_cast %add3A_664 : i32 to index
        %get3A_666 = arith.constant 80 : index
        %get3A_667 = tpu.vector_load %arg8[%get3A_665, %get3A_666] {strides = array<i32>} : memref<240x128xf32, #tpu.memory_space<vmem>>, vector<16xf32>,
        %add3A_668 = arith.addf %add3A_662, %get3A_667 : vector<16xf32>
        %swap3A_669 = arith.index_cast %scan3A_563 : i32 to index
        %swap3A_670 = arith.constant 80 : index
        %swap3A_671 = tpu.vector_load %arg10[%swap3A_669, %swap3A_670] {strides = array<i32>} : memref<80x128xf32, #tpu.memory_space<vmem>>, vector<16xf32>,
        tpu.vector_store %arg10[%swap3A_669, %swap3A_670], %add3A_668 {strides = array<i32>} : memref<80x128xf32, #tpu.memory_space<vmem>>, vector<16xf32>,
        %get3A_672 = arith.index_cast %scan3A_563 : i32 to index
        %get3A_673 = arith.constant 96 : index
        %get3A_674 = tpu.vector_load %arg8[%get3A_672, %get3A_673] {strides = array<i32>} : memref<240x128xf32, #tpu.memory_space<vmem>>, vector<16xf32>,
        %add3A_675 = arith.constant 80 : i32
        %add3A_676 = arith.addi %add3A_675, %scan3A_563 : i32
        %get3A_677 = arith.index_cast %add3A_676 : i32 to index
        %get3A_678 = arith.constant 96 : index
        %get3A_679 = tpu.vector_load %arg8[%get3A_677, %get3A_678] {strides = array<i32>} : memref<240x128xf32, #tpu.memory_space<vmem>>, vector<16xf32>,
        %add3A_680 = arith.addf %get3A_674, %get3A_679 : vector<16xf32>
        %add3A_681 = arith.constant 160 : i32
        %add3A_682 = arith.addi %add3A_681, %scan3A_563 : i32
        %get3A_683 = arith.index_cast %add3A_682 : i32 to index
        %get3A_684 = arith.constant 96 : index
        %get3A_685 = tpu.vector_load %arg8[%get3A_683, %get3A_684] {strides = array<i32>} : memref<240x128xf32, #tpu.memory_space<vmem>>, vector<16xf32>,
        %add3A_686 = arith.addf %add3A_680, %get3A_685 : vector<16xf32>
        %swap3A_687 = arith.index_cast %scan3A_563 : i32 to index
        %swap3A_688 = arith.constant 96 : index
        %swap3A_689 = tpu.vector_load %arg10[%swap3A_687, %swap3A_688] {strides = array<i32>} : memref<80x128xf32, #tpu.memory_space<vmem>>, vector<16xf32>,
        tpu.vector_store %arg10[%swap3A_687, %swap3A_688], %add3A_686 {strides = array<i32>} : memref<80x128xf32, #tpu.memory_space<vmem>>, vector<16xf32>,
        %get3A_690 = arith.index_cast %scan3A_563 : i32 to index
        %get3A_691 = arith.constant 112 : index
        %get3A_692 = tpu.vector_load %arg8[%get3A_690, %get3A_691] {strides = array<i32>} : memref<240x128xf32, #tpu.memory_space<vmem>>, vector<16xf32>,
        %add3A_693 = arith.constant 80 : i32
        %add3A_694 = arith.addi %add3A_693, %scan3A_563 : i32
        %get3A_695 = arith.index_cast %add3A_694 : i32 to index
        %get3A_696 = arith.constant 112 : index
        %get3A_697 = tpu.vector_load %arg8[%get3A_695, %get3A_696] {strides = array<i32>} : memref<240x128xf32, #tpu.memory_space<vmem>>, vector<16xf32>,
        %add3A_698 = arith.addf %get3A_692, %get3A_697 : vector<16xf32>
        %add3A_699 = arith.constant 160 : i32
        %add3A_700 = arith.addi %add3A_699, %scan3A_563 : i32
        %get3A_701 = arith.index_cast %add3A_700 : i32 to index
        %get3A_702 = arith.constant 112 : index
        %get3A_703 = tpu.vector_load %arg8[%get3A_701, %get3A_702] {strides = array<i32>} : memref<240x128xf32, #tpu.memory_space<vmem>>, vector<16xf32>,
        %add3A_704 = arith.addf %add3A_698, %get3A_703 : vector<16xf32>
        %swap3A_705 = arith.index_cast %scan3A_563 : i32 to index
        %swap3A_706 = arith.constant 112 : index
        %swap3A_707 = tpu.vector_load %arg10[%swap3A_705, %swap3A_706] {strides = array<i32>} : memref<80x128xf32, #tpu.memory_space<vmem>>, vector<16xf32>,
        tpu.vector_store %arg10[%swap3A_705, %swap3A_706], %add3A_704 {strides = array<i32>} : memref<80x128xf32, #tpu.memory_space<vmem>>, vector<16xf32>,
        %scan3A_708 = arith.constant 3 : i32
        %scan3A_709 = arith.addi %scan3A_271, %scan3A_708 : i32
        %get3A_710 = arith.index_cast %scan3A_709 : i32 to index
        %get3A_711 = arith.constant 0 : index
        %get3A_712 = tpu.vector_load %arg8[%get3A_710, %get3A_711] {strides = array<i32>} : memref<240x128xf32, #tpu.memory_space<vmem>>, vector<16xf32>,
        %add3A_713 = arith.constant 80 : i32
        %add3A_714 = arith.addi %add3A_713, %scan3A_709 : i32
        %get3A_715 = arith.index_cast %add3A_714 : i32 to index
        %get3A_716 = arith.constant 0 : index
        %get3A_717 = tpu.vector_load %arg8[%get3A_715, %get3A_716] {strides = array<i32>} : memref<240x128xf32, #tpu.memory_space<vmem>>, vector<16xf32>,
        %add3A_718 = arith.addf %get3A_712, %get3A_717 : vector<16xf32>
        %add3A_719 = arith.constant 160 : i32
        %add3A_720 = arith.addi %add3A_719, %scan3A_709 : i32
        %get3A_721 = arith.index_cast %add3A_720 : i32 to index
        %get3A_722 = arith.constant 0 : index
        %get3A_723 = tpu.vector_load %arg8[%get3A_721, %get3A_722] {strides = array<i32>} : memref<240x128xf32, #tpu.memory_space<vmem>>, vector<16xf32>,
        %add3A_724 = arith.addf %add3A_718, %get3A_723 : vector<16xf32>
        %swap3A_725 = arith.index_cast %scan3A_709 : i32 to index
        %swap3A_726 = arith.constant 0 : index
        %swap3A_727 = tpu.vector_load %arg10[%swap3A_725, %swap3A_726] {strides = array<i32>} : memref<80x128xf32, #tpu.memory_space<vmem>>, vector<16xf32>,
        tpu.vector_store %arg10[%swap3A_725, %swap3A_726], %add3A_724 {strides = array<i32>} : memref<80x128xf32, #tpu.memory_space<vmem>>, vector<16xf32>,
        %get3A_728 = arith.index_cast %scan3A_709 : i32 to index
        %get3A_729 = arith.constant 16 : index
        %get3A_730 = tpu.vector_load %arg8[%get3A_728, %get3A_729] {strides = array<i32>} : memref<240x128xf32, #tpu.memory_space<vmem>>, vector<16xf32>,
        %add3A_731 = arith.constant 80 : i32
        %add3A_732 = arith.addi %add3A_731, %scan3A_709 : i32
        %get3A_733 = arith.index_cast %add3A_732 : i32 to index
        %get3A_734 = arith.constant 16 : index
        %get3A_735 = tpu.vector_load %arg8[%get3A_733, %get3A_734] {strides = array<i32>} : memref<240x128xf32, #tpu.memory_space<vmem>>, vector<16xf32>,
        %add3A_736 = arith.addf %get3A_730, %get3A_735 : vector<16xf32>
        %add3A_737 = arith.constant 160 : i32
        %add3A_738 = arith.addi %add3A_737, %scan3A_709 : i32
        %get3A_739 = arith.index_cast %add3A_738 : i32 to index
        %get3A_740 = arith.constant 16 : index
        %get3A_741 = tpu.vector_load %arg8[%get3A_739, %get3A_740] {strides = array<i32>} : memref<240x128xf32, #tpu.memory_space<vmem>>, vector<16xf32>,
        %add3A_742 = arith.addf %add3A_736, %get3A_741 : vector<16xf32>
        %swap3A_743 = arith.index_cast %scan3A_709 : i32 to index
        %swap3A_744 = arith.constant 16 : index
        %swap3A_745 = tpu.vector_load %arg10[%swap3A_743, %swap3A_744] {strides = array<i32>} : memref<80x128xf32, #tpu.memory_space<vmem>>, vector<16xf32>,
        tpu.vector_store %arg10[%swap3A_743, %swap3A_744], %add3A_742 {strides = array<i32>} : memref<80x128xf32, #tpu.memory_space<vmem>>, vector<16xf32>,
        %get3A_746 = arith.index_cast %scan3A_709 : i32 to index
        %get3A_747 = arith.constant 32 : index
        %get3A_748 = tpu.vector_load %arg8[%get3A_746, %get3A_747] {strides = array<i32>} : memref<240x128xf32, #tpu.memory_space<vmem>>, vector<16xf32>,
        %add3A_749 = arith.constant 80 : i32
        %add3A_750 = arith.addi %add3A_749, %scan3A_709 : i32
        %get3A_751 = arith.index_cast %add3A_750 : i32 to index
        %get3A_752 = arith.constant 32 : index
        %get3A_753 = tpu.vector_load %arg8[%get3A_751, %get3A_752] {strides = array<i32>} : memref<240x128xf32, #tpu.memory_space<vmem>>, vector<16xf32>,
        %add3A_754 = arith.addf %get3A_748, %get3A_753 : vector<16xf32>
        %add3A_755 = arith.constant 160 : i32
        %add3A_756 = arith.addi %add3A_755, %scan3A_709 : i32
        %get3A_757 = arith.index_cast %add3A_756 : i32 to index
        %get3A_758 = arith.constant 32 : index
        %get3A_759 = tpu.vector_load %arg8[%get3A_757, %get3A_758] {strides = array<i32>} : memref<240x128xf32, #tpu.memory_space<vmem>>, vector<16xf32>,
        %add3A_760 = arith.addf %add3A_754, %get3A_759 : vector<16xf32>
        %swap3A_761 = arith.index_cast %scan3A_709 : i32 to index
        %swap3A_762 = arith.constant 32 : index
        %swap3A_763 = tpu.vector_load %arg10[%swap3A_761, %swap3A_762] {strides = array<i32>} : memref<80x128xf32, #tpu.memory_space<vmem>>, vector<16xf32>,
        tpu.vector_store %arg10[%swap3A_761, %swap3A_762], %add3A_760 {strides = array<i32>} : memref<80x128xf32, #tpu.memory_space<vmem>>, vector<16xf32>,
        %get3A_764 = arith.index_cast %scan3A_709 : i32 to index
        %get3A_765 = arith.constant 48 : index
        %get3A_766 = tpu.vector_load %arg8[%get3A_764, %get3A_765] {strides = array<i32>} : memref<240x128xf32, #tpu.memory_space<vmem>>, vector<16xf32>,
        %add3A_767 = arith.constant 80 : i32
        %add3A_768 = arith.addi %add3A_767, %scan3A_709 : i32
        %get3A_769 = arith.index_cast %add3A_768 : i32 to index
        %get3A_770 = arith.constant 48 : index
        %get3A_771 = tpu.vector_load %arg8[%get3A_769, %get3A_770] {strides = array<i32>} : memref<240x128xf32, #tpu.memory_space<vmem>>, vector<16xf32>,
        %add3A_772 = arith.addf %get3A_766, %get3A_771 : vector<16xf32>
        %add3A_773 = arith.constant 160 : i32
        %add3A_774 = arith.addi %add3A_773, %scan3A_709 : i32
        %get3A_775 = arith.index_cast %add3A_774 : i32 to index
        %get3A_776 = arith.constant 48 : index
        %get3A_777 = tpu.vector_load %arg8[%get3A_775, %get3A_776] {strides = array<i32>} : memref<240x128xf32, #tpu.memory_space<vmem>>, vector<16xf32>,
        %add3A_778 = arith.addf %add3A_772, %get3A_777 : vector<16xf32>
        %swap3A_779 = arith.index_cast %scan3A_709 : i32 to index
        %swap3A_780 = arith.constant 48 : index
        %swap3A_781 = tpu.vector_load %arg10[%swap3A_779, %swap3A_780] {strides = array<i32>} : memref<80x128xf32, #tpu.memory_space<vmem>>, vector<16xf32>,
        tpu.vector_store %arg10[%swap3A_779, %swap3A_780], %add3A_778 {strides = array<i32>} : memref<80x128xf32, #tpu.memory_space<vmem>>, vector<16xf32>,
        %get3A_782 = arith.index_cast %scan3A_709 : i32 to index
        %get3A_783 = arith.constant 64 : index
        %get3A_784 = tpu.vector_load %arg8[%get3A_782, %get3A_783] {strides = array<i32>} : memref<240x128xf32, #tpu.memory_space<vmem>>, vector<16xf32>,
        %add3A_785 = arith.constant 80 : i32
        %add3A_786 = arith.addi %add3A_785, %scan3A_709 : i32
        %get3A_787 = arith.index_cast %add3A_786 : i32 to index
        %get3A_788 = arith.constant 64 : index
        %get3A_789 = tpu.vector_load %arg8[%get3A_787, %get3A_788] {strides = array<i32>} : memref<240x128xf32, #tpu.memory_space<vmem>>, vector<16xf32>,
        %add3A_790 = arith.addf %get3A_784, %get3A_789 : vector<16xf32>
        %add3A_791 = arith.constant 160 : i32
        %add3A_792 = arith.addi %add3A_791, %scan3A_709 : i32
        %get3A_793 = arith.index_cast %add3A_792 : i32 to index
        %get3A_794 = arith.constant 64 : index
        %get3A_795 = tpu.vector_load %arg8[%get3A_793, %get3A_794] {strides = array<i32>} : memref<240x128xf32, #tpu.memory_space<vmem>>, vector<16xf32>,
        %add3A_796 = arith.addf %add3A_790, %get3A_795 : vector<16xf32>
        %swap3A_797 = arith.index_cast %scan3A_709 : i32 to index
        %swap3A_798 = arith.constant 64 : index
        %swap3A_799 = tpu.vector_load %arg10[%swap3A_797, %swap3A_798] {strides = array<i32>} : memref<80x128xf32, #tpu.memory_space<vmem>>, vector<16xf32>,
        tpu.vector_store %arg10[%swap3A_797, %swap3A_798], %add3A_796 {strides = array<i32>} : memref<80x128xf32, #tpu.memory_space<vmem>>, vector<16xf32>,
        %get3A_800 = arith.index_cast %scan3A_709 : i32 to index
        %get3A_801 = arith.constant 80 : index
        %get3A_802 = tpu.vector_load %arg8[%get3A_800, %get3A_801] {strides = array<i32>} : memref<240x128xf32, #tpu.memory_space<vmem>>, vector<16xf32>,
        %add3A_803 = arith.constant 80 : i32
        %add3A_804 = arith.addi %add3A_803, %scan3A_709 : i32
        %get3A_805 = arith.index_cast %add3A_804 : i32 to index
        %get3A_806 = arith.constant 80 : index
        %get3A_807 = tpu.vector_load %arg8[%get3A_805, %get3A_806] {strides = array<i32>} : memref<240x128xf32, #tpu.memory_space<vmem>>, vector<16xf32>,
        %add3A_808 = arith.addf %get3A_802, %get3A_807 : vector<16xf32>
        %add3A_809 = arith.constant 160 : i32
        %add3A_810 = arith.addi %add3A_809, %scan3A_709 : i32
        %get3A_811 = arith.index_cast %add3A_810 : i32 to index
        %get3A_812 = arith.constant 80 : index
        %get3A_813 = tpu.vector_load %arg8[%get3A_811, %get3A_812] {strides = array<i32>} : memref<240x128xf32, #tpu.memory_space<vmem>>, vector<16xf32>,
        %add3A_814 = arith.addf %add3A_808, %get3A_813 : vector<16xf32>
        %swap3A_815 = arith.index_cast %scan3A_709 : i32 to index
        %swap3A_816 = arith.constant 80 : index
        %swap3A_817 = tpu.vector_load %arg10[%swap3A_815, %swap3A_816] {strides = array<i32>} : memref<80x128xf32, #tpu.memory_space<vmem>>, vector<16xf32>,
        tpu.vector_store %arg10[%swap3A_815, %swap3A_816], %add3A_814 {strides = array<i32>} : memref<80x128xf32, #tpu.memory_space<vmem>>, vector<16xf32>,
        %get3A_818 = arith.index_cast %scan3A_709 : i32 to index
        %get3A_819 = arith.constant 96 : index
        %get3A_820 = tpu.vector_load %arg8[%get3A_818, %get3A_819] {strides = array<i32>} : memref<240x128xf32, #tpu.memory_space<vmem>>, vector<16xf32>,
        %add3A_821 = arith.constant 80 : i32
        %add3A_822 = arith.addi %add3A_821, %scan3A_709 : i32
        %get3A_823 = arith.index_cast %add3A_822 : i32 to index
        %get3A_824 = arith.constant 96 : index
        %get3A_825 = tpu.vector_load %arg8[%get3A_823, %get3A_824] {strides = array<i32>} : memref<240x128xf32, #tpu.memory_space<vmem>>, vector<16xf32>,
        %add3A_826 = arith.addf %get3A_820, %get3A_825 : vector<16xf32>
        %add3A_827 = arith.constant 160 : i32
        %add3A_828 = arith.addi %add3A_827, %scan3A_709 : i32
        %get3A_829 = arith.index_cast %add3A_828 : i32 to index
        %get3A_830 = arith.constant 96 : index
        %get3A_831 = tpu.vector_load %arg8[%get3A_829, %get3A_830] {strides = array<i32>} : memref<240x128xf32, #tpu.memory_space<vmem>>, vector<16xf32>,
        %add3A_832 = arith.addf %add3A_826, %get3A_831 : vector<16xf32>
        %swap3A_833 = arith.index_cast %scan3A_709 : i32 to index
        %swap3A_834 = arith.constant 96 : index
        %swap3A_835 = tpu.vector_load %arg10[%swap3A_833, %swap3A_834] {strides = array<i32>} : memref<80x128xf32, #tpu.memory_space<vmem>>, vector<16xf32>,
        tpu.vector_store %arg10[%swap3A_833, %swap3A_834], %add3A_832 {strides = array<i32>} : memref<80x128xf32, #tpu.memory_space<vmem>>, vector<16xf32>,
        %get3A_836 = arith.index_cast %scan3A_709 : i32 to index
        %get3A_837 = arith.constant 112 : index
        %get3A_838 = tpu.vector_load %arg8[%get3A_836, %get3A_837] {strides = array<i32>} : memref<240x128xf32, #tpu.memory_space<vmem>>, vector<16xf32>,
        %add3A_839 = arith.constant 80 : i32
        %add3A_840 = arith.addi %add3A_839, %scan3A_709 : i32
        %get3A_841 = arith.index_cast %add3A_840 : i32 to index
        %get3A_842 = arith.constant 112 : index
        %get3A_843 = tpu.vector_load %arg8[%get3A_841, %get3A_842] {strides = array<i32>} : memref<240x128xf32, #tpu.memory_space<vmem>>, vector<16xf32>,
        %add3A_844 = arith.addf %get3A_838, %get3A_843 : vector<16xf32>
        %add3A_845 = arith.constant 160 : i32
        %add3A_846 = arith.addi %add3A_845, %scan3A_709 : i32
        %get3A_847 = arith.index_cast %add3A_846 : i32 to index
        %get3A_848 = arith.constant 112 : index
        %get3A_849 = tpu.vector_load %arg8[%get3A_847, %get3A_848] {strides = array<i32>} : memref<240x128xf32, #tpu.memory_space<vmem>>, vector<16xf32>,
        %add3A_850 = arith.addf %add3A_844, %get3A_849 : vector<16xf32>
        %swap3A_851 = arith.index_cast %scan3A_709 : i32 to index
        %swap3A_852 = arith.constant 112 : index
        %swap3A_853 = tpu.vector_load %arg10[%swap3A_851, %swap3A_852] {strides = array<i32>} : memref<80x128xf32, #tpu.memory_space<vmem>>, vector<16xf32>,
        tpu.vector_store %arg10[%swap3A_851, %swap3A_852], %add3A_850 {strides = array<i32>} : memref<80x128xf32, #tpu.memory_space<vmem>>, vector<16xf32>,
      }
      %scan3A_260 = arith.constant 16 : i32
      %dma_start3A_261 = arith.constant 0 : i32
      %dma_start3A_262 = arith.constant 0 : i32
      %dma_start3A_263 = tpu.memref_slice %arg10[%dma_start3A_261, %dma_start3A_262] : memref<80x128xf32, #tpu.memory_space<vmem>> -> memref<16x128xf32, #tpu.memory_space<vmem>>
      %dma_start3A_264 = arith.constant 0 : i32
      %dma_start3A_265 = tpu.memref_slice %arg4[%add3A_198, %dma_start3A_264] : memref<100000x128xf32, #tpu.memory_space<hbm>> -> memref<16x128xf32, #tpu.memory_space<hbm>>
      %dma_start3A_266 = arith.constant 0 : i32
      %dma_start3A_267 = tpu.memref_slice %arg4[%add3A_198, %dma_start3A_266] : memref<100000x128xf32, #tpu.memory_space<hbm>> -> memref<16x128xf32, #tpu.memory_space<hbm>>
      %dma_start3A_268 = arith.constant 0 : i32
      %dma_start3A_269 = arith.constant 0 : i32
      %dma_start3A_270 = tpu.memref_slice %arg10[%dma_start3A_268, %dma_start3A_269] : memref<80x128xf32, #tpu.memory_space<vmem>> -> memref<16x128xf32, #tpu.memory_space<vmem>>
      tpu.enqueue_dma source(%dma_start3A_270 : memref<16x128xf32, #tpu.memory_space<vmem>>) target(%dma_start3A_267 : memref<16x128xf32, #tpu.memory_space<hbm>>) target_semaphore(%arg20 : memref<!tpu.dma_semaphore, #tpu.memory_space<semaphore_mem>>)
    } else {
    }
    %dma_wait3A_180 = arith.constant 0 : i32
    %dma_wait3A_181 = arith.constant 0 : i32
    %dma_wait3A_182 = tpu.memref_slice %arg4[%dma_wait3A_180, %dma_wait3A_181] : memref<100000x128xf32, #tpu.memory_space<hbm>> -> memref<80x128xf32, #tpu.memory_space<hbm>>
    %dma_wait3A_183 = arith.constant 0 : i32
    %dma_wait3A_184 = arith.constant 0 : i32
    %dma_wait3A_185 = tpu.memref_slice %arg4[%dma_wait3A_183, %dma_wait3A_184] : memref<100000x128xf32, #tpu.memory_space<hbm>> -> memref<80x128xf32, #tpu.memory_space<hbm>>
    tpu.wait_dma2 semaphore(%arg19 : memref<!tpu.dma_semaphore, #tpu.memory_space<semaphore_mem>>) src(%arg9 : memref<80x128xf32, #tpu.memory_space<vmem>>) dst(%dma_wait3A_185 : memref<80x128xf32, #tpu.memory_space<hbm>>)
    %lt3A_186 = arith.constant 10 : i32
    %lt3A_187 = arith.cmpi slt, %add3A, %lt3A_186 : i32
    %convert_element_type3A_188 = arith.extui %lt3A_187 : i1 to i32
    %cond3A_189 = arith.constant 0 : i32
    %cond3A_190 = arith.cmpi ne, %convert_element_type3A_188, %cond3A_189 : i32
    scf.if %cond3A_190 {
      %dma_wait3A_195 = arith.constant 0 : i32
      %dma_wait3A_196 = arith.constant 0 : i32
      %dma_wait3A_197 = tpu.memref_slice %arg10[%dma_wait3A_195, %dma_wait3A_196] : memref<80x128xf32, #tpu.memory_space<vmem>> -> memref<16x128xf32, #tpu.memory_space<vmem>>
      %dma_wait3A_198 = arith.constant 0 : i32
      %dma_wait3A_199 = arith.constant 0 : i32
      %dma_wait3A_200 = tpu.memref_slice %arg4[%dma_wait3A_198, %dma_wait3A_199] : memref<100000x128xf32, #tpu.memory_space<hbm>> -> memref<16x128xf32, #tpu.memory_space<hbm>>
      %dma_wait3A_201 = arith.constant 0 : i32
      %dma_wait3A_202 = arith.constant 0 : i32
      %dma_wait3A_203 = tpu.memref_slice %arg4[%dma_wait3A_201, %dma_wait3A_202] : memref<100000x128xf32, #tpu.memory_space<hbm>> -> memref<16x128xf32, #tpu.memory_space<hbm>>
      %dma_wait3A_204 = arith.constant 0 : i32
      %dma_wait3A_205 = arith.constant 0 : i32
      %dma_wait3A_206 = tpu.memref_slice %arg10[%dma_wait3A_204, %dma_wait3A_205] : memref<80x128xf32, #tpu.memory_space<vmem>> -> memref<16x128xf32, #tpu.memory_space<vmem>>
      tpu.wait_dma2 semaphore(%arg20 : memref<!tpu.dma_semaphore, #tpu.memory_space<semaphore_mem>>) src(%dma_wait3A_206 : memref<16x128xf32, #tpu.memory_space<vmem>>) dst(%dma_wait3A_203 : memref<16x128xf32, #tpu.memory_space<hbm>>)
    } else {
    }
    %ge3A = arith.constant 10 : i32
    %ge3A_191 = arith.cmpi sge, %add3A, %ge3A : i32
    %convert_element_type3A_192 = arith.extui %ge3A_191 : i1 to i32
    %cond3A_193 = arith.constant 0 : i32
    %cond3A_194 = arith.cmpi ne, %convert_element_type3A_192, %cond3A_193 : i32
    scf.if %cond3A_194 {
      %dma_wait3A_195 = arith.constant 0 : i32
      %dma_wait3A_196 = arith.constant 0 : i32
      %dma_wait3A_197 = tpu.memref_slice %arg4[%dma_wait3A_195, %dma_wait3A_196] : memref<100000x128xf32, #tpu.memory_space<hbm>> -> memref<80x128xf32, #tpu.memory_space<hbm>>
      %dma_wait3A_198 = arith.constant 0 : i32
      %dma_wait3A_199 = arith.constant 0 : i32
      %dma_wait3A_200 = tpu.memref_slice %arg4[%dma_wait3A_198, %dma_wait3A_199] : memref<100000x128xf32, #tpu.memory_space<hbm>> -> memref<80x128xf32, #tpu.memory_space<hbm>>
      tpu.wait_dma2 semaphore(%arg20 : memref<!tpu.dma_semaphore, #tpu.memory_space<semaphore_mem>>) src(%arg10 : memref<80x128xf32, #tpu.memory_space<vmem>>) dst(%dma_wait3A_200 : memref<80x128xf32, #tpu.memory_space<hbm>>)
    } else {
    }
    return
  }
}

</mosaic_0001>

<sc_bundles>
// kernel: kernel.3.cloned.1.call-start
scs
__scs_entry_jumppad:
0x0: {  	(pc) =	sbr.rel $0x88, $3  }
0x1: {  	(tag) =	ssettag $0x0;
	lr =	simm.s32 $0x1  }
0x2: {  	[smem:$0x3F97] =	sst lr;
	_ =	strace $0xD0000000  }
0x3: {  	_ = 	snop  }
0x4: {  	_ = 	snop  }
0x5: {  	_ = 	snop  }
0x6: {  	_ = 	snop  }
0x7: {  	_ = 	snop  }
__scs_overlays_trampoline_lowered:
0x8: {  	[smem:$0x3FA6] =	sst s0  }
0x9: {  	[smem:$0x3FA7] =	sst s1  }
0xa: {  	[smem:$0x3FA8] =	sst s2  }
0xb: {  	[smem:$0x3FA9] =	sst s3  }
0xc: {  	[smem:$0x3FAA] =	sst s4  }
0xd: {  	[smem:$0x3FAB] =	sst s5  }
0xe: {  	[smem:$0x3FAC] =	sst s6  }
0xf: {  	[smem:$0x3FAD] =	sst s7  }
0x10: {  	[smem:$0x3FAE] =	sst s8  }
0x11: {  	[smem:$0x3FAF] =	sst s9;
	s0 =	simm.s32 @!p0 $0x0  }
0x12: {  	s1 =	sld [smem:$0x3F95];
	s0 =	simm.s32 @p0 $0x1  }
0x13: {  	[smem:$0x3FB0] =	sst s0;
	s0 =	simm.s32 @!p1 $0x0  }
0x14: {  	s2 =	sld [smem:$0x3F94];
	s0 =	simm.s32 @p1 $0x1  }
0x15: {  	[smem:$0x3FB1] =	sst s0;
	s0 =	simm.s32 @!p2 $0x0  }
0x16: {  	s3 =	sld [smem:$0x3FDB];
	s0 =	simm.s32 @p2 $0x1  }
0x17: {  	s4 =	simm.s32 $0x1BF5;
	[smem:$0x3FB3] =	sst s0  }
0x18: {  	s0 =	sld [smem:$0x3F96];
	_ =	swait.ge [sflag:s4], $0x0  }
0x19: {  	s7 =	sld [smem:$0x3F97]  }
0x1a: {  	s8 =	sadd.s32 $0xFFFFE003, lr  }
0x1b: {  	s9 =	sadd.s32 $0xFFFFFEF7, lr;
	s5 =	simm.s32 $0xFFFFFFFF;
	p2 =	slt.u32 s8, $0xFFFFF086  }
0x1c: {  	p1 =	slt.u32 s9, $0xF7A;
	s5 =	simm.s32 @!p2 $0x0  }
0x1d: {  	s5 =	simm.s32 @p1 $0x1;
	p0 =	seq.s32 s7, s2  }
0x1e: {  	s7 =	smul.u32 @!p0 $0xF7A, s2;
	p2 =	seq.s32 @!p0 s5, $0x0  }
0x1f: {  	s9 =	smul.u32 $0xF7A, s1;
	s8 =	simm.s32 @!p0 $0x1BF5;
	p2 =	por !p2, p0  }
0x20: {  	[sflag:s8] =	ssyncset.s32 @!p0 $0xFFFFF086;
	s6 =	sadd.s32 @!p0 s3, s7;
	s7 =	simm.s32 @!p0 $0x108  }
0x21: {  	s3 =	sadd.s32 s3, s9;
	s6 =	sadd.s32 @!p0 $0x88, s6;
	s7 =	simm.s32 @p2 $0x1082  }
0x22: {  	[simem:s7], [sflag:s8] =	dma.local @!p0 [hbm:s6], $0xF7A  }
0x23: {  	s9 =	sor.u32 $0xD0000000, s2;
	s6 =	simm.s32 $0x108;
	_ =	swait.ge @!p0 [sflag:s8], $0x0  }
0x24: {  	s3 =	sadd.s32 $0x88, s3;
	s6 =	simm.s32 @!p1 $0x1082;
	[sflag:s4] =	ssyncset.s32 $0xFFFFF086  }
0x25: {  	[simem:s6], [sflag:s4] =	dma.local [hbm:s3], $0xF7A  }
0x26: {  	[smem:$0x3F97] =	sst s1;
	(tag) =	ssettag s2;
	_ =	strace s9  }
0x27: {  	s1 =	sld [smem:$0x3FA7]  }
0x28: {  	s2 =	sld [smem:$0x3FA8]  }
0x29: {  	s4 =	sld [smem:$0x3FAA]  }
0x2a: {  	p0 =	seq.s32 s5, $0x0;
	s5 =	sld [smem:$0x3FAB]  }
0x2b: {  	s6 =	sld [smem:$0x3FAC]  }
0x2c: {  	s7 =	sld [smem:$0x3FAD]  }
0x2d: {  	s3 =	simm.s32 $0x108;
	s8 =	sld [smem:$0x3FAE]  }
0x2e: {  	s3 =	simm.s32 @!p0 $0x1082;
	s9 =	sld [smem:$0x3FAF]  }
0x2f: {  	lr =	sadd.s32 s0, s3;
	s0 =	sld [smem:$0x3FA6]  }
0x30: {  	s3 =	sld [smem:$0x3FA9]  }
0x31: {  	[smem:$0x3FB2] =	sst s10  }
0x32: {  	s10 =	sld [smem:$0x3FB0];
	_ =	sdelay $0x3  }
0x33: {  	p0 =	seq.s32 s10, $0x1;
	s10 =	sld [smem:$0x3FB2];
	_ =	sdelay $0x3  }
0x34: {  	[smem:$0x3FB2] =	sst s10  }
0x35: {  	s10 =	sld [smem:$0x3FB1];
	_ =	sdelay $0x3  }
0x36: {  	p1 =	seq.s32 s10, $0x1;
	s10 =	sld [smem:$0x3FB2];
	_ =	sdelay $0x3  }
0x37: {  	[smem:$0x3FB2] =	sst s10  }
0x38: {  	s10 =	sld [smem:$0x3FB3]  }
0x39: {  	_ = 	snop;
	(pc) =	sbr.ind lr, $3  }
0x3a: {  	_ = 	snop  }
0x3b: {  	_ = 	snop  }
0x3c: {  	p2 =	seq.s32 s10, $0x1;
	s10 =	sld [smem:$0x3FB2]  }
0x3d: {  	_ =	shalt  }
0x3e: {  	_ =	shalt  }
0x3f: {  	_ =	shalt  }
0x40: {  	_ =	shalt  }
0x41: {  	_ =	shalt  }
0x42: {  	_ =	shalt  }
0x43: {  	_ =	shalt  }
0x44: {  	_ =	shalt  }
0x45: {  	_ =	shalt  }
0x46: {  	_ =	shalt  }
0x47: {  	_ =	shalt  }
0x48: {  	_ =	shalt  }
0x49: {  	_ =	shalt  }
0x4a: {  	_ =	shalt  }
0x4b: {  	_ =	shalt  }
0x4c: {  	_ =	shalt  }
0x4d: {  	_ =	shalt  }
0x4e: {  	_ =	shalt  }
0x4f: {  	_ =	shalt  }
0x50: {  	_ =	shalt  }
0x51: {  	_ =	shalt  }
0x52: {  	_ =	shalt  }
0x53: {  	_ =	shalt  }
0x54: {  	_ =	shalt  }
0x55: {  	_ =	shalt  }
0x56: {  	_ =	shalt  }
0x57: {  	_ =	shalt  }
0x58: {  	_ =	shalt  }
0x59: {  	_ =	shalt  }
0x5a: {  	_ =	shalt  }
0x5b: {  	_ =	shalt  }
0x5c: {  	_ =	shalt  }
0x5d: {  	_ =	shalt  }
0x5e: {  	_ =	shalt  }
0x5f: {  	_ =	shalt  }
0x60: {  	_ =	shalt  }
0x61: {  	_ =	shalt  }
0x62: {  	_ =	shalt  }
0x63: {  	_ =	shalt  }
0x64: {  	_ =	shalt  }
0x65: {  	_ =	shalt  }
0x66: {  	_ =	shalt  }
0x67: {  	_ =	shalt  }
0x68: {  	_ =	shalt  }
0x69: {  	_ =	shalt  }
0x6a: {  	_ =	shalt  }
0x6b: {  	_ =	shalt  }
0x6c: {  	_ =	shalt  }
0x6d: {  	_ =	shalt  }
0x6e: {  	_ =	shalt  }
0x6f: {  	_ =	shalt  }
0x70: {  	_ =	shalt  }
0x71: {  	_ =	shalt  }
0x72: {  	_ =	shalt  }
0x73: {  	_ =	shalt  }
0x74: {  	_ =	shalt  }
0x75: {  	_ =	shalt  }
0x76: {  	_ =	shalt  }
0x77: {  	_ =	shalt  }
0x78: {  	_ =	shalt  }
0x79: {  	_ =	shalt  }
0x7a: {  	_ =	shalt  }
0x7b: {  	_ =	shalt  }
0x7c: {  	_ =	shalt  }
0x7d: {  	_ =	shalt  }
0x7e: {  	_ =	shalt  }
0x7f: {  	_ =	shalt  }
0x80: {  	_ =	shalt  }
0x81: {  	_ =	shalt  }
0x82: {  	_ =	shalt  }
0x83: {  	_ =	shalt  }
0x84: {  	_ =	shalt  }
0x85: {  	_ =	shalt  }
0x86: {  	_ =	shalt  }
0x87: {  	_ =	shalt  }
.Lfunc_end0:
.L_simem_size_0:
called_computation_lowered:
.L_overlay_start_0:
0x88: {  	s2 =	sld [smem:$0x3FD9]  }
0x89: {  	s3 =	sld [smem:$0x3FFE];
	_ =	sdelay $0x1  }
0x8a: {  	s1 =	srdreg.scid  }
0x8b: {  	s0 =	sand.u32 $0x1, s1  }
0x8c: {  	s17 =	sshll.u32 s0, $0xA;
	s2 =	sadd.s32 s3, s2  }
0x8d: {  	s2 =	sadd.s32 s2, s17  }
0x8e: {  	[smem:$0x3FBE] =	sst s2  }
0x8f: {  	_ = 	snop  }
0x90: {  	s2 =	sld [smem:$0x3FD0];
	(tm) =	ssettm $0x1  }
0x91: {  	s18 =	sld [smem:$0x3FFB];
	_ =	sdelay $0x3  }
0x92: {  	_ =	strace s18  }
0x93: {  	s3 =	sld [smem:$0x3FFC];
	_ =	sdelay $0x3  }
0x94: {  	_ =	strace s3  }
0x95: {  	s3 =	sld [smem:$0x3FFD];
	_ =	sdelay $0x3  }
0x96: {  	_ =	strace s3  }
0x97: {  	_ =	strace $0x8FFFFFFF  }
0x98: {  	s19 =	sld [smem:$0x3FDB];
	_ =	sdelay $0x1  }
0x99: {  	s4 =	simm.s32 $_scs_section_size  }
0x9a: {  	s5 =	simm.s32 $_size__tile_overlayer_lowered;
	s6 =	simm.s32 $_tile_overlayer_lowered  }
0x9b: {  	s22 =	simm.s32 $0x1BFF;
	s21 =	sshll.u32 s6, $0x1;
	s3 =	sadd.s32 s4, s19  }
0x9c: {  	s7 =	simm.s32 $0x0;
	s20 =	sshll.u32 s5, $0x1;
	s5 =	sadd.s32 s21, s3  }
0x9d: {  	[timem:s7], [sflag:s22] =	dma.local [hbm:s5], s20  }
0x9e: {  	_ =	swait.ge [sflag:s22], s20  }
0x9f: {  	s4 =	ssub.s32 $0x0, s20;
	[sflag:s22] =	ssyncset.done $0x0  }
0xa0: {  	[sflag:s22] =	ssyncadd.s32 s4;
	_ =	sdelay $0x1  }
0xa1: {  	s23 =	simm.s32 $0x1B8B  }
0xa2: {  	_ =	swait.ge [sflag:s23], $0x1  }
0xa3: {  	[sflag:s23] =	ssyncset.done $0x0  }
0xa4: {  	s25 =	simm.s32 $0x1B8E;
	s24 =	sld [smem:$0x3FFE];
	[sflag:s23] =	ssyncadd.s32 $0xFFFFFFFF  }
0xa5: {  	s26 =	simm.s32 $execute0_lowered;
	[smem:$0x3FD2] =	sst s25  }
0xa6: {  	s5 =	sshll.u32 s26, $0x1;
	_ =	strace $0x80000046;
	[dreg:$0x1] =	wrdreg $0xFFFFFFFF  }
0xa7: {  	s28 =	simm.s32 $_size_execute0_lowered;
	s3 =	sadd.s32 s3, s5;
	[dreg:$0x0] =	wrdreg $0x0  }
0xa8: {  	s5 =	sshll.u32 s28, $0x1;
	[dreg:$0x2] =	wrdreg s3  }
0xa9: {  	[dreg:$0x3] =	wrdreg s5  }
0xaa: {  	[dreg:$0x4] =	wrdreg $0xC0  }
0xab: {  	_ =	task [dreg:s7], $0x5FFFF  }
0xac: {  	[dreg:$0x1] =	wrdreg $0xFFFFFFFF  }
0xad: {  	[dreg:$0x0] =	wrdreg $0x60  }
0xae: {  	[dreg:$0x2] =	wrdreg s24  }
0xaf: {  	[dreg:$0x3] =	wrdreg s2  }
0xb0: {  	[dreg:$0x4] =	wrdreg $0x0  }
0xb1: {  	[dreg:$0x5] =	wrdreg $0x9  }
0xb2: {  	_ =	task.clear_ibuf [dreg:s7], $0x6FFFF;
	_ =	strace $0x90000046  }
0xb3: {  	s29 =	simm.s32 $0x9;
	_ =	strace $0x80000048  }
0xb4: {  	_ =	swait.ge [sflag:s29], $0x1  }
0xb5: {  	[sflag:s29] =	ssyncadd.s32 $0xFFFFFFFF  }
0xb6: {  	_ =	strace $0x90000048  }
0xb7: {  	_ =	sfence  }
0xb8: {  	s30 =	sld [smem:$0x0];
	_ =	sdelay $0x2  }
0xb9: {  	s31 =	sshll.u32 s1, $0xD;
	s1 =	sshrl.u32 s1, $0x2  }
0xba: {  	s3 =	sand.u32 $0x4000, s31;
	s1 =	sadd.s32 s1, s30  }
0xbb: {  	s0 =	sor.u32 s3, s0;
	s1 =	sshll.u32 s1, $0x11  }
0xbc: {  	s0 =	sor.u32 s1, s0  }
0xbd: {  	s0 =	sadd.s32 $0x8F2B, s0  }
0xbe: {  	[sflag:s0] =	ssyncadd.remote.s32 $0x1  }
0xbf: {  	_ =	sfence.sel $0xFFFF  }
0xc0: {  	[dreg:$0x0] =	wrdreg $0xFFFFFFFF;
	(pc) =	sbr.abs _section_cstart, $3  }
0xc1: {  	[dreg:$0x1] =	wrdreg $0xFFFFFFFF  }
0xc2: {  	_ =	task.clear_ibuf [dreg:s7], $0x2FFFF;
	_ =	strace $0x9FFFFFFF  }
0xc3: {  	(tm) =	ssettm $0x7FFFFFFF  }
tec
execute0_lowered:
.L_overlay_start_1:
0x0: {  	(tag) =	ssettag $0x1  }
0x1: {  	s0 =	rddreg [dreg:$0x0]  }
0x2: {  	s1 =	rddreg [dreg:$0x1]  }
0x3: {  	s3 =	rddreg [dreg:$0x2];
	s4 =	simm.s32 $0x0;
	s11 =	stileid.u32  }
0x4: {  	s5 =	srdreg.scid;
	s14 =	simm.s32 $0x5;
	s28 =	simm.s32 $0x19B00  }
0x5: {  	s29 =	simm.s32 $0x12080;
	s30 =	simm.s32 $0x1;
	s31 =	simm.s32 $0x14880  }
0x6: {  	[smem:$0x7FF] =	sst s4;
	s2 =	smul.u32 $0x980, s11;
	s5 =	sand.u32 $0x1, s5  }
0x7: {  	s9 =	smul.u32 $0x13000, s11;
	s16 =	sshll.u32 s11, $0x6;
	s20 =	sshll.u32 s11, $0x4  }
0x8: {  	_ =	strace $0x80000047;
	s6 =	ssub.s32 $0x2, s5;
	s5 =	sshll.u32 s5, $0x4  }
0x9: {  	s17 =	sor.u32 $0x1C05, s16;
	s22 =	sor.u32 $0x18600, s20;
	s16 =	simm.s32 $0x50  }
0xa: {  	s20 =	simm.s32 $0x8080;
	s2 =	sadd.s32 s2, s0;
	s7 =	sshrl.u32 s6, $0x1  }
0xb: {  	s8 =	sor.u32 s11, s5;
	s0 =	sadd.s32 $0x800, s0;
	s15 =	sshrl.u32 s9, $0x2  }
0xc: {  	[dreg:$0x5] =	wrdreg s17;
	s23 =	sshrl.u32 s22, $0x3;
	s9 =	sshll.u32 s22, $0x4  }
0xd: {  	s17 =	simm.s32 $0x19880;
	s22 =	simm.s32 $0xA880;
	s5 =	smul.u32 $0xC30, s8  }
0xe: {  	s6 =	ssub.s32 s6, s7;
	s10 =	smul.u32 $0x61800, s8;
	s2 =	sadd.s32 $0x3A00, s2  }
0xf: {  	s7 =	sadd.s32 s15, s3;
	s24 =	sadd.s32 s1, s9;
	[dreg:$0x4] =	wrdreg s2  }
0x10: {  	p0 =	sgt.u32 s8, $0x9;
	s15 =	simm.s32 $0x0;
	[dreg:$0x9] =	wrdreg s24  }
0x11: {  	s25 =	smax.u32 s6, $0x1;
	s26 =	sshrl.u32 s7, $0x3;
	s24 =	simm.s32 $0xD080  }
0x12: {  	s18 =	sshrl.u32 s5, $0x3;
	s19 =	sshrl.u32 s10, $0x3;
	[dreg:$0xa] =	wrdreg s25  }
0x13: {  	[dreg:$0xb] =	wrdreg s26;
	s25 =	simm.s32 $0x19A80;
	s26 =	simm.s32 $0xF880  }
.Ltmp0:
0x14: {  	s10 =	simm.s32 $0x3;
	s2 =	sadd.s32 s0, s18;
	(pc) =	sbr.rel .LBB2_1-.Ltmp0, $4  }
0x15: {  	s21 =	sadd.s32 s1, s19;
	s0 =	sadd.s32 s0, s23;
	s18 =	simm.s32 $0x5880  }
0x16: {  	s19 =	simm.s32 $0x19900;
	s23 =	simm.s32 $0x19A00;
	[dreg:$0x6] =	wrdreg s2  }
0x17: {  	s2 =	sadd.s32 $0xBE00, s21;
	[dreg:$0x8] =	wrdreg s0;
	s21 =	simm.s32 $0x19980  }
0x18: {  	vm0 =	vmmov $0xffff;
	s0 =	simm.s32 $0x2;
	[dreg:$0x7] =	wrdreg s2;
	s2 =	simm.s32 $0x17080  }
.LBB2_15:
0x19: {  	_ =	swait.ge [sflag:s10], $0x2800  }
0x1a: {  	[sflag:s10] =	ssyncset.done $0x0  }
0x1b: {  	s6 =	simm.s32 $0x4;
	[sflag:s10] =	ssyncadd.s32 $0xFFFFD800  }
0x1c: {  	_ =	swait.ge [sflag:s6], $0x2800  }
0x1d: {  	[sflag:s6] =	ssyncset.done $0x0  }
0x1e: {  	[sflag:s6] =	ssyncadd.s32 $0xFFFFD800  }
.LBB2_13:
0x1f: {  	s15 =	sadd.s32 $0x1, s15;
	s6 =	rddreg [dreg:$0xa]  }
0x20: {  	p1 =	sne.s32 s15, s6  }
.Ltmp1:
0x21: {  	_ = 	snop;
	(pc) =	sbr.rel @!p1 .LBB2_14-.Ltmp1, $1  }
0x22: {  	_ =	sdelay $0x3  }
.LBB2_1:
0x23: {  	s6 =	rddreg [dreg:$0x4]  }
0x24: {  	s7 =	rddreg [dreg:$0x5]  }
0x25: {  	s8 =	rddreg [dreg:$0xb]  }
0x26: {  	[spmem:s8], [sflag:s7] =	dma.local [hbm:s6], $0x980  }
0x27: {  	_ =	swait.ge [sflag:s14], $0x980  }
0x28: {  	[sflag:s14] =	ssyncset.done $0x0  }
0x29: {  	[sflag:s14] =	ssyncadd.s32 $0xFFFFF680  }
0x2a: {  	[bflag:$0x0] =	sbarrier.arrive $0xFFFF  }
0x2b: {  	s13 =	simm.s32 $0x4C00;
	s12 =	rddreg [dreg:$0x6]  }
0x2c: {  	[tilespmem:s13], [sflag:$0x5] =	stream.linear.gather [hbm4b:s12+s4], $0xC30, $0x38;
	[tilespmem:$0x19B80] =	vst v63  }
0x2d: {  	_ =	swait.ge [sflag:s14], $0xC30  }
0x2e: {  	[sflag:s14] =	ssyncset.done $0x0  }
0x2f: {  	[sflag:s14] =	ssyncadd.s32 $0xFFFFF3D0  }
0x30: {  	v0 =	vld [tilespmem:$0x4C00]  }
0x31: {  	v1 =	vld [tilespmem:$0x4C10]  }
0x32: {  	v4 =	vld [tilespmem:$0x4C20]  }
0x33: {  	v45 =	vld [tilespmem:$0x4C30]  }
0x34: {  	v50 =	vld [tilespmem:$0x4C40]  }
0x35: {  	v3 =	vand.u32 $0x7FF, v0  }
0x36: {  	v44 =	vand.u32 $0x7FF, v1;
	[tilespmem:$0x19880] =	vst v3  }
0x37: {  	v49 =	vand.u32 $0x7FF, v4;
	[tilespmem:$0x19890] =	vst v44  }
0x38: {  	v55 =	vand.u32 $0x7FF, v45;
	[tilespmem:$0x198A0] =	vst v49  }
0x39: {  	v2 =	vshrl.u32 v0, $0xB;
	v0 =	vshra.s32 v0, $0x13;
	v60 =	vand.u32 $0x7FF, v50;
	[tilespmem:$0x198B0] =	vst v55  }
0x3a: {  	v43 =	vshrl.u32 v1, $0xB;
	v1 =	vshra.s32 v1, $0x13;
	v0 =	vadd.s32 $0x800, v0;
	[tilespmem:$0x198C0] =	vst v60  }
0x3b: {  	v52 =	vshra.s32 v4, $0x13;
	v47 =	vadd.s32 $0x800, v1;
	[tilespmem:$0x19980] =	vst v0  }
0x3c: {  	v57 =	vshra.s32 v45, $0x13;
	v53 =	vadd.s32 $0x800, v52;
	[tilespmem:$0x19990] =	vst v47  }
0x3d: {  	v62 =	vshra.s32 v50, $0x13;
	v58 =	vadd.s32 $0x800, v57;
	[tilespmem:$0x199A0] =	vst v53  }
0x3e: {  	v48 =	vshrl.u32 v4, $0xB;
	v2 =	vand.u32 $0xFF, v2;
	v63 =	vadd.s32 $0x800, v62;
	[tilespmem:$0x199B0] =	vst v58  }
0x3f: {  	v54 =	vshrl.u32 v45, $0xB;
	v1 =	vand.u32 $0xFF, v48;
	v2 =	vadd.s32 $0x770, v2;
	[tilespmem:$0x199C0] =	vst v63  }
0x40: {  	v51 =	vadd.s32 $0x770, v1;
	v1 =	vand.u32 $0xFF, v54;
	[tilespmem:$0x19900] =	vst v2  }
0x41: {  	v59 =	vshrl.u32 v50, $0xB;
	v2 =	vand.u32 $0xFF, v43;
	[tilespmem:$0x19920] =	vst v51;
	v56 =	vadd.s32 $0x770, v1  }
0x42: {  	v1 =	vand.u32 $0xFF, v59;
	v46 =	vadd.s32 $0x770, v2;
	[tilespmem:$0x19930] =	vst v56  }
0x43: {  	v61 =	vadd.s32 $0x770, v1;
	[tilespmem:$0x19910] =	vst v46  }
0x44: {  	[tilespmem:$0x19940] =	vst v61  }
0x45: {  	[tilespmem:s18], [sflag:$0x1] =	stream.indirect.gather [spmem:s3], $0x80, s17, s16, $0xb8;
	[tilespmem:$0x19B80] =	vst v63  }
0x46: {  	_ = 	snop  }
0x47: {  	[tilespmem:s20], [sflag:$0x1] =	stream.indirect.gather [spmem:s3], $0x80, s19, s16, $0xb8;
	[tilespmem:$0x19B80] =	vst v63  }
0x48: {  	s6 =	simm.s32 $0x0  }
0x49: {  	[tilespmem:s22], [sflag:$0x1] =	stream.indirect.gather [spmem:s3], $0x80, s21, s16, $0xb8;
	[tilespmem:$0x19B80] =	vst v63  }
.LBB2_2:
0x4a: {  	s8 =	smul.u32 $0xA0, s6;
	_ =	sdelay $0x1  }
0x4b: {  	v0 =	vld [tilespmem:s8+$0x4C50];
	_ =	sdelay $0x4  }
0x4c: {  	v1 =	vshrl.u32 v0, $0xB;
	v2 =	vand.u32 $0x7FF, v0;
	v0 =	vshra.s32 v0, $0x13  }
0x4d: {  	v1 =	vand.u32 $0xFF, v1;
	[tilespmem:$0x19A00] =	vst v2;
	v0 =	vadd.s32 $0x800, v0  }
0x4e: {  	v1 =	vadd.s32 $0x770, v1;
	[tilespmem:$0x19B00] =	vst v0  }
0x4f: {  	[tilespmem:$0x19A80] =	vst v1  }
0x50: {  	v0 =	vld [tilespmem:s8+$0x4C60];
	_ =	sdelay $0x4  }
0x51: {  	v1 =	vshrl.u32 v0, $0xB;
	v2 =	vand.u32 $0x7FF, v0;
	v0 =	vshra.s32 v0, $0x13  }
0x52: {  	v1 =	vand.u32 $0xFF, v1;
	[tilespmem:$0x19A10] =	vst v2;
	v0 =	vadd.s32 $0x800, v0  }
0x53: {  	v1 =	vadd.s32 $0x770, v1;
	[tilespmem:$0x19B10] =	vst v0  }
0x54: {  	[tilespmem:$0x19A90] =	vst v1  }
0x55: {  	v0 =	vld [tilespmem:s8+$0x4C70];
	_ =	sdelay $0x4  }
0x56: {  	v1 =	vshrl.u32 v0, $0xB;
	v2 =	vand.u32 $0x7FF, v0;
	v0 =	vshra.s32 v0, $0x13  }
0x57: {  	v1 =	vand.u32 $0xFF, v1;
	[tilespmem:$0x19A20] =	vst v2;
	v0 =	vadd.s32 $0x800, v0  }
0x58: {  	v1 =	vadd.s32 $0x770, v1;
	[tilespmem:$0x19B20] =	vst v0  }
0x59: {  	s7 =	sand.u32 $0x1FE0, s8;
	[tilespmem:$0x19AA0] =	vst v1  }
0x5a: {  	v0 =	vld [tilespmem:s7+$0x4C80];
	_ =	sdelay $0x4  }
0x5b: {  	v1 =	vshrl.u32 v0, $0xB;
	v2 =	vand.u32 $0x7FF, v0;
	v0 =	vshra.s32 v0, $0x13  }
0x5c: {  	v1 =	vand.u32 $0xFF, v1;
	[tilespmem:$0x19A30] =	vst v2;
	v0 =	vadd.s32 $0x800, v0  }
0x5d: {  	v1 =	vadd.s32 $0x770, v1;
	[tilespmem:$0x19B30] =	vst v0  }
0x5e: {  	[tilespmem:$0x19AB0] =	vst v1  }
0x5f: {  	v0 =	vld [tilespmem:s8+$0x4C90];
	_ =	sdelay $0x4  }
0x60: {  	v1 =	vshrl.u32 v0, $0xB;
	v2 =	vand.u32 $0x7FF, v0;
	v0 =	vshra.s32 v0, $0x13  }
0x61: {  	v1 =	vand.u32 $0xFF, v1;
	[tilespmem:$0x19A40] =	vst v2;
	v0 =	vadd.s32 $0x800, v0  }
0x62: {  	v1 =	vadd.s32 $0x770, v1;
	[tilespmem:$0x19B40] =	vst v0  }
0x63: {  	[tilespmem:$0x19AC0] =	vst v1  }
0x64: {  	[tilespmem:s24], [sflag:$0x2] =	stream.indirect.gather [spmem:s3], $0x80, s23, s16, $0xb8;
	[tilespmem:$0x19B80] =	vst v63  }
0x65: {  	_ = 	snop  }
0x66: {  	[tilespmem:s26], [sflag:$0x2] =	stream.indirect.gather [spmem:s3], $0x80, s25, s16, $0xb8;
	[tilespmem:$0x19B80] =	vst v63  }
0x67: {  	_ = 	snop  }
0x68: {  	[tilespmem:s29], [sflag:$0x2] =	stream.indirect.gather [spmem:s3], $0x80, s28, s16, $0xb8;
	[tilespmem:$0x19B80] =	vst v63  }
0x69: {  	_ =	swait.ge [sflag:s30], $0x7800  }
0x6a: {  	p1 =	seq.s32 s6, $0x0;
	[sflag:s30] =	ssyncset.done $0x0  }
0x6b: {  	s7 =	simm.s32 @!p1 $0x3;
	[sflag:s30] =	ssyncadd.s32 $0xFFFF8800  }
0x6c: {  	_ =	swait.ge @!p1 [sflag:s7], $0x2800  }
0x6d: {  	[sflag:s7] =	ssyncset.done @!p1 $0x0  }
0x6e: {  	s9 =	simm.s32 $0x0;
	[sflag:s7] =	ssyncadd.s32 @!p1 $0xFFFFD800  }
0x6f: {  	v0 =	vld [tilespmem:s9+$0x5A70]  }
0x70: {  	v1 =	vld [tilespmem:s9+$0x8270]  }
0x71: {  	v2 =	vld [tilespmem:s9+$0x5880]  }
0x72: {  	v3 =	vld [tilespmem:s9+$0xAA70]  }
0x73: {  	v4 =	vld [tilespmem:s9+$0x8080]  }
0x74: {  	v5 =	vld [tilespmem:s9+$0x5890]  }
0x75: {  	v6 =	vld [tilespmem:s9+$0x8090]  }
0x76: {  	v9 =	vld [tilespmem:s9+$0x58A0]  }
0x77: {  	v7 =	vld [tilespmem:s9+$0x80A0]  }
0x78: {  	v8 =	vld [tilespmem:s9+$0x80B0]  }
0x79: {  	v11 =	vld [tilespmem:s9+$0x58C0]  }
0x7a: {  	v10 =	vld [tilespmem:s9+$0x80C0]  }
0x7b: {  	v13 =	vld [tilespmem:s9+$0x58D0]  }
0x7c: {  	v12 =	vld [tilespmem:s9+$0x80D0]  }
0x7d: {  	v15 =	vld [tilespmem:s9+$0x58E0]  }
0x7e: {  	v14 =	vld [tilespmem:s9+$0x80E0]  }
0x7f: {  	v17 =	vld [tilespmem:s9+$0x58F0]  }
0x80: {  	v16 =	vld [tilespmem:s9+$0x80F0]  }
0x81: {  	v19 =	vld [tilespmem:s9+$0x5900]  }
0x82: {  	v18 =	vld [tilespmem:s9+$0x8100]  }
0x83: {  	v21 =	vld [tilespmem:s9+$0x5910]  }
0x84: {  	v20 =	vld [tilespmem:s9+$0x8110]  }
0x85: {  	v23 =	vld [tilespmem:s9+$0x5920]  }
0x86: {  	v22 =	vld [tilespmem:s9+$0x8120]  }
0x87: {  	v25 =	vld [tilespmem:s9+$0x5930]  }
0x88: {  	v24 =	vld [tilespmem:s9+$0x8130]  }
0x89: {  	v27 =	vld [tilespmem:s9+$0x5940]  }
0x8a: {  	v26 =	vld [tilespmem:s9+$0x8140]  }
0x8b: {  	v29 =	vld [tilespmem:s9+$0x5950]  }
0x8c: {  	v28 =	vld [tilespmem:s9+$0x8150]  }
0x8d: {  	v31 =	vld [tilespmem:s9+$0x5960]  }
0x8e: {  	v30 =	vld [tilespmem:s9+$0x8160]  }
0x8f: {  	v33 =	vld [tilespmem:s9+$0x5970]  }
0x90: {  	v32 =	vld [tilespmem:s9+$0x8170]  }
0x91: {  	v35 =	vld [tilespmem:s9+$0x5980]  }
0x92: {  	v34 =	vld [tilespmem:s9+$0x8180]  }
0x93: {  	v37 =	vld [tilespmem:s9+$0x5990]  }
0x94: {  	v36 =	vld [tilespmem:s9+$0x8190]  }
0x95: {  	v39 =	vld [tilespmem:s9+$0x59A0]  }
0x96: {  	v38 =	vld [tilespmem:s9+$0x81A0]  }
0x97: {  	v41 =	vld [tilespmem:s9+$0x59B0]  }
0x98: {  	v40 =	vld [tilespmem:s9+$0x81B0]  }
0x99: {  	v43 =	vld [tilespmem:s9+$0x59C0]  }
0x9a: {  	v42 =	vld [tilespmem:s9+$0x81C0]  }
0x9b: {  	v46 =	vld [tilespmem:s9+$0x59D0]  }
0x9c: {  	v44 =	vld [tilespmem:s9+$0x81D0]  }
0x9d: {  	v48 =	vld [tilespmem:s9+$0x59E0]  }
0x9e: {  	v45 =	vld [tilespmem:s9+$0x81E0]  }
0x9f: {  	v54 =	vld [tilespmem:s9+$0x59F0]  }
0xa0: {  	v47 =	vld [tilespmem:s9+$0x81F0];
	v0 =	vadd.f32 v1, v0  }
0xa1: {  	v49 =	vld [tilespmem:s9+$0x8200]  }
0xa2: {  	v50 =	vld [tilespmem:s9+$0x5A10];
	v0 =	vadd.f32 v3, v0  }
0xa3: {  	v51 =	vld [tilespmem:s9+$0x8210]  }
0xa4: {  	[tilespmem:s9+$0x14A70] =	vst v0;
	v0 =	vld [tilespmem:s9+$0x5A00]  }
0xa5: {  	v52 =	vld [tilespmem:s9+$0x5A20]  }
0xa6: {  	v53 =	vld [tilespmem:s9+$0x8220]  }
0xa7: {  	v55 =	vld [tilespmem:s9+$0x8230]  }
0xa8: {  	v56 =	vld [tilespmem:s9+$0x5A40]  }
0xa9: {  	[tilespmem:$0x1FFE0] =	vst v0;
	v0 =	vld [tilespmem:s9+$0x5A30]  }
0xaa: {  	v62 =	vld [tilespmem:s9+$0xA880]  }
0xab: {  	v3 =	vld [tilespmem:s9+$0x58B0]  }
0xac: {  	v63 =	vld [tilespmem:s9+$0xA890]  }
0xad: {  	v2 =	vadd.f32 v4, v2;
	v4 =	vld [tilespmem:s9+$0xA8B0]  }
0xae: {  	[tilespmem:$0x1FFF0] =	vst v0;
	v0 =	vld [tilespmem:s9+$0xA8A0]  }
0xaf: {  	v5 =	vadd.f32 v6, v5;
	v6 =	vld [tilespmem:s9+$0xA8D0]  }
0xb0: {  	v1 =	vld [tilespmem:s9+$0xA8C0];
	v7 =	vadd.f32 v7, v9;
	v3 =	vadd.f32 v8, v3  }
0xb1: {  	v57 =	vld [tilespmem:s9+$0x8240];
	v2 =	vadd.f32 v62, v2;
	v5 =	vadd.f32 v63, v5  }
0xb2: {  	v62 =	vld [tilespmem:s9+$0xA8E0];
	v3 =	vadd.f32 v4, v3;
	v4 =	vadd.f32 v12, v13  }
0xb3: {  	v58 =	vld [tilespmem:s9+$0x5A50];
	[tilespmem:s9+$0x14880] =	vst v2;
	v0 =	vadd.f32 v0, v7;
	v7 =	vadd.f32 v10, v11  }
0xb4: {  	v2 =	vld [tilespmem:s9+$0xA8F0];
	[tilespmem:s9+$0x14890] =	vst v5;
	v4 =	vadd.f32 v6, v4  }
0xb5: {  	v5 =	vld [tilespmem:s9+$0xA900];
	[tilespmem:s9+$0x148B0] =	vst v3;
	v1 =	vadd.f32 v1, v7;
	v7 =	vadd.f32 v14, v15  }
0xb6: {  	[tilespmem:s9+$0x148A0] =	vst v0;
	v0 =	vld [tilespmem:s9+$0xA910]  }
0xb7: {  	v3 =	vld [tilespmem:s9+$0xA920];
	v6 =	vadd.f32 v16, v17;
	[tilespmem:s9+$0x148D0] =	vst v4;
	v7 =	vadd.f32 v62, v7  }
0xb8: {  	v8 =	vadd.f32 v18, v19;
	[tilespmem:s9+$0x148C0] =	vst v1;
	v1 =	vld [tilespmem:s9+$0xA930]  }
0xb9: {  	v4 =	vld [tilespmem:s9+$0xA940];
	v2 =	vadd.f32 v2, v6;
	[tilespmem:s9+$0x148E0] =	vst v7;
	v7 =	vadd.f32 v20, v21  }
0xba: {  	v59 =	vld [tilespmem:s9+$0x8250];
	v5 =	vadd.f32 v5, v8;
	v8 =	vadd.f32 v22, v23  }
0xbb: {  	[tilespmem:s9+$0x148F0] =	vst v2;
	v2 =	vld [tilespmem:s9+$0xA960];
	v0 =	vadd.f32 v0, v7;
	v7 =	vadd.f32 v24, v25  }
0xbc: {  	v60 =	vld [tilespmem:s9+$0x5A60];
	v3 =	vadd.f32 v3, v8;
	v8 =	vadd.f32 v26, v27  }
0xbd: {  	[tilespmem:s9+$0x14910] =	vst v0;
	v0 =	vld [tilespmem:s9+$0xA980];
	v1 =	vadd.f32 v1, v7  }
0xbe: {  	v6 =	vld [tilespmem:s9+$0xA950];
	v4 =	vadd.f32 v4, v8;
	v8 =	vadd.f32 v30, v31  }
0xbf: {  	[tilespmem:s9+$0x14930] =	vst v1;
	v1 =	vld [tilespmem:s9+$0xA9A0]  }
0xc0: {  	[tilespmem:s9+$0x14900] =	vst v5;
	v5 =	vld [tilespmem:s9+$0xA970];
	v2 =	vadd.f32 v2, v8;
	v8 =	vadd.f32 v34, v35  }
0xc1: {  	v61 =	vld [tilespmem:s9+$0x8260];
	v7 =	vadd.f32 v28, v29  }
0xc2: {  	[tilespmem:s9+$0x14920] =	vst v3;
	v3 =	vld [tilespmem:s9+$0xA990];
	v0 =	vadd.f32 v0, v8;
	v8 =	vadd.f32 v38, v39  }
0xc3: {  	[tilespmem:s9+$0x14960] =	vst v2;
	v2 =	vld [tilespmem:s9+$0xA9D0];
	v6 =	vadd.f32 v6, v7;
	v7 =	vadd.f32 v32, v33  }
0xc4: {  	v10 =	vld [tilespmem:s9+$0xA9F0];
	[tilespmem:s9+$0x14940] =	vst v4;
	v1 =	vadd.f32 v1, v8  }
0xc5: {  	v4 =	vld [tilespmem:s9+$0xA9B0];
	[tilespmem:s9+$0x14950] =	vst v6;
	v5 =	vadd.f32 v5, v7;
	v7 =	vadd.f32 v36, v37  }
0xc6: {  	v6 =	vld [tilespmem:s9+$0xA9C0];
	[tilespmem:s9+$0x149A0] =	vst v1;
	v1 =	vadd.f32 v44, v46  }
0xc7: {  	v12 =	vadd.f32 v47, v54;
	[tilespmem:s9+$0x14970] =	vst v5;
	v5 =	vld [tilespmem:s9+$0xA9E0];
	v3 =	vadd.f32 v3, v7  }
0xc8: {  	[tilespmem:s9+$0x14980] =	vst v0;
	v0 =	vadd.f32 v40, v41;
	v2 =	vadd.f32 v2, v1;
	v1 =	vld [tilespmem:$0x1FFE0]  }
0xc9: {  	v11 =	vld [tilespmem:s9+$0xAA00];
	v12 =	vadd.f32 v10, v12;
	[tilespmem:s9+$0x14990] =	vst v3;
	v3 =	vadd.f32 v42, v43  }
0xca: {  	v7 =	vadd.f32 v45, v48;
	v4 =	vadd.f32 v4, v0;
	[tilespmem:s9+$0x149D0] =	vst v2;
	v2 =	vld [tilespmem:$0x1FFF0]  }
0xcb: {  	v8 =	vadd.f32 v61, v60;
	v0 =	vld [tilespmem:s9+$0xAA10];
	v6 =	vadd.f32 v6, v3  }
0xcc: {  	v3 =	vld [tilespmem:s9+$0xAA20];
	[tilespmem:s9+$0x149B0] =	vst v4;
	v4 =	vadd.f32 v51, v50;
	v14 =	vadd.f32 v5, v7  }
0xcd: {  	v5 =	vadd.f32 v57, v56;
	[tilespmem:s9+$0x149C0] =	vst v6;
	v6 =	vld [tilespmem:s9+$0xAA30];
	v13 =	vadd.f32 v49, v1  }
0xce: {  	v9 =	vld [tilespmem:s9+$0xAA40];
	v7 =	vadd.f32 v59, v58;
	v1 =	vadd.f32 v53, v52  }
0xcf: {  	s12 =	simm.s32 $0x0;
	s13 =	simm.s32 $0x800;
	s7 =	sadd.s32 $0x50, s8;
	v10 =	vld [tilespmem:s9+$0xAA50];
	[tilespmem:s9+$0x149E0] =	vst v14;
	v2 =	vadd.f32 v55, v2;
	v11 =	vadd.f32 v11, v13  }
.LBB2_3:
0xd0: {  	s11 =	sshra.s32 s13, $0x2;
	[tilespmem:s9+$0x149F0] =	vst v12;
	v0 =	vadd.f32 v0, v4;
	v4 =	vld [tilespmem:s9+$0xAA60]  }
0xd1: {  	s12 =	sadd.s32 $0x4, s12;
	v12 =	vld [tilespmem:s11+$0x5A70];
	[tilespmem:s9+$0x14A00] =	vst v11;
	v1 =	vadd.f32 v3, v1  }
0xd2: {  	p2 =	slt.u32 s12, $0x4C;
	v3 =	vld [tilespmem:s11+$0x8270];
	[tilespmem:s9+$0x14A10] =	vst v0;
	v0 =	vadd.f32 v6, v2  }
0xd3: {  	v2 =	vld [tilespmem:s11+$0x5880];
	[tilespmem:s9+$0x14A20] =	vst v1;
	v1 =	vadd.f32 v9, v5  }
0xd4: {  	v5 =	vld [tilespmem:s11+$0xAA70];
	[tilespmem:s9+$0x14A30] =	vst v0;
	v0 =	vadd.f32 v10, v7  }
0xd5: {  	v6 =	vld [tilespmem:s11+$0x8080];
	[tilespmem:s9+$0x14A40] =	vst v1;
	v1 =	vadd.f32 v4, v8  }
0xd6: {  	v4 =	vld [tilespmem:s11+$0x5890];
	[tilespmem:s9+$0x14A50] =	vst v0  }
0xd7: {  	v7 =	vld [tilespmem:s11+$0x8090];
	v0 =	vadd.f32 v3, v12;
	[tilespmem:s9+$0x14A60] =	vst v1;
	s9 =	smov.u32 s11  }
0xd8: {  	v1 =	vld [tilespmem:s9+$0x58A0]  }
0xd9: {  	v8 =	vld [tilespmem:s9+$0x80A0];
	v3 =	vadd.f32 v5, v0  }
0xda: {  	v0 =	vadd.f32 v6, v2;
	v2 =	vld [tilespmem:s9+$0x58B0]  }
0xdb: {  	v5 =	vld [tilespmem:s9+$0x80B0];
	[tilespmem:s9+$0x14A70] =	vst v3  }
0xdc: {  	v3 =	vadd.f32 v7, v4;
	v4 =	vld [tilespmem:s9+$0x58C0]  }
0xdd: {  	v7 =	vld [tilespmem:s9+$0x80C0]  }
0xde: {  	v6 =	vadd.f32 v8, v1;
	v1 =	vld [tilespmem:s9+$0x58D0]  }
0xdf: {  	v8 =	vld [tilespmem:s9+$0x80D0]  }
0xe0: {  	v9 =	vadd.f32 v5, v2;
	v2 =	vld [tilespmem:s9+$0x58E0]  }
0xe1: {  	v5 =	vld [tilespmem:s9+$0x80E0]  }
0xe2: {  	v10 =	vadd.f32 v7, v4;
	v4 =	vld [tilespmem:s9+$0x58F0]  }
0xe3: {  	v7 =	vld [tilespmem:s9+$0x80F0]  }
0xe4: {  	v11 =	vadd.f32 v8, v1;
	v1 =	vld [tilespmem:s9+$0x5900]  }
0xe5: {  	v8 =	vld [tilespmem:s9+$0x8100]  }
0xe6: {  	v12 =	vadd.f32 v5, v2;
	v2 =	vld [tilespmem:s9+$0x5910]  }
0xe7: {  	v5 =	vld [tilespmem:s9+$0x8110]  }
0xe8: {  	v13 =	vadd.f32 v7, v4;
	v4 =	vld [tilespmem:s9+$0x5920]  }
0xe9: {  	v7 =	vld [tilespmem:s9+$0x8120]  }
0xea: {  	v14 =	vadd.f32 v8, v1;
	v1 =	vld [tilespmem:s9+$0x5930]  }
0xeb: {  	v8 =	vld [tilespmem:s9+$0x8130]  }
0xec: {  	v15 =	vadd.f32 v5, v2;
	v2 =	vld [tilespmem:s9+$0x5940]  }
0xed: {  	v5 =	vld [tilespmem:s9+$0x8140]  }
0xee: {  	v16 =	vadd.f32 v7, v4;
	v4 =	vld [tilespmem:s9+$0x5950]  }
0xef: {  	v7 =	vld [tilespmem:s9+$0x8150]  }
0xf0: {  	v17 =	vadd.f32 v8, v1;
	v1 =	vld [tilespmem:s9+$0x5960]  }
0xf1: {  	v8 =	vld [tilespmem:s9+$0x8160]  }
0xf2: {  	v18 =	vadd.f32 v5, v2;
	v2 =	vld [tilespmem:s9+$0x5970]  }
0xf3: {  	v5 =	vld [tilespmem:s9+$0x8170]  }
0xf4: {  	v19 =	vadd.f32 v7, v4;
	v4 =	vld [tilespmem:s9+$0x5980]  }
0xf5: {  	v7 =	vld [tilespmem:s9+$0x8180]  }
0xf6: {  	v20 =	vadd.f32 v8, v1;
	v1 =	vld [tilespmem:s9+$0x5990]  }
0xf7: {  	v8 =	vld [tilespmem:s9+$0x8190]  }
0xf8: {  	v21 =	vadd.f32 v5, v2;
	v2 =	vld [tilespmem:s9+$0x59A0]  }
0xf9: {  	v5 =	vld [tilespmem:s9+$0x81A0]  }
0xfa: {  	v22 =	vadd.f32 v7, v4;
	v4 =	vld [tilespmem:s9+$0x59B0]  }
0xfb: {  	v7 =	vld [tilespmem:s9+$0x81B0]  }
0xfc: {  	v23 =	vadd.f32 v8, v1;
	v1 =	vld [tilespmem:s9+$0x59C0]  }
0xfd: {  	v8 =	vld [tilespmem:s9+$0x81C0]  }
0xfe: {  	v24 =	vadd.f32 v5, v2;
	v2 =	vld [tilespmem:s9+$0x59D0]  }
0xff: {  	v5 =	vld [tilespmem:s9+$0x81D0]  }
0x100: {  	v25 =	vadd.f32 v7, v4;
	v4 =	vld [tilespmem:s9+$0x59E0]  }
0x101: {  	v7 =	vld [tilespmem:s9+$0x81E0]  }
0x102: {  	v26 =	vadd.f32 v8, v1;
	v1 =	vld [tilespmem:s9+$0x59F0]  }
0x103: {  	v8 =	vld [tilespmem:s9+$0x81F0]  }
0x104: {  	v27 =	vadd.f32 v5, v2;
	v2 =	vld [tilespmem:s9+$0x5A00]  }
0x105: {  	v5 =	vld [tilespmem:s9+$0x8200]  }
0x106: {  	v28 =	vadd.f32 v7, v4;
	v4 =	vld [tilespmem:s9+$0x5A10]  }
0x107: {  	v7 =	vld [tilespmem:s9+$0x8210]  }
0x108: {  	v29 =	vadd.f32 v8, v1;
	v1 =	vld [tilespmem:s9+$0x5A20]  }
0x109: {  	v8 =	vld [tilespmem:s9+$0x8220]  }
0x10a: {  	v30 =	vadd.f32 v5, v2;
	v2 =	vld [tilespmem:s9+$0x5A30]  }
0x10b: {  	v5 =	vld [tilespmem:s9+$0x8230]  }
0x10c: {  	v4 =	vadd.f32 v7, v4;
	v7 =	vld [tilespmem:s9+$0x5A40]  }
0x10d: {  	v31 =	vld [tilespmem:s9+$0x8240]  }
0x10e: {  	v1 =	vadd.f32 v8, v1;
	v8 =	vld [tilespmem:s9+$0x5A50]  }
0x10f: {  	v32 =	vld [tilespmem:s9+$0x8250]  }
0x110: {  	v2 =	vadd.f32 v5, v2;
	v33 =	vld [tilespmem:s9+$0x5A60]  }
0x111: {  	v34 =	vld [tilespmem:s9+$0x8260]  }
0x112: {  	v35 =	vld [tilespmem:s9+$0xA880];
	v5 =	vadd.f32 v31, v7  }
0x113: {  	v31 =	vld [tilespmem:s9+$0xA890]  }
0x114: {  	v36 =	vld [tilespmem:s9+$0xA8A0];
	v7 =	vadd.f32 v32, v8  }
0x115: {  	v32 =	vld [tilespmem:s9+$0xA8B0]  }
0x116: {  	v37 =	vld [tilespmem:s9+$0xA8C0];
	v8 =	vadd.f32 v34, v33  }
0x117: {  	v0 =	vadd.f32 v35, v0;
	v33 =	vld [tilespmem:s9+$0xA8D0]  }
0x118: {  	v3 =	vadd.f32 v31, v3;
	v31 =	vld [tilespmem:s9+$0xA8E0]  }
0x119: {  	[tilespmem:s9+$0x14880] =	vst v0;
	v0 =	vadd.f32 v36, v6;
	v6 =	vld [tilespmem:s9+$0xA8F0]  }
0x11a: {  	[tilespmem:s9+$0x14890] =	vst v3;
	v3 =	vadd.f32 v32, v9;
	v9 =	vld [tilespmem:s9+$0xA900]  }
0x11b: {  	[tilespmem:s9+$0x148A0] =	vst v0;
	v0 =	vadd.f32 v37, v10;
	v10 =	vld [tilespmem:s9+$0xA910]  }
0x11c: {  	[tilespmem:s9+$0x148B0] =	vst v3;
	v3 =	vadd.f32 v33, v11;
	v11 =	vld [tilespmem:s9+$0xA920]  }
0x11d: {  	[tilespmem:s9+$0x148C0] =	vst v0;
	v0 =	vadd.f32 v31, v12;
	v12 =	vld [tilespmem:s9+$0xA930]  }
0x11e: {  	[tilespmem:s9+$0x148D0] =	vst v3;
	v3 =	vadd.f32 v6, v13;
	v6 =	vld [tilespmem:s9+$0xA940]  }
0x11f: {  	[tilespmem:s9+$0x148E0] =	vst v0;
	v0 =	vadd.f32 v9, v14;
	v9 =	vld [tilespmem:s9+$0xA950]  }
0x120: {  	[tilespmem:s9+$0x148F0] =	vst v3;
	v3 =	vadd.f32 v10, v15;
	v10 =	vld [tilespmem:s9+$0xA960]  }
0x121: {  	[tilespmem:s9+$0x14900] =	vst v0;
	v0 =	vadd.f32 v11, v16;
	v11 =	vld [tilespmem:s9+$0xA970]  }
0x122: {  	[tilespmem:s9+$0x14910] =	vst v3;
	v3 =	vadd.f32 v12, v17;
	v12 =	vld [tilespmem:s9+$0xA980]  }
0x123: {  	[tilespmem:s9+$0x14920] =	vst v0;
	v0 =	vadd.f32 v6, v18;
	v6 =	vld [tilespmem:s9+$0xA990]  }
0x124: {  	[tilespmem:s9+$0x14930] =	vst v3;
	v3 =	vadd.f32 v9, v19;
	v9 =	vld [tilespmem:s9+$0xA9A0]  }
0x125: {  	[tilespmem:s9+$0x14940] =	vst v0;
	v0 =	vadd.f32 v10, v20;
	v10 =	vld [tilespmem:s9+$0xA9B0]  }
0x126: {  	[tilespmem:s9+$0x14950] =	vst v3;
	v3 =	vadd.f32 v11, v21;
	v11 =	vld [tilespmem:s9+$0xA9C0]  }
0x127: {  	[tilespmem:s9+$0x14960] =	vst v0;
	v0 =	vadd.f32 v12, v22;
	v12 =	vld [tilespmem:s9+$0xA9D0]  }
0x128: {  	[tilespmem:s9+$0x14970] =	vst v3;
	v3 =	vadd.f32 v6, v23;
	v6 =	vld [tilespmem:s9+$0xA9E0]  }
0x129: {  	[tilespmem:s9+$0x14980] =	vst v0;
	v0 =	vadd.f32 v9, v24;
	v9 =	vld [tilespmem:s9+$0xA9F0]  }
0x12a: {  	[tilespmem:s9+$0x14990] =	vst v3;
	v3 =	vadd.f32 v10, v25;
	v10 =	vld [tilespmem:s9+$0xAA00]  }
.Ltmp2:
0x12b: {  	[tilespmem:s9+$0x149A0] =	vst v0;
	v11 =	vadd.f32 v11, v26;
	v0 =	vld [tilespmem:s9+$0xAA10];
	(pc) =	sbr.rel @p2 .LBB2_3-.Ltmp2, $4  }
0x12c: {  	[tilespmem:s9+$0x149B0] =	vst v3;
	v12 =	vadd.f32 v12, v27;
	v3 =	vld [tilespmem:s9+$0xAA20]  }
0x12d: {  	[tilespmem:s9+$0x149C0] =	vst v11;
	v11 =	vadd.f32 v6, v28;
	v6 =	vld [tilespmem:s9+$0xAA30]  }
0x12e: {  	[tilespmem:s9+$0x149D0] =	vst v12;
	v12 =	vadd.f32 v9, v29;
	v9 =	vld [tilespmem:s9+$0xAA40]  }
0x12f: {  	s13 =	sadd.s32 $0x800, s13;
	[tilespmem:s9+$0x149E0] =	vst v11;
	v11 =	vadd.f32 v10, v30;
	v10 =	vld [tilespmem:s9+$0xAA50]  }
0x130: {  	[tilespmem:s9+$0x149F0] =	vst v12;
	v0 =	vadd.f32 v0, v4;
	v4 =	vld [tilespmem:s9+$0xAA60]  }
0x131: {  	[tilespmem:s9+$0x14A00] =	vst v11;
	v1 =	vadd.f32 v3, v1  }
0x132: {  	[tilespmem:s9+$0x14A10] =	vst v0;
	v0 =	vadd.f32 v6, v2  }
0x133: {  	[tilespmem:s9+$0x14A20] =	vst v1;
	v1 =	vadd.f32 v9, v5  }
0x134: {  	[tilespmem:s9+$0x14A30] =	vst v0;
	v0 =	vadd.f32 v10, v7  }
0x135: {  	s11 =	sadd.s32 s5, s8;
	[tilespmem:s9+$0x14A40] =	vst v1;
	v1 =	vadd.f32 v4, v8  }
0x136: {  	s11 =	sshll.u32 s11, $0x4;
	[tilespmem:s9+$0x14A50] =	vst v0  }
0x137: {  	s13 =	sadd.s32 s1, s11;
	[tilespmem:s9+$0x14A60] =	vst v1  }
0x138: {  	[hbm4b:s13+s4] =	stream.linear.scatter [tilespmem:s31], [sflag:$0x3], $0x2800, $0x38;
	[tilespmem:$0x19B80] =	vst v63  }
0x139: {  	v0 =	vld [tilespmem:s8+$0x4CA0];
	_ =	sdelay $0x4  }
0x13a: {  	v1 =	vshrl.u32 v0, $0xB;
	v2 =	vand.u32 $0x7FF, v0;
	v0 =	vshra.s32 v0, $0x13  }
0x13b: {  	v1 =	vand.u32 $0xFF, v1;
	[tilespmem:$0x19880] =	vst v2;
	v0 =	vadd.s32 $0x800, v0  }
0x13c: {  	v1 =	vadd.s32 $0x770, v1;
	[tilespmem:$0x19980] =	vst v0  }
0x13d: {  	[tilespmem:$0x19900] =	vst v1  }
0x13e: {  	v0 =	vld [tilespmem:s8+$0x4CB0];
	_ =	sdelay $0x4  }
0x13f: {  	v1 =	vshrl.u32 v0, $0xB;
	v2 =	vand.u32 $0x7FF, v0;
	v0 =	vshra.s32 v0, $0x13  }
0x140: {  	v1 =	vand.u32 $0xFF, v1;
	[tilespmem:$0x19890] =	vst v2;
	v0 =	vadd.s32 $0x800, v0  }
0x141: {  	v1 =	vadd.s32 $0x770, v1;
	[tilespmem:$0x19990] =	vst v0  }
0x142: {  	[tilespmem:$0x19910] =	vst v1  }
0x143: {  	v0 =	vld [tilespmem:s8+$0x4CC0];
	_ =	sdelay $0x4  }
0x144: {  	v1 =	vshrl.u32 v0, $0xB;
	v2 =	vand.u32 $0x7FF, v0;
	v0 =	vshra.s32 v0, $0x13  }
0x145: {  	v1 =	vand.u32 $0xFF, v1;
	[tilespmem:$0x198A0] =	vst v2;
	v0 =	vadd.s32 $0x800, v0  }
0x146: {  	v1 =	vadd.s32 $0x770, v1;
	[tilespmem:$0x199A0] =	vst v0  }
0x147: {  	[tilespmem:$0x19920] =	vst v1  }
0x148: {  	v0 =	vld [tilespmem:s8+$0x4CD0];
	_ =	sdelay $0x4  }
0x149: {  	v1 =	vshrl.u32 v0, $0xB;
	v2 =	vand.u32 $0x7FF, v0;
	v0 =	vshra.s32 v0, $0x13  }
0x14a: {  	v1 =	vand.u32 $0xFF, v1;
	[tilespmem:$0x198B0] =	vst v2;
	v0 =	vadd.s32 $0x800, v0  }
0x14b: {  	v1 =	vadd.s32 $0x770, v1;
	[tilespmem:$0x199B0] =	vst v0  }
0x14c: {  	[tilespmem:$0x19930] =	vst v1  }
0x14d: {  	v0 =	vld [tilespmem:s8+$0x4CE0];
	_ =	sdelay $0x4  }
0x14e: {  	v1 =	vshrl.u32 v0, $0xB;
	v2 =	vand.u32 $0x7FF, v0;
	v0 =	vshra.s32 v0, $0x13  }
0x14f: {  	v1 =	vand.u32 $0xFF, v1;
	[tilespmem:$0x198C0] =	vst v2;
	v0 =	vadd.s32 $0x800, v0  }
0x150: {  	v1 =	vadd.s32 $0x770, v1;
	[tilespmem:$0x199C0] =	vst v0  }
0x151: {  	[tilespmem:$0x19940] =	vst v1  }
0x152: {  	[tilespmem:s18], [sflag:$0x1] =	stream.indirect.gather [spmem:s3], $0x80, s17, s16, $0xb8;
	[tilespmem:$0x19B80] =	vst v63  }
0x153: {  	_ = 	snop  }
0x154: {  	[tilespmem:s20], [sflag:$0x1] =	stream.indirect.gather [spmem:s3], $0x80, s19, s16, $0xb8;
	[tilespmem:$0x19B80] =	vst v63  }
0x155: {  	_ = 	snop  }
0x156: {  	[tilespmem:s22], [sflag:$0x1] =	stream.indirect.gather [spmem:s3], $0x80, s21, s16, $0xb8;
	[tilespmem:$0x19B80] =	vst v63  }
0x157: {  	_ =	swait.ge [sflag:s0], $0x7800  }
0x158: {  	[sflag:s0] =	ssyncset.done $0x0  }
0x159: {  	s8 =	simm.s32 @!p1 $0x4;
	[sflag:s0] =	ssyncadd.s32 $0xFFFF8800  }
0x15a: {  	_ =	swait.ge @!p1 [sflag:s8], $0x2800  }
0x15b: {  	[sflag:s8] =	ssyncset.done @!p1 $0x0  }
0x15c: {  	[sflag:s8] =	ssyncadd.s32 @!p1 $0xFFFFD800;
	s8 =	simm.s32 $0x0  }
0x15d: {  	v0 =	vld [tilespmem:s8+$0xD270]  }
0x15e: {  	v1 =	vld [tilespmem:s8+$0xFA70]  }
0x15f: {  	v2 =	vld [tilespmem:s8+$0xD080]  }
0x160: {  	v3 =	vld [tilespmem:s8+$0x12270]  }
0x161: {  	v4 =	vld [tilespmem:s8+$0xF880]  }
0x162: {  	v5 =	vld [tilespmem:s8+$0xD090]  }
0x163: {  	v6 =	vld [tilespmem:s8+$0xF890]  }
0x164: {  	v9 =	vld [tilespmem:s8+$0xD0A0]  }
0x165: {  	v7 =	vld [tilespmem:s8+$0xF8A0]  }
0x166: {  	v8 =	vld [tilespmem:s8+$0xF8B0]  }
0x167: {  	v11 =	vld [tilespmem:s8+$0xD0C0]  }
0x168: {  	v10 =	vld [tilespmem:s8+$0xF8C0]  }
0x169: {  	v13 =	vld [tilespmem:s8+$0xD0D0]  }
0x16a: {  	v12 =	vld [tilespmem:s8+$0xF8D0]  }
0x16b: {  	v15 =	vld [tilespmem:s8+$0xD0E0]  }
0x16c: {  	v14 =	vld [tilespmem:s8+$0xF8E0]  }
0x16d: {  	v17 =	vld [tilespmem:s8+$0xD0F0]  }
0x16e: {  	v16 =	vld [tilespmem:s8+$0xF8F0]  }
0x16f: {  	v19 =	vld [tilespmem:s8+$0xD100]  }
0x170: {  	v18 =	vld [tilespmem:s8+$0xF900]  }
0x171: {  	v21 =	vld [tilespmem:s8+$0xD110]  }
0x172: {  	v20 =	vld [tilespmem:s8+$0xF910]  }
0x173: {  	v23 =	vld [tilespmem:s8+$0xD120]  }
0x174: {  	v22 =	vld [tilespmem:s8+$0xF920]  }
0x175: {  	v25 =	vld [tilespmem:s8+$0xD130]  }
0x176: {  	v24 =	vld [tilespmem:s8+$0xF930]  }
0x177: {  	v27 =	vld [tilespmem:s8+$0xD140]  }
0x178: {  	v26 =	vld [tilespmem:s8+$0xF940]  }
0x179: {  	v29 =	vld [tilespmem:s8+$0xD150]  }
0x17a: {  	v28 =	vld [tilespmem:s8+$0xF950]  }
0x17b: {  	v31 =	vld [tilespmem:s8+$0xD160]  }
0x17c: {  	v30 =	vld [tilespmem:s8+$0xF960]  }
0x17d: {  	v33 =	vld [tilespmem:s8+$0xD170]  }
0x17e: {  	v32 =	vld [tilespmem:s8+$0xF970]  }
0x17f: {  	v35 =	vld [tilespmem:s8+$0xD180]  }
0x180: {  	v34 =	vld [tilespmem:s8+$0xF980]  }
0x181: {  	v37 =	vld [tilespmem:s8+$0xD190]  }
0x182: {  	v36 =	vld [tilespmem:s8+$0xF990]  }
0x183: {  	v39 =	vld [tilespmem:s8+$0xD1A0]  }
0x184: {  	v38 =	vld [tilespmem:s8+$0xF9A0]  }
0x185: {  	v41 =	vld [tilespmem:s8+$0xD1B0]  }
0x186: {  	v40 =	vld [tilespmem:s8+$0xF9B0]  }
0x187: {  	v43 =	vld [tilespmem:s8+$0xD1C0]  }
0x188: {  	v42 =	vld [tilespmem:s8+$0xF9C0]  }
0x189: {  	v46 =	vld [tilespmem:s8+$0xD1D0]  }
0x18a: {  	v44 =	vld [tilespmem:s8+$0xF9D0]  }
0x18b: {  	v48 =	vld [tilespmem:s8+$0xD1E0]  }
0x18c: {  	v45 =	vld [tilespmem:s8+$0xF9E0]  }
0x18d: {  	v54 =	vld [tilespmem:s8+$0xD1F0];
	v0 =	vadd.f32 v1, v0  }
0x18e: {  	v47 =	vld [tilespmem:s8+$0xF9F0]  }
0x18f: {  	v49 =	vld [tilespmem:s8+$0xFA00];
	v0 =	vadd.f32 v3, v0  }
0x190: {  	v50 =	vld [tilespmem:s8+$0xD210]  }
0x191: {  	[tilespmem:s8+$0x17270] =	vst v0;
	v0 =	vld [tilespmem:s8+$0xD200]  }
0x192: {  	v51 =	vld [tilespmem:s8+$0xFA10]  }
0x193: {  	v52 =	vld [tilespmem:s8+$0xD220]  }
0x194: {  	v62 =	vld [tilespmem:s8+$0x12080]  }
0x195: {  	v3 =	vld [tilespmem:s8+$0xD0B0]  }
0x196: {  	[tilespmem:$0x1FFC0] =	vst v0;
	v0 =	vld [tilespmem:s8+$0xD230]  }
0x197: {  	v53 =	vld [tilespmem:s8+$0xFA20]  }
0x198: {  	v2 =	vadd.f32 v4, v2;
	v4 =	vld [tilespmem:s8+$0x120B0]  }
0x199: {  	v63 =	vld [tilespmem:s8+$0x12090]  }
0x19a: {  	v5 =	vadd.f32 v6, v5;
	v6 =	vld [tilespmem:s8+$0x120D0];
	v2 =	vadd.f32 v62, v2  }
0x19b: {  	v3 =	vadd.f32 v8, v3;
	[tilespmem:$0x1FFD0] =	vst v0;
	v0 =	vld [tilespmem:s8+$0x120A0]  }
0x19c: {  	[tilespmem:s8+$0x17080] =	vst v2;
	v2 =	vld [tilespmem:s8+$0x120F0]  }
0x19d: {  	v1 =	vld [tilespmem:s8+$0x120C0];
	v3 =	vadd.f32 v4, v3;
	v4 =	vadd.f32 v12, v13  }
0x19e: {  	v55 =	vld [tilespmem:s8+$0xFA30];
	v7 =	vadd.f32 v7, v9;
	v5 =	vadd.f32 v63, v5  }
0x19f: {  	v62 =	vld [tilespmem:s8+$0x120E0];
	v4 =	vadd.f32 v6, v4;
	v6 =	vadd.f32 v16, v17  }
0x1a0: {  	[tilespmem:s8+$0x17090] =	vst v5;
	v5 =	vld [tilespmem:s8+$0x12100];
	v0 =	vadd.f32 v0, v7;
	v7 =	vadd.f32 v10, v11  }
0x1a1: {  	v56 =	vld [tilespmem:s8+$0xD240];
	[tilespmem:s8+$0x170B0] =	vst v3;
	v2 =	vadd.f32 v2, v6  }
0x1a2: {  	v3 =	vld [tilespmem:s8+$0x12120];
	[tilespmem:s8+$0x170D0] =	vst v4;
	v1 =	vadd.f32 v1, v7;
	v7 =	vadd.f32 v14, v15  }
0x1a3: {  	v8 =	vadd.f32 v18, v19;
	[tilespmem:s8+$0x170A0] =	vst v0;
	v0 =	vld [tilespmem:s8+$0x12110]  }
0x1a4: {  	v4 =	vld [tilespmem:s8+$0x12140];
	[tilespmem:s8+$0x170F0] =	vst v2;
	v7 =	vadd.f32 v62, v7  }
0x1a5: {  	v5 =	vadd.f32 v5, v8;
	v8 =	vadd.f32 v22, v23;
	[tilespmem:s8+$0x170C0] =	vst v1;
	v1 =	vld [tilespmem:s8+$0x12130]  }
0x1a6: {  	v2 =	vld [tilespmem:s8+$0x12160];
	[tilespmem:s8+$0x170E0] =	vst v7;
	v7 =	vadd.f32 v20, v21  }
0x1a7: {  	v6 =	vld [tilespmem:s8+$0x12150];
	v3 =	vadd.f32 v3, v8;
	v8 =	vadd.f32 v26, v27  }
0x1a8: {  	v57 =	vld [tilespmem:s8+$0xFA40];
	v0 =	vadd.f32 v0, v7;
	v7 =	vadd.f32 v24, v25  }
0x1a9: {  	[tilespmem:s8+$0x17100] =	vst v5;
	v5 =	vld [tilespmem:s8+$0x12170];
	v4 =	vadd.f32 v4, v8;
	v8 =	vadd.f32 v30, v31  }
0x1aa: {  	v58 =	vld [tilespmem:s8+$0xD250];
	[tilespmem:s8+$0x17120] =	vst v3;
	v1 =	vadd.f32 v1, v7;
	v7 =	vadd.f32 v28, v29  }
0x1ab: {  	v2 =	vadd.f32 v2, v8;
	[tilespmem:s8+$0x17110] =	vst v0;
	v0 =	vld [tilespmem:s8+$0x12180]  }
0x1ac: {  	v3 =	vld [tilespmem:s8+$0x12190];
	[tilespmem:s8+$0x17140] =	vst v4;
	v6 =	vadd.f32 v6, v7;
	v7 =	vadd.f32 v32, v33  }
0x1ad: {  	[tilespmem:s8+$0x17130] =	vst v1;
	v1 =	vld [tilespmem:s8+$0x121A0]  }
0x1ae: {  	v59 =	vld [tilespmem:s8+$0xFA50];
	v8 =	vadd.f32 v34, v35;
	[tilespmem:s8+$0x17160] =	vst v2;
	v5 =	vadd.f32 v5, v7  }
0x1af: {  	v4 =	vld [tilespmem:s8+$0x121B0];
	v2 =	vadd.f32 v36, v37;
	[tilespmem:s8+$0x17150] =	vst v6  }
0x1b0: {  	v6 =	vld [tilespmem:s8+$0x121C0];
	v0 =	vadd.f32 v0, v8;
	[tilespmem:s8+$0x17170] =	vst v5;
	v5 =	vadd.f32 v38, v39  }
0x1b1: {  	v2 =	vadd.f32 v3, v2;
	v7 =	vld [tilespmem:s8+$0x121D0]  }
0x1b2: {  	v60 =	vld [tilespmem:s8+$0xD260];
	[tilespmem:s8+$0x17180] =	vst v0;
	v0 =	vadd.f32 v40, v41;
	v1 =	vadd.f32 v1, v5  }
0x1b3: {  	[tilespmem:s8+$0x17190] =	vst v2;
	v2 =	vadd.f32 v42, v43;
	v8 =	vld [tilespmem:s8+$0x121E0]  }
0x1b4: {  	v61 =	vld [tilespmem:s8+$0xFA60];
	v3 =	vadd.f32 v4, v0;
	[tilespmem:s8+$0x171A0] =	vst v1;
	v1 =	vadd.f32 v44, v46  }
0x1b5: {  	v10 =	vld [tilespmem:s8+$0x121F0];
	v4 =	vadd.f32 v6, v2  }
0x1b6: {  	[tilespmem:s8+$0x171B0] =	vst v3;
	v3 =	vadd.f32 v45, v48;
	v6 =	vadd.f32 v7, v1;
	v1 =	vld [tilespmem:$0x1FFC0]  }
0x1b7: {  	v11 =	vld [tilespmem:s8+$0x12200]  }
0x1b8: {  	v12 =	vadd.f32 v47, v54;
	v14 =	vadd.f32 v8, v3;
	v3 =	vld [tilespmem:$0x1FFD0]  }
0x1b9: {  	v9 =	vadd.f32 v61, v60;
	v0 =	vld [tilespmem:s8+$0x12210]  }
0x1ba: {  	v12 =	vadd.f32 v10, v12;
	v5 =	vadd.f32 v51, v50;
	v2 =	vld [tilespmem:s8+$0x12220]  }
0x1bb: {  	[tilespmem:s8+$0x171C0] =	vst v4;
	v4 =	vld [tilespmem:s8+$0x12230];
	v8 =	vadd.f32 v59, v58;
	v13 =	vadd.f32 v49, v1  }
0x1bc: {  	v7 =	vld [tilespmem:s8+$0x12240];
	[tilespmem:s8+$0x171D0] =	vst v6;
	v6 =	vadd.f32 v57, v56;
	v1 =	vadd.f32 v53, v52  }
0x1bd: {  	s12 =	simm.s32 $0x800;
	s9 =	simm.s32 $0x0;
	v10 =	vld [tilespmem:s8+$0x12250];
	[tilespmem:s8+$0x171E0] =	vst v14;
	v3 =	vadd.f32 v55, v3;
	v11 =	vadd.f32 v11, v13  }
.LBB2_5:
0x1be: {  	s11 =	sshra.s32 s12, $0x2;
	[tilespmem:s8+$0x171F0] =	vst v12;
	v0 =	vadd.f32 v0, v5;
	v5 =	vld [tilespmem:s8+$0x12260]  }
0x1bf: {  	s9 =	sadd.s32 $0x4, s9;
	v12 =	vld [tilespmem:s11+$0xD270];
	[tilespmem:s8+$0x17200] =	vst v11;
	v1 =	vadd.f32 v2, v1  }
0x1c0: {  	p1 =	slt.u32 s9, $0x4C;
	v2 =	vld [tilespmem:s11+$0xFA70];
	[tilespmem:s8+$0x17210] =	vst v0;
	v0 =	vadd.f32 v4, v3  }
0x1c1: {  	v3 =	vld [tilespmem:s11+$0xD080];
	[tilespmem:s8+$0x17220] =	vst v1;
	v1 =	vadd.f32 v7, v6  }
0x1c2: {  	v4 =	vld [tilespmem:s11+$0x12270];
	[tilespmem:s8+$0x17230] =	vst v0;
	v0 =	vadd.f32 v10, v8  }
0x1c3: {  	v6 =	vld [tilespmem:s11+$0xF880];
	[tilespmem:s8+$0x17240] =	vst v1;
	v1 =	vadd.f32 v5, v9  }
0x1c4: {  	v5 =	vld [tilespmem:s11+$0xD090];
	[tilespmem:s8+$0x17250] =	vst v0  }
0x1c5: {  	v7 =	vld [tilespmem:s11+$0xF890];
	v0 =	vadd.f32 v2, v12;
	[tilespmem:s8+$0x17260] =	vst v1;
	s8 =	smov.u32 s11  }
0x1c6: {  	v1 =	vld [tilespmem:s8+$0xD0A0]  }
0x1c7: {  	v8 =	vld [tilespmem:s8+$0xF8A0];
	v2 =	vadd.f32 v4, v0  }
0x1c8: {  	v0 =	vadd.f32 v6, v3;
	v3 =	vld [tilespmem:s8+$0xD0B0]  }
0x1c9: {  	v6 =	vld [tilespmem:s8+$0xF8B0];
	[tilespmem:s8+$0x17270] =	vst v2  }
0x1ca: {  	v2 =	vadd.f32 v7, v5;
	v5 =	vld [tilespmem:s8+$0xD0C0]  }
0x1cb: {  	v9 =	vld [tilespmem:s8+$0xF8C0]  }
0x1cc: {  	v4 =	vadd.f32 v8, v1;
	v1 =	vld [tilespmem:s8+$0xD0D0]  }
0x1cd: {  	v8 =	vld [tilespmem:s8+$0xF8D0]  }
0x1ce: {  	v7 =	vadd.f32 v6, v3;
	v3 =	vld [tilespmem:s8+$0xD0E0]  }
0x1cf: {  	v6 =	vld [tilespmem:s8+$0xF8E0]  }
0x1d0: {  	v10 =	vadd.f32 v9, v5;
	v5 =	vld [tilespmem:s8+$0xD0F0]  }
0x1d1: {  	v9 =	vld [tilespmem:s8+$0xF8F0]  }
0x1d2: {  	v11 =	vadd.f32 v8, v1;
	v1 =	vld [tilespmem:s8+$0xD100]  }
0x1d3: {  	v8 =	vld [tilespmem:s8+$0xF900]  }
0x1d4: {  	v12 =	vadd.f32 v6, v3;
	v3 =	vld [tilespmem:s8+$0xD110]  }
0x1d5: {  	v6 =	vld [tilespmem:s8+$0xF910]  }
0x1d6: {  	v13 =	vadd.f32 v9, v5;
	v5 =	vld [tilespmem:s8+$0xD120]  }
0x1d7: {  	v9 =	vld [tilespmem:s8+$0xF920]  }
0x1d8: {  	v14 =	vadd.f32 v8, v1;
	v1 =	vld [tilespmem:s8+$0xD130]  }
0x1d9: {  	v8 =	vld [tilespmem:s8+$0xF930]  }
0x1da: {  	v15 =	vadd.f32 v6, v3;
	v3 =	vld [tilespmem:s8+$0xD140]  }
0x1db: {  	v6 =	vld [tilespmem:s8+$0xF940]  }
0x1dc: {  	v16 =	vadd.f32 v9, v5;
	v5 =	vld [tilespmem:s8+$0xD150]  }
0x1dd: {  	v9 =	vld [tilespmem:s8+$0xF950]  }
0x1de: {  	v17 =	vadd.f32 v8, v1;
	v1 =	vld [tilespmem:s8+$0xD160]  }
0x1df: {  	v8 =	vld [tilespmem:s8+$0xF960]  }
0x1e0: {  	v18 =	vadd.f32 v6, v3;
	v3 =	vld [tilespmem:s8+$0xD170]  }
0x1e1: {  	v6 =	vld [tilespmem:s8+$0xF970]  }
0x1e2: {  	v19 =	vadd.f32 v9, v5;
	v5 =	vld [tilespmem:s8+$0xD180]  }
0x1e3: {  	v9 =	vld [tilespmem:s8+$0xF980]  }
0x1e4: {  	v20 =	vadd.f32 v8, v1;
	v1 =	vld [tilespmem:s8+$0xD190]  }
0x1e5: {  	v8 =	vld [tilespmem:s8+$0xF990]  }
0x1e6: {  	v21 =	vadd.f32 v6, v3;
	v3 =	vld [tilespmem:s8+$0xD1A0]  }
0x1e7: {  	v6 =	vld [tilespmem:s8+$0xF9A0]  }
0x1e8: {  	v22 =	vadd.f32 v9, v5;
	v5 =	vld [tilespmem:s8+$0xD1B0]  }
0x1e9: {  	v9 =	vld [tilespmem:s8+$0xF9B0]  }
0x1ea: {  	v23 =	vadd.f32 v8, v1;
	v1 =	vld [tilespmem:s8+$0xD1C0]  }
0x1eb: {  	v8 =	vld [tilespmem:s8+$0xF9C0]  }
0x1ec: {  	v24 =	vadd.f32 v6, v3;
	v3 =	vld [tilespmem:s8+$0xD1D0]  }
0x1ed: {  	v6 =	vld [tilespmem:s8+$0xF9D0]  }
0x1ee: {  	v25 =	vadd.f32 v9, v5;
	v5 =	vld [tilespmem:s8+$0xD1E0]  }
0x1ef: {  	v9 =	vld [tilespmem:s8+$0xF9E0]  }
0x1f0: {  	v26 =	vadd.f32 v8, v1;
	v1 =	vld [tilespmem:s8+$0xD1F0]  }
0x1f1: {  	v8 =	vld [tilespmem:s8+$0xF9F0]  }
0x1f2: {  	v27 =	vadd.f32 v6, v3;
	v3 =	vld [tilespmem:s8+$0xD200]  }
0x1f3: {  	v6 =	vld [tilespmem:s8+$0xFA00]  }
0x1f4: {  	v28 =	vadd.f32 v9, v5;
	v5 =	vld [tilespmem:s8+$0xD210]  }
0x1f5: {  	v9 =	vld [tilespmem:s8+$0xFA10]  }
0x1f6: {  	v29 =	vadd.f32 v8, v1;
	v1 =	vld [tilespmem:s8+$0xD220]  }
0x1f7: {  	v8 =	vld [tilespmem:s8+$0xFA20]  }
0x1f8: {  	v30 =	vadd.f32 v6, v3;
	v3 =	vld [tilespmem:s8+$0xD230]  }
0x1f9: {  	v6 =	vld [tilespmem:s8+$0xFA30]  }
0x1fa: {  	v5 =	vadd.f32 v9, v5;
	v9 =	vld [tilespmem:s8+$0xD240]  }
0x1fb: {  	v31 =	vld [tilespmem:s8+$0xFA40]  }
0x1fc: {  	v1 =	vadd.f32 v8, v1;
	v8 =	vld [tilespmem:s8+$0xD250]  }
0x1fd: {  	v32 =	vld [tilespmem:s8+$0xFA50]  }
0x1fe: {  	v3 =	vadd.f32 v6, v3;
	v33 =	vld [tilespmem:s8+$0xD260]  }
0x1ff: {  	v34 =	vld [tilespmem:s8+$0xFA60]  }
0x200: {  	v35 =	vld [tilespmem:s8+$0x12080];
	v6 =	vadd.f32 v31, v9  }
0x201: {  	v31 =	vld [tilespmem:s8+$0x12090]  }
0x202: {  	v36 =	vld [tilespmem:s8+$0x120A0];
	v8 =	vadd.f32 v32, v8  }
0x203: {  	v32 =	vld [tilespmem:s8+$0x120B0]  }
0x204: {  	v37 =	vld [tilespmem:s8+$0x120C0];
	v9 =	vadd.f32 v34, v33  }
0x205: {  	v0 =	vadd.f32 v35, v0;
	v33 =	vld [tilespmem:s8+$0x120D0]  }
0x206: {  	v2 =	vadd.f32 v31, v2;
	v31 =	vld [tilespmem:s8+$0x120E0]  }
0x207: {  	[tilespmem:s8+$0x17080] =	vst v0;
	v0 =	vadd.f32 v36, v4;
	v4 =	vld [tilespmem:s8+$0x120F0]  }
0x208: {  	[tilespmem:s8+$0x17090] =	vst v2;
	v2 =	vadd.f32 v32, v7;
	v7 =	vld [tilespmem:s8+$0x12100]  }
0x209: {  	[tilespmem:s8+$0x170A0] =	vst v0;
	v0 =	vadd.f32 v37, v10;
	v10 =	vld [tilespmem:s8+$0x12110]  }
0x20a: {  	[tilespmem:s8+$0x170B0] =	vst v2;
	v2 =	vadd.f32 v33, v11;
	v11 =	vld [tilespmem:s8+$0x12120]  }
0x20b: {  	[tilespmem:s8+$0x170C0] =	vst v0;
	v0 =	vadd.f32 v31, v12;
	v12 =	vld [tilespmem:s8+$0x12130]  }
0x20c: {  	[tilespmem:s8+$0x170D0] =	vst v2;
	v2 =	vadd.f32 v4, v13;
	v4 =	vld [tilespmem:s8+$0x12140]  }
0x20d: {  	[tilespmem:s8+$0x170E0] =	vst v0;
	v0 =	vadd.f32 v7, v14;
	v7 =	vld [tilespmem:s8+$0x12150]  }
0x20e: {  	[tilespmem:s8+$0x170F0] =	vst v2;
	v2 =	vadd.f32 v10, v15;
	v10 =	vld [tilespmem:s8+$0x12160]  }
0x20f: {  	[tilespmem:s8+$0x17100] =	vst v0;
	v0 =	vadd.f32 v11, v16;
	v11 =	vld [tilespmem:s8+$0x12170]  }
0x210: {  	[tilespmem:s8+$0x17110] =	vst v2;
	v2 =	vadd.f32 v12, v17;
	v12 =	vld [tilespmem:s8+$0x12180]  }
0x211: {  	[tilespmem:s8+$0x17120] =	vst v0;
	v0 =	vadd.f32 v4, v18;
	v4 =	vld [tilespmem:s8+$0x12190]  }
0x212: {  	[tilespmem:s8+$0x17130] =	vst v2;
	v2 =	vadd.f32 v7, v19;
	v7 =	vld [tilespmem:s8+$0x121A0]  }
0x213: {  	[tilespmem:s8+$0x17140] =	vst v0;
	v0 =	vadd.f32 v10, v20;
	v10 =	vld [tilespmem:s8+$0x121B0]  }
0x214: {  	[tilespmem:s8+$0x17150] =	vst v2;
	v2 =	vadd.f32 v11, v21;
	v11 =	vld [tilespmem:s8+$0x121C0]  }
0x215: {  	[tilespmem:s8+$0x17160] =	vst v0;
	v0 =	vadd.f32 v12, v22;
	v12 =	vld [tilespmem:s8+$0x121D0]  }
0x216: {  	[tilespmem:s8+$0x17170] =	vst v2;
	v2 =	vadd.f32 v4, v23;
	v4 =	vld [tilespmem:s8+$0x121E0]  }
0x217: {  	[tilespmem:s8+$0x17180] =	vst v0;
	v0 =	vadd.f32 v7, v24;
	v7 =	vld [tilespmem:s8+$0x121F0]  }
0x218: {  	[tilespmem:s8+$0x17190] =	vst v2;
	v2 =	vadd.f32 v10, v25;
	v10 =	vld [tilespmem:s8+$0x12200]  }
.Ltmp3:
0x219: {  	[tilespmem:s8+$0x171A0] =	vst v0;
	v11 =	vadd.f32 v11, v26;
	v0 =	vld [tilespmem:s8+$0x12210];
	(pc) =	sbr.rel @p1 .LBB2_5-.Ltmp3, $4  }
0x21a: {  	[tilespmem:s8+$0x171B0] =	vst v2;
	v12 =	vadd.f32 v12, v27;
	v2 =	vld [tilespmem:s8+$0x12220]  }
0x21b: {  	[tilespmem:s8+$0x171C0] =	vst v11;
	v11 =	vadd.f32 v4, v28;
	v4 =	vld [tilespmem:s8+$0x12230]  }
0x21c: {  	[tilespmem:s8+$0x171D0] =	vst v12;
	v12 =	vadd.f32 v7, v29;
	v7 =	vld [tilespmem:s8+$0x12240]  }
0x21d: {  	s12 =	sadd.s32 $0x800, s12;
	[tilespmem:s8+$0x171E0] =	vst v11;
	v11 =	vadd.f32 v10, v30;
	v10 =	vld [tilespmem:s8+$0x12250]  }
0x21e: {  	[tilespmem:s8+$0x171F0] =	vst v12;
	v0 =	vadd.f32 v0, v5;
	v59 =	vld [tilespmem:s8+$0x12260]  }
0x21f: {  	[tilespmem:s8+$0x17200] =	vst v11;
	v1 =	vadd.f32 v2, v1  }
0x220: {  	s6 =	sadd.s32 $0x1, s6;
	[tilespmem:s8+$0x17210] =	vst v0;
	v60 =	vadd.f32 v4, v3  }
0x221: {  	p1 =	sne.s32 s6, $0x13;
	[tilespmem:s8+$0x17220] =	vst v1;
	v61 =	vadd.f32 v7, v6  }
.Ltmp4:
0x222: {  	[tilespmem:s8+$0x17230] =	vst v60;
	v62 =	vadd.f32 v10, v8;
	(pc) =	sbr.rel @p1 .LBB2_2-.Ltmp4, $4  }
0x223: {  	s7 =	sadd.s32 s5, s7;
	[tilespmem:s8+$0x17240] =	vst v61;
	v63 =	vadd.f32 v59, v9  }
0x224: {  	s7 =	sshll.u32 s7, $0x4;
	[tilespmem:s8+$0x17250] =	vst v62  }
0x225: {  	s7 =	sadd.s32 s1, s7;
	[tilespmem:s8+$0x17260] =	vst v63  }
0x226: {  	[hbm4b:s7+s4] =	stream.linear.scatter [tilespmem:s2], [sflag:$0x4], $0x2800, $0x38;
	[tilespmem:$0x19B80] =	vst v63  }
0x227: {  	_ =	swait.ge [sflag:s30], $0x7800  }
0x228: {  	[sflag:s30] =	ssyncset.done $0x0  }
0x229: {  	[sflag:s30] =	ssyncadd.s32 $0xFFFF8800  }
0x22a: {  	_ =	swait.ge [sflag:s10], $0x2800  }
0x22b: {  	[sflag:s10] =	ssyncset.done $0x0  }
0x22c: {  	s6 =	simm.s32 $0x0;
	[sflag:s10] =	ssyncadd.s32 $0xFFFFD800  }
0x22d: {  	v0 =	vld [tilespmem:s6+$0x5A70]  }
0x22e: {  	v1 =	vld [tilespmem:s6+$0x8270]  }
0x22f: {  	v2 =	vld [tilespmem:s6+$0x5880]  }
0x230: {  	v3 =	vld [tilespmem:s6+$0xAA70]  }
0x231: {  	v4 =	vld [tilespmem:s6+$0x8080]  }
0x232: {  	v5 =	vld [tilespmem:s6+$0x5890]  }
0x233: {  	v6 =	vld [tilespmem:s6+$0x8090]  }
0x234: {  	v9 =	vld [tilespmem:s6+$0x58A0]  }
0x235: {  	v7 =	vld [tilespmem:s6+$0x80A0]  }
0x236: {  	v8 =	vld [tilespmem:s6+$0x80B0]  }
0x237: {  	v11 =	vld [tilespmem:s6+$0x58C0]  }
0x238: {  	v10 =	vld [tilespmem:s6+$0x80C0]  }
0x239: {  	v13 =	vld [tilespmem:s6+$0x58D0]  }
0x23a: {  	v12 =	vld [tilespmem:s6+$0x80D0]  }
0x23b: {  	v15 =	vld [tilespmem:s6+$0x58E0]  }
0x23c: {  	v14 =	vld [tilespmem:s6+$0x80E0]  }
0x23d: {  	v17 =	vld [tilespmem:s6+$0x58F0]  }
0x23e: {  	v16 =	vld [tilespmem:s6+$0x80F0]  }
0x23f: {  	v19 =	vld [tilespmem:s6+$0x5900]  }
0x240: {  	v18 =	vld [tilespmem:s6+$0x8100]  }
0x241: {  	v21 =	vld [tilespmem:s6+$0x5910]  }
0x242: {  	v20 =	vld [tilespmem:s6+$0x8110]  }
0x243: {  	v23 =	vld [tilespmem:s6+$0x5920]  }
0x244: {  	v22 =	vld [tilespmem:s6+$0x8120]  }
0x245: {  	v25 =	vld [tilespmem:s6+$0x5930]  }
0x246: {  	v24 =	vld [tilespmem:s6+$0x8130]  }
0x247: {  	v27 =	vld [tilespmem:s6+$0x5940]  }
0x248: {  	v26 =	vld [tilespmem:s6+$0x8140]  }
0x249: {  	v29 =	vld [tilespmem:s6+$0x5950]  }
0x24a: {  	v28 =	vld [tilespmem:s6+$0x8150]  }
0x24b: {  	v31 =	vld [tilespmem:s6+$0x5960]  }
0x24c: {  	v30 =	vld [tilespmem:s6+$0x8160]  }
0x24d: {  	v33 =	vld [tilespmem:s6+$0x5970]  }
0x24e: {  	v32 =	vld [tilespmem:s6+$0x8170]  }
0x24f: {  	v35 =	vld [tilespmem:s6+$0x5980]  }
0x250: {  	v34 =	vld [tilespmem:s6+$0x8180]  }
0x251: {  	v37 =	vld [tilespmem:s6+$0x5990]  }
0x252: {  	v36 =	vld [tilespmem:s6+$0x8190]  }
0x253: {  	v39 =	vld [tilespmem:s6+$0x59A0]  }
0x254: {  	v38 =	vld [tilespmem:s6+$0x81A0]  }
0x255: {  	v41 =	vld [tilespmem:s6+$0x59B0]  }
0x256: {  	v40 =	vld [tilespmem:s6+$0x81B0]  }
0x257: {  	v43 =	vld [tilespmem:s6+$0x59C0]  }
0x258: {  	v42 =	vld [tilespmem:s6+$0x81C0]  }
0x259: {  	v46 =	vld [tilespmem:s6+$0x59D0]  }
0x25a: {  	v44 =	vld [tilespmem:s6+$0x81D0]  }
0x25b: {  	v48 =	vld [tilespmem:s6+$0x59E0]  }
0x25c: {  	v45 =	vld [tilespmem:s6+$0x81E0]  }
0x25d: {  	v54 =	vld [tilespmem:s6+$0x59F0];
	v0 =	vadd.f32 v1, v0  }
0x25e: {  	v47 =	vld [tilespmem:s6+$0x81F0]  }
0x25f: {  	v49 =	vld [tilespmem:s6+$0x8200];
	v0 =	vadd.f32 v3, v0  }
0x260: {  	v50 =	vld [tilespmem:s6+$0x5A10]  }
0x261: {  	[tilespmem:s6+$0x14A70] =	vst v0;
	v0 =	vld [tilespmem:s6+$0x5A00]  }
0x262: {  	v51 =	vld [tilespmem:s6+$0x8210]  }
0x263: {  	v52 =	vld [tilespmem:s6+$0x5A20]  }
0x264: {  	v62 =	vld [tilespmem:s6+$0xA880]  }
0x265: {  	v3 =	vld [tilespmem:s6+$0x58B0]  }
0x266: {  	[tilespmem:$0x1FFA0] =	vst v0;
	v0 =	vld [tilespmem:s6+$0x5A30]  }
0x267: {  	v53 =	vld [tilespmem:s6+$0x8220]  }
0x268: {  	v2 =	vadd.f32 v4, v2;
	v4 =	vld [tilespmem:s6+$0xA8B0]  }
0x269: {  	v63 =	vld [tilespmem:s6+$0xA890]  }
0x26a: {  	v5 =	vadd.f32 v6, v5;
	v6 =	vld [tilespmem:s6+$0xA8D0];
	v2 =	vadd.f32 v62, v2  }
0x26b: {  	v3 =	vadd.f32 v8, v3;
	[tilespmem:$0x1FFB0] =	vst v0;
	v0 =	vld [tilespmem:s6+$0xA8A0]  }
0x26c: {  	[tilespmem:s6+$0x14880] =	vst v2;
	v2 =	vld [tilespmem:s6+$0xA8F0]  }
0x26d: {  	v1 =	vld [tilespmem:s6+$0xA8C0];
	v3 =	vadd.f32 v4, v3;
	v4 =	vadd.f32 v12, v13  }
0x26e: {  	v55 =	vld [tilespmem:s6+$0x8230];
	v7 =	vadd.f32 v7, v9;
	v5 =	vadd.f32 v63, v5  }
0x26f: {  	v62 =	vld [tilespmem:s6+$0xA8E0];
	v4 =	vadd.f32 v6, v4;
	v6 =	vadd.f32 v16, v17  }
0x270: {  	[tilespmem:s6+$0x14890] =	vst v5;
	v5 =	vld [tilespmem:s6+$0xA900];
	v0 =	vadd.f32 v0, v7;
	v7 =	vadd.f32 v10, v11  }
0x271: {  	v56 =	vld [tilespmem:s6+$0x5A40];
	[tilespmem:s6+$0x148B0] =	vst v3;
	v2 =	vadd.f32 v2, v6  }
0x272: {  	v3 =	vld [tilespmem:s6+$0xA920];
	[tilespmem:s6+$0x148D0] =	vst v4;
	v1 =	vadd.f32 v1, v7;
	v7 =	vadd.f32 v14, v15  }
0x273: {  	v8 =	vadd.f32 v18, v19;
	[tilespmem:s6+$0x148A0] =	vst v0;
	v0 =	vld [tilespmem:s6+$0xA910]  }
0x274: {  	v4 =	vld [tilespmem:s6+$0xA940];
	[tilespmem:s6+$0x148F0] =	vst v2;
	v7 =	vadd.f32 v62, v7  }
0x275: {  	v5 =	vadd.f32 v5, v8;
	v8 =	vadd.f32 v22, v23;
	[tilespmem:s6+$0x148C0] =	vst v1;
	v1 =	vld [tilespmem:s6+$0xA930]  }
0x276: {  	v2 =	vld [tilespmem:s6+$0xA960];
	[tilespmem:s6+$0x148E0] =	vst v7;
	v7 =	vadd.f32 v20, v21  }
0x277: {  	v6 =	vld [tilespmem:s6+$0xA950];
	v3 =	vadd.f32 v3, v8;
	v8 =	vadd.f32 v26, v27  }
0x278: {  	v57 =	vld [tilespmem:s6+$0x8240];
	v0 =	vadd.f32 v0, v7;
	v7 =	vadd.f32 v24, v25  }
0x279: {  	[tilespmem:s6+$0x14900] =	vst v5;
	v5 =	vld [tilespmem:s6+$0xA970];
	v4 =	vadd.f32 v4, v8;
	v8 =	vadd.f32 v30, v31  }
0x27a: {  	v58 =	vld [tilespmem:s6+$0x5A50];
	[tilespmem:s6+$0x14920] =	vst v3;
	v1 =	vadd.f32 v1, v7;
	v7 =	vadd.f32 v28, v29  }
0x27b: {  	v2 =	vadd.f32 v2, v8;
	[tilespmem:s6+$0x14910] =	vst v0;
	v0 =	vld [tilespmem:s6+$0xA980]  }
0x27c: {  	v3 =	vld [tilespmem:s6+$0xA990];
	[tilespmem:s6+$0x14940] =	vst v4;
	v6 =	vadd.f32 v6, v7;
	v7 =	vadd.f32 v32, v33  }
0x27d: {  	[tilespmem:s6+$0x14930] =	vst v1;
	v1 =	vld [tilespmem:s6+$0xA9A0]  }
0x27e: {  	v59 =	vld [tilespmem:s6+$0x8250];
	v8 =	vadd.f32 v34, v35;
	[tilespmem:s6+$0x14960] =	vst v2;
	v5 =	vadd.f32 v5, v7  }
0x27f: {  	v4 =	vld [tilespmem:s6+$0xA9B0];
	v2 =	vadd.f32 v36, v37;
	[tilespmem:s6+$0x14950] =	vst v6  }
0x280: {  	v6 =	vld [tilespmem:s6+$0xA9C0];
	v0 =	vadd.f32 v0, v8;
	[tilespmem:s6+$0x14970] =	vst v5;
	v5 =	vadd.f32 v38, v39  }
0x281: {  	v2 =	vadd.f32 v3, v2;
	v7 =	vld [tilespmem:s6+$0xA9D0]  }
0x282: {  	v60 =	vld [tilespmem:s6+$0x5A60];
	[tilespmem:s6+$0x14980] =	vst v0;
	v0 =	vadd.f32 v40, v41;
	v1 =	vadd.f32 v1, v5  }
0x283: {  	[tilespmem:s6+$0x14990] =	vst v2;
	v2 =	vadd.f32 v42, v43;
	v8 =	vld [tilespmem:s6+$0xA9E0]  }
0x284: {  	v61 =	vld [tilespmem:s6+$0x8260];
	v3 =	vadd.f32 v4, v0;
	[tilespmem:s6+$0x149A0] =	vst v1;
	v1 =	vadd.f32 v44, v46  }
0x285: {  	v10 =	vld [tilespmem:s6+$0xA9F0];
	v4 =	vadd.f32 v6, v2  }
0x286: {  	[tilespmem:s6+$0x149B0] =	vst v3;
	v3 =	vadd.f32 v45, v48;
	v6 =	vadd.f32 v7, v1;
	v1 =	vld [tilespmem:$0x1FFA0]  }
0x287: {  	v11 =	vld [tilespmem:s6+$0xAA00]  }
0x288: {  	v12 =	vadd.f32 v47, v54;
	v14 =	vadd.f32 v8, v3;
	v3 =	vld [tilespmem:$0x1FFB0]  }
0x289: {  	v9 =	vadd.f32 v61, v60;
	v0 =	vld [tilespmem:s6+$0xAA10]  }
0x28a: {  	v12 =	vadd.f32 v10, v12;
	v5 =	vadd.f32 v51, v50;
	v2 =	vld [tilespmem:s6+$0xAA20]  }
0x28b: {  	[tilespmem:s6+$0x149C0] =	vst v4;
	v4 =	vld [tilespmem:s6+$0xAA30];
	v8 =	vadd.f32 v59, v58;
	v13 =	vadd.f32 v49, v1  }
0x28c: {  	v7 =	vld [tilespmem:s6+$0xAA40];
	[tilespmem:s6+$0x149D0] =	vst v6;
	v6 =	vadd.f32 v57, v56;
	v1 =	vadd.f32 v53, v52  }
0x28d: {  	s7 =	simm.s32 $0x0;
	s8 =	simm.s32 $0x800;
	v10 =	vld [tilespmem:s6+$0xAA50];
	[tilespmem:s6+$0x149E0] =	vst v14;
	v3 =	vadd.f32 v55, v3;
	v11 =	vadd.f32 v11, v13  }
.LBB2_8:
0x28e: {  	s9 =	sshra.s32 s8, $0x2;
	[tilespmem:s6+$0x149F0] =	vst v12;
	v0 =	vadd.f32 v0, v5;
	v5 =	vld [tilespmem:s6+$0xAA60]  }
0x28f: {  	s7 =	sadd.s32 $0x4, s7;
	v12 =	vld [tilespmem:s9+$0x5A70];
	[tilespmem:s6+$0x14A00] =	vst v11;
	v1 =	vadd.f32 v2, v1  }
0x290: {  	p1 =	slt.u32 s7, $0x4C;
	v2 =	vld [tilespmem:s9+$0x8270];
	[tilespmem:s6+$0x14A10] =	vst v0;
	v0 =	vadd.f32 v4, v3  }
0x291: {  	v3 =	vld [tilespmem:s9+$0x5880];
	[tilespmem:s6+$0x14A20] =	vst v1;
	v1 =	vadd.f32 v7, v6  }
0x292: {  	v4 =	vld [tilespmem:s9+$0xAA70];
	[tilespmem:s6+$0x14A30] =	vst v0;
	v0 =	vadd.f32 v10, v8  }
0x293: {  	v6 =	vld [tilespmem:s9+$0x8080];
	[tilespmem:s6+$0x14A40] =	vst v1;
	v1 =	vadd.f32 v5, v9  }
0x294: {  	v5 =	vld [tilespmem:s9+$0x5890];
	[tilespmem:s6+$0x14A50] =	vst v0  }
0x295: {  	v7 =	vld [tilespmem:s9+$0x8090];
	v0 =	vadd.f32 v2, v12;
	[tilespmem:s6+$0x14A60] =	vst v1;
	s6 =	smov.u32 s9  }
0x296: {  	v1 =	vld [tilespmem:s6+$0x58A0]  }
0x297: {  	v8 =	vld [tilespmem:s6+$0x80A0];
	v2 =	vadd.f32 v4, v0  }
0x298: {  	v0 =	vadd.f32 v6, v3;
	v3 =	vld [tilespmem:s6+$0x58B0]  }
0x299: {  	v6 =	vld [tilespmem:s6+$0x80B0];
	[tilespmem:s6+$0x14A70] =	vst v2  }
0x29a: {  	v2 =	vadd.f32 v7, v5;
	v5 =	vld [tilespmem:s6+$0x58C0]  }
0x29b: {  	v9 =	vld [tilespmem:s6+$0x80C0]  }
0x29c: {  	v4 =	vadd.f32 v8, v1;
	v1 =	vld [tilespmem:s6+$0x58D0]  }
0x29d: {  	v8 =	vld [tilespmem:s6+$0x80D0]  }
0x29e: {  	v7 =	vadd.f32 v6, v3;
	v3 =	vld [tilespmem:s6+$0x58E0]  }
0x29f: {  	v6 =	vld [tilespmem:s6+$0x80E0]  }
0x2a0: {  	v10 =	vadd.f32 v9, v5;
	v5 =	vld [tilespmem:s6+$0x58F0]  }
0x2a1: {  	v9 =	vld [tilespmem:s6+$0x80F0]  }
0x2a2: {  	v11 =	vadd.f32 v8, v1;
	v1 =	vld [tilespmem:s6+$0x5900]  }
0x2a3: {  	v8 =	vld [tilespmem:s6+$0x8100]  }
0x2a4: {  	v12 =	vadd.f32 v6, v3;
	v3 =	vld [tilespmem:s6+$0x5910]  }
0x2a5: {  	v6 =	vld [tilespmem:s6+$0x8110]  }
0x2a6: {  	v13 =	vadd.f32 v9, v5;
	v5 =	vld [tilespmem:s6+$0x5920]  }
0x2a7: {  	v9 =	vld [tilespmem:s6+$0x8120]  }
0x2a8: {  	v14 =	vadd.f32 v8, v1;
	v1 =	vld [tilespmem:s6+$0x5930]  }
0x2a9: {  	v8 =	vld [tilespmem:s6+$0x8130]  }
0x2aa: {  	v15 =	vadd.f32 v6, v3;
	v3 =	vld [tilespmem:s6+$0x5940]  }
0x2ab: {  	v6 =	vld [tilespmem:s6+$0x8140]  }
0x2ac: {  	v16 =	vadd.f32 v9, v5;
	v5 =	vld [tilespmem:s6+$0x5950]  }
0x2ad: {  	v9 =	vld [tilespmem:s6+$0x8150]  }
0x2ae: {  	v17 =	vadd.f32 v8, v1;
	v1 =	vld [tilespmem:s6+$0x5960]  }
0x2af: {  	v8 =	vld [tilespmem:s6+$0x8160]  }
0x2b0: {  	v18 =	vadd.f32 v6, v3;
	v3 =	vld [tilespmem:s6+$0x5970]  }
0x2b1: {  	v6 =	vld [tilespmem:s6+$0x8170]  }
0x2b2: {  	v19 =	vadd.f32 v9, v5;
	v5 =	vld [tilespmem:s6+$0x5980]  }
0x2b3: {  	v9 =	vld [tilespmem:s6+$0x8180]  }
0x2b4: {  	v20 =	vadd.f32 v8, v1;
	v1 =	vld [tilespmem:s6+$0x5990]  }
0x2b5: {  	v8 =	vld [tilespmem:s6+$0x8190]  }
0x2b6: {  	v21 =	vadd.f32 v6, v3;
	v3 =	vld [tilespmem:s6+$0x59A0]  }
0x2b7: {  	v6 =	vld [tilespmem:s6+$0x81A0]  }
0x2b8: {  	v22 =	vadd.f32 v9, v5;
	v5 =	vld [tilespmem:s6+$0x59B0]  }
0x2b9: {  	v9 =	vld [tilespmem:s6+$0x81B0]  }
0x2ba: {  	v23 =	vadd.f32 v8, v1;
	v1 =	vld [tilespmem:s6+$0x59C0]  }
0x2bb: {  	v8 =	vld [tilespmem:s6+$0x81C0]  }
0x2bc: {  	v24 =	vadd.f32 v6, v3;
	v3 =	vld [tilespmem:s6+$0x59D0]  }
0x2bd: {  	v6 =	vld [tilespmem:s6+$0x81D0]  }
0x2be: {  	v25 =	vadd.f32 v9, v5;
	v5 =	vld [tilespmem:s6+$0x59E0]  }
0x2bf: {  	v9 =	vld [tilespmem:s6+$0x81E0]  }
0x2c0: {  	v26 =	vadd.f32 v8, v1;
	v1 =	vld [tilespmem:s6+$0x59F0]  }
0x2c1: {  	v8 =	vld [tilespmem:s6+$0x81F0]  }
0x2c2: {  	v27 =	vadd.f32 v6, v3;
	v3 =	vld [tilespmem:s6+$0x5A00]  }
0x2c3: {  	v6 =	vld [tilespmem:s6+$0x8200]  }
0x2c4: {  	v28 =	vadd.f32 v9, v5;
	v5 =	vld [tilespmem:s6+$0x5A10]  }
0x2c5: {  	v9 =	vld [tilespmem:s6+$0x8210]  }
0x2c6: {  	v29 =	vadd.f32 v8, v1;
	v1 =	vld [tilespmem:s6+$0x5A20]  }
0x2c7: {  	v8 =	vld [tilespmem:s6+$0x8220]  }
0x2c8: {  	v30 =	vadd.f32 v6, v3;
	v3 =	vld [tilespmem:s6+$0x5A30]  }
0x2c9: {  	v6 =	vld [tilespmem:s6+$0x8230]  }
0x2ca: {  	v5 =	vadd.f32 v9, v5;
	v9 =	vld [tilespmem:s6+$0x5A40]  }
0x2cb: {  	v31 =	vld [tilespmem:s6+$0x8240]  }
0x2cc: {  	v1 =	vadd.f32 v8, v1;
	v8 =	vld [tilespmem:s6+$0x5A50]  }
0x2cd: {  	v32 =	vld [tilespmem:s6+$0x8250]  }
0x2ce: {  	v3 =	vadd.f32 v6, v3;
	v33 =	vld [tilespmem:s6+$0x5A60]  }
0x2cf: {  	v34 =	vld [tilespmem:s6+$0x8260]  }
0x2d0: {  	v35 =	vld [tilespmem:s6+$0xA880];
	v6 =	vadd.f32 v31, v9  }
0x2d1: {  	v31 =	vld [tilespmem:s6+$0xA890]  }
0x2d2: {  	v36 =	vld [tilespmem:s6+$0xA8A0];
	v8 =	vadd.f32 v32, v8  }
0x2d3: {  	v32 =	vld [tilespmem:s6+$0xA8B0]  }
0x2d4: {  	v37 =	vld [tilespmem:s6+$0xA8C0];
	v9 =	vadd.f32 v34, v33  }
0x2d5: {  	v0 =	vadd.f32 v35, v0;
	v33 =	vld [tilespmem:s6+$0xA8D0]  }
0x2d6: {  	v2 =	vadd.f32 v31, v2;
	v31 =	vld [tilespmem:s6+$0xA8E0]  }
0x2d7: {  	[tilespmem:s6+$0x14880] =	vst v0;
	v0 =	vadd.f32 v36, v4;
	v4 =	vld [tilespmem:s6+$0xA8F0]  }
0x2d8: {  	[tilespmem:s6+$0x14890] =	vst v2;
	v2 =	vadd.f32 v32, v7;
	v7 =	vld [tilespmem:s6+$0xA900]  }
0x2d9: {  	[tilespmem:s6+$0x148A0] =	vst v0;
	v0 =	vadd.f32 v37, v10;
	v10 =	vld [tilespmem:s6+$0xA910]  }
0x2da: {  	[tilespmem:s6+$0x148B0] =	vst v2;
	v2 =	vadd.f32 v33, v11;
	v11 =	vld [tilespmem:s6+$0xA920]  }
0x2db: {  	[tilespmem:s6+$0x148C0] =	vst v0;
	v0 =	vadd.f32 v31, v12;
	v12 =	vld [tilespmem:s6+$0xA930]  }
0x2dc: {  	[tilespmem:s6+$0x148D0] =	vst v2;
	v2 =	vadd.f32 v4, v13;
	v4 =	vld [tilespmem:s6+$0xA940]  }
0x2dd: {  	[tilespmem:s6+$0x148E0] =	vst v0;
	v0 =	vadd.f32 v7, v14;
	v7 =	vld [tilespmem:s6+$0xA950]  }
0x2de: {  	[tilespmem:s6+$0x148F0] =	vst v2;
	v2 =	vadd.f32 v10, v15;
	v10 =	vld [tilespmem:s6+$0xA960]  }
0x2df: {  	[tilespmem:s6+$0x14900] =	vst v0;
	v0 =	vadd.f32 v11, v16;
	v11 =	vld [tilespmem:s6+$0xA970]  }
0x2e0: {  	[tilespmem:s6+$0x14910] =	vst v2;
	v2 =	vadd.f32 v12, v17;
	v12 =	vld [tilespmem:s6+$0xA980]  }
0x2e1: {  	[tilespmem:s6+$0x14920] =	vst v0;
	v0 =	vadd.f32 v4, v18;
	v4 =	vld [tilespmem:s6+$0xA990]  }
0x2e2: {  	[tilespmem:s6+$0x14930] =	vst v2;
	v2 =	vadd.f32 v7, v19;
	v7 =	vld [tilespmem:s6+$0xA9A0]  }
0x2e3: {  	[tilespmem:s6+$0x14940] =	vst v0;
	v0 =	vadd.f32 v10, v20;
	v10 =	vld [tilespmem:s6+$0xA9B0]  }
0x2e4: {  	[tilespmem:s6+$0x14950] =	vst v2;
	v2 =	vadd.f32 v11, v21;
	v11 =	vld [tilespmem:s6+$0xA9C0]  }
0x2e5: {  	[tilespmem:s6+$0x14960] =	vst v0;
	v0 =	vadd.f32 v12, v22;
	v12 =	vld [tilespmem:s6+$0xA9D0]  }
0x2e6: {  	[tilespmem:s6+$0x14970] =	vst v2;
	v2 =	vadd.f32 v4, v23;
	v4 =	vld [tilespmem:s6+$0xA9E0]  }
0x2e7: {  	[tilespmem:s6+$0x14980] =	vst v0;
	v0 =	vadd.f32 v7, v24;
	v7 =	vld [tilespmem:s6+$0xA9F0]  }
0x2e8: {  	[tilespmem:s6+$0x14990] =	vst v2;
	v2 =	vadd.f32 v10, v25;
	v10 =	vld [tilespmem:s6+$0xAA00]  }
.Ltmp5:
0x2e9: {  	[tilespmem:s6+$0x149A0] =	vst v0;
	v11 =	vadd.f32 v11, v26;
	v0 =	vld [tilespmem:s6+$0xAA10];
	(pc) =	sbr.rel @p1 .LBB2_8-.Ltmp5, $4  }
0x2ea: {  	[tilespmem:s6+$0x149B0] =	vst v2;
	v12 =	vadd.f32 v12, v27;
	v2 =	vld [tilespmem:s6+$0xAA20]  }
0x2eb: {  	[tilespmem:s6+$0x149C0] =	vst v11;
	v11 =	vadd.f32 v4, v28;
	v4 =	vld [tilespmem:s6+$0xAA30]  }
0x2ec: {  	[tilespmem:s6+$0x149D0] =	vst v12;
	v12 =	vadd.f32 v7, v29;
	v7 =	vld [tilespmem:s6+$0xAA40]  }
0x2ed: {  	s8 =	sadd.s32 $0x800, s8;
	[tilespmem:s6+$0x149E0] =	vst v11;
	v11 =	vadd.f32 v10, v30;
	v10 =	vld [tilespmem:s6+$0xAA50]  }
0x2ee: {  	[tilespmem:s6+$0x149F0] =	vst v12;
	v0 =	vadd.f32 v0, v5;
	v59 =	vld [tilespmem:s6+$0xAA60]  }
0x2ef: {  	[tilespmem:s6+$0x14A00] =	vst v11;
	v1 =	vadd.f32 v2, v1  }
0x2f0: {  	[tilespmem:s6+$0x14A10] =	vst v0;
	v60 =	vadd.f32 v4, v3  }
0x2f1: {  	[tilespmem:s6+$0x14A20] =	vst v1;
	v61 =	vadd.f32 v7, v6  }
.Ltmp6:
0x2f2: {  	[tilespmem:s6+$0x14A30] =	vst v60;
	v62 =	vadd.f32 v10, v8;
	(pc) =	sbr.rel @p0 .LBB2_15-.Ltmp6, $4  }
0x2f3: {  	[tilespmem:s6+$0x14A40] =	vst v61;
	v63 =	vadd.f32 v59, v9  }
0x2f4: {  	[tilespmem:s6+$0x14A50] =	vst v62  }
0x2f5: {  	s13 =	rddreg [dreg:$0x7];
	[tilespmem:s6+$0x14A60] =	vst v63  }
0x2f6: {  	[hbm4b:s13+s4] =	stream.linear.scatter [tilespmem:s31], [sflag:$0x3], $0x2800, $0x38;
	[tilespmem:$0x19B80] =	vst v63  }
0x2f7: {  	s6 =	simm.s32 $0x0;
	s7 =	rddreg [dreg:$0x8];
	s8 =	simm.s32 $0x4C00  }
0x2f8: {  	[tilespmem:s8], [sflag:$0x5] =	stream.linear.gather [hbm4b:s7+s6], $0x10, $0x38;
	[tilespmem:$0x19B80] =	vst v63  }
0x2f9: {  	_ =	swait.ge [sflag:s14], $0x10  }
0x2fa: {  	[sflag:s14] =	ssyncset.done $0x0  }
0x2fb: {  	[sflag:s14] =	ssyncadd.s32 $0xFFFFFFF0  }
0x2fc: {  	v0 =	vld [tilespmem:$0x4C00];
	_ =	sdelay $0x4  }
0x2fd: {  	v1 =	vand.u32 $0x7FF, v0;
	v2 =	vshrl.u32 v0, $0xB  }
0x2fe: {  	v2 =	vand.u32 $0xFF, v2  }
0x2ff: {  	v2 =	vadd.s32 $0x770, v2  }
0x300: {  	v0 =	vshra.s32 v0, $0x13  }
0x301: {  	v0 =	vadd.s32 $0x800, v0  }
0x302: {  	[tilespmem:s24], [sflag:$0x2] =	stream.indirect_vreg.gather [spmem:s3], $0x80, v1, vm0, $0xb8;
	[tilespmem:$0x19B80] =	vst v63  }
0x303: {  	_ = 	snop  }
0x304: {  	[tilespmem:s26], [sflag:$0x2] =	stream.indirect_vreg.gather [spmem:s3], $0x80, v2, vm0, $0xb8;
	[tilespmem:$0x19B80] =	vst v63  }
0x305: {  	_ = 	snop  }
0x306: {  	[tilespmem:s29], [sflag:$0x2] =	stream.indirect_vreg.gather [spmem:s3], $0x80, v0, vm0, $0xb8;
	[tilespmem:$0x19B80] =	vst v63  }
0x307: {  	_ =	swait.ge [sflag:s0], $0x1800  }
0x308: {  	[sflag:s0] =	ssyncset.done $0x0  }
0x309: {  	s13 =	simm.s32 $0x4;
	[sflag:s0] =	ssyncadd.s32 $0xFFFFE800  }
0x30a: {  	_ =	swait.ge [sflag:s13], $0x2800  }
0x30b: {  	[sflag:s13] =	ssyncset.done $0x0  }
0x30c: {  	s6 =	simm.s32 $0x0;
	[sflag:s13] =	ssyncadd.s32 $0xFFFFD800  }
0x30d: {  	v0 =	vld [tilespmem:s6+$0xD270]  }
0x30e: {  	v1 =	vld [tilespmem:s6+$0xFA70]  }
0x30f: {  	v2 =	vld [tilespmem:s6+$0xD080]  }
0x310: {  	v3 =	vld [tilespmem:s6+$0x12270]  }
0x311: {  	v4 =	vld [tilespmem:s6+$0xF880]  }
0x312: {  	v5 =	vld [tilespmem:s6+$0xD090]  }
0x313: {  	v6 =	vld [tilespmem:s6+$0xF890]  }
0x314: {  	v9 =	vld [tilespmem:s6+$0xD0A0]  }
0x315: {  	v7 =	vld [tilespmem:s6+$0xF8A0]  }
0x316: {  	v8 =	vld [tilespmem:s6+$0xF8B0]  }
0x317: {  	v11 =	vld [tilespmem:s6+$0xD0C0]  }
0x318: {  	v10 =	vld [tilespmem:s6+$0xF8C0]  }
0x319: {  	v13 =	vld [tilespmem:s6+$0xD0D0]  }
0x31a: {  	v12 =	vld [tilespmem:s6+$0xF8D0]  }
0x31b: {  	v15 =	vld [tilespmem:s6+$0xD0E0]  }
0x31c: {  	v14 =	vld [tilespmem:s6+$0xF8E0]  }
0x31d: {  	v17 =	vld [tilespmem:s6+$0xD0F0]  }
0x31e: {  	v16 =	vld [tilespmem:s6+$0xF8F0]  }
0x31f: {  	v19 =	vld [tilespmem:s6+$0xD100]  }
0x320: {  	v18 =	vld [tilespmem:s6+$0xF900]  }
0x321: {  	v21 =	vld [tilespmem:s6+$0xD110]  }
0x322: {  	v20 =	vld [tilespmem:s6+$0xF910]  }
0x323: {  	v23 =	vld [tilespmem:s6+$0xD120]  }
0x324: {  	v22 =	vld [tilespmem:s6+$0xF920]  }
0x325: {  	v25 =	vld [tilespmem:s6+$0xD130]  }
0x326: {  	v24 =	vld [tilespmem:s6+$0xF930]  }
0x327: {  	v27 =	vld [tilespmem:s6+$0xD140]  }
0x328: {  	v26 =	vld [tilespmem:s6+$0xF940]  }
0x329: {  	v29 =	vld [tilespmem:s6+$0xD150]  }
0x32a: {  	v28 =	vld [tilespmem:s6+$0xF950]  }
0x32b: {  	v31 =	vld [tilespmem:s6+$0xD160]  }
0x32c: {  	v30 =	vld [tilespmem:s6+$0xF960]  }
0x32d: {  	v33 =	vld [tilespmem:s6+$0xD170]  }
0x32e: {  	v32 =	vld [tilespmem:s6+$0xF970]  }
0x32f: {  	v35 =	vld [tilespmem:s6+$0xD180]  }
0x330: {  	v34 =	vld [tilespmem:s6+$0xF980]  }
0x331: {  	v37 =	vld [tilespmem:s6+$0xD190]  }
0x332: {  	v36 =	vld [tilespmem:s6+$0xF990]  }
0x333: {  	v39 =	vld [tilespmem:s6+$0xD1A0]  }
0x334: {  	v38 =	vld [tilespmem:s6+$0xF9A0]  }
0x335: {  	v41 =	vld [tilespmem:s6+$0xD1B0]  }
0x336: {  	v40 =	vld [tilespmem:s6+$0xF9B0]  }
0x337: {  	v43 =	vld [tilespmem:s6+$0xD1C0]  }
0x338: {  	v42 =	vld [tilespmem:s6+$0xF9C0]  }
0x339: {  	v46 =	vld [tilespmem:s6+$0xD1D0]  }
0x33a: {  	v44 =	vld [tilespmem:s6+$0xF9D0]  }
0x33b: {  	v48 =	vld [tilespmem:s6+$0xD1E0]  }
0x33c: {  	v45 =	vld [tilespmem:s6+$0xF9E0]  }
0x33d: {  	v54 =	vld [tilespmem:s6+$0xD1F0];
	v0 =	vadd.f32 v1, v0  }
0x33e: {  	v47 =	vld [tilespmem:s6+$0xF9F0]  }
0x33f: {  	v49 =	vld [tilespmem:s6+$0xFA00];
	v0 =	vadd.f32 v3, v0  }
0x340: {  	v50 =	vld [tilespmem:s6+$0xD210]  }
0x341: {  	[tilespmem:s6+$0x17270] =	vst v0;
	v0 =	vld [tilespmem:s6+$0xD200]  }
0x342: {  	v51 =	vld [tilespmem:s6+$0xFA10]  }
0x343: {  	v52 =	vld [tilespmem:s6+$0xD220]  }
0x344: {  	v62 =	vld [tilespmem:s6+$0x12080]  }
0x345: {  	v3 =	vld [tilespmem:s6+$0xD0B0]  }
0x346: {  	[tilespmem:$0x1FF80] =	vst v0;
	v0 =	vld [tilespmem:s6+$0xD230]  }
0x347: {  	v53 =	vld [tilespmem:s6+$0xFA20]  }
0x348: {  	v2 =	vadd.f32 v4, v2;
	v4 =	vld [tilespmem:s6+$0x120B0]  }
0x349: {  	v63 =	vld [tilespmem:s6+$0x12090]  }
0x34a: {  	v5 =	vadd.f32 v6, v5;
	v6 =	vld [tilespmem:s6+$0x120D0];
	v2 =	vadd.f32 v62, v2  }
0x34b: {  	v3 =	vadd.f32 v8, v3;
	[tilespmem:$0x1FF90] =	vst v0;
	v0 =	vld [tilespmem:s6+$0x120A0]  }
0x34c: {  	[tilespmem:s6+$0x17080] =	vst v2;
	v2 =	vld [tilespmem:s6+$0x120F0]  }
0x34d: {  	v1 =	vld [tilespmem:s6+$0x120C0];
	v3 =	vadd.f32 v4, v3;
	v4 =	vadd.f32 v12, v13  }
0x34e: {  	v55 =	vld [tilespmem:s6+$0xFA30];
	v7 =	vadd.f32 v7, v9;
	v5 =	vadd.f32 v63, v5  }
0x34f: {  	v62 =	vld [tilespmem:s6+$0x120E0];
	v4 =	vadd.f32 v6, v4;
	v6 =	vadd.f32 v16, v17  }
0x350: {  	[tilespmem:s6+$0x17090] =	vst v5;
	v5 =	vld [tilespmem:s6+$0x12100];
	v0 =	vadd.f32 v0, v7;
	v7 =	vadd.f32 v10, v11  }
0x351: {  	v56 =	vld [tilespmem:s6+$0xD240];
	[tilespmem:s6+$0x170B0] =	vst v3;
	v2 =	vadd.f32 v2, v6  }
0x352: {  	v3 =	vld [tilespmem:s6+$0x12120];
	[tilespmem:s6+$0x170D0] =	vst v4;
	v1 =	vadd.f32 v1, v7;
	v7 =	vadd.f32 v14, v15  }
0x353: {  	v8 =	vadd.f32 v18, v19;
	[tilespmem:s6+$0x170A0] =	vst v0;
	v0 =	vld [tilespmem:s6+$0x12110]  }
0x354: {  	v4 =	vld [tilespmem:s6+$0x12140];
	[tilespmem:s6+$0x170F0] =	vst v2;
	v7 =	vadd.f32 v62, v7  }
0x355: {  	v5 =	vadd.f32 v5, v8;
	v8 =	vadd.f32 v22, v23;
	[tilespmem:s6+$0x170C0] =	vst v1;
	v1 =	vld [tilespmem:s6+$0x12130]  }
0x356: {  	v2 =	vld [tilespmem:s6+$0x12160];
	[tilespmem:s6+$0x170E0] =	vst v7;
	v7 =	vadd.f32 v20, v21  }
0x357: {  	v6 =	vld [tilespmem:s6+$0x12150];
	v3 =	vadd.f32 v3, v8;
	v8 =	vadd.f32 v26, v27  }
0x358: {  	v57 =	vld [tilespmem:s6+$0xFA40];
	v0 =	vadd.f32 v0, v7;
	v7 =	vadd.f32 v24, v25  }
0x359: {  	[tilespmem:s6+$0x17100] =	vst v5;
	v5 =	vld [tilespmem:s6+$0x12170];
	v4 =	vadd.f32 v4, v8;
	v8 =	vadd.f32 v30, v31  }
0x35a: {  	v58 =	vld [tilespmem:s6+$0xD250];
	[tilespmem:s6+$0x17120] =	vst v3;
	v1 =	vadd.f32 v1, v7;
	v7 =	vadd.f32 v28, v29  }
0x35b: {  	v2 =	vadd.f32 v2, v8;
	[tilespmem:s6+$0x17110] =	vst v0;
	v0 =	vld [tilespmem:s6+$0x12180]  }
0x35c: {  	v3 =	vld [tilespmem:s6+$0x12190];
	[tilespmem:s6+$0x17140] =	vst v4;
	v6 =	vadd.f32 v6, v7;
	v7 =	vadd.f32 v32, v33  }
0x35d: {  	[tilespmem:s6+$0x17130] =	vst v1;
	v1 =	vld [tilespmem:s6+$0x121A0]  }
0x35e: {  	v59 =	vld [tilespmem:s6+$0xFA50];
	v8 =	vadd.f32 v34, v35;
	[tilespmem:s6+$0x17160] =	vst v2;
	v5 =	vadd.f32 v5, v7  }
0x35f: {  	v4 =	vld [tilespmem:s6+$0x121B0];
	v2 =	vadd.f32 v36, v37;
	[tilespmem:s6+$0x17150] =	vst v6  }
0x360: {  	v6 =	vld [tilespmem:s6+$0x121C0];
	v0 =	vadd.f32 v0, v8;
	[tilespmem:s6+$0x17170] =	vst v5;
	v5 =	vadd.f32 v38, v39  }
0x361: {  	v2 =	vadd.f32 v3, v2;
	v7 =	vld [tilespmem:s6+$0x121D0]  }
0x362: {  	v60 =	vld [tilespmem:s6+$0xD260];
	[tilespmem:s6+$0x17180] =	vst v0;
	v0 =	vadd.f32 v40, v41;
	v1 =	vadd.f32 v1, v5  }
0x363: {  	[tilespmem:s6+$0x17190] =	vst v2;
	v2 =	vadd.f32 v42, v43;
	v8 =	vld [tilespmem:s6+$0x121E0]  }
0x364: {  	v61 =	vld [tilespmem:s6+$0xFA60];
	v3 =	vadd.f32 v4, v0;
	[tilespmem:s6+$0x171A0] =	vst v1;
	v1 =	vadd.f32 v44, v46  }
0x365: {  	v10 =	vld [tilespmem:s6+$0x121F0];
	v4 =	vadd.f32 v6, v2  }
0x366: {  	[tilespmem:s6+$0x171B0] =	vst v3;
	v3 =	vadd.f32 v45, v48;
	v6 =	vadd.f32 v7, v1;
	v1 =	vld [tilespmem:$0x1FF80]  }
0x367: {  	v11 =	vld [tilespmem:s6+$0x12200]  }
0x368: {  	v12 =	vadd.f32 v47, v54;
	v14 =	vadd.f32 v8, v3;
	v3 =	vld [tilespmem:$0x1FF90]  }
0x369: {  	v9 =	vadd.f32 v61, v60;
	v0 =	vld [tilespmem:s6+$0x12210]  }
0x36a: {  	v12 =	vadd.f32 v10, v12;
	v5 =	vadd.f32 v51, v50;
	v2 =	vld [tilespmem:s6+$0x12220]  }
0x36b: {  	[tilespmem:s6+$0x171C0] =	vst v4;
	v4 =	vld [tilespmem:s6+$0x12230];
	v8 =	vadd.f32 v59, v58;
	v13 =	vadd.f32 v49, v1  }
0x36c: {  	v7 =	vld [tilespmem:s6+$0x12240];
	[tilespmem:s6+$0x171D0] =	vst v6;
	v6 =	vadd.f32 v57, v56;
	v1 =	vadd.f32 v53, v52  }
0x36d: {  	s7 =	simm.s32 $0x0;
	s8 =	simm.s32 $0x800;
	v10 =	vld [tilespmem:s6+$0x12250];
	[tilespmem:s6+$0x171E0] =	vst v14;
	v3 =	vadd.f32 v55, v3;
	v11 =	vadd.f32 v11, v13  }
.LBB2_11:
0x36e: {  	s9 =	sshra.s32 s8, $0x2;
	[tilespmem:s6+$0x171F0] =	vst v12;
	v0 =	vadd.f32 v0, v5;
	v5 =	vld [tilespmem:s6+$0x12260]  }
0x36f: {  	s7 =	sadd.s32 $0x4, s7;
	v12 =	vld [tilespmem:s9+$0xD270];
	[tilespmem:s6+$0x17200] =	vst v11;
	v1 =	vadd.f32 v2, v1  }
0x370: {  	p1 =	slt.u32 s7, $0xC;
	v2 =	vld [tilespmem:s9+$0xFA70];
	[tilespmem:s6+$0x17210] =	vst v0;
	v0 =	vadd.f32 v4, v3  }
0x371: {  	v3 =	vld [tilespmem:s9+$0xD080];
	[tilespmem:s6+$0x17220] =	vst v1;
	v1 =	vadd.f32 v7, v6  }
0x372: {  	v4 =	vld [tilespmem:s9+$0x12270];
	[tilespmem:s6+$0x17230] =	vst v0;
	v0 =	vadd.f32 v10, v8  }
0x373: {  	v6 =	vld [tilespmem:s9+$0xF880];
	[tilespmem:s6+$0x17240] =	vst v1;
	v1 =	vadd.f32 v5, v9  }
0x374: {  	v5 =	vld [tilespmem:s9+$0xD090];
	[tilespmem:s6+$0x17250] =	vst v0  }
0x375: {  	v7 =	vld [tilespmem:s9+$0xF890];
	v0 =	vadd.f32 v2, v12;
	[tilespmem:s6+$0x17260] =	vst v1;
	s6 =	smov.u32 s9  }
0x376: {  	v1 =	vld [tilespmem:s6+$0xD0A0]  }
0x377: {  	v8 =	vld [tilespmem:s6+$0xF8A0];
	v2 =	vadd.f32 v4, v0  }
0x378: {  	v0 =	vadd.f32 v6, v3;
	v3 =	vld [tilespmem:s6+$0xD0B0]  }
0x379: {  	v6 =	vld [tilespmem:s6+$0xF8B0];
	[tilespmem:s6+$0x17270] =	vst v2  }
0x37a: {  	v2 =	vadd.f32 v7, v5;
	v5 =	vld [tilespmem:s6+$0xD0C0]  }
0x37b: {  	v9 =	vld [tilespmem:s6+$0xF8C0]  }
0x37c: {  	v4 =	vadd.f32 v8, v1;
	v1 =	vld [tilespmem:s6+$0xD0D0]  }
0x37d: {  	v8 =	vld [tilespmem:s6+$0xF8D0]  }
0x37e: {  	v7 =	vadd.f32 v6, v3;
	v3 =	vld [tilespmem:s6+$0xD0E0]  }
0x37f: {  	v6 =	vld [tilespmem:s6+$0xF8E0]  }
0x380: {  	v10 =	vadd.f32 v9, v5;
	v5 =	vld [tilespmem:s6+$0xD0F0]  }
0x381: {  	v9 =	vld [tilespmem:s6+$0xF8F0]  }
0x382: {  	v11 =	vadd.f32 v8, v1;
	v1 =	vld [tilespmem:s6+$0xD100]  }
0x383: {  	v8 =	vld [tilespmem:s6+$0xF900]  }
0x384: {  	v12 =	vadd.f32 v6, v3;
	v3 =	vld [tilespmem:s6+$0xD110]  }
0x385: {  	v6 =	vld [tilespmem:s6+$0xF910]  }
0x386: {  	v13 =	vadd.f32 v9, v5;
	v5 =	vld [tilespmem:s6+$0xD120]  }
0x387: {  	v9 =	vld [tilespmem:s6+$0xF920]  }
0x388: {  	v14 =	vadd.f32 v8, v1;
	v1 =	vld [tilespmem:s6+$0xD130]  }
0x389: {  	v8 =	vld [tilespmem:s6+$0xF930]  }
0x38a: {  	v15 =	vadd.f32 v6, v3;
	v3 =	vld [tilespmem:s6+$0xD140]  }
0x38b: {  	v6 =	vld [tilespmem:s6+$0xF940]  }
0x38c: {  	v16 =	vadd.f32 v9, v5;
	v5 =	vld [tilespmem:s6+$0xD150]  }
0x38d: {  	v9 =	vld [tilespmem:s6+$0xF950]  }
0x38e: {  	v17 =	vadd.f32 v8, v1;
	v1 =	vld [tilespmem:s6+$0xD160]  }
0x38f: {  	v8 =	vld [tilespmem:s6+$0xF960]  }
0x390: {  	v18 =	vadd.f32 v6, v3;
	v3 =	vld [tilespmem:s6+$0xD170]  }
0x391: {  	v6 =	vld [tilespmem:s6+$0xF970]  }
0x392: {  	v19 =	vadd.f32 v9, v5;
	v5 =	vld [tilespmem:s6+$0xD180]  }
0x393: {  	v9 =	vld [tilespmem:s6+$0xF980]  }
0x394: {  	v20 =	vadd.f32 v8, v1;
	v1 =	vld [tilespmem:s6+$0xD190]  }
0x395: {  	v8 =	vld [tilespmem:s6+$0xF990]  }
0x396: {  	v21 =	vadd.f32 v6, v3;
	v3 =	vld [tilespmem:s6+$0xD1A0]  }
0x397: {  	v6 =	vld [tilespmem:s6+$0xF9A0]  }
0x398: {  	v22 =	vadd.f32 v9, v5;
	v5 =	vld [tilespmem:s6+$0xD1B0]  }
0x399: {  	v9 =	vld [tilespmem:s6+$0xF9B0]  }
0x39a: {  	v23 =	vadd.f32 v8, v1;
	v1 =	vld [tilespmem:s6+$0xD1C0]  }
0x39b: {  	v8 =	vld [tilespmem:s6+$0xF9C0]  }
0x39c: {  	v24 =	vadd.f32 v6, v3;
	v3 =	vld [tilespmem:s6+$0xD1D0]  }
0x39d: {  	v6 =	vld [tilespmem:s6+$0xF9D0]  }
0x39e: {  	v25 =	vadd.f32 v9, v5;
	v5 =	vld [tilespmem:s6+$0xD1E0]  }
0x39f: {  	v9 =	vld [tilespmem:s6+$0xF9E0]  }
0x3a0: {  	v26 =	vadd.f32 v8, v1;
	v1 =	vld [tilespmem:s6+$0xD1F0]  }
0x3a1: {  	v8 =	vld [tilespmem:s6+$0xF9F0]  }
0x3a2: {  	v27 =	vadd.f32 v6, v3;
	v3 =	vld [tilespmem:s6+$0xD200]  }
0x3a3: {  	v6 =	vld [tilespmem:s6+$0xFA00]  }
0x3a4: {  	v28 =	vadd.f32 v9, v5;
	v5 =	vld [tilespmem:s6+$0xD210]  }
0x3a5: {  	v9 =	vld [tilespmem:s6+$0xFA10]  }
0x3a6: {  	v29 =	vadd.f32 v8, v1;
	v1 =	vld [tilespmem:s6+$0xD220]  }
0x3a7: {  	v8 =	vld [tilespmem:s6+$0xFA20]  }
0x3a8: {  	v30 =	vadd.f32 v6, v3;
	v3 =	vld [tilespmem:s6+$0xD230]  }
0x3a9: {  	v6 =	vld [tilespmem:s6+$0xFA30]  }
0x3aa: {  	v5 =	vadd.f32 v9, v5;
	v9 =	vld [tilespmem:s6+$0xD240]  }
0x3ab: {  	v31 =	vld [tilespmem:s6+$0xFA40]  }
0x3ac: {  	v1 =	vadd.f32 v8, v1;
	v8 =	vld [tilespmem:s6+$0xD250]  }
0x3ad: {  	v32 =	vld [tilespmem:s6+$0xFA50]  }
0x3ae: {  	v3 =	vadd.f32 v6, v3;
	v33 =	vld [tilespmem:s6+$0xD260]  }
0x3af: {  	v34 =	vld [tilespmem:s6+$0xFA60]  }
0x3b0: {  	v35 =	vld [tilespmem:s6+$0x12080];
	v6 =	vadd.f32 v31, v9  }
0x3b1: {  	v31 =	vld [tilespmem:s6+$0x12090]  }
0x3b2: {  	v36 =	vld [tilespmem:s6+$0x120A0];
	v8 =	vadd.f32 v32, v8  }
0x3b3: {  	v32 =	vld [tilespmem:s6+$0x120B0]  }
0x3b4: {  	v37 =	vld [tilespmem:s6+$0x120C0];
	v9 =	vadd.f32 v34, v33  }
0x3b5: {  	v0 =	vadd.f32 v35, v0;
	v33 =	vld [tilespmem:s6+$0x120D0]  }
0x3b6: {  	v2 =	vadd.f32 v31, v2;
	v31 =	vld [tilespmem:s6+$0x120E0]  }
0x3b7: {  	[tilespmem:s6+$0x17080] =	vst v0;
	v0 =	vadd.f32 v36, v4;
	v4 =	vld [tilespmem:s6+$0x120F0]  }
0x3b8: {  	[tilespmem:s6+$0x17090] =	vst v2;
	v2 =	vadd.f32 v32, v7;
	v7 =	vld [tilespmem:s6+$0x12100]  }
0x3b9: {  	[tilespmem:s6+$0x170A0] =	vst v0;
	v0 =	vadd.f32 v37, v10;
	v10 =	vld [tilespmem:s6+$0x12110]  }
0x3ba: {  	[tilespmem:s6+$0x170B0] =	vst v2;
	v2 =	vadd.f32 v33, v11;
	v11 =	vld [tilespmem:s6+$0x12120]  }
0x3bb: {  	[tilespmem:s6+$0x170C0] =	vst v0;
	v0 =	vadd.f32 v31, v12;
	v12 =	vld [tilespmem:s6+$0x12130]  }
0x3bc: {  	[tilespmem:s6+$0x170D0] =	vst v2;
	v2 =	vadd.f32 v4, v13;
	v4 =	vld [tilespmem:s6+$0x12140]  }
0x3bd: {  	[tilespmem:s6+$0x170E0] =	vst v0;
	v0 =	vadd.f32 v7, v14;
	v7 =	vld [tilespmem:s6+$0x12150]  }
0x3be: {  	[tilespmem:s6+$0x170F0] =	vst v2;
	v2 =	vadd.f32 v10, v15;
	v10 =	vld [tilespmem:s6+$0x12160]  }
0x3bf: {  	[tilespmem:s6+$0x17100] =	vst v0;
	v0 =	vadd.f32 v11, v16;
	v11 =	vld [tilespmem:s6+$0x12170]  }
0x3c0: {  	[tilespmem:s6+$0x17110] =	vst v2;
	v2 =	vadd.f32 v12, v17;
	v12 =	vld [tilespmem:s6+$0x12180]  }
0x3c1: {  	[tilespmem:s6+$0x17120] =	vst v0;
	v0 =	vadd.f32 v4, v18;
	v4 =	vld [tilespmem:s6+$0x12190]  }
0x3c2: {  	[tilespmem:s6+$0x17130] =	vst v2;
	v2 =	vadd.f32 v7, v19;
	v7 =	vld [tilespmem:s6+$0x121A0]  }
0x3c3: {  	[tilespmem:s6+$0x17140] =	vst v0;
	v0 =	vadd.f32 v10, v20;
	v10 =	vld [tilespmem:s6+$0x121B0]  }
0x3c4: {  	[tilespmem:s6+$0x17150] =	vst v2;
	v2 =	vadd.f32 v11, v21;
	v11 =	vld [tilespmem:s6+$0x121C0]  }
0x3c5: {  	[tilespmem:s6+$0x17160] =	vst v0;
	v0 =	vadd.f32 v12, v22;
	v12 =	vld [tilespmem:s6+$0x121D0]  }
0x3c6: {  	[tilespmem:s6+$0x17170] =	vst v2;
	v2 =	vadd.f32 v4, v23;
	v4 =	vld [tilespmem:s6+$0x121E0]  }
0x3c7: {  	[tilespmem:s6+$0x17180] =	vst v0;
	v0 =	vadd.f32 v7, v24;
	v7 =	vld [tilespmem:s6+$0x121F0]  }
0x3c8: {  	[tilespmem:s6+$0x17190] =	vst v2;
	v2 =	vadd.f32 v10, v25;
	v10 =	vld [tilespmem:s6+$0x12200]  }
.Ltmp7:
0x3c9: {  	[tilespmem:s6+$0x171A0] =	vst v0;
	v11 =	vadd.f32 v11, v26;
	v0 =	vld [tilespmem:s6+$0x12210];
	(pc) =	sbr.rel @p1 .LBB2_11-.Ltmp7, $4  }
0x3ca: {  	[tilespmem:s6+$0x171B0] =	vst v2;
	v12 =	vadd.f32 v12, v27;
	v2 =	vld [tilespmem:s6+$0x12220]  }
0x3cb: {  	[tilespmem:s6+$0x171C0] =	vst v11;
	v11 =	vadd.f32 v4, v28;
	v4 =	vld [tilespmem:s6+$0x12230]  }
0x3cc: {  	[tilespmem:s6+$0x171D0] =	vst v12;
	v12 =	vadd.f32 v7, v29;
	v7 =	vld [tilespmem:s6+$0x12240]  }
0x3cd: {  	s8 =	sadd.s32 $0x800, s8;
	[tilespmem:s6+$0x171E0] =	vst v11;
	v11 =	vadd.f32 v10, v30;
	v10 =	vld [tilespmem:s6+$0x12250]  }
0x3ce: {  	[tilespmem:s6+$0x171F0] =	vst v12;
	v0 =	vadd.f32 v0, v5;
	v59 =	vld [tilespmem:s6+$0x12260]  }
0x3cf: {  	[tilespmem:s6+$0x17200] =	vst v11;
	v1 =	vadd.f32 v2, v1  }
0x3d0: {  	[tilespmem:s6+$0x17210] =	vst v0;
	v60 =	vadd.f32 v4, v3  }
0x3d1: {  	[tilespmem:s6+$0x17220] =	vst v1;
	v61 =	vadd.f32 v7, v6  }
0x3d2: {  	[tilespmem:s6+$0x17230] =	vst v60;
	v62 =	vadd.f32 v10, v8  }
0x3d3: {  	[tilespmem:s6+$0x17240] =	vst v61;
	v63 =	vadd.f32 v59, v9  }
0x3d4: {  	[tilespmem:s6+$0x17250] =	vst v62  }
0x3d5: {  	s12 =	rddreg [dreg:$0x9];
	[tilespmem:s6+$0x17260] =	vst v63  }
0x3d6: {  	[hbm4b:s12+s4] =	stream.linear.scatter [tilespmem:s2], [sflag:$0x4], $0x800, $0x38;
	[tilespmem:$0x19B80] =	vst v63  }
0x3d7: {  	_ =	swait.ge [sflag:s10], $0x2800  }
.Ltmp8:
0x3d8: {  	[sflag:s10] =	ssyncset.done $0x0;
	(pc) =	sbr.rel .LBB2_13-.Ltmp8, $4  }
0x3d9: {  	s13 =	simm.s32 $0x4;
	[sflag:s10] =	ssyncadd.s32 $0xFFFFD800  }
0x3da: {  	_ =	swait.ge [sflag:s13], $0x800  }
0x3db: {  	[sflag:s13] =	ssyncset.done $0x0  }
0x3dc: {  	[sflag:s13] =	ssyncadd.s32 $0xFFFFF800  }
.LBB2_14:
0x3dd: {  	_ =	sfence.sel $0x180000  }
0x3de: {  	[bflag:$0x0] =	sbarrier.arrive $0xFFFF  }
0x3df: {  	_ =	strace $0x90000047  }
0x3e0: {  	s0 =	stileid.u32;
	[bflag:$0x2] =	sbarrier.arrive $0xFFFF  }
0x3e1: {  	p0 =	sne.s32 s0, $0x0;
	s0 =	rddreg [dreg:$0x3]  }
0x3e2: {  	s0 =	sadd.s32 @!p0 $0x100000, s0  }
0x3e3: {  	[sflag:s0] =	ssyncadd.tile.s32 @!p0 $0x1;
	_ =	shalt  }
.Lfunc_end2:
_tile_overlayer_lowered:
.L_overlay_start_2:
0x3e4: {  	(tag) =	ssettag $0x2  }
0x3e5: {  	s0 =	rddreg [dreg:$0x0];
	s2 =	stileid.u32  }
0x3e6: {  	s1 =	rddreg [dreg:$0x1];
	p0 =	sne.s32 s2, $0x0  }
0x3e7: {  	s3 =	rddreg [dreg:$0x2];
	[bflag:$0x3] =	sbarrier.arrive $0xFFFF;
	s2 =	simm.s32 @!p0 $0x1C05  }
0x3e8: {  	[timem:s3], [sflag:s2] =	dma.local @!p0 [hbm:s0], s1  }
0x3e9: {  	s0 =	simm.s32 @!p0 $0x5  }
0x3ea: {  	_ =	swait.ge @!p0 [sflag:s0], s1  }
0x3eb: {  	s1 =	ssub.s32 @!p0 $0x0, s1;
	[sflag:s0] =	ssyncset.done @!p0 $0x0  }
0x3ec: {  	[sflag:s0] =	ssyncadd.s32 @!p0 s1  }
0x3ed: {  	[bflag:$0x3] =	sbarrier.arrive $0xFFFF  }
0x3ee: {  	_ =	shalt  }

</sc_bundles>
